<compile_context>
chip_gen: v7x
topology: tpu7x:2x2x1
jax: 0.10.2.dev20260603
libtpu: 0.0.44.dev20260713+nightly
codegen_flags: <defaults>
</compile_context>

<pallas_src>
import functools

import jax
import jax.numpy as jnp
from jax import lax
from jax.experimental import pallas as pl
from jax.experimental.pallas import tpu as pltpu
from jax.experimental.pallas import tpu_sc as plsc

VOCAB = 100000
EMBED = 64
HIDDEN = 128

NC = 2
NS = 16
NW = NC * NS

CHUNK = 128


def _tc_precompute(table, W, b):
    bm = 5000

    def body(x_ref, wa_ref, wb_ref, b_ref, oa_ref, ob_ref):
        x = x_ref[...]
        oa_ref[...] = jnp.dot(x, wa_ref[...], preferred_element_type=jnp.float32) + b_ref[...]
        ob_ref[...] = jnp.dot(x, wb_ref[...], preferred_element_type=jnp.float32)

    return pl.pallas_call(
        body,
        grid=(VOCAB // bm,),
        in_specs=[
            pl.BlockSpec((bm, EMBED), lambda i: (i, 0)),
            pl.BlockSpec((EMBED, HIDDEN), lambda i: (0, 0)),
            pl.BlockSpec((EMBED, HIDDEN), lambda i: (0, 0)),
            pl.BlockSpec((1, HIDDEN), lambda i: (0, 0)),
        ],
        out_specs=[
            pl.BlockSpec((bm, HIDDEN), lambda i: (i, 0)),
            pl.BlockSpec((bm, HIDDEN), lambda i: (i, 0)),
        ],
        out_shape=[
            jax.ShapeDtypeStruct((VOCAB, HIDDEN), jnp.float32),
            jax.ShapeDtypeStruct((VOCAB, HIDDEN), jnp.float32),
        ],
    )(table, W[:EMBED], W[EMBED:], b.reshape(1, HIDDEN))


SLOTS = 4


def _sc_gather_sum(idxa, idxb, ta, tb):
    n = idxa.shape[0]
    assert n % NW == 0
    per_w = n // NW
    assert per_w % CHUNK == 0
    n_chunks = per_w // CHUNK
    idxa2 = idxa.reshape(-1, CHUNK)
    idxb2 = idxb.reshape(-1, CHUNK)

    mesh = plsc.VectorSubcoreMesh(core_axis_name="c", subcore_axis_name="s")

    @functools.partial(
        pl.kernel,
        mesh=mesh,
        out_type=jax.ShapeDtypeStruct((n, HIDDEN), jnp.float32),
        scratch_types=[
            pltpu.VMEM((SLOTS, CHUNK), jnp.int32),
            pltpu.VMEM((SLOTS, CHUNK), jnp.int32),
            pltpu.VMEM((SLOTS, CHUNK, HIDDEN), jnp.float32),
            pltpu.SemaphoreType.DMA((SLOTS,)),
            pltpu.SemaphoreType.DMA((SLOTS,)),
            pltpu.SemaphoreType.DMA((SLOTS,)),
            pltpu.SemaphoreType.DMA((SLOTS,)),
        ],
    )
    def k(idxa_hbm, idxb_hbm, ta_hbm, tb_hbm, out_hbm,
          ia, ib, rows, sem_idx, sem_g, sem_ad, sem_st):
        wid = lax.axis_index("s") * NC + lax.axis_index("c")
        blk0 = wid * n_chunks
        row0 = wid * per_w

        def slot(i):
            return lax.rem(i + 4 * n_chunks, SLOTS)

        def idx_copies(i):
            s = slot(i)
            return (pltpu.make_async_copy(idxa_hbm.at[blk0 + i], ia.at[s], sem_idx.at[s]),
                    pltpu.make_async_copy(idxb_hbm.at[blk0 + i], ib.at[s], sem_idx.at[s]))

        def ga_copy(i):
            s = slot(i)
            return pltpu.make_async_copy(ta_hbm.at[ia.at[s]], rows.at[s], sem_g.at[s])

        def st_copy(i):
            s = slot(i)
            return pltpu.make_async_copy(
                rows.at[s], out_hbm.at[pl.ds(row0 + i * CHUNK, CHUNK)], sem_st.at[s])

        def issue_gadd(i):
            s = slot(i)
            pltpu.async_copy(tb_hbm.at[ib.at[s]], rows.at[s], sem_ad.at[s], add=True)

        def wait_gadd(i):
            s = slot(i)
            pltpu.make_async_copy(tb_hbm.at[ib.at[s]], rows.at[s], sem_ad.at[s]).wait()

        for d in idx_copies(0):
            d.start()
        for d in idx_copies(1):
            d.start()
        for d in idx_copies(0):
            d.wait()
        ga_copy(0).start()

        def body(i, carry):
            @pl.when(i + 2 < n_chunks)
            def _():
                for d in idx_copies(i + 2):
                    d.start()
            ga_copy(i).wait()
            issue_gadd(i)

            @pl.when(i + 1 < n_chunks)
            def _():
                for d in idx_copies(i + 1):
                    d.wait()

                @pl.when(i - 3 >= 0)
                def _():
                    st_copy(i - 3).wait()
                ga_copy(i + 1).start()

            wait_gadd(i)

            def probe_body(r2, carry2):
                for u in range(2):
                    r = r2 * 2 + u
                    for cg in range(HIDDEN // 16):
                        x = rows[slot(i), r, pl.ds(cg * 16, 16)]
                        rows[slot(i), r, pl.ds(cg * 16, 16)] = x * 0.5 + 0.25
                return carry2

            lax.fori_loop(0, CHUNK // 2, probe_body, 0)
            st_copy(i).start()
            return carry

        lax.fori_loop(0, n_chunks, body, 0)
        for i in range(n_chunks - SLOTS, n_chunks):
            st_copy(i).wait()

    return k(idxa2, idxb2, ta, tb)


NSLICES = 4
TANH_BM = 2048


def _tc_tanh_slice(x, buf, m_total, sl):
    m = x.shape[0]
    assert m % TANH_BM == 0
    nb = m // TANH_BM

    if buf is None:
        def body(x_ref, o_ref):
            o_ref[...] = jnp.tanh(x_ref[...])
        in_specs = [pl.BlockSpec((TANH_BM, HIDDEN), lambda i: (i, 0))]
        args = (x,)
        aliases = {}
    else:
        def body(x_ref, b_ref, o_ref):
            o_ref[...] = jnp.tanh(x_ref[...])
        in_specs = [
            pl.BlockSpec((TANH_BM, HIDDEN), lambda i: (i, 0)),
            pl.BlockSpec(memory_space=pl.ANY),
        ]
        args = (x, buf)
        aliases = {1: 0}

    return pl.pallas_call(
        body,
        grid=(nb,),
        in_specs=in_specs,
        out_specs=pl.BlockSpec((TANH_BM, HIDDEN), lambda i: (sl * nb + i, 0)),
        out_shape=jax.ShapeDtypeStruct((m_total, HIDDEN), jnp.float32),
        input_output_aliases=aliases,
    )(*args)


def kernel(X, table, W, b):
    c, n, _ = X.shape
    m = c * n
    xi = X.astype(jnp.int32)
    idxa = xi[:, :, 0].reshape(-1)
    idxb = xi[:, :, 1].reshape(-1)
    ta, tb = _tc_precompute(table, W, b)

    sl_m = m // NSLICES
    sums = [
        _sc_gather_sum(idxa[s * sl_m:(s + 1) * sl_m],
                       idxb[s * sl_m:(s + 1) * sl_m], ta, tb)
        for s in range(NSLICES)
    ]
    buf = None
    for s in range(NSLICES):
        buf = _tc_tanh_slice(sums[s], buf, m, s)
    return buf.reshape(c, n, HIDDEN)

# --- scband reference (transcript-rebuilt; emitter-appended) ---
"""Pipeline reference for scband-dapair-encoder-46600395162239 (READ-ONLY COPY).

The authoritative reference and input builder live on the scoring server;
editing this copy changes nothing except your own understanding.
"""

import jax, jax.numpy as jnp
import numpy as np

VOCAB = 100000
EMBED = 64
HIDDEN = 128

def setup_inputs(seed: int = 0) -> dict:
    key = jax.random.key(seed)
    k1, k2, k3, k4 = jax.random.split(key, 4)
    X = jax.random.randint(k1, (4096, 200, 2), 0, VOCAB, dtype=jnp.int64)
    table = jax.random.normal(k2, (VOCAB, EMBED), dtype=jnp.float32)
    W = jax.random.normal(k3, (EMBED * 2, HIDDEN), dtype=jnp.float32) * (1.0 / np.sqrt(EMBED * 2))
    b = jax.random.normal(k4, (HIDDEN,), dtype=jnp.float32) * 0.01
    return {"X": X, "table": table, "W": W, "b": b}

def reference(X, table, W, b):
    # embedding lookup: [c, n, 2] -> [c, n, 2, embed]
    embeded = jnp.take(table, X, axis=0)
    c, n = embeded.shape[0], embeded.shape[1]
    embeded = embeded.reshape(c, n, -1)  # [c, n, 2*embed]
    return jnp.tanh(embeded @ W + b)

if __name__ == "__main__":
    import jax
    _d = setup_inputs()
    print(jax.jit(kernel)(*tuple(_d.values())))

</pallas_src>

<mosaic_0001>
#map = affine_map<(d0, d1) -> (0, 0)>
module attributes {stable_mosaic.version = 14 : i64} {
  func.func @k(%arg0: i32, %arg1: i32, %arg2: memref<1600x128xi32, #tpu.memory_space<hbm>>, %arg3: memref<1600x128xi32, #tpu.memory_space<hbm>>, %arg4: memref<100000x128xf32, #tpu.memory_space<hbm>>, %arg5: memref<100000x128xf32, #tpu.memory_space<hbm>>, %arg6: memref<204800x128xf32, #tpu.memory_space<hbm>>, %arg7: memref<4x128xi32, #tpu.memory_space<vmem>>, %arg8: memref<4x128xi32, #tpu.memory_space<vmem>>, %arg9: memref<4x128x128xf32, #tpu.memory_space<vmem>>, %arg10: memref<4x!tpu.dma_semaphore, #tpu.memory_space<semaphore_mem>>, %arg11: memref<4x!tpu.dma_semaphore, #tpu.memory_space<semaphore_mem>>, %arg12: memref<4x!tpu.dma_semaphore, #tpu.memory_space<semaphore_mem>>, %arg13: memref<4x!tpu.dma_semaphore, #tpu.memory_space<semaphore_mem>>) attributes {dimension_semantics = [#tpu.dimension_semantics<core_parallel>, #tpu.dimension_semantics<subcore_parallel>], iteration_bounds = array<i64: 2, 16>, scalar_prefetch = 0 : i64, scratch_operands = 7 : i64, tpu.core_type = #tpu.core_type<sc_vector_subcore>, window_params = [{transform_indices = #map}, {transform_indices = #map}, {transform_indices = #map}, {transform_indices = #map}, {transform_indices = #map}]} {
    %mul3A = arith.constant 2 : i32
    %mul3A_0 = arith.muli %arg1, %mul3A : i32
    %add3A = arith.addi %mul3A_0, %arg0 : i32
    %mul3A_1 = arith.constant 50 : i32
    %mul3A_2 = arith.muli %add3A, %mul3A_1 : i32
    %mul3A_3 = arith.constant 6400 : i32
    %mul3A_4 = arith.muli %add3A, %mul3A_3 : i32
    %rem3A = arith.constant 200 : i32
    %rem3A_5 = arith.constant 4 : i32
    %rem3A_6 = arith.remsi %rem3A, %rem3A_5 : i32
    %add3A_7 = arith.constant 0 : i32
    %add3A_8 = arith.addi %mul3A_2, %add3A_7 : i32
    %add3A_9 = arith.constant 0 : i32
    %add3A_10 = arith.addi %mul3A_2, %add3A_9 : i32
    %dma_start3A = arith.constant 0 : i32
    %dma_start3A_11 = tpu.memref_slice %arg7[%rem3A_6, %dma_start3A] : memref<4x128xi32, #tpu.memory_space<vmem>> -> memref<1x128xi32, #tpu.memory_space<vmem>>
    %dma_start3A_12 = tpu.memref_squeeze %dma_start3A_11 : memref<1x128xi32, #tpu.memory_space<vmem>> -> memref<128xi32, #tpu.memory_space<vmem>>
    %dma_start3A_13 = arith.constant 0 : i32
    %dma_start3A_14 = tpu.memref_slice %arg2[%add3A_8, %dma_start3A_13] : memref<1600x128xi32, #tpu.memory_space<hbm>> -> memref<1x128xi32, #tpu.memory_space<hbm>>
    %dma_start3A_15 = tpu.memref_squeeze %dma_start3A_14 : memref<1x128xi32, #tpu.memory_space<hbm>> -> memref<128xi32, #tpu.memory_space<hbm>>
    %dma_start3A_16 = tpu.memref_slice %arg10[%rem3A_6] : memref<4x!tpu.dma_semaphore, #tpu.memory_space<semaphore_mem>> -> memref<1x!tpu.dma_semaphore, #tpu.memory_space<semaphore_mem>>
    %dma_start3A_17 = tpu.memref_squeeze %dma_start3A_16 : memref<1x!tpu.dma_semaphore, #tpu.memory_space<semaphore_mem>> -> memref<!tpu.dma_semaphore, #tpu.memory_space<semaphore_mem>>
    %dma_start3A_18 = arith.constant 0 : i32
    %dma_start3A_19 = tpu.memref_slice %arg7[%rem3A_6, %dma_start3A_18] : memref<4x128xi32, #tpu.memory_space<vmem>> -> memref<1x128xi32, #tpu.memory_space<vmem>>
    %dma_start3A_20 = tpu.memref_squeeze %dma_start3A_19 : memref<1x128xi32, #tpu.memory_space<vmem>> -> memref<128xi32, #tpu.memory_space<vmem>>
    %dma_start3A_21 = arith.constant 0 : i32
    %dma_start3A_22 = tpu.memref_slice %arg2[%add3A_8, %dma_start3A_21] : memref<1600x128xi32, #tpu.memory_space<hbm>> -> memref<1x128xi32, #tpu.memory_space<hbm>>
    %dma_start3A_23 = tpu.memref_squeeze %dma_start3A_22 : memref<1x128xi32, #tpu.memory_space<hbm>> -> memref<128xi32, #tpu.memory_space<hbm>>
    tpu.enqueue_dma source(%dma_start3A_23 : memref<128xi32, #tpu.memory_space<hbm>>) target(%dma_start3A_20 : memref<128xi32, #tpu.memory_space<vmem>>) target_semaphore(%dma_start3A_17 : memref<!tpu.dma_semaphore, #tpu.memory_space<semaphore_mem>>)
    %dma_start3A_24 = arith.constant 0 : i32
    %dma_start3A_25 = tpu.memref_slice %arg8[%rem3A_6, %dma_start3A_24] : memref<4x128xi32, #tpu.memory_space<vmem>> -> memref<1x128xi32, #tpu.memory_space<vmem>>
    %dma_start3A_26 = tpu.memref_squeeze %dma_start3A_25 : memref<1x128xi32, #tpu.memory_space<vmem>> -> memref<128xi32, #tpu.memory_space<vmem>>
    %dma_start3A_27 = arith.constant 0 : i32
    %dma_start3A_28 = tpu.memref_slice %arg3[%add3A_10, %dma_start3A_27] : memref<1600x128xi32, #tpu.memory_space<hbm>> -> memref<1x128xi32, #tpu.memory_space<hbm>>
    %dma_start3A_29 = tpu.memref_squeeze %dma_start3A_28 : memref<1x128xi32, #tpu.memory_space<hbm>> -> memref<128xi32, #tpu.memory_space<hbm>>
    %dma_start3A_30 = tpu.memref_slice %arg10[%rem3A_6] : memref<4x!tpu.dma_semaphore, #tpu.memory_space<semaphore_mem>> -> memref<1x!tpu.dma_semaphore, #tpu.memory_space<semaphore_mem>>
    %dma_start3A_31 = tpu.memref_squeeze %dma_start3A_30 : memref<1x!tpu.dma_semaphore, #tpu.memory_space<semaphore_mem>> -> memref<!tpu.dma_semaphore, #tpu.memory_space<semaphore_mem>>
    %dma_start3A_32 = arith.constant 0 : i32
    %dma_start3A_33 = tpu.memref_slice %arg8[%rem3A_6, %dma_start3A_32] : memref<4x128xi32, #tpu.memory_space<vmem>> -> memref<1x128xi32, #tpu.memory_space<vmem>>
    %dma_start3A_34 = tpu.memref_squeeze %dma_start3A_33 : memref<1x128xi32, #tpu.memory_space<vmem>> -> memref<128xi32, #tpu.memory_space<vmem>>
    %dma_start3A_35 = arith.constant 0 : i32
    %dma_start3A_36 = tpu.memref_slice %arg3[%add3A_10, %dma_start3A_35] : memref<1600x128xi32, #tpu.memory_space<hbm>> -> memref<1x128xi32, #tpu.memory_space<hbm>>
    %dma_start3A_37 = tpu.memref_squeeze %dma_start3A_36 : memref<1x128xi32, #tpu.memory_space<hbm>> -> memref<128xi32, #tpu.memory_space<hbm>>
    tpu.enqueue_dma source(%dma_start3A_37 : memref<128xi32, #tpu.memory_space<hbm>>) target(%dma_start3A_34 : memref<128xi32, #tpu.memory_space<vmem>>) target_semaphore(%dma_start3A_31 : memref<!tpu.dma_semaphore, #tpu.memory_space<semaphore_mem>>)
    %rem3A_38 = arith.constant 201 : i32
    %rem3A_39 = arith.constant 4 : i32
    %rem3A_40 = arith.remsi %rem3A_38, %rem3A_39 : i32
    %add3A_41 = arith.constant 1 : i32
    %add3A_42 = arith.addi %mul3A_2, %add3A_41 : i32
    %add3A_43 = arith.constant 1 : i32
    %add3A_44 = arith.addi %mul3A_2, %add3A_43 : i32
    %dma_start3A_45 = arith.constant 0 : i32
    %dma_start3A_46 = tpu.memref_slice %arg7[%rem3A_40, %dma_start3A_45] : memref<4x128xi32, #tpu.memory_space<vmem>> -> memref<1x128xi32, #tpu.memory_space<vmem>>
    %dma_start3A_47 = tpu.memref_squeeze %dma_start3A_46 : memref<1x128xi32, #tpu.memory_space<vmem>> -> memref<128xi32, #tpu.memory_space<vmem>>
    %dma_start3A_48 = arith.constant 0 : i32
    %dma_start3A_49 = tpu.memref_slice %arg2[%add3A_42, %dma_start3A_48] : memref<1600x128xi32, #tpu.memory_space<hbm>> -> memref<1x128xi32, #tpu.memory_space<hbm>>
    %dma_start3A_50 = tpu.memref_squeeze %dma_start3A_49 : memref<1x128xi32, #tpu.memory_space<hbm>> -> memref<128xi32, #tpu.memory_space<hbm>>
    %dma_start3A_51 = tpu.memref_slice %arg10[%rem3A_40] : memref<4x!tpu.dma_semaphore, #tpu.memory_space<semaphore_mem>> -> memref<1x!tpu.dma_semaphore, #tpu.memory_space<semaphore_mem>>
    %dma_start3A_52 = tpu.memref_squeeze %dma_start3A_51 : memref<1x!tpu.dma_semaphore, #tpu.memory_space<semaphore_mem>> -> memref<!tpu.dma_semaphore, #tpu.memory_space<semaphore_mem>>
    %dma_start3A_53 = arith.constant 0 : i32
    %dma_start3A_54 = tpu.memref_slice %arg7[%rem3A_40, %dma_start3A_53] : memref<4x128xi32, #tpu.memory_space<vmem>> -> memref<1x128xi32, #tpu.memory_space<vmem>>
    %dma_start3A_55 = tpu.memref_squeeze %dma_start3A_54 : memref<1x128xi32, #tpu.memory_space<vmem>> -> memref<128xi32, #tpu.memory_space<vmem>>
    %dma_start3A_56 = arith.constant 0 : i32
    %dma_start3A_57 = tpu.memref_slice %arg2[%add3A_42, %dma_start3A_56] : memref<1600x128xi32, #tpu.memory_space<hbm>> -> memref<1x128xi32, #tpu.memory_space<hbm>>
    %dma_start3A_58 = tpu.memref_squeeze %dma_start3A_57 : memref<1x128xi32, #tpu.memory_space<hbm>> -> memref<128xi32, #tpu.memory_space<hbm>>
    tpu.enqueue_dma source(%dma_start3A_58 : memref<128xi32, #tpu.memory_space<hbm>>) target(%dma_start3A_55 : memref<128xi32, #tpu.memory_space<vmem>>) target_semaphore(%dma_start3A_52 : memref<!tpu.dma_semaphore, #tpu.memory_space<semaphore_mem>>)
    %dma_start3A_59 = arith.constant 0 : i32
    %dma_start3A_60 = tpu.memref_slice %arg8[%rem3A_40, %dma_start3A_59] : memref<4x128xi32, #tpu.memory_space<vmem>> -> memref<1x128xi32, #tpu.memory_space<vmem>>
    %dma_start3A_61 = tpu.memref_squeeze %dma_start3A_60 : memref<1x128xi32, #tpu.memory_space<vmem>> -> memref<128xi32, #tpu.memory_space<vmem>>
    %dma_start3A_62 = arith.constant 0 : i32
    %dma_start3A_63 = tpu.memref_slice %arg3[%add3A_44, %dma_start3A_62] : memref<1600x128xi32, #tpu.memory_space<hbm>> -> memref<1x128xi32, #tpu.memory_space<hbm>>
    %dma_start3A_64 = tpu.memref_squeeze %dma_start3A_63 : memref<1x128xi32, #tpu.memory_space<hbm>> -> memref<128xi32, #tpu.memory_space<hbm>>
    %dma_start3A_65 = tpu.memref_slice %arg10[%rem3A_40] : memref<4x!tpu.dma_semaphore, #tpu.memory_space<semaphore_mem>> -> memref<1x!tpu.dma_semaphore, #tpu.memory_space<semaphore_mem>>
    %dma_start3A_66 = tpu.memref_squeeze %dma_start3A_65 : memref<1x!tpu.dma_semaphore, #tpu.memory_space<semaphore_mem>> -> memref<!tpu.dma_semaphore, #tpu.memory_space<semaphore_mem>>
    %dma_start3A_67 = arith.constant 0 : i32
    %dma_start3A_68 = tpu.memref_slice %arg8[%rem3A_40, %dma_start3A_67] : memref<4x128xi32, #tpu.memory_space<vmem>> -> memref<1x128xi32, #tpu.memory_space<vmem>>
    %dma_start3A_69 = tpu.memref_squeeze %dma_start3A_68 : memref<1x128xi32, #tpu.memory_space<vmem>> -> memref<128xi32, #tpu.memory_space<vmem>>
    %dma_start3A_70 = arith.constant 0 : i32
    %dma_start3A_71 = tpu.memref_slice %arg3[%add3A_44, %dma_start3A_70] : memref<1600x128xi32, #tpu.memory_space<hbm>> -> memref<1x128xi32, #tpu.memory_space<hbm>>
    %dma_start3A_72 = tpu.memref_squeeze %dma_start3A_71 : memref<1x128xi32, #tpu.memory_space<hbm>> -> memref<128xi32, #tpu.memory_space<hbm>>
    tpu.enqueue_dma source(%dma_start3A_72 : memref<128xi32, #tpu.memory_space<hbm>>) target(%dma_start3A_69 : memref<128xi32, #tpu.memory_space<vmem>>) target_semaphore(%dma_start3A_66 : memref<!tpu.dma_semaphore, #tpu.memory_space<semaphore_mem>>)
    %rem3A_73 = arith.constant 200 : i32
    %rem3A_74 = arith.constant 4 : i32
    %rem3A_75 = arith.remsi %rem3A_73, %rem3A_74 : i32
    %add3A_76 = arith.constant 0 : i32
    %add3A_77 = arith.addi %mul3A_2, %add3A_76 : i32
    %add3A_78 = arith.constant 0 : i32
    %add3A_79 = arith.addi %mul3A_2, %add3A_78 : i32
    %dma_wait3A = arith.constant 0 : i32
    %dma_wait3A_80 = tpu.memref_slice %arg7[%rem3A_75, %dma_wait3A] : memref<4x128xi32, #tpu.memory_space<vmem>> -> memref<1x128xi32, #tpu.memory_space<vmem>>
    %dma_wait3A_81 = tpu.memref_squeeze %dma_wait3A_80 : memref<1x128xi32, #tpu.memory_space<vmem>> -> memref<128xi32, #tpu.memory_space<vmem>>
    %dma_wait3A_82 = arith.constant 0 : i32
    %dma_wait3A_83 = tpu.memref_slice %arg2[%add3A_77, %dma_wait3A_82] : memref<1600x128xi32, #tpu.memory_space<hbm>> -> memref<1x128xi32, #tpu.memory_space<hbm>>
    %dma_wait3A_84 = tpu.memref_squeeze %dma_wait3A_83 : memref<1x128xi32, #tpu.memory_space<hbm>> -> memref<128xi32, #tpu.memory_space<hbm>>
    %dma_wait3A_85 = tpu.memref_slice %arg10[%rem3A_75] : memref<4x!tpu.dma_semaphore, #tpu.memory_space<semaphore_mem>> -> memref<1x!tpu.dma_semaphore, #tpu.memory_space<semaphore_mem>>
    %dma_wait3A_86 = tpu.memref_squeeze %dma_wait3A_85 : memref<1x!tpu.dma_semaphore, #tpu.memory_space<semaphore_mem>> -> memref<!tpu.dma_semaphore, #tpu.memory_space<semaphore_mem>>
    %dma_wait3A_87 = arith.constant 0 : i32
    %dma_wait3A_88 = tpu.memref_slice %arg7[%rem3A_75, %dma_wait3A_87] : memref<4x128xi32, #tpu.memory_space<vmem>> -> memref<1x128xi32, #tpu.memory_space<vmem>>
    %dma_wait3A_89 = tpu.memref_squeeze %dma_wait3A_88 : memref<1x128xi32, #tpu.memory_space<vmem>> -> memref<128xi32, #tpu.memory_space<vmem>>
    %dma_wait3A_90 = arith.constant 0 : i32
    %dma_wait3A_91 = tpu.memref_slice %arg2[%add3A_77, %dma_wait3A_90] : memref<1600x128xi32, #tpu.memory_space<hbm>> -> memref<1x128xi32, #tpu.memory_space<hbm>>
    %dma_wait3A_92 = tpu.memref_squeeze %dma_wait3A_91 : memref<1x128xi32, #tpu.memory_space<hbm>> -> memref<128xi32, #tpu.memory_space<hbm>>
    tpu.wait_dma2 semaphore(%dma_wait3A_86 : memref<!tpu.dma_semaphore, #tpu.memory_space<semaphore_mem>>) src(%dma_wait3A_92 : memref<128xi32, #tpu.memory_space<hbm>>) dst(%dma_wait3A_89 : memref<128xi32, #tpu.memory_space<vmem>>)
    %dma_wait3A_93 = arith.constant 0 : i32
    %dma_wait3A_94 = tpu.memref_slice %arg8[%rem3A_75, %dma_wait3A_93] : memref<4x128xi32, #tpu.memory_space<vmem>> -> memref<1x128xi32, #tpu.memory_space<vmem>>
    %dma_wait3A_95 = tpu.memref_squeeze %dma_wait3A_94 : memref<1x128xi32, #tpu.memory_space<vmem>> -> memref<128xi32, #tpu.memory_space<vmem>>
    %dma_wait3A_96 = arith.constant 0 : i32
    %dma_wait3A_97 = tpu.memref_slice %arg3[%add3A_79, %dma_wait3A_96] : memref<1600x128xi32, #tpu.memory_space<hbm>> -> memref<1x128xi32, #tpu.memory_space<hbm>>
    %dma_wait3A_98 = tpu.memref_squeeze %dma_wait3A_97 : memref<1x128xi32, #tpu.memory_space<hbm>> -> memref<128xi32, #tpu.memory_space<hbm>>
    %dma_wait3A_99 = tpu.memref_slice %arg10[%rem3A_75] : memref<4x!tpu.dma_semaphore, #tpu.memory_space<semaphore_mem>> -> memref<1x!tpu.dma_semaphore, #tpu.memory_space<semaphore_mem>>
    %dma_wait3A_100 = tpu.memref_squeeze %dma_wait3A_99 : memref<1x!tpu.dma_semaphore, #tpu.memory_space<semaphore_mem>> -> memref<!tpu.dma_semaphore, #tpu.memory_space<semaphore_mem>>
    %dma_wait3A_101 = arith.constant 0 : i32
    %dma_wait3A_102 = tpu.memref_slice %arg8[%rem3A_75, %dma_wait3A_101] : memref<4x128xi32, #tpu.memory_space<vmem>> -> memref<1x128xi32, #tpu.memory_space<vmem>>
    %dma_wait3A_103 = tpu.memref_squeeze %dma_wait3A_102 : memref<1x128xi32, #tpu.memory_space<vmem>> -> memref<128xi32, #tpu.memory_space<vmem>>
    %dma_wait3A_104 = arith.constant 0 : i32
    %dma_wait3A_105 = tpu.memref_slice %arg3[%add3A_79, %dma_wait3A_104] : memref<1600x128xi32, #tpu.memory_space<hbm>> -> memref<1x128xi32, #tpu.memory_space<hbm>>
    %dma_wait3A_106 = tpu.memref_squeeze %dma_wait3A_105 : memref<1x128xi32, #tpu.memory_space<hbm>> -> memref<128xi32, #tpu.memory_space<hbm>>
    tpu.wait_dma2 semaphore(%dma_wait3A_100 : memref<!tpu.dma_semaphore, #tpu.memory_space<semaphore_mem>>) src(%dma_wait3A_106 : memref<128xi32, #tpu.memory_space<hbm>>) dst(%dma_wait3A_103 : memref<128xi32, #tpu.memory_space<vmem>>)
    %rem3A_107 = arith.constant 200 : i32
    %rem3A_108 = arith.constant 4 : i32
    %rem3A_109 = arith.remsi %rem3A_107, %rem3A_108 : i32
    %dma_start3A_110 = arith.constant 0 : i32
    %dma_start3A_111 = arith.constant 0 : i32
    %dma_start3A_112 = tpu.memref_slice %arg9[%rem3A_109, %dma_start3A_110, %dma_start3A_111] : memref<4x128x128xf32, #tpu.memory_space<vmem>> -> memref<1x128x128xf32, #tpu.memory_space<vmem>>
    %dma_start3A_113 = tpu.memref_squeeze %dma_start3A_112 : memref<1x128x128xf32, #tpu.memory_space<vmem>> -> memref<128x128xf32, #tpu.memory_space<vmem>>
    %dma_start3A_114 = arith.constant 0 : i32
    %dma_start3A_115 = tpu.memref_slice %arg7[%rem3A_109, %dma_start3A_114] : memref<4x128xi32, #tpu.memory_space<vmem>> -> memref<1x128xi32, #tpu.memory_space<vmem>>
    %dma_start3A_116 = tpu.memref_squeeze %dma_start3A_115 : memref<1x128xi32, #tpu.memory_space<vmem>> -> memref<128xi32, #tpu.memory_space<vmem>>
    %dma_start3A_117 = arith.constant 0 : i32
    %dma_start3A_118 = arith.constant 0 : i32
    %dma_start3A_119 = tpu.memref_slice %arg4[%dma_start3A_117, %dma_start3A_118] : memref<100000x128xf32, #tpu.memory_space<hbm>> -> memref<100000x128xf32, #tpu.memory_space<hbm>>
    %dma_start3A_120 = tpu.memref_slice %arg11[%rem3A_109] : memref<4x!tpu.dma_semaphore, #tpu.memory_space<semaphore_mem>> -> memref<1x!tpu.dma_semaphore, #tpu.memory_space<semaphore_mem>>
    %dma_start3A_121 = tpu.memref_squeeze %dma_start3A_120 : memref<1x!tpu.dma_semaphore, #tpu.memory_space<semaphore_mem>> -> memref<!tpu.dma_semaphore, #tpu.memory_space<semaphore_mem>>
    tpu.enqueue_indirect_dma source(%dma_start3A_119 : memref<100000x128xf32, #tpu.memory_space<hbm>>) target(%dma_start3A_113 : memref<128x128xf32, #tpu.memory_space<vmem>>) offsets(%dma_start3A_116 : memref<128xi32, #tpu.memory_space<vmem>>) semaphore(%dma_start3A_121 : memref<!tpu.dma_semaphore, #tpu.memory_space<semaphore_mem>>)
    %scan3A = arith.constant 0 : i32
    %scan3A_122 = arith.constant 0 : i32
    %scan3A_123 = arith.constant 50 : i32
    %scan3A_124 = arith.addi %scan3A_122, %scan3A_123 : i32
    %scan3A_125 = arith.constant 1 : i32
    scf.for %scan3A_203 = %scan3A_122 to %scan3A_124 step %scan3A_125  : i32 {
      %add3A_204 = arith.constant 2 : i32
      %add3A_205 = arith.addi %scan3A_203, %add3A_204 : i32
      %lt3A = arith.constant 50 : i32
      %lt3A_206 = arith.cmpi slt, %add3A_205, %lt3A : i32
      %convert_element_type3A = arith.extui %lt3A_206 : i1 to i32
      %cond3A = arith.constant 0 : i32
      %cond3A_207 = arith.cmpi ne, %convert_element_type3A, %cond3A : i32
      scf.if %cond3A_207 {
        %add3A_290 = arith.constant 2 : i32
        %add3A_291 = arith.addi %scan3A_203, %add3A_290 : i32
        %add3A_292 = arith.constant 200 : i32
        %add3A_293 = arith.addi %add3A_291, %add3A_292 : i32
        %rem3A_294 = arith.constant 4 : i32
        %rem3A_295 = arith.remsi %add3A_293, %rem3A_294 : i32
        %add3A_296 = arith.addi %mul3A_2, %add3A_291 : i32
        %add3A_297 = arith.addi %mul3A_2, %add3A_291 : i32
        %dma_start3A_298 = arith.constant 0 : i32
        %dma_start3A_299 = tpu.memref_slice %arg7[%rem3A_295, %dma_start3A_298] : memref<4x128xi32, #tpu.memory_space<vmem>> -> memref<1x128xi32, #tpu.memory_space<vmem>>
        %dma_start3A_300 = tpu.memref_squeeze %dma_start3A_299 : memref<1x128xi32, #tpu.memory_space<vmem>> -> memref<128xi32, #tpu.memory_space<vmem>>
        %dma_start3A_301 = arith.constant 0 : i32
        %dma_start3A_302 = tpu.memref_slice %arg2[%add3A_296, %dma_start3A_301] : memref<1600x128xi32, #tpu.memory_space<hbm>> -> memref<1x128xi32, #tpu.memory_space<hbm>>
        %dma_start3A_303 = tpu.memref_squeeze %dma_start3A_302 : memref<1x128xi32, #tpu.memory_space<hbm>> -> memref<128xi32, #tpu.memory_space<hbm>>
        %dma_start3A_304 = tpu.memref_slice %arg10[%rem3A_295] : memref<4x!tpu.dma_semaphore, #tpu.memory_space<semaphore_mem>> -> memref<1x!tpu.dma_semaphore, #tpu.memory_space<semaphore_mem>>
        %dma_start3A_305 = tpu.memref_squeeze %dma_start3A_304 : memref<1x!tpu.dma_semaphore, #tpu.memory_space<semaphore_mem>> -> memref<!tpu.dma_semaphore, #tpu.memory_space<semaphore_mem>>
        %dma_start3A_306 = arith.constant 0 : i32
        %dma_start3A_307 = tpu.memref_slice %arg7[%rem3A_295, %dma_start3A_306] : memref<4x128xi32, #tpu.memory_space<vmem>> -> memref<1x128xi32, #tpu.memory_space<vmem>>
        %dma_start3A_308 = tpu.memref_squeeze %dma_start3A_307 : memref<1x128xi32, #tpu.memory_space<vmem>> -> memref<128xi32, #tpu.memory_space<vmem>>
        %dma_start3A_309 = arith.constant 0 : i32
        %dma_start3A_310 = tpu.memref_slice %arg2[%add3A_296, %dma_start3A_309] : memref<1600x128xi32, #tpu.memory_space<hbm>> -> memref<1x128xi32, #tpu.memory_space<hbm>>
        %dma_start3A_311 = tpu.memref_squeeze %dma_start3A_310 : memref<1x128xi32, #tpu.memory_space<hbm>> -> memref<128xi32, #tpu.memory_space<hbm>>
        tpu.enqueue_dma source(%dma_start3A_311 : memref<128xi32, #tpu.memory_space<hbm>>) target(%dma_start3A_308 : memref<128xi32, #tpu.memory_space<vmem>>) target_semaphore(%dma_start3A_305 : memref<!tpu.dma_semaphore, #tpu.memory_space<semaphore_mem>>)
        %dma_start3A_312 = arith.constant 0 : i32
        %dma_start3A_313 = tpu.memref_slice %arg8[%rem3A_295, %dma_start3A_312] : memref<4x128xi32, #tpu.memory_space<vmem>> -> memref<1x128xi32, #tpu.memory_space<vmem>>
        %dma_start3A_314 = tpu.memref_squeeze %dma_start3A_313 : memref<1x128xi32, #tpu.memory_space<vmem>> -> memref<128xi32, #tpu.memory_space<vmem>>
        %dma_start3A_315 = arith.constant 0 : i32
        %dma_start3A_316 = tpu.memref_slice %arg3[%add3A_297, %dma_start3A_315] : memref<1600x128xi32, #tpu.memory_space<hbm>> -> memref<1x128xi32, #tpu.memory_space<hbm>>
        %dma_start3A_317 = tpu.memref_squeeze %dma_start3A_316 : memref<1x128xi32, #tpu.memory_space<hbm>> -> memref<128xi32, #tpu.memory_space<hbm>>
        %dma_start3A_318 = tpu.memref_slice %arg10[%rem3A_295] : memref<4x!tpu.dma_semaphore, #tpu.memory_space<semaphore_mem>> -> memref<1x!tpu.dma_semaphore, #tpu.memory_space<semaphore_mem>>
        %dma_start3A_319 = tpu.memref_squeeze %dma_start3A_318 : memref<1x!tpu.dma_semaphore, #tpu.memory_space<semaphore_mem>> -> memref<!tpu.dma_semaphore, #tpu.memory_space<semaphore_mem>>
        %dma_start3A_320 = arith.constant 0 : i32
        %dma_start3A_321 = tpu.memref_slice %arg8[%rem3A_295, %dma_start3A_320] : memref<4x128xi32, #tpu.memory_space<vmem>> -> memref<1x128xi32, #tpu.memory_space<vmem>>
        %dma_start3A_322 = tpu.memref_squeeze %dma_start3A_321 : memref<1x128xi32, #tpu.memory_space<vmem>> -> memref<128xi32, #tpu.memory_space<vmem>>
        %dma_start3A_323 = arith.constant 0 : i32
        %dma_start3A_324 = tpu.memref_slice %arg3[%add3A_297, %dma_start3A_323] : memref<1600x128xi32, #tpu.memory_space<hbm>> -> memref<1x128xi32, #tpu.memory_space<hbm>>
        %dma_start3A_325 = tpu.memref_squeeze %dma_start3A_324 : memref<1x128xi32, #tpu.memory_space<hbm>> -> memref<128xi32, #tpu.memory_space<hbm>>
        tpu.enqueue_dma source(%dma_start3A_325 : memref<128xi32, #tpu.memory_space<hbm>>) target(%dma_start3A_322 : memref<128xi32, #tpu.memory_space<vmem>>) target_semaphore(%dma_start3A_319 : memref<!tpu.dma_semaphore, #tpu.memory_space<semaphore_mem>>)
      } else {
      }
      %add3A_208 = arith.constant 200 : i32
      %add3A_209 = arith.addi %scan3A_203, %add3A_208 : i32
      %rem3A_210 = arith.constant 4 : i32
      %rem3A_211 = arith.remsi %add3A_209, %rem3A_210 : i32
      %dma_wait3A_212 = arith.constant 0 : i32
      %dma_wait3A_213 = arith.constant 0 : i32
      %dma_wait3A_214 = tpu.memref_slice %arg9[%rem3A_211, %dma_wait3A_212, %dma_wait3A_213] : memref<4x128x128xf32, #tpu.memory_space<vmem>> -> memref<1x128x128xf32, #tpu.memory_space<vmem>>
      %dma_wait3A_215 = tpu.memref_squeeze %dma_wait3A_214 : memref<1x128x128xf32, #tpu.memory_space<vmem>> -> memref<128x128xf32, #tpu.memory_space<vmem>>
      %dma_wait3A_216 = arith.constant 0 : i32
      %dma_wait3A_217 = tpu.memref_slice %arg7[%rem3A_211, %dma_wait3A_216] : memref<4x128xi32, #tpu.memory_space<vmem>> -> memref<1x128xi32, #tpu.memory_space<vmem>>
      %dma_wait3A_218 = tpu.memref_squeeze %dma_wait3A_217 : memref<1x128xi32, #tpu.memory_space<vmem>> -> memref<128xi32, #tpu.memory_space<vmem>>
      %dma_wait3A_219 = arith.constant 0 : i32
      %dma_wait3A_220 = arith.constant 0 : i32
      %dma_wait3A_221 = tpu.memref_slice %arg4[%dma_wait3A_219, %dma_wait3A_220] : memref<100000x128xf32, #tpu.memory_space<hbm>> -> memref<100000x128xf32, #tpu.memory_space<hbm>>
      %dma_wait3A_222 = tpu.memref_slice %arg11[%rem3A_211] : memref<4x!tpu.dma_semaphore, #tpu.memory_space<semaphore_mem>> -> memref<1x!tpu.dma_semaphore, #tpu.memory_space<semaphore_mem>>
      %dma_wait3A_223 = tpu.memref_squeeze %dma_wait3A_222 : memref<1x!tpu.dma_semaphore, #tpu.memory_space<semaphore_mem>> -> memref<!tpu.dma_semaphore, #tpu.memory_space<semaphore_mem>>
      tpu.wait_indirect_dma semaphore(%dma_wait3A_223 : memref<!tpu.dma_semaphore, #tpu.memory_space<semaphore_mem>>) src(%dma_wait3A_221 : memref<100000x128xf32, #tpu.memory_space<hbm>>) dst(%dma_wait3A_215 : memref<128x128xf32, #tpu.memory_space<vmem>>)
      %add3A_224 = arith.constant 200 : i32
      %add3A_225 = arith.addi %scan3A_203, %add3A_224 : i32
      %rem3A_226 = arith.constant 4 : i32
      %rem3A_227 = arith.remsi %add3A_225, %rem3A_226 : i32
      %dma_start3A_228 = arith.constant 0 : i32
      %dma_start3A_229 = arith.constant 0 : i32
      %dma_start3A_230 = tpu.memref_slice %arg9[%rem3A_227, %dma_start3A_228, %dma_start3A_229] : memref<4x128x128xf32, #tpu.memory_space<vmem>> -> memref<1x128x128xf32, #tpu.memory_space<vmem>>
      %dma_start3A_231 = tpu.memref_squeeze %dma_start3A_230 : memref<1x128x128xf32, #tpu.memory_space<vmem>> -> memref<128x128xf32, #tpu.memory_space<vmem>>
      %dma_start3A_232 = arith.constant 0 : i32
      %dma_start3A_233 = tpu.memref_slice %arg8[%rem3A_227, %dma_start3A_232] : memref<4x128xi32, #tpu.memory_space<vmem>> -> memref<1x128xi32, #tpu.memory_space<vmem>>
      %dma_start3A_234 = tpu.memref_squeeze %dma_start3A_233 : memref<1x128xi32, #tpu.memory_space<vmem>> -> memref<128xi32, #tpu.memory_space<vmem>>
      %dma_start3A_235 = arith.constant 0 : i32
      %dma_start3A_236 = arith.constant 0 : i32
      %dma_start3A_237 = tpu.memref_slice %arg5[%dma_start3A_235, %dma_start3A_236] : memref<100000x128xf32, #tpu.memory_space<hbm>> -> memref<100000x128xf32, #tpu.memory_space<hbm>>
      %dma_start3A_238 = tpu.memref_slice %arg12[%rem3A_227] : memref<4x!tpu.dma_semaphore, #tpu.memory_space<semaphore_mem>> -> memref<1x!tpu.dma_semaphore, #tpu.memory_space<semaphore_mem>>
      %dma_start3A_239 = tpu.memref_squeeze %dma_start3A_238 : memref<1x!tpu.dma_semaphore, #tpu.memory_space<semaphore_mem>> -> memref<!tpu.dma_semaphore, #tpu.memory_space<semaphore_mem>>
      tpu.enqueue_indirect_dma source(%dma_start3A_237 : memref<100000x128xf32, #tpu.memory_space<hbm>>) target(%dma_start3A_231 : memref<128x128xf32, #tpu.memory_space<vmem>>) offsets(%dma_start3A_234 : memref<128xi32, #tpu.memory_space<vmem>>) semaphore(%dma_start3A_239 : memref<!tpu.dma_semaphore, #tpu.memory_space<semaphore_mem>>) {add = true}
      %add3A_240 = arith.constant 1 : i32
      %add3A_241 = arith.addi %scan3A_203, %add3A_240 : i32
      %lt3A_242 = arith.constant 50 : i32
      %lt3A_243 = arith.cmpi slt, %add3A_241, %lt3A_242 : i32
      %convert_element_type3A_244 = arith.extui %lt3A_243 : i1 to i32
      %cond3A_245 = arith.constant 0 : i32
      %cond3A_246 = arith.cmpi ne, %convert_element_type3A_244, %cond3A_245 : i32
      scf.if %cond3A_246 {
        %add3A_290 = arith.constant 1 : i32
        %add3A_291 = arith.addi %scan3A_203, %add3A_290 : i32
        %add3A_292 = arith.constant 200 : i32
        %add3A_293 = arith.addi %add3A_291, %add3A_292 : i32
        %rem3A_294 = arith.constant 4 : i32
        %rem3A_295 = arith.remsi %add3A_293, %rem3A_294 : i32
        %add3A_296 = arith.addi %mul3A_2, %add3A_291 : i32
        %add3A_297 = arith.addi %mul3A_2, %add3A_291 : i32
        %dma_wait3A_298 = arith.constant 0 : i32
        %dma_wait3A_299 = tpu.memref_slice %arg7[%rem3A_295, %dma_wait3A_298] : memref<4x128xi32, #tpu.memory_space<vmem>> -> memref<1x128xi32, #tpu.memory_space<vmem>>
        %dma_wait3A_300 = tpu.memref_squeeze %dma_wait3A_299 : memref<1x128xi32, #tpu.memory_space<vmem>> -> memref<128xi32, #tpu.memory_space<vmem>>
        %dma_wait3A_301 = arith.constant 0 : i32
        %dma_wait3A_302 = tpu.memref_slice %arg2[%add3A_296, %dma_wait3A_301] : memref<1600x128xi32, #tpu.memory_space<hbm>> -> memref<1x128xi32, #tpu.memory_space<hbm>>
        %dma_wait3A_303 = tpu.memref_squeeze %dma_wait3A_302 : memref<1x128xi32, #tpu.memory_space<hbm>> -> memref<128xi32, #tpu.memory_space<hbm>>
        %dma_wait3A_304 = tpu.memref_slice %arg10[%rem3A_295] : memref<4x!tpu.dma_semaphore, #tpu.memory_space<semaphore_mem>> -> memref<1x!tpu.dma_semaphore, #tpu.memory_space<semaphore_mem>>
        %dma_wait3A_305 = tpu.memref_squeeze %dma_wait3A_304 : memref<1x!tpu.dma_semaphore, #tpu.memory_space<semaphore_mem>> -> memref<!tpu.dma_semaphore, #tpu.memory_space<semaphore_mem>>
        %dma_wait3A_306 = arith.constant 0 : i32
        %dma_wait3A_307 = tpu.memref_slice %arg7[%rem3A_295, %dma_wait3A_306] : memref<4x128xi32, #tpu.memory_space<vmem>> -> memref<1x128xi32, #tpu.memory_space<vmem>>
        %dma_wait3A_308 = tpu.memref_squeeze %dma_wait3A_307 : memref<1x128xi32, #tpu.memory_space<vmem>> -> memref<128xi32, #tpu.memory_space<vmem>>
        %dma_wait3A_309 = arith.constant 0 : i32
        %dma_wait3A_310 = tpu.memref_slice %arg2[%add3A_296, %dma_wait3A_309] : memref<1600x128xi32, #tpu.memory_space<hbm>> -> memref<1x128xi32, #tpu.memory_space<hbm>>
        %dma_wait3A_311 = tpu.memref_squeeze %dma_wait3A_310 : memref<1x128xi32, #tpu.memory_space<hbm>> -> memref<128xi32, #tpu.memory_space<hbm>>
        tpu.wait_dma2 semaphore(%dma_wait3A_305 : memref<!tpu.dma_semaphore, #tpu.memory_space<semaphore_mem>>) src(%dma_wait3A_311 : memref<128xi32, #tpu.memory_space<hbm>>) dst(%dma_wait3A_308 : memref<128xi32, #tpu.memory_space<vmem>>)
        %dma_wait3A_312 = arith.constant 0 : i32
        %dma_wait3A_313 = tpu.memref_slice %arg8[%rem3A_295, %dma_wait3A_312] : memref<4x128xi32, #tpu.memory_space<vmem>> -> memref<1x128xi32, #tpu.memory_space<vmem>>
        %dma_wait3A_314 = tpu.memref_squeeze %dma_wait3A_313 : memref<1x128xi32, #tpu.memory_space<vmem>> -> memref<128xi32, #tpu.memory_space<vmem>>
        %dma_wait3A_315 = arith.constant 0 : i32
        %dma_wait3A_316 = tpu.memref_slice %arg3[%add3A_297, %dma_wait3A_315] : memref<1600x128xi32, #tpu.memory_space<hbm>> -> memref<1x128xi32, #tpu.memory_space<hbm>>
        %dma_wait3A_317 = tpu.memref_squeeze %dma_wait3A_316 : memref<1x128xi32, #tpu.memory_space<hbm>> -> memref<128xi32, #tpu.memory_space<hbm>>
        %dma_wait3A_318 = tpu.memref_slice %arg10[%rem3A_295] : memref<4x!tpu.dma_semaphore, #tpu.memory_space<semaphore_mem>> -> memref<1x!tpu.dma_semaphore, #tpu.memory_space<semaphore_mem>>
        %dma_wait3A_319 = tpu.memref_squeeze %dma_wait3A_318 : memref<1x!tpu.dma_semaphore, #tpu.memory_space<semaphore_mem>> -> memref<!tpu.dma_semaphore, #tpu.memory_space<semaphore_mem>>
        %dma_wait3A_320 = arith.constant 0 : i32
        %dma_wait3A_321 = tpu.memref_slice %arg8[%rem3A_295, %dma_wait3A_320] : memref<4x128xi32, #tpu.memory_space<vmem>> -> memref<1x128xi32, #tpu.memory_space<vmem>>
        %dma_wait3A_322 = tpu.memref_squeeze %dma_wait3A_321 : memref<1x128xi32, #tpu.memory_space<vmem>> -> memref<128xi32, #tpu.memory_space<vmem>>
        %dma_wait3A_323 = arith.constant 0 : i32
        %dma_wait3A_324 = tpu.memref_slice %arg3[%add3A_297, %dma_wait3A_323] : memref<1600x128xi32, #tpu.memory_space<hbm>> -> memref<1x128xi32, #tpu.memory_space<hbm>>
        %dma_wait3A_325 = tpu.memref_squeeze %dma_wait3A_324 : memref<1x128xi32, #tpu.memory_space<hbm>> -> memref<128xi32, #tpu.memory_space<hbm>>
        tpu.wait_dma2 semaphore(%dma_wait3A_319 : memref<!tpu.dma_semaphore, #tpu.memory_space<semaphore_mem>>) src(%dma_wait3A_325 : memref<128xi32, #tpu.memory_space<hbm>>) dst(%dma_wait3A_322 : memref<128xi32, #tpu.memory_space<vmem>>)
        %sub3A = arith.constant 3 : i32
        %sub3A_326 = arith.subi %scan3A_203, %sub3A : i32
        %ge3A = arith.constant 0 : i32
        %ge3A_327 = arith.cmpi sge, %sub3A_326, %ge3A : i32
        %convert_element_type3A_328 = arith.extui %ge3A_327 : i1 to i32
        %cond3A_329 = arith.constant 0 : i32
        %cond3A_330 = arith.cmpi ne, %convert_element_type3A_328, %cond3A_329 : i32
        scf.if %cond3A_330 {
          %sub3A_349 = arith.constant 3 : i32
          %sub3A_350 = arith.subi %scan3A_203, %sub3A_349 : i32
          %add3A_351 = arith.constant 200 : i32
          %add3A_352 = arith.addi %sub3A_350, %add3A_351 : i32
          %rem3A_353 = arith.constant 4 : i32
          %rem3A_354 = arith.remsi %add3A_352, %rem3A_353 : i32
          %mul3A_355 = arith.constant 128 : i32
          %mul3A_356 = arith.muli %sub3A_350, %mul3A_355 : i32
          %add3A_357 = arith.addi %mul3A_4, %mul3A_356 : i32
          %dma_wait3A_358 = arith.constant 0 : i32
          %dma_wait3A_359 = arith.constant 0 : i32
          %dma_wait3A_360 = tpu.memref_slice %arg9[%rem3A_354, %dma_wait3A_358, %dma_wait3A_359] : memref<4x128x128xf32, #tpu.memory_space<vmem>> -> memref<1x128x128xf32, #tpu.memory_space<vmem>>
          %dma_wait3A_361 = tpu.memref_squeeze %dma_wait3A_360 : memref<1x128x128xf32, #tpu.memory_space<vmem>> -> memref<128x128xf32, #tpu.memory_space<vmem>>
          %dma_wait3A_362 = arith.constant 0 : i32
          %dma_wait3A_363 = tpu.memref_slice %arg6[%add3A_357, %dma_wait3A_362] : memref<204800x128xf32, #tpu.memory_space<hbm>> -> memref<128x128xf32, #tpu.memory_space<hbm>>
          %dma_wait3A_364 = tpu.memref_slice %arg13[%rem3A_354] : memref<4x!tpu.dma_semaphore, #tpu.memory_space<semaphore_mem>> -> memref<1x!tpu.dma_semaphore, #tpu.memory_space<semaphore_mem>>
          %dma_wait3A_365 = tpu.memref_squeeze %dma_wait3A_364 : memref<1x!tpu.dma_semaphore, #tpu.memory_space<semaphore_mem>> -> memref<!tpu.dma_semaphore, #tpu.memory_space<semaphore_mem>>
          %dma_wait3A_366 = arith.constant 0 : i32
          %dma_wait3A_367 = tpu.memref_slice %arg6[%add3A_357, %dma_wait3A_366] : memref<204800x128xf32, #tpu.memory_space<hbm>> -> memref<128x128xf32, #tpu.memory_space<hbm>>
          %dma_wait3A_368 = arith.constant 0 : i32
          %dma_wait3A_369 = arith.constant 0 : i32
          %dma_wait3A_370 = tpu.memref_slice %arg9[%rem3A_354, %dma_wait3A_368, %dma_wait3A_369] : memref<4x128x128xf32, #tpu.memory_space<vmem>> -> memref<1x128x128xf32, #tpu.memory_space<vmem>>
          %dma_wait3A_371 = tpu.memref_squeeze %dma_wait3A_370 : memref<1x128x128xf32, #tpu.memory_space<vmem>> -> memref<128x128xf32, #tpu.memory_space<vmem>>
          tpu.wait_dma2 semaphore(%dma_wait3A_365 : memref<!tpu.dma_semaphore, #tpu.memory_space<semaphore_mem>>) src(%dma_wait3A_371 : memref<128x128xf32, #tpu.memory_space<vmem>>) dst(%dma_wait3A_367 : memref<128x128xf32, #tpu.memory_space<hbm>>)
        } else {
        }
        %add3A_331 = arith.constant 1 : i32
        %add3A_332 = arith.addi %scan3A_203, %add3A_331 : i32
        %add3A_333 = arith.constant 200 : i32
        %add3A_334 = arith.addi %add3A_332, %add3A_333 : i32
        %rem3A_335 = arith.constant 4 : i32
        %rem3A_336 = arith.remsi %add3A_334, %rem3A_335 : i32
        %dma_start3A_337 = arith.constant 0 : i32
        %dma_start3A_338 = arith.constant 0 : i32
        %dma_start3A_339 = tpu.memref_slice %arg9[%rem3A_336, %dma_start3A_337, %dma_start3A_338] : memref<4x128x128xf32, #tpu.memory_space<vmem>> -> memref<1x128x128xf32, #tpu.memory_space<vmem>>
        %dma_start3A_340 = tpu.memref_squeeze %dma_start3A_339 : memref<1x128x128xf32, #tpu.memory_space<vmem>> -> memref<128x128xf32, #tpu.memory_space<vmem>>
        %dma_start3A_341 = arith.constant 0 : i32
        %dma_start3A_342 = tpu.memref_slice %arg7[%rem3A_336, %dma_start3A_341] : memref<4x128xi32, #tpu.memory_space<vmem>> -> memref<1x128xi32, #tpu.memory_space<vmem>>
        %dma_start3A_343 = tpu.memref_squeeze %dma_start3A_342 : memref<1x128xi32, #tpu.memory_space<vmem>> -> memref<128xi32, #tpu.memory_space<vmem>>
        %dma_start3A_344 = arith.constant 0 : i32
        %dma_start3A_345 = arith.constant 0 : i32
        %dma_start3A_346 = tpu.memref_slice %arg4[%dma_start3A_344, %dma_start3A_345] : memref<100000x128xf32, #tpu.memory_space<hbm>> -> memref<100000x128xf32, #tpu.memory_space<hbm>>
        %dma_start3A_347 = tpu.memref_slice %arg11[%rem3A_336] : memref<4x!tpu.dma_semaphore, #tpu.memory_space<semaphore_mem>> -> memref<1x!tpu.dma_semaphore, #tpu.memory_space<semaphore_mem>>
        %dma_start3A_348 = tpu.memref_squeeze %dma_start3A_347 : memref<1x!tpu.dma_semaphore, #tpu.memory_space<semaphore_mem>> -> memref<!tpu.dma_semaphore, #tpu.memory_space<semaphore_mem>>
        tpu.enqueue_indirect_dma source(%dma_start3A_346 : memref<100000x128xf32, #tpu.memory_space<hbm>>) target(%dma_start3A_340 : memref<128x128xf32, #tpu.memory_space<vmem>>) offsets(%dma_start3A_343 : memref<128xi32, #tpu.memory_space<vmem>>) semaphore(%dma_start3A_348 : memref<!tpu.dma_semaphore, #tpu.memory_space<semaphore_mem>>)
      } else {
      }
      %add3A_247 = arith.constant 200 : i32
      %add3A_248 = arith.addi %scan3A_203, %add3A_247 : i32
      %rem3A_249 = arith.constant 4 : i32
      %rem3A_250 = arith.remsi %add3A_248, %rem3A_249 : i32
      %dma_wait3A_251 = arith.constant 0 : i32
      %dma_wait3A_252 = arith.constant 0 : i32
      %dma_wait3A_253 = tpu.memref_slice %arg9[%rem3A_250, %dma_wait3A_251, %dma_wait3A_252] : memref<4x128x128xf32, #tpu.memory_space<vmem>> -> memref<1x128x128xf32, #tpu.memory_space<vmem>>
      %dma_wait3A_254 = tpu.memref_squeeze %dma_wait3A_253 : memref<1x128x128xf32, #tpu.memory_space<vmem>> -> memref<128x128xf32, #tpu.memory_space<vmem>>
      %dma_wait3A_255 = arith.constant 0 : i32
      %dma_wait3A_256 = tpu.memref_slice %arg8[%rem3A_250, %dma_wait3A_255] : memref<4x128xi32, #tpu.memory_space<vmem>> -> memref<1x128xi32, #tpu.memory_space<vmem>>
      %dma_wait3A_257 = tpu.memref_squeeze %dma_wait3A_256 : memref<1x128xi32, #tpu.memory_space<vmem>> -> memref<128xi32, #tpu.memory_space<vmem>>
      %dma_wait3A_258 = arith.constant 0 : i32
      %dma_wait3A_259 = arith.constant 0 : i32
      %dma_wait3A_260 = tpu.memref_slice %arg5[%dma_wait3A_258, %dma_wait3A_259] : memref<100000x128xf32, #tpu.memory_space<hbm>> -> memref<100000x128xf32, #tpu.memory_space<hbm>>
      %dma_wait3A_261 = tpu.memref_slice %arg12[%rem3A_250] : memref<4x!tpu.dma_semaphore, #tpu.memory_space<semaphore_mem>> -> memref<1x!tpu.dma_semaphore, #tpu.memory_space<semaphore_mem>>
      %dma_wait3A_262 = tpu.memref_squeeze %dma_wait3A_261 : memref<1x!tpu.dma_semaphore, #tpu.memory_space<semaphore_mem>> -> memref<!tpu.dma_semaphore, #tpu.memory_space<semaphore_mem>>
      tpu.wait_indirect_dma semaphore(%dma_wait3A_262 : memref<!tpu.dma_semaphore, #tpu.memory_space<semaphore_mem>>) src(%dma_wait3A_260 : memref<100000x128xf32, #tpu.memory_space<hbm>>) dst(%dma_wait3A_254 : memref<128x128xf32, #tpu.memory_space<vmem>>)
      %scan3A_263 = arith.constant 0 : i32
      %scan3A_264 = arith.constant 0 : i32
      %scan3A_265 = arith.constant 64 : i32
      %scan3A_266 = arith.addi %scan3A_264, %scan3A_265 : i32
      %scan3A_267 = arith.constant 1 : i32
      scf.for %scan3A_290 = %scan3A_264 to %scan3A_266 step %scan3A_267  : i32 {
        %mul3A_291 = arith.constant 2 : i32
        %mul3A_292 = arith.muli %scan3A_290, %mul3A_291 : i32
        %add3A_293 = arith.constant 0 : i32
        %add3A_294 = arith.addi %mul3A_292, %add3A_293 : i32
        %add3A_295 = arith.constant 200 : i32
        %add3A_296 = arith.addi %scan3A_203, %add3A_295 : i32
        %rem3A_297 = arith.constant 4 : i32
        %rem3A_298 = arith.remsi %add3A_296, %rem3A_297 : i32
        %get3A = arith.index_cast %rem3A_298 : i32 to index
        %get3A_299 = arith.index_cast %add3A_294 : i32 to index
        %get3A_300 = arith.constant 0 : index
        %get3A_301 = tpu.vector_load %arg9[%get3A, %get3A_299, %get3A_300] {strides = array<i32>} : memref<4x128x128xf32, #tpu.memory_space<vmem>>, vector<1x1x16xf32>,
        %get3A_302 = vector.shape_cast %get3A_301 : vector<1x1x16xf32> to vector<16xf32>
        %mul3A_303 = arith.constant 5.000000e-01 : f32
        %mul3A_304 = vector.broadcast %mul3A_303 : f32 to vector<16xf32>
        %mul3A_305 = arith.mulf %get3A_302, %mul3A_304 : vector<16xf32>
        %add3A_306 = arith.constant 2.500000e-01 : f32
        %add3A_307 = vector.broadcast %add3A_306 : f32 to vector<16xf32>
        %add3A_308 = arith.addf %mul3A_305, %add3A_307 : vector<16xf32>
        %add3A_309 = arith.constant 200 : i32
        %add3A_310 = arith.addi %scan3A_203, %add3A_309 : i32
        %rem3A_311 = arith.constant 4 : i32
        %rem3A_312 = arith.remsi %add3A_310, %rem3A_311 : i32
        %swap3A = arith.index_cast %rem3A_312 : i32 to index
        %swap3A_313 = arith.index_cast %add3A_294 : i32 to index
        %swap3A_314 = arith.constant 0 : index
        %swap3A_315 = tpu.vector_load %arg9[%swap3A, %swap3A_313, %swap3A_314] {strides = array<i32>} : memref<4x128x128xf32, #tpu.memory_space<vmem>>, vector<1x1x16xf32>,
        %swap3A_316 = vector.shape_cast %swap3A_315 : vector<1x1x16xf32> to vector<16xf32>
        %swap3A_317 = vector.shape_cast %add3A_308 : vector<16xf32> to vector<1x1x16xf32>
        tpu.vector_store %arg9[%swap3A, %swap3A_313, %swap3A_314], %swap3A_317 {strides = array<i32>} : memref<4x128x128xf32, #tpu.memory_space<vmem>>, vector<1x1x16xf32>,
        %add3A_318 = arith.constant 200 : i32
        %add3A_319 = arith.addi %scan3A_203, %add3A_318 : i32
        %rem3A_320 = arith.constant 4 : i32
        %rem3A_321 = arith.remsi %add3A_319, %rem3A_320 : i32
        %get3A_322 = arith.index_cast %rem3A_321 : i32 to index
        %get3A_323 = arith.index_cast %add3A_294 : i32 to index
        %get3A_324 = arith.constant 16 : index
        %get3A_325 = tpu.vector_load %arg9[%get3A_322, %get3A_323, %get3A_324] {strides = array<i32>} : memref<4x128x128xf32, #tpu.memory_space<vmem>>, vector<1x1x16xf32>,
        %get3A_326 = vector.shape_cast %get3A_325 : vector<1x1x16xf32> to vector<16xf32>
        %mul3A_327 = arith.constant 5.000000e-01 : f32
        %mul3A_328 = vector.broadcast %mul3A_327 : f32 to vector<16xf32>
        %mul3A_329 = arith.mulf %get3A_326, %mul3A_328 : vector<16xf32>
        %add3A_330 = arith.constant 2.500000e-01 : f32
        %add3A_331 = vector.broadcast %add3A_330 : f32 to vector<16xf32>
        %add3A_332 = arith.addf %mul3A_329, %add3A_331 : vector<16xf32>
        %add3A_333 = arith.constant 200 : i32
        %add3A_334 = arith.addi %scan3A_203, %add3A_333 : i32
        %rem3A_335 = arith.constant 4 : i32
        %rem3A_336 = arith.remsi %add3A_334, %rem3A_335 : i32
        %swap3A_337 = arith.index_cast %rem3A_336 : i32 to index
        %swap3A_338 = arith.index_cast %add3A_294 : i32 to index
        %swap3A_339 = arith.constant 16 : index
        %swap3A_340 = tpu.vector_load %arg9[%swap3A_337, %swap3A_338, %swap3A_339] {strides = array<i32>} : memref<4x128x128xf32, #tpu.memory_space<vmem>>, vector<1x1x16xf32>,
        %swap3A_341 = vector.shape_cast %swap3A_340 : vector<1x1x16xf32> to vector<16xf32>
        %swap3A_342 = vector.shape_cast %add3A_332 : vector<16xf32> to vector<1x1x16xf32>
        tpu.vector_store %arg9[%swap3A_337, %swap3A_338, %swap3A_339], %swap3A_342 {strides = array<i32>} : memref<4x128x128xf32, #tpu.memory_space<vmem>>, vector<1x1x16xf32>,
        %add3A_343 = arith.constant 200 : i32
        %add3A_344 = arith.addi %scan3A_203, %add3A_343 : i32
        %rem3A_345 = arith.constant 4 : i32
        %rem3A_346 = arith.remsi %add3A_344, %rem3A_345 : i32
        %get3A_347 = arith.index_cast %rem3A_346 : i32 to index
        %get3A_348 = arith.index_cast %add3A_294 : i32 to index
        %get3A_349 = arith.constant 32 : index
        %get3A_350 = tpu.vector_load %arg9[%get3A_347, %get3A_348, %get3A_349] {strides = array<i32>} : memref<4x128x128xf32, #tpu.memory_space<vmem>>, vector<1x1x16xf32>,
        %get3A_351 = vector.shape_cast %get3A_350 : vector<1x1x16xf32> to vector<16xf32>
        %mul3A_352 = arith.constant 5.000000e-01 : f32
        %mul3A_353 = vector.broadcast %mul3A_352 : f32 to vector<16xf32>
        %mul3A_354 = arith.mulf %get3A_351, %mul3A_353 : vector<16xf32>
        %add3A_355 = arith.constant 2.500000e-01 : f32
        %add3A_356 = vector.broadcast %add3A_355 : f32 to vector<16xf32>
        %add3A_357 = arith.addf %mul3A_354, %add3A_356 : vector<16xf32>
        %add3A_358 = arith.constant 200 : i32
        %add3A_359 = arith.addi %scan3A_203, %add3A_358 : i32
        %rem3A_360 = arith.constant 4 : i32
        %rem3A_361 = arith.remsi %add3A_359, %rem3A_360 : i32
        %swap3A_362 = arith.index_cast %rem3A_361 : i32 to index
        %swap3A_363 = arith.index_cast %add3A_294 : i32 to index
        %swap3A_364 = arith.constant 32 : index
        %swap3A_365 = tpu.vector_load %arg9[%swap3A_362, %swap3A_363, %swap3A_364] {strides = array<i32>} : memref<4x128x128xf32, #tpu.memory_space<vmem>>, vector<1x1x16xf32>,
        %swap3A_366 = vector.shape_cast %swap3A_365 : vector<1x1x16xf32> to vector<16xf32>
        %swap3A_367 = vector.shape_cast %add3A_357 : vector<16xf32> to vector<1x1x16xf32>
        tpu.vector_store %arg9[%swap3A_362, %swap3A_363, %swap3A_364], %swap3A_367 {strides = array<i32>} : memref<4x128x128xf32, #tpu.memory_space<vmem>>, vector<1x1x16xf32>,
        %add3A_368 = arith.constant 200 : i32
        %add3A_369 = arith.addi %scan3A_203, %add3A_368 : i32
        %rem3A_370 = arith.constant 4 : i32
        %rem3A_371 = arith.remsi %add3A_369, %rem3A_370 : i32
        %get3A_372 = arith.index_cast %rem3A_371 : i32 to index
        %get3A_373 = arith.index_cast %add3A_294 : i32 to index
        %get3A_374 = arith.constant 48 : index
        %get3A_375 = tpu.vector_load %arg9[%get3A_372, %get3A_373, %get3A_374] {strides = array<i32>} : memref<4x128x128xf32, #tpu.memory_space<vmem>>, vector<1x1x16xf32>,
        %get3A_376 = vector.shape_cast %get3A_375 : vector<1x1x16xf32> to vector<16xf32>
        %mul3A_377 = arith.constant 5.000000e-01 : f32
        %mul3A_378 = vector.broadcast %mul3A_377 : f32 to vector<16xf32>
        %mul3A_379 = arith.mulf %get3A_376, %mul3A_378 : vector<16xf32>
        %add3A_380 = arith.constant 2.500000e-01 : f32
        %add3A_381 = vector.broadcast %add3A_380 : f32 to vector<16xf32>
        %add3A_382 = arith.addf %mul3A_379, %add3A_381 : vector<16xf32>
        %add3A_383 = arith.constant 200 : i32
        %add3A_384 = arith.addi %scan3A_203, %add3A_383 : i32
        %rem3A_385 = arith.constant 4 : i32
        %rem3A_386 = arith.remsi %add3A_384, %rem3A_385 : i32
        %swap3A_387 = arith.index_cast %rem3A_386 : i32 to index
        %swap3A_388 = arith.index_cast %add3A_294 : i32 to index
        %swap3A_389 = arith.constant 48 : index
        %swap3A_390 = tpu.vector_load %arg9[%swap3A_387, %swap3A_388, %swap3A_389] {strides = array<i32>} : memref<4x128x128xf32, #tpu.memory_space<vmem>>, vector<1x1x16xf32>,
        %swap3A_391 = vector.shape_cast %swap3A_390 : vector<1x1x16xf32> to vector<16xf32>
        %swap3A_392 = vector.shape_cast %add3A_382 : vector<16xf32> to vector<1x1x16xf32>
        tpu.vector_store %arg9[%swap3A_387, %swap3A_388, %swap3A_389], %swap3A_392 {strides = array<i32>} : memref<4x128x128xf32, #tpu.memory_space<vmem>>, vector<1x1x16xf32>,
        %add3A_393 = arith.constant 200 : i32
        %add3A_394 = arith.addi %scan3A_203, %add3A_393 : i32
        %rem3A_395 = arith.constant 4 : i32
        %rem3A_396 = arith.remsi %add3A_394, %rem3A_395 : i32
        %get3A_397 = arith.index_cast %rem3A_396 : i32 to index
        %get3A_398 = arith.index_cast %add3A_294 : i32 to index
        %get3A_399 = arith.constant 64 : index
        %get3A_400 = tpu.vector_load %arg9[%get3A_397, %get3A_398, %get3A_399] {strides = array<i32>} : memref<4x128x128xf32, #tpu.memory_space<vmem>>, vector<1x1x16xf32>,
        %get3A_401 = vector.shape_cast %get3A_400 : vector<1x1x16xf32> to vector<16xf32>
        %mul3A_402 = arith.constant 5.000000e-01 : f32
        %mul3A_403 = vector.broadcast %mul3A_402 : f32 to vector<16xf32>
        %mul3A_404 = arith.mulf %get3A_401, %mul3A_403 : vector<16xf32>
        %add3A_405 = arith.constant 2.500000e-01 : f32
        %add3A_406 = vector.broadcast %add3A_405 : f32 to vector<16xf32>
        %add3A_407 = arith.addf %mul3A_404, %add3A_406 : vector<16xf32>
        %add3A_408 = arith.constant 200 : i32
        %add3A_409 = arith.addi %scan3A_203, %add3A_408 : i32
        %rem3A_410 = arith.constant 4 : i32
        %rem3A_411 = arith.remsi %add3A_409, %rem3A_410 : i32
        %swap3A_412 = arith.index_cast %rem3A_411 : i32 to index
        %swap3A_413 = arith.index_cast %add3A_294 : i32 to index
        %swap3A_414 = arith.constant 64 : index
        %swap3A_415 = tpu.vector_load %arg9[%swap3A_412, %swap3A_413, %swap3A_414] {strides = array<i32>} : memref<4x128x128xf32, #tpu.memory_space<vmem>>, vector<1x1x16xf32>,
        %swap3A_416 = vector.shape_cast %swap3A_415 : vector<1x1x16xf32> to vector<16xf32>
        %swap3A_417 = vector.shape_cast %add3A_407 : vector<16xf32> to vector<1x1x16xf32>
        tpu.vector_store %arg9[%swap3A_412, %swap3A_413, %swap3A_414], %swap3A_417 {strides = array<i32>} : memref<4x128x128xf32, #tpu.memory_space<vmem>>, vector<1x1x16xf32>,
        %add3A_418 = arith.constant 200 : i32
        %add3A_419 = arith.addi %scan3A_203, %add3A_418 : i32
        %rem3A_420 = arith.constant 4 : i32
        %rem3A_421 = arith.remsi %add3A_419, %rem3A_420 : i32
        %get3A_422 = arith.index_cast %rem3A_421 : i32 to index
        %get3A_423 = arith.index_cast %add3A_294 : i32 to index
        %get3A_424 = arith.constant 80 : index
        %get3A_425 = tpu.vector_load %arg9[%get3A_422, %get3A_423, %get3A_424] {strides = array<i32>} : memref<4x128x128xf32, #tpu.memory_space<vmem>>, vector<1x1x16xf32>,
        %get3A_426 = vector.shape_cast %get3A_425 : vector<1x1x16xf32> to vector<16xf32>
        %mul3A_427 = arith.constant 5.000000e-01 : f32
        %mul3A_428 = vector.broadcast %mul3A_427 : f32 to vector<16xf32>
        %mul3A_429 = arith.mulf %get3A_426, %mul3A_428 : vector<16xf32>
        %add3A_430 = arith.constant 2.500000e-01 : f32
        %add3A_431 = vector.broadcast %add3A_430 : f32 to vector<16xf32>
        %add3A_432 = arith.addf %mul3A_429, %add3A_431 : vector<16xf32>
        %add3A_433 = arith.constant 200 : i32
        %add3A_434 = arith.addi %scan3A_203, %add3A_433 : i32
        %rem3A_435 = arith.constant 4 : i32
        %rem3A_436 = arith.remsi %add3A_434, %rem3A_435 : i32
        %swap3A_437 = arith.index_cast %rem3A_436 : i32 to index
        %swap3A_438 = arith.index_cast %add3A_294 : i32 to index
        %swap3A_439 = arith.constant 80 : index
        %swap3A_440 = tpu.vector_load %arg9[%swap3A_437, %swap3A_438, %swap3A_439] {strides = array<i32>} : memref<4x128x128xf32, #tpu.memory_space<vmem>>, vector<1x1x16xf32>,
        %swap3A_441 = vector.shape_cast %swap3A_440 : vector<1x1x16xf32> to vector<16xf32>
        %swap3A_442 = vector.shape_cast %add3A_432 : vector<16xf32> to vector<1x1x16xf32>
        tpu.vector_store %arg9[%swap3A_437, %swap3A_438, %swap3A_439], %swap3A_442 {strides = array<i32>} : memref<4x128x128xf32, #tpu.memory_space<vmem>>, vector<1x1x16xf32>,
        %add3A_443 = arith.constant 200 : i32
        %add3A_444 = arith.addi %scan3A_203, %add3A_443 : i32
        %rem3A_445 = arith.constant 4 : i32
        %rem3A_446 = arith.remsi %add3A_444, %rem3A_445 : i32
        %get3A_447 = arith.index_cast %rem3A_446 : i32 to index
        %get3A_448 = arith.index_cast %add3A_294 : i32 to index
        %get3A_449 = arith.constant 96 : index
        %get3A_450 = tpu.vector_load %arg9[%get3A_447, %get3A_448, %get3A_449] {strides = array<i32>} : memref<4x128x128xf32, #tpu.memory_space<vmem>>, vector<1x1x16xf32>,
        %get3A_451 = vector.shape_cast %get3A_450 : vector<1x1x16xf32> to vector<16xf32>
        %mul3A_452 = arith.constant 5.000000e-01 : f32
        %mul3A_453 = vector.broadcast %mul3A_452 : f32 to vector<16xf32>
        %mul3A_454 = arith.mulf %get3A_451, %mul3A_453 : vector<16xf32>
        %add3A_455 = arith.constant 2.500000e-01 : f32
        %add3A_456 = vector.broadcast %add3A_455 : f32 to vector<16xf32>
        %add3A_457 = arith.addf %mul3A_454, %add3A_456 : vector<16xf32>
        %add3A_458 = arith.constant 200 : i32
        %add3A_459 = arith.addi %scan3A_203, %add3A_458 : i32
        %rem3A_460 = arith.constant 4 : i32
        %rem3A_461 = arith.remsi %add3A_459, %rem3A_460 : i32
        %swap3A_462 = arith.index_cast %rem3A_461 : i32 to index
        %swap3A_463 = arith.index_cast %add3A_294 : i32 to index
        %swap3A_464 = arith.constant 96 : index
        %swap3A_465 = tpu.vector_load %arg9[%swap3A_462, %swap3A_463, %swap3A_464] {strides = array<i32>} : memref<4x128x128xf32, #tpu.memory_space<vmem>>, vector<1x1x16xf32>,
        %swap3A_466 = vector.shape_cast %swap3A_465 : vector<1x1x16xf32> to vector<16xf32>
        %swap3A_467 = vector.shape_cast %add3A_457 : vector<16xf32> to vector<1x1x16xf32>
        tpu.vector_store %arg9[%swap3A_462, %swap3A_463, %swap3A_464], %swap3A_467 {strides = array<i32>} : memref<4x128x128xf32, #tpu.memory_space<vmem>>, vector<1x1x16xf32>,
        %add3A_468 = arith.constant 200 : i32
        %add3A_469 = arith.addi %scan3A_203, %add3A_468 : i32
        %rem3A_470 = arith.constant 4 : i32
        %rem3A_471 = arith.remsi %add3A_469, %rem3A_470 : i32
        %get3A_472 = arith.index_cast %rem3A_471 : i32 to index
        %get3A_473 = arith.index_cast %add3A_294 : i32 to index
        %get3A_474 = arith.constant 112 : index
        %get3A_475 = tpu.vector_load %arg9[%get3A_472, %get3A_473, %get3A_474] {strides = array<i32>} : memref<4x128x128xf32, #tpu.memory_space<vmem>>, vector<1x1x16xf32>,
        %get3A_476 = vector.shape_cast %get3A_475 : vector<1x1x16xf32> to vector<16xf32>
        %mul3A_477 = arith.constant 5.000000e-01 : f32
        %mul3A_478 = vector.broadcast %mul3A_477 : f32 to vector<16xf32>
        %mul3A_479 = arith.mulf %get3A_476, %mul3A_478 : vector<16xf32>
        %add3A_480 = arith.constant 2.500000e-01 : f32
        %add3A_481 = vector.broadcast %add3A_480 : f32 to vector<16xf32>
        %add3A_482 = arith.addf %mul3A_479, %add3A_481 : vector<16xf32>
        %add3A_483 = arith.constant 200 : i32
        %add3A_484 = arith.addi %scan3A_203, %add3A_483 : i32
        %rem3A_485 = arith.constant 4 : i32
        %rem3A_486 = arith.remsi %add3A_484, %rem3A_485 : i32
        %swap3A_487 = arith.index_cast %rem3A_486 : i32 to index
        %swap3A_488 = arith.index_cast %add3A_294 : i32 to index
        %swap3A_489 = arith.constant 112 : index
        %swap3A_490 = tpu.vector_load %arg9[%swap3A_487, %swap3A_488, %swap3A_489] {strides = array<i32>} : memref<4x128x128xf32, #tpu.memory_space<vmem>>, vector<1x1x16xf32>,
        %swap3A_491 = vector.shape_cast %swap3A_490 : vector<1x1x16xf32> to vector<16xf32>
        %swap3A_492 = vector.shape_cast %add3A_482 : vector<16xf32> to vector<1x1x16xf32>
        tpu.vector_store %arg9[%swap3A_487, %swap3A_488, %swap3A_489], %swap3A_492 {strides = array<i32>} : memref<4x128x128xf32, #tpu.memory_space<vmem>>, vector<1x1x16xf32>,
        %mul3A_493 = arith.constant 2 : i32
        %mul3A_494 = arith.muli %scan3A_290, %mul3A_493 : i32
        %add3A_495 = arith.constant 1 : i32
        %add3A_496 = arith.addi %mul3A_494, %add3A_495 : i32
        %add3A_497 = arith.constant 200 : i32
        %add3A_498 = arith.addi %scan3A_203, %add3A_497 : i32
        %rem3A_499 = arith.constant 4 : i32
        %rem3A_500 = arith.remsi %add3A_498, %rem3A_499 : i32
        %get3A_501 = arith.index_cast %rem3A_500 : i32 to index
        %get3A_502 = arith.index_cast %add3A_496 : i32 to index
        %get3A_503 = arith.constant 0 : index
        %get3A_504 = tpu.vector_load %arg9[%get3A_501, %get3A_502, %get3A_503] {strides = array<i32>} : memref<4x128x128xf32, #tpu.memory_space<vmem>>, vector<1x1x16xf32>,
        %get3A_505 = vector.shape_cast %get3A_504 : vector<1x1x16xf32> to vector<16xf32>
        %mul3A_506 = arith.constant 5.000000e-01 : f32
        %mul3A_507 = vector.broadcast %mul3A_506 : f32 to vector<16xf32>
        %mul3A_508 = arith.mulf %get3A_505, %mul3A_507 : vector<16xf32>
        %add3A_509 = arith.constant 2.500000e-01 : f32
        %add3A_510 = vector.broadcast %add3A_509 : f32 to vector<16xf32>
        %add3A_511 = arith.addf %mul3A_508, %add3A_510 : vector<16xf32>
        %add3A_512 = arith.constant 200 : i32
        %add3A_513 = arith.addi %scan3A_203, %add3A_512 : i32
        %rem3A_514 = arith.constant 4 : i32
        %rem3A_515 = arith.remsi %add3A_513, %rem3A_514 : i32
        %swap3A_516 = arith.index_cast %rem3A_515 : i32 to index
        %swap3A_517 = arith.index_cast %add3A_496 : i32 to index
        %swap3A_518 = arith.constant 0 : index
        %swap3A_519 = tpu.vector_load %arg9[%swap3A_516, %swap3A_517, %swap3A_518] {strides = array<i32>} : memref<4x128x128xf32, #tpu.memory_space<vmem>>, vector<1x1x16xf32>,
        %swap3A_520 = vector.shape_cast %swap3A_519 : vector<1x1x16xf32> to vector<16xf32>
        %swap3A_521 = vector.shape_cast %add3A_511 : vector<16xf32> to vector<1x1x16xf32>
        tpu.vector_store %arg9[%swap3A_516, %swap3A_517, %swap3A_518], %swap3A_521 {strides = array<i32>} : memref<4x128x128xf32, #tpu.memory_space<vmem>>, vector<1x1x16xf32>,
        %add3A_522 = arith.constant 200 : i32
        %add3A_523 = arith.addi %scan3A_203, %add3A_522 : i32
        %rem3A_524 = arith.constant 4 : i32
        %rem3A_525 = arith.remsi %add3A_523, %rem3A_524 : i32
        %get3A_526 = arith.index_cast %rem3A_525 : i32 to index
        %get3A_527 = arith.index_cast %add3A_496 : i32 to index
        %get3A_528 = arith.constant 16 : index
        %get3A_529 = tpu.vector_load %arg9[%get3A_526, %get3A_527, %get3A_528] {strides = array<i32>} : memref<4x128x128xf32, #tpu.memory_space<vmem>>, vector<1x1x16xf32>,
        %get3A_530 = vector.shape_cast %get3A_529 : vector<1x1x16xf32> to vector<16xf32>
        %mul3A_531 = arith.constant 5.000000e-01 : f32
        %mul3A_532 = vector.broadcast %mul3A_531 : f32 to vector<16xf32>
        %mul3A_533 = arith.mulf %get3A_530, %mul3A_532 : vector<16xf32>
        %add3A_534 = arith.constant 2.500000e-01 : f32
        %add3A_535 = vector.broadcast %add3A_534 : f32 to vector<16xf32>
        %add3A_536 = arith.addf %mul3A_533, %add3A_535 : vector<16xf32>
        %add3A_537 = arith.constant 200 : i32
        %add3A_538 = arith.addi %scan3A_203, %add3A_537 : i32
        %rem3A_539 = arith.constant 4 : i32
        %rem3A_540 = arith.remsi %add3A_538, %rem3A_539 : i32
        %swap3A_541 = arith.index_cast %rem3A_540 : i32 to index
        %swap3A_542 = arith.index_cast %add3A_496 : i32 to index
        %swap3A_543 = arith.constant 16 : index
        %swap3A_544 = tpu.vector_load %arg9[%swap3A_541, %swap3A_542, %swap3A_543] {strides = array<i32>} : memref<4x128x128xf32, #tpu.memory_space<vmem>>, vector<1x1x16xf32>,
        %swap3A_545 = vector.shape_cast %swap3A_544 : vector<1x1x16xf32> to vector<16xf32>
        %swap3A_546 = vector.shape_cast %add3A_536 : vector<16xf32> to vector<1x1x16xf32>
        tpu.vector_store %arg9[%swap3A_541, %swap3A_542, %swap3A_543], %swap3A_546 {strides = array<i32>} : memref<4x128x128xf32, #tpu.memory_space<vmem>>, vector<1x1x16xf32>,
        %add3A_547 = arith.constant 200 : i32
        %add3A_548 = arith.addi %scan3A_203, %add3A_547 : i32
        %rem3A_549 = arith.constant 4 : i32
        %rem3A_550 = arith.remsi %add3A_548, %rem3A_549 : i32
        %get3A_551 = arith.index_cast %rem3A_550 : i32 to index
        %get3A_552 = arith.index_cast %add3A_496 : i32 to index
        %get3A_553 = arith.constant 32 : index
        %get3A_554 = tpu.vector_load %arg9[%get3A_551, %get3A_552, %get3A_553] {strides = array<i32>} : memref<4x128x128xf32, #tpu.memory_space<vmem>>, vector<1x1x16xf32>,
        %get3A_555 = vector.shape_cast %get3A_554 : vector<1x1x16xf32> to vector<16xf32>
        %mul3A_556 = arith.constant 5.000000e-01 : f32
        %mul3A_557 = vector.broadcast %mul3A_556 : f32 to vector<16xf32>
        %mul3A_558 = arith.mulf %get3A_555, %mul3A_557 : vector<16xf32>
        %add3A_559 = arith.constant 2.500000e-01 : f32
        %add3A_560 = vector.broadcast %add3A_559 : f32 to vector<16xf32>
        %add3A_561 = arith.addf %mul3A_558, %add3A_560 : vector<16xf32>
        %add3A_562 = arith.constant 200 : i32
        %add3A_563 = arith.addi %scan3A_203, %add3A_562 : i32
        %rem3A_564 = arith.constant 4 : i32
        %rem3A_565 = arith.remsi %add3A_563, %rem3A_564 : i32
        %swap3A_566 = arith.index_cast %rem3A_565 : i32 to index
        %swap3A_567 = arith.index_cast %add3A_496 : i32 to index
        %swap3A_568 = arith.constant 32 : index
        %swap3A_569 = tpu.vector_load %arg9[%swap3A_566, %swap3A_567, %swap3A_568] {strides = array<i32>} : memref<4x128x128xf32, #tpu.memory_space<vmem>>, vector<1x1x16xf32>,
        %swap3A_570 = vector.shape_cast %swap3A_569 : vector<1x1x16xf32> to vector<16xf32>
        %swap3A_571 = vector.shape_cast %add3A_561 : vector<16xf32> to vector<1x1x16xf32>
        tpu.vector_store %arg9[%swap3A_566, %swap3A_567, %swap3A_568], %swap3A_571 {strides = array<i32>} : memref<4x128x128xf32, #tpu.memory_space<vmem>>, vector<1x1x16xf32>,
        %add3A_572 = arith.constant 200 : i32
        %add3A_573 = arith.addi %scan3A_203, %add3A_572 : i32
        %rem3A_574 = arith.constant 4 : i32
        %rem3A_575 = arith.remsi %add3A_573, %rem3A_574 : i32
        %get3A_576 = arith.index_cast %rem3A_575 : i32 to index
        %get3A_577 = arith.index_cast %add3A_496 : i32 to index
        %get3A_578 = arith.constant 48 : index
        %get3A_579 = tpu.vector_load %arg9[%get3A_576, %get3A_577, %get3A_578] {strides = array<i32>} : memref<4x128x128xf32, #tpu.memory_space<vmem>>, vector<1x1x16xf32>,
        %get3A_580 = vector.shape_cast %get3A_579 : vector<1x1x16xf32> to vector<16xf32>
        %mul3A_581 = arith.constant 5.000000e-01 : f32
        %mul3A_582 = vector.broadcast %mul3A_581 : f32 to vector<16xf32>
        %mul3A_583 = arith.mulf %get3A_580, %mul3A_582 : vector<16xf32>
        %add3A_584 = arith.constant 2.500000e-01 : f32
        %add3A_585 = vector.broadcast %add3A_584 : f32 to vector<16xf32>
        %add3A_586 = arith.addf %mul3A_583, %add3A_585 : vector<16xf32>
        %add3A_587 = arith.constant 200 : i32
        %add3A_588 = arith.addi %scan3A_203, %add3A_587 : i32
        %rem3A_589 = arith.constant 4 : i32
        %rem3A_590 = arith.remsi %add3A_588, %rem3A_589 : i32
        %swap3A_591 = arith.index_cast %rem3A_590 : i32 to index
        %swap3A_592 = arith.index_cast %add3A_496 : i32 to index
        %swap3A_593 = arith.constant 48 : index
        %swap3A_594 = tpu.vector_load %arg9[%swap3A_591, %swap3A_592, %swap3A_593] {strides = array<i32>} : memref<4x128x128xf32, #tpu.memory_space<vmem>>, vector<1x1x16xf32>,
        %swap3A_595 = vector.shape_cast %swap3A_594 : vector<1x1x16xf32> to vector<16xf32>
        %swap3A_596 = vector.shape_cast %add3A_586 : vector<16xf32> to vector<1x1x16xf32>
        tpu.vector_store %arg9[%swap3A_591, %swap3A_592, %swap3A_593], %swap3A_596 {strides = array<i32>} : memref<4x128x128xf32, #tpu.memory_space<vmem>>, vector<1x1x16xf32>,
        %add3A_597 = arith.constant 200 : i32
        %add3A_598 = arith.addi %scan3A_203, %add3A_597 : i32
        %rem3A_599 = arith.constant 4 : i32
        %rem3A_600 = arith.remsi %add3A_598, %rem3A_599 : i32
        %get3A_601 = arith.index_cast %rem3A_600 : i32 to index
        %get3A_602 = arith.index_cast %add3A_496 : i32 to index
        %get3A_603 = arith.constant 64 : index
        %get3A_604 = tpu.vector_load %arg9[%get3A_601, %get3A_602, %get3A_603] {strides = array<i32>} : memref<4x128x128xf32, #tpu.memory_space<vmem>>, vector<1x1x16xf32>,
        %get3A_605 = vector.shape_cast %get3A_604 : vector<1x1x16xf32> to vector<16xf32>
        %mul3A_606 = arith.constant 5.000000e-01 : f32
        %mul3A_607 = vector.broadcast %mul3A_606 : f32 to vector<16xf32>
        %mul3A_608 = arith.mulf %get3A_605, %mul3A_607 : vector<16xf32>
        %add3A_609 = arith.constant 2.500000e-01 : f32
        %add3A_610 = vector.broadcast %add3A_609 : f32 to vector<16xf32>
        %add3A_611 = arith.addf %mul3A_608, %add3A_610 : vector<16xf32>
        %add3A_612 = arith.constant 200 : i32
        %add3A_613 = arith.addi %scan3A_203, %add3A_612 : i32
        %rem3A_614 = arith.constant 4 : i32
        %rem3A_615 = arith.remsi %add3A_613, %rem3A_614 : i32
        %swap3A_616 = arith.index_cast %rem3A_615 : i32 to index
        %swap3A_617 = arith.index_cast %add3A_496 : i32 to index
        %swap3A_618 = arith.constant 64 : index
        %swap3A_619 = tpu.vector_load %arg9[%swap3A_616, %swap3A_617, %swap3A_618] {strides = array<i32>} : memref<4x128x128xf32, #tpu.memory_space<vmem>>, vector<1x1x16xf32>,
        %swap3A_620 = vector.shape_cast %swap3A_619 : vector<1x1x16xf32> to vector<16xf32>
        %swap3A_621 = vector.shape_cast %add3A_611 : vector<16xf32> to vector<1x1x16xf32>
        tpu.vector_store %arg9[%swap3A_616, %swap3A_617, %swap3A_618], %swap3A_621 {strides = array<i32>} : memref<4x128x128xf32, #tpu.memory_space<vmem>>, vector<1x1x16xf32>,
        %add3A_622 = arith.constant 200 : i32
        %add3A_623 = arith.addi %scan3A_203, %add3A_622 : i32
        %rem3A_624 = arith.constant 4 : i32
        %rem3A_625 = arith.remsi %add3A_623, %rem3A_624 : i32
        %get3A_626 = arith.index_cast %rem3A_625 : i32 to index
        %get3A_627 = arith.index_cast %add3A_496 : i32 to index
        %get3A_628 = arith.constant 80 : index
        %get3A_629 = tpu.vector_load %arg9[%get3A_626, %get3A_627, %get3A_628] {strides = array<i32>} : memref<4x128x128xf32, #tpu.memory_space<vmem>>, vector<1x1x16xf32>,
        %get3A_630 = vector.shape_cast %get3A_629 : vector<1x1x16xf32> to vector<16xf32>
        %mul3A_631 = arith.constant 5.000000e-01 : f32
        %mul3A_632 = vector.broadcast %mul3A_631 : f32 to vector<16xf32>
        %mul3A_633 = arith.mulf %get3A_630, %mul3A_632 : vector<16xf32>
        %add3A_634 = arith.constant 2.500000e-01 : f32
        %add3A_635 = vector.broadcast %add3A_634 : f32 to vector<16xf32>
        %add3A_636 = arith.addf %mul3A_633, %add3A_635 : vector<16xf32>
        %add3A_637 = arith.constant 200 : i32
        %add3A_638 = arith.addi %scan3A_203, %add3A_637 : i32
        %rem3A_639 = arith.constant 4 : i32
        %rem3A_640 = arith.remsi %add3A_638, %rem3A_639 : i32
        %swap3A_641 = arith.index_cast %rem3A_640 : i32 to index
        %swap3A_642 = arith.index_cast %add3A_496 : i32 to index
        %swap3A_643 = arith.constant 80 : index
        %swap3A_644 = tpu.vector_load %arg9[%swap3A_641, %swap3A_642, %swap3A_643] {strides = array<i32>} : memref<4x128x128xf32, #tpu.memory_space<vmem>>, vector<1x1x16xf32>,
        %swap3A_645 = vector.shape_cast %swap3A_644 : vector<1x1x16xf32> to vector<16xf32>
        %swap3A_646 = vector.shape_cast %add3A_636 : vector<16xf32> to vector<1x1x16xf32>
        tpu.vector_store %arg9[%swap3A_641, %swap3A_642, %swap3A_643], %swap3A_646 {strides = array<i32>} : memref<4x128x128xf32, #tpu.memory_space<vmem>>, vector<1x1x16xf32>,
        %add3A_647 = arith.constant 200 : i32
        %add3A_648 = arith.addi %scan3A_203, %add3A_647 : i32
        %rem3A_649 = arith.constant 4 : i32
        %rem3A_650 = arith.remsi %add3A_648, %rem3A_649 : i32
        %get3A_651 = arith.index_cast %rem3A_650 : i32 to index
        %get3A_652 = arith.index_cast %add3A_496 : i32 to index
        %get3A_653 = arith.constant 96 : index
        %get3A_654 = tpu.vector_load %arg9[%get3A_651, %get3A_652, %get3A_653] {strides = array<i32>} : memref<4x128x128xf32, #tpu.memory_space<vmem>>, vector<1x1x16xf32>,
        %get3A_655 = vector.shape_cast %get3A_654 : vector<1x1x16xf32> to vector<16xf32>
        %mul3A_656 = arith.constant 5.000000e-01 : f32
        %mul3A_657 = vector.broadcast %mul3A_656 : f32 to vector<16xf32>
        %mul3A_658 = arith.mulf %get3A_655, %mul3A_657 : vector<16xf32>
        %add3A_659 = arith.constant 2.500000e-01 : f32
        %add3A_660 = vector.broadcast %add3A_659 : f32 to vector<16xf32>
        %add3A_661 = arith.addf %mul3A_658, %add3A_660 : vector<16xf32>
        %add3A_662 = arith.constant 200 : i32
        %add3A_663 = arith.addi %scan3A_203, %add3A_662 : i32
        %rem3A_664 = arith.constant 4 : i32
        %rem3A_665 = arith.remsi %add3A_663, %rem3A_664 : i32
        %swap3A_666 = arith.index_cast %rem3A_665 : i32 to index
        %swap3A_667 = arith.index_cast %add3A_496 : i32 to index
        %swap3A_668 = arith.constant 96 : index
        %swap3A_669 = tpu.vector_load %arg9[%swap3A_666, %swap3A_667, %swap3A_668] {strides = array<i32>} : memref<4x128x128xf32, #tpu.memory_space<vmem>>, vector<1x1x16xf32>,
        %swap3A_670 = vector.shape_cast %swap3A_669 : vector<1x1x16xf32> to vector<16xf32>
        %swap3A_671 = vector.shape_cast %add3A_661 : vector<16xf32> to vector<1x1x16xf32>
        tpu.vector_store %arg9[%swap3A_666, %swap3A_667, %swap3A_668], %swap3A_671 {strides = array<i32>} : memref<4x128x128xf32, #tpu.memory_space<vmem>>, vector<1x1x16xf32>,
        %add3A_672 = arith.constant 200 : i32
        %add3A_673 = arith.addi %scan3A_203, %add3A_672 : i32
        %rem3A_674 = arith.constant 4 : i32
        %rem3A_675 = arith.remsi %add3A_673, %rem3A_674 : i32
        %get3A_676 = arith.index_cast %rem3A_675 : i32 to index
        %get3A_677 = arith.index_cast %add3A_496 : i32 to index
        %get3A_678 = arith.constant 112 : index
        %get3A_679 = tpu.vector_load %arg9[%get3A_676, %get3A_677, %get3A_678] {strides = array<i32>} : memref<4x128x128xf32, #tpu.memory_space<vmem>>, vector<1x1x16xf32>,
        %get3A_680 = vector.shape_cast %get3A_679 : vector<1x1x16xf32> to vector<16xf32>
        %mul3A_681 = arith.constant 5.000000e-01 : f32
        %mul3A_682 = vector.broadcast %mul3A_681 : f32 to vector<16xf32>
        %mul3A_683 = arith.mulf %get3A_680, %mul3A_682 : vector<16xf32>
        %add3A_684 = arith.constant 2.500000e-01 : f32
        %add3A_685 = vector.broadcast %add3A_684 : f32 to vector<16xf32>
        %add3A_686 = arith.addf %mul3A_683, %add3A_685 : vector<16xf32>
        %add3A_687 = arith.constant 200 : i32
        %add3A_688 = arith.addi %scan3A_203, %add3A_687 : i32
        %rem3A_689 = arith.constant 4 : i32
        %rem3A_690 = arith.remsi %add3A_688, %rem3A_689 : i32
        %swap3A_691 = arith.index_cast %rem3A_690 : i32 to index
        %swap3A_692 = arith.index_cast %add3A_496 : i32 to index
        %swap3A_693 = arith.constant 112 : index
        %swap3A_694 = tpu.vector_load %arg9[%swap3A_691, %swap3A_692, %swap3A_693] {strides = array<i32>} : memref<4x128x128xf32, #tpu.memory_space<vmem>>, vector<1x1x16xf32>,
        %swap3A_695 = vector.shape_cast %swap3A_694 : vector<1x1x16xf32> to vector<16xf32>
        %swap3A_696 = vector.shape_cast %add3A_686 : vector<16xf32> to vector<1x1x16xf32>
        tpu.vector_store %arg9[%swap3A_691, %swap3A_692, %swap3A_693], %swap3A_696 {strides = array<i32>} : memref<4x128x128xf32, #tpu.memory_space<vmem>>, vector<1x1x16xf32>,
      }
      %scan3A_268 = arith.constant 64 : i32
      %add3A_269 = arith.constant 200 : i32
      %add3A_270 = arith.addi %scan3A_203, %add3A_269 : i32
      %rem3A_271 = arith.constant 4 : i32
      %rem3A_272 = arith.remsi %add3A_270, %rem3A_271 : i32
      %mul3A_273 = arith.constant 128 : i32
      %mul3A_274 = arith.muli %scan3A_203, %mul3A_273 : i32
      %add3A_275 = arith.addi %mul3A_4, %mul3A_274 : i32
      %dma_start3A_276 = arith.constant 0 : i32
      %dma_start3A_277 = arith.constant 0 : i32
      %dma_start3A_278 = tpu.memref_slice %arg9[%rem3A_272, %dma_start3A_276, %dma_start3A_277] : memref<4x128x128xf32, #tpu.memory_space<vmem>> -> memref<1x128x128xf32, #tpu.memory_space<vmem>>
      %dma_start3A_279 = tpu.memref_squeeze %dma_start3A_278 : memref<1x128x128xf32, #tpu.memory_space<vmem>> -> memref<128x128xf32, #tpu.memory_space<vmem>>
      %dma_start3A_280 = arith.constant 0 : i32
      %dma_start3A_281 = tpu.memref_slice %arg6[%add3A_275, %dma_start3A_280] : memref<204800x128xf32, #tpu.memory_space<hbm>> -> memref<128x128xf32, #tpu.memory_space<hbm>>
      %dma_start3A_282 = tpu.memref_slice %arg13[%rem3A_272] : memref<4x!tpu.dma_semaphore, #tpu.memory_space<semaphore_mem>> -> memref<1x!tpu.dma_semaphore, #tpu.memory_space<semaphore_mem>>
      %dma_start3A_283 = tpu.memref_squeeze %dma_start3A_282 : memref<1x!tpu.dma_semaphore, #tpu.memory_space<semaphore_mem>> -> memref<!tpu.dma_semaphore, #tpu.memory_space<semaphore_mem>>
      %dma_start3A_284 = arith.constant 0 : i32
      %dma_start3A_285 = tpu.memref_slice %arg6[%add3A_275, %dma_start3A_284] : memref<204800x128xf32, #tpu.memory_space<hbm>> -> memref<128x128xf32, #tpu.memory_space<hbm>>
      %dma_start3A_286 = arith.constant 0 : i32
      %dma_start3A_287 = arith.constant 0 : i32
      %dma_start3A_288 = tpu.memref_slice %arg9[%rem3A_272, %dma_start3A_286, %dma_start3A_287] : memref<4x128x128xf32, #tpu.memory_space<vmem>> -> memref<1x128x128xf32, #tpu.memory_space<vmem>>
      %dma_start3A_289 = tpu.memref_squeeze %dma_start3A_288 : memref<1x128x128xf32, #tpu.memory_space<vmem>> -> memref<128x128xf32, #tpu.memory_space<vmem>>
      tpu.enqueue_dma source(%dma_start3A_289 : memref<128x128xf32, #tpu.memory_space<vmem>>) target(%dma_start3A_285 : memref<128x128xf32, #tpu.memory_space<hbm>>) target_semaphore(%dma_start3A_283 : memref<!tpu.dma_semaphore, #tpu.memory_space<semaphore_mem>>)
    }
    %scan3A_126 = arith.constant 50 : i32
    %rem3A_127 = arith.constant 246 : i32
    %rem3A_128 = arith.constant 4 : i32
    %rem3A_129 = arith.remsi %rem3A_127, %rem3A_128 : i32
    %add3A_130 = arith.constant 5888 : i32
    %add3A_131 = arith.addi %mul3A_4, %add3A_130 : i32
    %dma_wait3A_132 = arith.constant 0 : i32
    %dma_wait3A_133 = arith.constant 0 : i32
    %dma_wait3A_134 = tpu.memref_slice %arg9[%rem3A_129, %dma_wait3A_132, %dma_wait3A_133] : memref<4x128x128xf32, #tpu.memory_space<vmem>> -> memref<1x128x128xf32, #tpu.memory_space<vmem>>
    %dma_wait3A_135 = tpu.memref_squeeze %dma_wait3A_134 : memref<1x128x128xf32, #tpu.memory_space<vmem>> -> memref<128x128xf32, #tpu.memory_space<vmem>>
    %dma_wait3A_136 = arith.constant 0 : i32
    %dma_wait3A_137 = tpu.memref_slice %arg6[%add3A_131, %dma_wait3A_136] : memref<204800x128xf32, #tpu.memory_space<hbm>> -> memref<128x128xf32, #tpu.memory_space<hbm>>
    %dma_wait3A_138 = tpu.memref_slice %arg13[%rem3A_129] : memref<4x!tpu.dma_semaphore, #tpu.memory_space<semaphore_mem>> -> memref<1x!tpu.dma_semaphore, #tpu.memory_space<semaphore_mem>>
    %dma_wait3A_139 = tpu.memref_squeeze %dma_wait3A_138 : memref<1x!tpu.dma_semaphore, #tpu.memory_space<semaphore_mem>> -> memref<!tpu.dma_semaphore, #tpu.memory_space<semaphore_mem>>
    %dma_wait3A_140 = arith.constant 0 : i32
    %dma_wait3A_141 = tpu.memref_slice %arg6[%add3A_131, %dma_wait3A_140] : memref<204800x128xf32, #tpu.memory_space<hbm>> -> memref<128x128xf32, #tpu.memory_space<hbm>>
    %dma_wait3A_142 = arith.constant 0 : i32
    %dma_wait3A_143 = arith.constant 0 : i32
    %dma_wait3A_144 = tpu.memref_slice %arg9[%rem3A_129, %dma_wait3A_142, %dma_wait3A_143] : memref<4x128x128xf32, #tpu.memory_space<vmem>> -> memref<1x128x128xf32, #tpu.memory_space<vmem>>
    %dma_wait3A_145 = tpu.memref_squeeze %dma_wait3A_144 : memref<1x128x128xf32, #tpu.memory_space<vmem>> -> memref<128x128xf32, #tpu.memory_space<vmem>>
    tpu.wait_dma2 semaphore(%dma_wait3A_139 : memref<!tpu.dma_semaphore, #tpu.memory_space<semaphore_mem>>) src(%dma_wait3A_145 : memref<128x128xf32, #tpu.memory_space<vmem>>) dst(%dma_wait3A_141 : memref<128x128xf32, #tpu.memory_space<hbm>>)
    %rem3A_146 = arith.constant 247 : i32
    %rem3A_147 = arith.constant 4 : i32
    %rem3A_148 = arith.remsi %rem3A_146, %rem3A_147 : i32
    %add3A_149 = arith.constant 6016 : i32
    %add3A_150 = arith.addi %mul3A_4, %add3A_149 : i32
    %dma_wait3A_151 = arith.constant 0 : i32
    %dma_wait3A_152 = arith.constant 0 : i32
    %dma_wait3A_153 = tpu.memref_slice %arg9[%rem3A_148, %dma_wait3A_151, %dma_wait3A_152] : memref<4x128x128xf32, #tpu.memory_space<vmem>> -> memref<1x128x128xf32, #tpu.memory_space<vmem>>
    %dma_wait3A_154 = tpu.memref_squeeze %dma_wait3A_153 : memref<1x128x128xf32, #tpu.memory_space<vmem>> -> memref<128x128xf32, #tpu.memory_space<vmem>>
    %dma_wait3A_155 = arith.constant 0 : i32
    %dma_wait3A_156 = tpu.memref_slice %arg6[%add3A_150, %dma_wait3A_155] : memref<204800x128xf32, #tpu.memory_space<hbm>> -> memref<128x128xf32, #tpu.memory_space<hbm>>
    %dma_wait3A_157 = tpu.memref_slice %arg13[%rem3A_148] : memref<4x!tpu.dma_semaphore, #tpu.memory_space<semaphore_mem>> -> memref<1x!tpu.dma_semaphore, #tpu.memory_space<semaphore_mem>>
    %dma_wait3A_158 = tpu.memref_squeeze %dma_wait3A_157 : memref<1x!tpu.dma_semaphore, #tpu.memory_space<semaphore_mem>> -> memref<!tpu.dma_semaphore, #tpu.memory_space<semaphore_mem>>
    %dma_wait3A_159 = arith.constant 0 : i32
    %dma_wait3A_160 = tpu.memref_slice %arg6[%add3A_150, %dma_wait3A_159] : memref<204800x128xf32, #tpu.memory_space<hbm>> -> memref<128x128xf32, #tpu.memory_space<hbm>>
    %dma_wait3A_161 = arith.constant 0 : i32
    %dma_wait3A_162 = arith.constant 0 : i32
    %dma_wait3A_163 = tpu.memref_slice %arg9[%rem3A_148, %dma_wait3A_161, %dma_wait3A_162] : memref<4x128x128xf32, #tpu.memory_space<vmem>> -> memref<1x128x128xf32, #tpu.memory_space<vmem>>
    %dma_wait3A_164 = tpu.memref_squeeze %dma_wait3A_163 : memref<1x128x128xf32, #tpu.memory_space<vmem>> -> memref<128x128xf32, #tpu.memory_space<vmem>>
    tpu.wait_dma2 semaphore(%dma_wait3A_158 : memref<!tpu.dma_semaphore, #tpu.memory_space<semaphore_mem>>) src(%dma_wait3A_164 : memref<128x128xf32, #tpu.memory_space<vmem>>) dst(%dma_wait3A_160 : memref<128x128xf32, #tpu.memory_space<hbm>>)
    %rem3A_165 = arith.constant 248 : i32
    %rem3A_166 = arith.constant 4 : i32
    %rem3A_167 = arith.remsi %rem3A_165, %rem3A_166 : i32
    %add3A_168 = arith.constant 6144 : i32
    %add3A_169 = arith.addi %mul3A_4, %add3A_168 : i32
    %dma_wait3A_170 = arith.constant 0 : i32
    %dma_wait3A_171 = arith.constant 0 : i32
    %dma_wait3A_172 = tpu.memref_slice %arg9[%rem3A_167, %dma_wait3A_170, %dma_wait3A_171] : memref<4x128x128xf32, #tpu.memory_space<vmem>> -> memref<1x128x128xf32, #tpu.memory_space<vmem>>
    %dma_wait3A_173 = tpu.memref_squeeze %dma_wait3A_172 : memref<1x128x128xf32, #tpu.memory_space<vmem>> -> memref<128x128xf32, #tpu.memory_space<vmem>>
    %dma_wait3A_174 = arith.constant 0 : i32
    %dma_wait3A_175 = tpu.memref_slice %arg6[%add3A_169, %dma_wait3A_174] : memref<204800x128xf32, #tpu.memory_space<hbm>> -> memref<128x128xf32, #tpu.memory_space<hbm>>
    %dma_wait3A_176 = tpu.memref_slice %arg13[%rem3A_167] : memref<4x!tpu.dma_semaphore, #tpu.memory_space<semaphore_mem>> -> memref<1x!tpu.dma_semaphore, #tpu.memory_space<semaphore_mem>>
    %dma_wait3A_177 = tpu.memref_squeeze %dma_wait3A_176 : memref<1x!tpu.dma_semaphore, #tpu.memory_space<semaphore_mem>> -> memref<!tpu.dma_semaphore, #tpu.memory_space<semaphore_mem>>
    %dma_wait3A_178 = arith.constant 0 : i32
    %dma_wait3A_179 = tpu.memref_slice %arg6[%add3A_169, %dma_wait3A_178] : memref<204800x128xf32, #tpu.memory_space<hbm>> -> memref<128x128xf32, #tpu.memory_space<hbm>>
    %dma_wait3A_180 = arith.constant 0 : i32
    %dma_wait3A_181 = arith.constant 0 : i32
    %dma_wait3A_182 = tpu.memref_slice %arg9[%rem3A_167, %dma_wait3A_180, %dma_wait3A_181] : memref<4x128x128xf32, #tpu.memory_space<vmem>> -> memref<1x128x128xf32, #tpu.memory_space<vmem>>
    %dma_wait3A_183 = tpu.memref_squeeze %dma_wait3A_182 : memref<1x128x128xf32, #tpu.memory_space<vmem>> -> memref<128x128xf32, #tpu.memory_space<vmem>>
    tpu.wait_dma2 semaphore(%dma_wait3A_177 : memref<!tpu.dma_semaphore, #tpu.memory_space<semaphore_mem>>) src(%dma_wait3A_183 : memref<128x128xf32, #tpu.memory_space<vmem>>) dst(%dma_wait3A_179 : memref<128x128xf32, #tpu.memory_space<hbm>>)
    %rem3A_184 = arith.constant 249 : i32
    %rem3A_185 = arith.constant 4 : i32
    %rem3A_186 = arith.remsi %rem3A_184, %rem3A_185 : i32
    %add3A_187 = arith.constant 6272 : i32
    %add3A_188 = arith.addi %mul3A_4, %add3A_187 : i32
    %dma_wait3A_189 = arith.constant 0 : i32
    %dma_wait3A_190 = arith.constant 0 : i32
    %dma_wait3A_191 = tpu.memref_slice %arg9[%rem3A_186, %dma_wait3A_189, %dma_wait3A_190] : memref<4x128x128xf32, #tpu.memory_space<vmem>> -> memref<1x128x128xf32, #tpu.memory_space<vmem>>
    %dma_wait3A_192 = tpu.memref_squeeze %dma_wait3A_191 : memref<1x128x128xf32, #tpu.memory_space<vmem>> -> memref<128x128xf32, #tpu.memory_space<vmem>>
    %dma_wait3A_193 = arith.constant 0 : i32
    %dma_wait3A_194 = tpu.memref_slice %arg6[%add3A_188, %dma_wait3A_193] : memref<204800x128xf32, #tpu.memory_space<hbm>> -> memref<128x128xf32, #tpu.memory_space<hbm>>
    %dma_wait3A_195 = tpu.memref_slice %arg13[%rem3A_186] : memref<4x!tpu.dma_semaphore, #tpu.memory_space<semaphore_mem>> -> memref<1x!tpu.dma_semaphore, #tpu.memory_space<semaphore_mem>>
    %dma_wait3A_196 = tpu.memref_squeeze %dma_wait3A_195 : memref<1x!tpu.dma_semaphore, #tpu.memory_space<semaphore_mem>> -> memref<!tpu.dma_semaphore, #tpu.memory_space<semaphore_mem>>
    %dma_wait3A_197 = arith.constant 0 : i32
    %dma_wait3A_198 = tpu.memref_slice %arg6[%add3A_188, %dma_wait3A_197] : memref<204800x128xf32, #tpu.memory_space<hbm>> -> memref<128x128xf32, #tpu.memory_space<hbm>>
    %dma_wait3A_199 = arith.constant 0 : i32
    %dma_wait3A_200 = arith.constant 0 : i32
    %dma_wait3A_201 = tpu.memref_slice %arg9[%rem3A_186, %dma_wait3A_199, %dma_wait3A_200] : memref<4x128x128xf32, #tpu.memory_space<vmem>> -> memref<1x128x128xf32, #tpu.memory_space<vmem>>
    %dma_wait3A_202 = tpu.memref_squeeze %dma_wait3A_201 : memref<1x128x128xf32, #tpu.memory_space<vmem>> -> memref<128x128xf32, #tpu.memory_space<vmem>>
    tpu.wait_dma2 semaphore(%dma_wait3A_196 : memref<!tpu.dma_semaphore, #tpu.memory_space<semaphore_mem>>) src(%dma_wait3A_202 : memref<128x128xf32, #tpu.memory_space<vmem>>) dst(%dma_wait3A_198 : memref<128x128xf32, #tpu.memory_space<hbm>>)
    return
  }
}

#map = affine_map<(d0, d1) -> (0, 0)>
module attributes {stable_mosaic.version = 14 : i64} {
  func.func @k(%arg0: i32, %arg1: i32, %arg2: memref<1600x128xi32, #tpu.memory_space<hbm>>, %arg3: memref<1600x128xi32, #tpu.memory_space<hbm>>, %arg4: memref<100000x128xf32, #tpu.memory_space<hbm>>, %arg5: memref<100000x128xf32, #tpu.memory_space<hbm>>, %arg6: memref<204800x128xf32, #tpu.memory_space<hbm>>, %arg7: memref<4x128xi32, #tpu.memory_space<vmem>>, %arg8: memref<4x128xi32, #tpu.memory_space<vmem>>, %arg9: memref<4x128x128xf32, #tpu.memory_space<vmem>>, %arg10: memref<4x!tpu.dma_semaphore, #tpu.memory_space<semaphore_mem>>, %arg11: memref<4x!tpu.dma_semaphore, #tpu.memory_space<semaphore_mem>>, %arg12: memref<4x!tpu.dma_semaphore, #tpu.memory_space<semaphore_mem>>, %arg13: memref<4x!tpu.dma_semaphore, #tpu.memory_space<semaphore_mem>>) attributes {dimension_semantics = [#tpu.dimension_semantics<core_parallel>, #tpu.dimension_semantics<subcore_parallel>], iteration_bounds = array<i64: 2, 16>, scalar_prefetch = 0 : i64, scratch_operands = 7 : i64, tpu.core_type = #tpu.core_type<sc_vector_subcore>, window_params = [{transform_indices = #map}, {transform_indices = #map}, {transform_indices = #map}, {transform_indices = #map}, {transform_indices = #map}]} {
    %mul3A = arith.constant 2 : i32
    %mul3A_0 = arith.muli %arg1, %mul3A : i32
    %add3A = arith.addi %mul3A_0, %arg0 : i32
    %mul3A_1 = arith.constant 50 : i32
    %mul3A_2 = arith.muli %add3A, %mul3A_1 : i32
    %mul3A_3 = arith.constant 6400 : i32
    %mul3A_4 = arith.muli %add3A, %mul3A_3 : i32
    %rem3A = arith.constant 200 : i32
    %rem3A_5 = arith.constant 4 : i32
    %rem3A_6 = arith.remsi %rem3A, %rem3A_5 : i32
    %add3A_7 = arith.constant 0 : i32
    %add3A_8 = arith.addi %mul3A_2, %add3A_7 : i32
    %add3A_9 = arith.constant 0 : i32
    %add3A_10 = arith.addi %mul3A_2, %add3A_9 : i32
    %dma_start3A = arith.constant 0 : i32
    %dma_start3A_11 = tpu.memref_slice %arg7[%rem3A_6, %dma_start3A] : memref<4x128xi32, #tpu.memory_space<vmem>> -> memref<1x128xi32, #tpu.memory_space<vmem>>
    %dma_start3A_12 = tpu.memref_squeeze %dma_start3A_11 : memref<1x128xi32, #tpu.memory_space<vmem>> -> memref<128xi32, #tpu.memory_space<vmem>>
    %dma_start3A_13 = arith.constant 0 : i32
    %dma_start3A_14 = tpu.memref_slice %arg2[%add3A_8, %dma_start3A_13] : memref<1600x128xi32, #tpu.memory_space<hbm>> -> memref<1x128xi32, #tpu.memory_space<hbm>>
    %dma_start3A_15 = tpu.memref_squeeze %dma_start3A_14 : memref<1x128xi32, #tpu.memory_space<hbm>> -> memref<128xi32, #tpu.memory_space<hbm>>
    %dma_start3A_16 = tpu.memref_slice %arg10[%rem3A_6] : memref<4x!tpu.dma_semaphore, #tpu.memory_space<semaphore_mem>> -> memref<1x!tpu.dma_semaphore, #tpu.memory_space<semaphore_mem>>
    %dma_start3A_17 = tpu.memref_squeeze %dma_start3A_16 : memref<1x!tpu.dma_semaphore, #tpu.memory_space<semaphore_mem>> -> memref<!tpu.dma_semaphore, #tpu.memory_space<semaphore_mem>>
    %dma_start3A_18 = arith.constant 0 : i32
    %dma_start3A_19 = tpu.memref_slice %arg7[%rem3A_6, %dma_start3A_18] : memref<4x128xi32, #tpu.memory_space<vmem>> -> memref<1x128xi32, #tpu.memory_space<vmem>>
    %dma_start3A_20 = tpu.memref_squeeze %dma_start3A_19 : memref<1x128xi32, #tpu.memory_space<vmem>> -> memref<128xi32, #tpu.memory_space<vmem>>
    %dma_start3A_21 = arith.constant 0 : i32
    %dma_start3A_22 = tpu.memref_slice %arg2[%add3A_8, %dma_start3A_21] : memref<1600x128xi32, #tpu.memory_space<hbm>> -> memref<1x128xi32, #tpu.memory_space<hbm>>
    %dma_start3A_23 = tpu.memref_squeeze %dma_start3A_22 : memref<1x128xi32, #tpu.memory_space<hbm>> -> memref<128xi32, #tpu.memory_space<hbm>>
    tpu.enqueue_dma source(%dma_start3A_23 : memref<128xi32, #tpu.memory_space<hbm>>) target(%dma_start3A_20 : memref<128xi32, #tpu.memory_space<vmem>>) target_semaphore(%dma_start3A_17 : memref<!tpu.dma_semaphore, #tpu.memory_space<semaphore_mem>>)
    %dma_start3A_24 = arith.constant 0 : i32
    %dma_start3A_25 = tpu.memref_slice %arg8[%rem3A_6, %dma_start3A_24] : memref<4x128xi32, #tpu.memory_space<vmem>> -> memref<1x128xi32, #tpu.memory_space<vmem>>
    %dma_start3A_26 = tpu.memref_squeeze %dma_start3A_25 : memref<1x128xi32, #tpu.memory_space<vmem>> -> memref<128xi32, #tpu.memory_space<vmem>>
    %dma_start3A_27 = arith.constant 0 : i32
    %dma_start3A_28 = tpu.memref_slice %arg3[%add3A_10, %dma_start3A_27] : memref<1600x128xi32, #tpu.memory_space<hbm>> -> memref<1x128xi32, #tpu.memory_space<hbm>>
    %dma_start3A_29 = tpu.memref_squeeze %dma_start3A_28 : memref<1x128xi32, #tpu.memory_space<hbm>> -> memref<128xi32, #tpu.memory_space<hbm>>
    %dma_start3A_30 = tpu.memref_slice %arg10[%rem3A_6] : memref<4x!tpu.dma_semaphore, #tpu.memory_space<semaphore_mem>> -> memref<1x!tpu.dma_semaphore, #tpu.memory_space<semaphore_mem>>
    %dma_start3A_31 = tpu.memref_squeeze %dma_start3A_30 : memref<1x!tpu.dma_semaphore, #tpu.memory_space<semaphore_mem>> -> memref<!tpu.dma_semaphore, #tpu.memory_space<semaphore_mem>>
    %dma_start3A_32 = arith.constant 0 : i32
    %dma_start3A_33 = tpu.memref_slice %arg8[%rem3A_6, %dma_start3A_32] : memref<4x128xi32, #tpu.memory_space<vmem>> -> memref<1x128xi32, #tpu.memory_space<vmem>>
    %dma_start3A_34 = tpu.memref_squeeze %dma_start3A_33 : memref<1x128xi32, #tpu.memory_space<vmem>> -> memref<128xi32, #tpu.memory_space<vmem>>
    %dma_start3A_35 = arith.constant 0 : i32
    %dma_start3A_36 = tpu.memref_slice %arg3[%add3A_10, %dma_start3A_35] : memref<1600x128xi32, #tpu.memory_space<hbm>> -> memref<1x128xi32, #tpu.memory_space<hbm>>
    %dma_start3A_37 = tpu.memref_squeeze %dma_start3A_36 : memref<1x128xi32, #tpu.memory_space<hbm>> -> memref<128xi32, #tpu.memory_space<hbm>>
    tpu.enqueue_dma source(%dma_start3A_37 : memref<128xi32, #tpu.memory_space<hbm>>) target(%dma_start3A_34 : memref<128xi32, #tpu.memory_space<vmem>>) target_semaphore(%dma_start3A_31 : memref<!tpu.dma_semaphore, #tpu.memory_space<semaphore_mem>>)
    %rem3A_38 = arith.constant 201 : i32
    %rem3A_39 = arith.constant 4 : i32
    %rem3A_40 = arith.remsi %rem3A_38, %rem3A_39 : i32
    %add3A_41 = arith.constant 1 : i32
    %add3A_42 = arith.addi %mul3A_2, %add3A_41 : i32
    %add3A_43 = arith.constant 1 : i32
    %add3A_44 = arith.addi %mul3A_2, %add3A_43 : i32
    %dma_start3A_45 = arith.constant 0 : i32
    %dma_start3A_46 = tpu.memref_slice %arg7[%rem3A_40, %dma_start3A_45] : memref<4x128xi32, #tpu.memory_space<vmem>> -> memref<1x128xi32, #tpu.memory_space<vmem>>
    %dma_start3A_47 = tpu.memref_squeeze %dma_start3A_46 : memref<1x128xi32, #tpu.memory_space<vmem>> -> memref<128xi32, #tpu.memory_space<vmem>>
    %dma_start3A_48 = arith.constant 0 : i32
    %dma_start3A_49 = tpu.memref_slice %arg2[%add3A_42, %dma_start3A_48] : memref<1600x128xi32, #tpu.memory_space<hbm>> -> memref<1x128xi32, #tpu.memory_space<hbm>>
    %dma_start3A_50 = tpu.memref_squeeze %dma_start3A_49 : memref<1x128xi32, #tpu.memory_space<hbm>> -> memref<128xi32, #tpu.memory_space<hbm>>
    %dma_start3A_51 = tpu.memref_slice %arg10[%rem3A_40] : memref<4x!tpu.dma_semaphore, #tpu.memory_space<semaphore_mem>> -> memref<1x!tpu.dma_semaphore, #tpu.memory_space<semaphore_mem>>
    %dma_start3A_52 = tpu.memref_squeeze %dma_start3A_51 : memref<1x!tpu.dma_semaphore, #tpu.memory_space<semaphore_mem>> -> memref<!tpu.dma_semaphore, #tpu.memory_space<semaphore_mem>>
    %dma_start3A_53 = arith.constant 0 : i32
    %dma_start3A_54 = tpu.memref_slice %arg7[%rem3A_40, %dma_start3A_53] : memref<4x128xi32, #tpu.memory_space<vmem>> -> memref<1x128xi32, #tpu.memory_space<vmem>>
    %dma_start3A_55 = tpu.memref_squeeze %dma_start3A_54 : memref<1x128xi32, #tpu.memory_space<vmem>> -> memref<128xi32, #tpu.memory_space<vmem>>
    %dma_start3A_56 = arith.constant 0 : i32
    %dma_start3A_57 = tpu.memref_slice %arg2[%add3A_42, %dma_start3A_56] : memref<1600x128xi32, #tpu.memory_space<hbm>> -> memref<1x128xi32, #tpu.memory_space<hbm>>
    %dma_start3A_58 = tpu.memref_squeeze %dma_start3A_57 : memref<1x128xi32, #tpu.memory_space<hbm>> -> memref<128xi32, #tpu.memory_space<hbm>>
    tpu.enqueue_dma source(%dma_start3A_58 : memref<128xi32, #tpu.memory_space<hbm>>) target(%dma_start3A_55 : memref<128xi32, #tpu.memory_space<vmem>>) target_semaphore(%dma_start3A_52 : memref<!tpu.dma_semaphore, #tpu.memory_space<semaphore_mem>>)
    %dma_start3A_59 = arith.constant 0 : i32
    %dma_start3A_60 = tpu.memref_slice %arg8[%rem3A_40, %dma_start3A_59] : memref<4x128xi32, #tpu.memory_space<vmem>> -> memref<1x128xi32, #tpu.memory_space<vmem>>
    %dma_start3A_61 = tpu.memref_squeeze %dma_start3A_60 : memref<1x128xi32, #tpu.memory_space<vmem>> -> memref<128xi32, #tpu.memory_space<vmem>>
    %dma_start3A_62 = arith.constant 0 : i32
    %dma_start3A_63 = tpu.memref_slice %arg3[%add3A_44, %dma_start3A_62] : memref<1600x128xi32, #tpu.memory_space<hbm>> -> memref<1x128xi32, #tpu.memory_space<hbm>>
    %dma_start3A_64 = tpu.memref_squeeze %dma_start3A_63 : memref<1x128xi32, #tpu.memory_space<hbm>> -> memref<128xi32, #tpu.memory_space<hbm>>
    %dma_start3A_65 = tpu.memref_slice %arg10[%rem3A_40] : memref<4x!tpu.dma_semaphore, #tpu.memory_space<semaphore_mem>> -> memref<1x!tpu.dma_semaphore, #tpu.memory_space<semaphore_mem>>
    %dma_start3A_66 = tpu.memref_squeeze %dma_start3A_65 : memref<1x!tpu.dma_semaphore, #tpu.memory_space<semaphore_mem>> -> memref<!tpu.dma_semaphore, #tpu.memory_space<semaphore_mem>>
    %dma_start3A_67 = arith.constant 0 : i32
    %dma_start3A_68 = tpu.memref_slice %arg8[%rem3A_40, %dma_start3A_67] : memref<4x128xi32, #tpu.memory_space<vmem>> -> memref<1x128xi32, #tpu.memory_space<vmem>>
    %dma_start3A_69 = tpu.memref_squeeze %dma_start3A_68 : memref<1x128xi32, #tpu.memory_space<vmem>> -> memref<128xi32, #tpu.memory_space<vmem>>
    %dma_start3A_70 = arith.constant 0 : i32
    %dma_start3A_71 = tpu.memref_slice %arg3[%add3A_44, %dma_start3A_70] : memref<1600x128xi32, #tpu.memory_space<hbm>> -> memref<1x128xi32, #tpu.memory_space<hbm>>
    %dma_start3A_72 = tpu.memref_squeeze %dma_start3A_71 : memref<1x128xi32, #tpu.memory_space<hbm>> -> memref<128xi32, #tpu.memory_space<hbm>>
    tpu.enqueue_dma source(%dma_start3A_72 : memref<128xi32, #tpu.memory_space<hbm>>) target(%dma_start3A_69 : memref<128xi32, #tpu.memory_space<vmem>>) target_semaphore(%dma_start3A_66 : memref<!tpu.dma_semaphore, #tpu.memory_space<semaphore_mem>>)
    %rem3A_73 = arith.constant 200 : i32
    %rem3A_74 = arith.constant 4 : i32
    %rem3A_75 = arith.remsi %rem3A_73, %rem3A_74 : i32
    %add3A_76 = arith.constant 0 : i32
    %add3A_77 = arith.addi %mul3A_2, %add3A_76 : i32
    %add3A_78 = arith.constant 0 : i32
    %add3A_79 = arith.addi %mul3A_2, %add3A_78 : i32
    %dma_wait3A = arith.constant 0 : i32
    %dma_wait3A_80 = tpu.memref_slice %arg7[%rem3A_75, %dma_wait3A] : memref<4x128xi32, #tpu.memory_space<vmem>> -> memref<1x128xi32, #tpu.memory_space<vmem>>
    %dma_wait3A_81 = tpu.memref_squeeze %dma_wait3A_80 : memref<1x128xi32, #tpu.memory_space<vmem>> -> memref<128xi32, #tpu.memory_space<vmem>>
    %dma_wait3A_82 = arith.constant 0 : i32
    %dma_wait3A_83 = tpu.memref_slice %arg2[%add3A_77, %dma_wait3A_82] : memref<1600x128xi32, #tpu.memory_space<hbm>> -> memref<1x128xi32, #tpu.memory_space<hbm>>
    %dma_wait3A_84 = tpu.memref_squeeze %dma_wait3A_83 : memref<1x128xi32, #tpu.memory_space<hbm>> -> memref<128xi32, #tpu.memory_space<hbm>>
    %dma_wait3A_85 = tpu.memref_slice %arg10[%rem3A_75] : memref<4x!tpu.dma_semaphore, #tpu.memory_space<semaphore_mem>> -> memref<1x!tpu.dma_semaphore, #tpu.memory_space<semaphore_mem>>
    %dma_wait3A_86 = tpu.memref_squeeze %dma_wait3A_85 : memref<1x!tpu.dma_semaphore, #tpu.memory_space<semaphore_mem>> -> memref<!tpu.dma_semaphore, #tpu.memory_space<semaphore_mem>>
    %dma_wait3A_87 = arith.constant 0 : i32
    %dma_wait3A_88 = tpu.memref_slice %arg7[%rem3A_75, %dma_wait3A_87] : memref<4x128xi32, #tpu.memory_space<vmem>> -> memref<1x128xi32, #tpu.memory_space<vmem>>
    %dma_wait3A_89 = tpu.memref_squeeze %dma_wait3A_88 : memref<1x128xi32, #tpu.memory_space<vmem>> -> memref<128xi32, #tpu.memory_space<vmem>>
    %dma_wait3A_90 = arith.constant 0 : i32
    %dma_wait3A_91 = tpu.memref_slice %arg2[%add3A_77, %dma_wait3A_90] : memref<1600x128xi32, #tpu.memory_space<hbm>> -> memref<1x128xi32, #tpu.memory_space<hbm>>
    %dma_wait3A_92 = tpu.memref_squeeze %dma_wait3A_91 : memref<1x128xi32, #tpu.memory_space<hbm>> -> memref<128xi32, #tpu.memory_space<hbm>>
    tpu.wait_dma2 semaphore(%dma_wait3A_86 : memref<!tpu.dma_semaphore, #tpu.memory_space<semaphore_mem>>) src(%dma_wait3A_92 : memref<128xi32, #tpu.memory_space<hbm>>) dst(%dma_wait3A_89 : memref<128xi32, #tpu.memory_space<vmem>>)
    %dma_wait3A_93 = arith.constant 0 : i32
    %dma_wait3A_94 = tpu.memref_slice %arg8[%rem3A_75, %dma_wait3A_93] : memref<4x128xi32, #tpu.memory_space<vmem>> -> memref<1x128xi32, #tpu.memory_space<vmem>>
    %dma_wait3A_95 = tpu.memref_squeeze %dma_wait3A_94 : memref<1x128xi32, #tpu.memory_space<vmem>> -> memref<128xi32, #tpu.memory_space<vmem>>
    %dma_wait3A_96 = arith.constant 0 : i32
    %dma_wait3A_97 = tpu.memref_slice %arg3[%add3A_79, %dma_wait3A_96] : memref<1600x128xi32, #tpu.memory_space<hbm>> -> memref<1x128xi32, #tpu.memory_space<hbm>>
    %dma_wait3A_98 = tpu.memref_squeeze %dma_wait3A_97 : memref<1x128xi32, #tpu.memory_space<hbm>> -> memref<128xi32, #tpu.memory_space<hbm>>
    %dma_wait3A_99 = tpu.memref_slice %arg10[%rem3A_75] : memref<4x!tpu.dma_semaphore, #tpu.memory_space<semaphore_mem>> -> memref<1x!tpu.dma_semaphore, #tpu.memory_space<semaphore_mem>>
    %dma_wait3A_100 = tpu.memref_squeeze %dma_wait3A_99 : memref<1x!tpu.dma_semaphore, #tpu.memory_space<semaphore_mem>> -> memref<!tpu.dma_semaphore, #tpu.memory_space<semaphore_mem>>
    %dma_wait3A_101 = arith.constant 0 : i32
    %dma_wait3A_102 = tpu.memref_slice %arg8[%rem3A_75, %dma_wait3A_101] : memref<4x128xi32, #tpu.memory_space<vmem>> -> memref<1x128xi32, #tpu.memory_space<vmem>>
    %dma_wait3A_103 = tpu.memref_squeeze %dma_wait3A_102 : memref<1x128xi32, #tpu.memory_space<vmem>> -> memref<128xi32, #tpu.memory_space<vmem>>
    %dma_wait3A_104 = arith.constant 0 : i32
    %dma_wait3A_105 = tpu.memref_slice %arg3[%add3A_79, %dma_wait3A_104] : memref<1600x128xi32, #tpu.memory_space<hbm>> -> memref<1x128xi32, #tpu.memory_space<hbm>>
    %dma_wait3A_106 = tpu.memref_squeeze %dma_wait3A_105 : memref<1x128xi32, #tpu.memory_space<hbm>> -> memref<128xi32, #tpu.memory_space<hbm>>
    tpu.wait_dma2 semaphore(%dma_wait3A_100 : memref<!tpu.dma_semaphore, #tpu.memory_space<semaphore_mem>>) src(%dma_wait3A_106 : memref<128xi32, #tpu.memory_space<hbm>>) dst(%dma_wait3A_103 : memref<128xi32, #tpu.memory_space<vmem>>)
    %rem3A_107 = arith.constant 200 : i32
    %rem3A_108 = arith.constant 4 : i32
    %rem3A_109 = arith.remsi %rem3A_107, %rem3A_108 : i32
    %dma_start3A_110 = arith.constant 0 : i32
    %dma_start3A_111 = arith.constant 0 : i32
    %dma_start3A_112 = tpu.memref_slice %arg9[%rem3A_109, %dma_start3A_110, %dma_start3A_111] : memref<4x128x128xf32, #tpu.memory_space<vmem>> -> memref<1x128x128xf32, #tpu.memory_space<vmem>>
    %dma_start3A_113 = tpu.memref_squeeze %dma_start3A_112 : memref<1x128x128xf32, #tpu.memory_space<vmem>> -> memref<128x128xf32, #tpu.memory_space<vmem>>
    %dma_start3A_114 = arith.constant 0 : i32
    %dma_start3A_115 = tpu.memref_slice %arg7[%rem3A_109, %dma_start3A_114] : memref<4x128xi32, #tpu.memory_space<vmem>> -> memref<1x128xi32, #tpu.memory_space<vmem>>
    %dma_start3A_116 = tpu.memref_squeeze %dma_start3A_115 : memref<1x128xi32, #tpu.memory_space<vmem>> -> memref<128xi32, #tpu.memory_space<vmem>>
    %dma_start3A_117 = arith.constant 0 : i32
    %dma_start3A_118 = arith.constant 0 : i32
    %dma_start3A_119 = tpu.memref_slice %arg4[%dma_start3A_117, %dma_start3A_118] : memref<100000x128xf32, #tpu.memory_space<hbm>> -> memref<100000x128xf32, #tpu.memory_space<hbm>>
    %dma_start3A_120 = tpu.memref_slice %arg11[%rem3A_109] : memref<4x!tpu.dma_semaphore, #tpu.memory_space<semaphore_mem>> -> memref<1x!tpu.dma_semaphore, #tpu.memory_space<semaphore_mem>>
    %dma_start3A_121 = tpu.memref_squeeze %dma_start3A_120 : memref<1x!tpu.dma_semaphore, #tpu.memory_space<semaphore_mem>> -> memref<!tpu.dma_semaphore, #tpu.memory_space<semaphore_mem>>
    tpu.enqueue_indirect_dma source(%dma_start3A_119 : memref<100000x128xf32, #tpu.memory_space<hbm>>) target(%dma_start3A_113 : memref<128x128xf32, #tpu.memory_space<vmem>>) offsets(%dma_start3A_116 : memref<128xi32, #tpu.memory_space<vmem>>) semaphore(%dma_start3A_121 : memref<!tpu.dma_semaphore, #tpu.memory_space<semaphore_mem>>)
    %scan3A = arith.constant 0 : i32
    %scan3A_122 = arith.constant 0 : i32
    %scan3A_123 = arith.constant 50 : i32
    %scan3A_124 = arith.addi %scan3A_122, %scan3A_123 : i32
    %scan3A_125 = arith.constant 1 : i32
    scf.for %scan3A_203 = %scan3A_122 to %scan3A_124 step %scan3A_125  : i32 {
      %add3A_204 = arith.constant 2 : i32
      %add3A_205 = arith.addi %scan3A_203, %add3A_204 : i32
      %lt3A = arith.constant 50 : i32
      %lt3A_206 = arith.cmpi slt, %add3A_205, %lt3A : i32
      %convert_element_type3A = arith.extui %lt3A_206 : i1 to i32
      %cond3A = arith.constant 0 : i32
      %cond3A_207 = arith.cmpi ne, %convert_element_type3A, %cond3A : i32
      scf.if %cond3A_207 {
        %add3A_290 = arith.constant 2 : i32
        %add3A_291 = arith.addi %scan3A_203, %add3A_290 : i32
        %add3A_292 = arith.constant 200 : i32
        %add3A_293 = arith.addi %add3A_291, %add3A_292 : i32
        %rem3A_294 = arith.constant 4 : i32
        %rem3A_295 = arith.remsi %add3A_293, %rem3A_294 : i32
        %add3A_296 = arith.addi %mul3A_2, %add3A_291 : i32
        %add3A_297 = arith.addi %mul3A_2, %add3A_291 : i32
        %dma_start3A_298 = arith.constant 0 : i32
        %dma_start3A_299 = tpu.memref_slice %arg7[%rem3A_295, %dma_start3A_298] : memref<4x128xi32, #tpu.memory_space<vmem>> -> memref<1x128xi32, #tpu.memory_space<vmem>>
        %dma_start3A_300 = tpu.memref_squeeze %dma_start3A_299 : memref<1x128xi32, #tpu.memory_space<vmem>> -> memref<128xi32, #tpu.memory_space<vmem>>
        %dma_start3A_301 = arith.constant 0 : i32
        %dma_start3A_302 = tpu.memref_slice %arg2[%add3A_296, %dma_start3A_301] : memref<1600x128xi32, #tpu.memory_space<hbm>> -> memref<1x128xi32, #tpu.memory_space<hbm>>
        %dma_start3A_303 = tpu.memref_squeeze %dma_start3A_302 : memref<1x128xi32, #tpu.memory_space<hbm>> -> memref<128xi32, #tpu.memory_space<hbm>>
        %dma_start3A_304 = tpu.memref_slice %arg10[%rem3A_295] : memref<4x!tpu.dma_semaphore, #tpu.memory_space<semaphore_mem>> -> memref<1x!tpu.dma_semaphore, #tpu.memory_space<semaphore_mem>>
        %dma_start3A_305 = tpu.memref_squeeze %dma_start3A_304 : memref<1x!tpu.dma_semaphore, #tpu.memory_space<semaphore_mem>> -> memref<!tpu.dma_semaphore, #tpu.memory_space<semaphore_mem>>
        %dma_start3A_306 = arith.constant 0 : i32
        %dma_start3A_307 = tpu.memref_slice %arg7[%rem3A_295, %dma_start3A_306] : memref<4x128xi32, #tpu.memory_space<vmem>> -> memref<1x128xi32, #tpu.memory_space<vmem>>
        %dma_start3A_308 = tpu.memref_squeeze %dma_start3A_307 : memref<1x128xi32, #tpu.memory_space<vmem>> -> memref<128xi32, #tpu.memory_space<vmem>>
        %dma_start3A_309 = arith.constant 0 : i32
        %dma_start3A_310 = tpu.memref_slice %arg2[%add3A_296, %dma_start3A_309] : memref<1600x128xi32, #tpu.memory_space<hbm>> -> memref<1x128xi32, #tpu.memory_space<hbm>>
        %dma_start3A_311 = tpu.memref_squeeze %dma_start3A_310 : memref<1x128xi32, #tpu.memory_space<hbm>> -> memref<128xi32, #tpu.memory_space<hbm>>
        tpu.enqueue_dma source(%dma_start3A_311 : memref<128xi32, #tpu.memory_space<hbm>>) target(%dma_start3A_308 : memref<128xi32, #tpu.memory_space<vmem>>) target_semaphore(%dma_start3A_305 : memref<!tpu.dma_semaphore, #tpu.memory_space<semaphore_mem>>)
        %dma_start3A_312 = arith.constant 0 : i32
        %dma_start3A_313 = tpu.memref_slice %arg8[%rem3A_295, %dma_start3A_312] : memref<4x128xi32, #tpu.memory_space<vmem>> -> memref<1x128xi32, #tpu.memory_space<vmem>>
        %dma_start3A_314 = tpu.memref_squeeze %dma_start3A_313 : memref<1x128xi32, #tpu.memory_space<vmem>> -> memref<128xi32, #tpu.memory_space<vmem>>
        %dma_start3A_315 = arith.constant 0 : i32
        %dma_start3A_316 = tpu.memref_slice %arg3[%add3A_297, %dma_start3A_315] : memref<1600x128xi32, #tpu.memory_space<hbm>> -> memref<1x128xi32, #tpu.memory_space<hbm>>
        %dma_start3A_317 = tpu.memref_squeeze %dma_start3A_316 : memref<1x128xi32, #tpu.memory_space<hbm>> -> memref<128xi32, #tpu.memory_space<hbm>>
        %dma_start3A_318 = tpu.memref_slice %arg10[%rem3A_295] : memref<4x!tpu.dma_semaphore, #tpu.memory_space<semaphore_mem>> -> memref<1x!tpu.dma_semaphore, #tpu.memory_space<semaphore_mem>>
        %dma_start3A_319 = tpu.memref_squeeze %dma_start3A_318 : memref<1x!tpu.dma_semaphore, #tpu.memory_space<semaphore_mem>> -> memref<!tpu.dma_semaphore, #tpu.memory_space<semaphore_mem>>
        %dma_start3A_320 = arith.constant 0 : i32
        %dma_start3A_321 = tpu.memref_slice %arg8[%rem3A_295, %dma_start3A_320] : memref<4x128xi32, #tpu.memory_space<vmem>> -> memref<1x128xi32, #tpu.memory_space<vmem>>
        %dma_start3A_322 = tpu.memref_squeeze %dma_start3A_321 : memref<1x128xi32, #tpu.memory_space<vmem>> -> memref<128xi32, #tpu.memory_space<vmem>>
        %dma_start3A_323 = arith.constant 0 : i32
        %dma_start3A_324 = tpu.memref_slice %arg3[%add3A_297, %dma_start3A_323] : memref<1600x128xi32, #tpu.memory_space<hbm>> -> memref<1x128xi32, #tpu.memory_space<hbm>>
        %dma_start3A_325 = tpu.memref_squeeze %dma_start3A_324 : memref<1x128xi32, #tpu.memory_space<hbm>> -> memref<128xi32, #tpu.memory_space<hbm>>
        tpu.enqueue_dma source(%dma_start3A_325 : memref<128xi32, #tpu.memory_space<hbm>>) target(%dma_start3A_322 : memref<128xi32, #tpu.memory_space<vmem>>) target_semaphore(%dma_start3A_319 : memref<!tpu.dma_semaphore, #tpu.memory_space<semaphore_mem>>)
      } else {
      }
      %add3A_208 = arith.constant 200 : i32
      %add3A_209 = arith.addi %scan3A_203, %add3A_208 : i32
      %rem3A_210 = arith.constant 4 : i32
      %rem3A_211 = arith.remsi %add3A_209, %rem3A_210 : i32
      %dma_wait3A_212 = arith.constant 0 : i32
      %dma_wait3A_213 = arith.constant 0 : i32
      %dma_wait3A_214 = tpu.memref_slice %arg9[%rem3A_211, %dma_wait3A_212, %dma_wait3A_213] : memref<4x128x128xf32, #tpu.memory_space<vmem>> -> memref<1x128x128xf32, #tpu.memory_space<vmem>>
      %dma_wait3A_215 = tpu.memref_squeeze %dma_wait3A_214 : memref<1x128x128xf32, #tpu.memory_space<vmem>> -> memref<128x128xf32, #tpu.memory_space<vmem>>
      %dma_wait3A_216 = arith.constant 0 : i32
      %dma_wait3A_217 = tpu.memref_slice %arg7[%rem3A_211, %dma_wait3A_216] : memref<4x128xi32, #tpu.memory_space<vmem>> -> memref<1x128xi32, #tpu.memory_space<vmem>>
      %dma_wait3A_218 = tpu.memref_squeeze %dma_wait3A_217 : memref<1x128xi32, #tpu.memory_space<vmem>> -> memref<128xi32, #tpu.memory_space<vmem>>
      %dma_wait3A_219 = arith.constant 0 : i32
      %dma_wait3A_220 = arith.constant 0 : i32
      %dma_wait3A_221 = tpu.memref_slice %arg4[%dma_wait3A_219, %dma_wait3A_220] : memref<100000x128xf32, #tpu.memory_space<hbm>> -> memref<100000x128xf32, #tpu.memory_space<hbm>>
      %dma_wait3A_222 = tpu.memref_slice %arg11[%rem3A_211] : memref<4x!tpu.dma_semaphore, #tpu.memory_space<semaphore_mem>> -> memref<1x!tpu.dma_semaphore, #tpu.memory_space<semaphore_mem>>
      %dma_wait3A_223 = tpu.memref_squeeze %dma_wait3A_222 : memref<1x!tpu.dma_semaphore, #tpu.memory_space<semaphore_mem>> -> memref<!tpu.dma_semaphore, #tpu.memory_space<semaphore_mem>>
      tpu.wait_indirect_dma semaphore(%dma_wait3A_223 : memref<!tpu.dma_semaphore, #tpu.memory_space<semaphore_mem>>) src(%dma_wait3A_221 : memref<100000x128xf32, #tpu.memory_space<hbm>>) dst(%dma_wait3A_215 : memref<128x128xf32, #tpu.memory_space<vmem>>)
      %add3A_224 = arith.constant 200 : i32
      %add3A_225 = arith.addi %scan3A_203, %add3A_224 : i32
      %rem3A_226 = arith.constant 4 : i32
      %rem3A_227 = arith.remsi %add3A_225, %rem3A_226 : i32
      %dma_start3A_228 = arith.constant 0 : i32
      %dma_start3A_229 = arith.constant 0 : i32
      %dma_start3A_230 = tpu.memref_slice %arg9[%rem3A_227, %dma_start3A_228, %dma_start3A_229] : memref<4x128x128xf32, #tpu.memory_space<vmem>> -> memref<1x128x128xf32, #tpu.memory_space<vmem>>
      %dma_start3A_231 = tpu.memref_squeeze %dma_start3A_230 : memref<1x128x128xf32, #tpu.memory_space<vmem>> -> memref<128x128xf32, #tpu.memory_space<vmem>>
      %dma_start3A_232 = arith.constant 0 : i32
      %dma_start3A_233 = tpu.memref_slice %arg8[%rem3A_227, %dma_start3A_232] : memref<4x128xi32, #tpu.memory_space<vmem>> -> memref<1x128xi32, #tpu.memory_space<vmem>>
      %dma_start3A_234 = tpu.memref_squeeze %dma_start3A_233 : memref<1x128xi32, #tpu.memory_space<vmem>> -> memref<128xi32, #tpu.memory_space<vmem>>
      %dma_start3A_235 = arith.constant 0 : i32
      %dma_start3A_236 = arith.constant 0 : i32
      %dma_start3A_237 = tpu.memref_slice %arg5[%dma_start3A_235, %dma_start3A_236] : memref<100000x128xf32, #tpu.memory_space<hbm>> -> memref<100000x128xf32, #tpu.memory_space<hbm>>
      %dma_start3A_238 = tpu.memref_slice %arg12[%rem3A_227] : memref<4x!tpu.dma_semaphore, #tpu.memory_space<semaphore_mem>> -> memref<1x!tpu.dma_semaphore, #tpu.memory_space<semaphore_mem>>
      %dma_start3A_239 = tpu.memref_squeeze %dma_start3A_238 : memref<1x!tpu.dma_semaphore, #tpu.memory_space<semaphore_mem>> -> memref<!tpu.dma_semaphore, #tpu.memory_space<semaphore_mem>>
      tpu.enqueue_indirect_dma source(%dma_start3A_237 : memref<100000x128xf32, #tpu.memory_space<hbm>>) target(%dma_start3A_231 : memref<128x128xf32, #tpu.memory_space<vmem>>) offsets(%dma_start3A_234 : memref<128xi32, #tpu.memory_space<vmem>>) semaphore(%dma_start3A_239 : memref<!tpu.dma_semaphore, #tpu.memory_space<semaphore_mem>>) {add = true}
      %add3A_240 = arith.constant 1 : i32
      %add3A_241 = arith.addi %scan3A_203, %add3A_240 : i32
      %lt3A_242 = arith.constant 50 : i32
      %lt3A_243 = arith.cmpi slt, %add3A_241, %lt3A_242 : i32
      %convert_element_type3A_244 = arith.extui %lt3A_243 : i1 to i32
      %cond3A_245 = arith.constant 0 : i32
      %cond3A_246 = arith.cmpi ne, %convert_element_type3A_244, %cond3A_245 : i32
      scf.if %cond3A_246 {
        %add3A_290 = arith.constant 1 : i32
        %add3A_291 = arith.addi %scan3A_203, %add3A_290 : i32
        %add3A_292 = arith.constant 200 : i32
        %add3A_293 = arith.addi %add3A_291, %add3A_292 : i32
        %rem3A_294 = arith.constant 4 : i32
        %rem3A_295 = arith.remsi %add3A_293, %rem3A_294 : i32
        %add3A_296 = arith.addi %mul3A_2, %add3A_291 : i32
        %add3A_297 = arith.addi %mul3A_2, %add3A_291 : i32
        %dma_wait3A_298 = arith.constant 0 : i32
        %dma_wait3A_299 = tpu.memref_slice %arg7[%rem3A_295, %dma_wait3A_298] : memref<4x128xi32, #tpu.memory_space<vmem>> -> memref<1x128xi32, #tpu.memory_space<vmem>>
        %dma_wait3A_300 = tpu.memref_squeeze %dma_wait3A_299 : memref<1x128xi32, #tpu.memory_space<vmem>> -> memref<128xi32, #tpu.memory_space<vmem>>
        %dma_wait3A_301 = arith.constant 0 : i32
        %dma_wait3A_302 = tpu.memref_slice %arg2[%add3A_296, %dma_wait3A_301] : memref<1600x128xi32, #tpu.memory_space<hbm>> -> memref<1x128xi32, #tpu.memory_space<hbm>>
        %dma_wait3A_303 = tpu.memref_squeeze %dma_wait3A_302 : memref<1x128xi32, #tpu.memory_space<hbm>> -> memref<128xi32, #tpu.memory_space<hbm>>
        %dma_wait3A_304 = tpu.memref_slice %arg10[%rem3A_295] : memref<4x!tpu.dma_semaphore, #tpu.memory_space<semaphore_mem>> -> memref<1x!tpu.dma_semaphore, #tpu.memory_space<semaphore_mem>>
        %dma_wait3A_305 = tpu.memref_squeeze %dma_wait3A_304 : memref<1x!tpu.dma_semaphore, #tpu.memory_space<semaphore_mem>> -> memref<!tpu.dma_semaphore, #tpu.memory_space<semaphore_mem>>
        %dma_wait3A_306 = arith.constant 0 : i32
        %dma_wait3A_307 = tpu.memref_slice %arg7[%rem3A_295, %dma_wait3A_306] : memref<4x128xi32, #tpu.memory_space<vmem>> -> memref<1x128xi32, #tpu.memory_space<vmem>>
        %dma_wait3A_308 = tpu.memref_squeeze %dma_wait3A_307 : memref<1x128xi32, #tpu.memory_space<vmem>> -> memref<128xi32, #tpu.memory_space<vmem>>
        %dma_wait3A_309 = arith.constant 0 : i32
        %dma_wait3A_310 = tpu.memref_slice %arg2[%add3A_296, %dma_wait3A_309] : memref<1600x128xi32, #tpu.memory_space<hbm>> -> memref<1x128xi32, #tpu.memory_space<hbm>>
        %dma_wait3A_311 = tpu.memref_squeeze %dma_wait3A_310 : memref<1x128xi32, #tpu.memory_space<hbm>> -> memref<128xi32, #tpu.memory_space<hbm>>
        tpu.wait_dma2 semaphore(%dma_wait3A_305 : memref<!tpu.dma_semaphore, #tpu.memory_space<semaphore_mem>>) src(%dma_wait3A_311 : memref<128xi32, #tpu.memory_space<hbm>>) dst(%dma_wait3A_308 : memref<128xi32, #tpu.memory_space<vmem>>)
        %dma_wait3A_312 = arith.constant 0 : i32
        %dma_wait3A_313 = tpu.memref_slice %arg8[%rem3A_295, %dma_wait3A_312] : memref<4x128xi32, #tpu.memory_space<vmem>> -> memref<1x128xi32, #tpu.memory_space<vmem>>
        %dma_wait3A_314 = tpu.memref_squeeze %dma_wait3A_313 : memref<1x128xi32, #tpu.memory_space<vmem>> -> memref<128xi32, #tpu.memory_space<vmem>>
        %dma_wait3A_315 = arith.constant 0 : i32
        %dma_wait3A_316 = tpu.memref_slice %arg3[%add3A_297, %dma_wait3A_315] : memref<1600x128xi32, #tpu.memory_space<hbm>> -> memref<1x128xi32, #tpu.memory_space<hbm>>
        %dma_wait3A_317 = tpu.memref_squeeze %dma_wait3A_316 : memref<1x128xi32, #tpu.memory_space<hbm>> -> memref<128xi32, #tpu.memory_space<hbm>>
        %dma_wait3A_318 = tpu.memref_slice %arg10[%rem3A_295] : memref<4x!tpu.dma_semaphore, #tpu.memory_space<semaphore_mem>> -> memref<1x!tpu.dma_semaphore, #tpu.memory_space<semaphore_mem>>
        %dma_wait3A_319 = tpu.memref_squeeze %dma_wait3A_318 : memref<1x!tpu.dma_semaphore, #tpu.memory_space<semaphore_mem>> -> memref<!tpu.dma_semaphore, #tpu.memory_space<semaphore_mem>>
        %dma_wait3A_320 = arith.constant 0 : i32
        %dma_wait3A_321 = tpu.memref_slice %arg8[%rem3A_295, %dma_wait3A_320] : memref<4x128xi32, #tpu.memory_space<vmem>> -> memref<1x128xi32, #tpu.memory_space<vmem>>
        %dma_wait3A_322 = tpu.memref_squeeze %dma_wait3A_321 : memref<1x128xi32, #tpu.memory_space<vmem>> -> memref<128xi32, #tpu.memory_space<vmem>>
        %dma_wait3A_323 = arith.constant 0 : i32
        %dma_wait3A_324 = tpu.memref_slice %arg3[%add3A_297, %dma_wait3A_323] : memref<1600x128xi32, #tpu.memory_space<hbm>> -> memref<1x128xi32, #tpu.memory_space<hbm>>
        %dma_wait3A_325 = tpu.memref_squeeze %dma_wait3A_324 : memref<1x128xi32, #tpu.memory_space<hbm>> -> memref<128xi32, #tpu.memory_space<hbm>>
        tpu.wait_dma2 semaphore(%dma_wait3A_319 : memref<!tpu.dma_semaphore, #tpu.memory_space<semaphore_mem>>) src(%dma_wait3A_325 : memref<128xi32, #tpu.memory_space<hbm>>) dst(%dma_wait3A_322 : memref<128xi32, #tpu.memory_space<vmem>>)
        %sub3A = arith.constant 3 : i32
        %sub3A_326 = arith.subi %scan3A_203, %sub3A : i32
        %ge3A = arith.constant 0 : i32
        %ge3A_327 = arith.cmpi sge, %sub3A_326, %ge3A : i32
        %convert_element_type3A_328 = arith.extui %ge3A_327 : i1 to i32
        %cond3A_329 = arith.constant 0 : i32
        %cond3A_330 = arith.cmpi ne, %convert_element_type3A_328, %cond3A_329 : i32
        scf.if %cond3A_330 {
          %sub3A_349 = arith.constant 3 : i32
          %sub3A_350 = arith.subi %scan3A_203, %sub3A_349 : i32
          %add3A_351 = arith.constant 200 : i32
          %add3A_352 = arith.addi %sub3A_350, %add3A_351 : i32
          %rem3A_353 = arith.constant 4 : i32
          %rem3A_354 = arith.remsi %add3A_352, %rem3A_353 : i32
          %mul3A_355 = arith.constant 128 : i32
          %mul3A_356 = arith.muli %sub3A_350, %mul3A_355 : i32
          %add3A_357 = arith.addi %mul3A_4, %mul3A_356 : i32
          %dma_wait3A_358 = arith.constant 0 : i32
          %dma_wait3A_359 = arith.constant 0 : i32
          %dma_wait3A_360 = tpu.memref_slice %arg9[%rem3A_354, %dma_wait3A_358, %dma_wait3A_359] : memref<4x128x128xf32, #tpu.memory_space<vmem>> -> memref<1x128x128xf32, #tpu.memory_space<vmem>>
          %dma_wait3A_361 = tpu.memref_squeeze %dma_wait3A_360 : memref<1x128x128xf32, #tpu.memory_space<vmem>> -> memref<128x128xf32, #tpu.memory_space<vmem>>
          %dma_wait3A_362 = arith.constant 0 : i32
          %dma_wait3A_363 = tpu.memref_slice %arg6[%add3A_357, %dma_wait3A_362] : memref<204800x128xf32, #tpu.memory_space<hbm>> -> memref<128x128xf32, #tpu.memory_space<hbm>>
          %dma_wait3A_364 = tpu.memref_slice %arg13[%rem3A_354] : memref<4x!tpu.dma_semaphore, #tpu.memory_space<semaphore_mem>> -> memref<1x!tpu.dma_semaphore, #tpu.memory_space<semaphore_mem>>
          %dma_wait3A_365 = tpu.memref_squeeze %dma_wait3A_364 : memref<1x!tpu.dma_semaphore, #tpu.memory_space<semaphore_mem>> -> memref<!tpu.dma_semaphore, #tpu.memory_space<semaphore_mem>>
          %dma_wait3A_366 = arith.constant 0 : i32
          %dma_wait3A_367 = tpu.memref_slice %arg6[%add3A_357, %dma_wait3A_366] : memref<204800x128xf32, #tpu.memory_space<hbm>> -> memref<128x128xf32, #tpu.memory_space<hbm>>
          %dma_wait3A_368 = arith.constant 0 : i32
          %dma_wait3A_369 = arith.constant 0 : i32
          %dma_wait3A_370 = tpu.memref_slice %arg9[%rem3A_354, %dma_wait3A_368, %dma_wait3A_369] : memref<4x128x128xf32, #tpu.memory_space<vmem>> -> memref<1x128x128xf32, #tpu.memory_space<vmem>>
          %dma_wait3A_371 = tpu.memref_squeeze %dma_wait3A_370 : memref<1x128x128xf32, #tpu.memory_space<vmem>> -> memref<128x128xf32, #tpu.memory_space<vmem>>
          tpu.wait_dma2 semaphore(%dma_wait3A_365 : memref<!tpu.dma_semaphore, #tpu.memory_space<semaphore_mem>>) src(%dma_wait3A_371 : memref<128x128xf32, #tpu.memory_space<vmem>>) dst(%dma_wait3A_367 : memref<128x128xf32, #tpu.memory_space<hbm>>)
        } else {
        }
        %add3A_331 = arith.constant 1 : i32
        %add3A_332 = arith.addi %scan3A_203, %add3A_331 : i32
        %add3A_333 = arith.constant 200 : i32
        %add3A_334 = arith.addi %add3A_332, %add3A_333 : i32
        %rem3A_335 = arith.constant 4 : i32
        %rem3A_336 = arith.remsi %add3A_334, %rem3A_335 : i32
        %dma_start3A_337 = arith.constant 0 : i32
        %dma_start3A_338 = arith.constant 0 : i32
        %dma_start3A_339 = tpu.memref_slice %arg9[%rem3A_336, %dma_start3A_337, %dma_start3A_338] : memref<4x128x128xf32, #tpu.memory_space<vmem>> -> memref<1x128x128xf32, #tpu.memory_space<vmem>>
        %dma_start3A_340 = tpu.memref_squeeze %dma_start3A_339 : memref<1x128x128xf32, #tpu.memory_space<vmem>> -> memref<128x128xf32, #tpu.memory_space<vmem>>
        %dma_start3A_341 = arith.constant 0 : i32
        %dma_start3A_342 = tpu.memref_slice %arg7[%rem3A_336, %dma_start3A_341] : memref<4x128xi32, #tpu.memory_space<vmem>> -> memref<1x128xi32, #tpu.memory_space<vmem>>
        %dma_start3A_343 = tpu.memref_squeeze %dma_start3A_342 : memref<1x128xi32, #tpu.memory_space<vmem>> -> memref<128xi32, #tpu.memory_space<vmem>>
        %dma_start3A_344 = arith.constant 0 : i32
        %dma_start3A_345 = arith.constant 0 : i32
        %dma_start3A_346 = tpu.memref_slice %arg4[%dma_start3A_344, %dma_start3A_345] : memref<100000x128xf32, #tpu.memory_space<hbm>> -> memref<100000x128xf32, #tpu.memory_space<hbm>>
        %dma_start3A_347 = tpu.memref_slice %arg11[%rem3A_336] : memref<4x!tpu.dma_semaphore, #tpu.memory_space<semaphore_mem>> -> memref<1x!tpu.dma_semaphore, #tpu.memory_space<semaphore_mem>>
        %dma_start3A_348 = tpu.memref_squeeze %dma_start3A_347 : memref<1x!tpu.dma_semaphore, #tpu.memory_space<semaphore_mem>> -> memref<!tpu.dma_semaphore, #tpu.memory_space<semaphore_mem>>
        tpu.enqueue_indirect_dma source(%dma_start3A_346 : memref<100000x128xf32, #tpu.memory_space<hbm>>) target(%dma_start3A_340 : memref<128x128xf32, #tpu.memory_space<vmem>>) offsets(%dma_start3A_343 : memref<128xi32, #tpu.memory_space<vmem>>) semaphore(%dma_start3A_348 : memref<!tpu.dma_semaphore, #tpu.memory_space<semaphore_mem>>)
      } else {
      }
      %add3A_247 = arith.constant 200 : i32
      %add3A_248 = arith.addi %scan3A_203, %add3A_247 : i32
      %rem3A_249 = arith.constant 4 : i32
      %rem3A_250 = arith.remsi %add3A_248, %rem3A_249 : i32
      %dma_wait3A_251 = arith.constant 0 : i32
      %dma_wait3A_252 = arith.constant 0 : i32
      %dma_wait3A_253 = tpu.memref_slice %arg9[%rem3A_250, %dma_wait3A_251, %dma_wait3A_252] : memref<4x128x128xf32, #tpu.memory_space<vmem>> -> memref<1x128x128xf32, #tpu.memory_space<vmem>>
      %dma_wait3A_254 = tpu.memref_squeeze %dma_wait3A_253 : memref<1x128x128xf32, #tpu.memory_space<vmem>> -> memref<128x128xf32, #tpu.memory_space<vmem>>
      %dma_wait3A_255 = arith.constant 0 : i32
      %dma_wait3A_256 = tpu.memref_slice %arg8[%rem3A_250, %dma_wait3A_255] : memref<4x128xi32, #tpu.memory_space<vmem>> -> memref<1x128xi32, #tpu.memory_space<vmem>>
      %dma_wait3A_257 = tpu.memref_squeeze %dma_wait3A_256 : memref<1x128xi32, #tpu.memory_space<vmem>> -> memref<128xi32, #tpu.memory_space<vmem>>
      %dma_wait3A_258 = arith.constant 0 : i32
      %dma_wait3A_259 = arith.constant 0 : i32
      %dma_wait3A_260 = tpu.memref_slice %arg5[%dma_wait3A_258, %dma_wait3A_259] : memref<100000x128xf32, #tpu.memory_space<hbm>> -> memref<100000x128xf32, #tpu.memory_space<hbm>>
      %dma_wait3A_261 = tpu.memref_slice %arg12[%rem3A_250] : memref<4x!tpu.dma_semaphore, #tpu.memory_space<semaphore_mem>> -> memref<1x!tpu.dma_semaphore, #tpu.memory_space<semaphore_mem>>
      %dma_wait3A_262 = tpu.memref_squeeze %dma_wait3A_261 : memref<1x!tpu.dma_semaphore, #tpu.memory_space<semaphore_mem>> -> memref<!tpu.dma_semaphore, #tpu.memory_space<semaphore_mem>>
      tpu.wait_indirect_dma semaphore(%dma_wait3A_262 : memref<!tpu.dma_semaphore, #tpu.memory_space<semaphore_mem>>) src(%dma_wait3A_260 : memref<100000x128xf32, #tpu.memory_space<hbm>>) dst(%dma_wait3A_254 : memref<128x128xf32, #tpu.memory_space<vmem>>)
      %scan3A_263 = arith.constant 0 : i32
      %scan3A_264 = arith.constant 0 : i32
      %scan3A_265 = arith.constant 64 : i32
      %scan3A_266 = arith.addi %scan3A_264, %scan3A_265 : i32
      %scan3A_267 = arith.constant 1 : i32
      scf.for %scan3A_290 = %scan3A_264 to %scan3A_266 step %scan3A_267  : i32 {
        %mul3A_291 = arith.constant 2 : i32
        %mul3A_292 = arith.muli %scan3A_290, %mul3A_291 : i32
        %add3A_293 = arith.constant 0 : i32
        %add3A_294 = arith.addi %mul3A_292, %add3A_293 : i32
        %add3A_295 = arith.constant 200 : i32
        %add3A_296 = arith.addi %scan3A_203, %add3A_295 : i32
        %rem3A_297 = arith.constant 4 : i32
        %rem3A_298 = arith.remsi %add3A_296, %rem3A_297 : i32
        %get3A = arith.index_cast %rem3A_298 : i32 to index
        %get3A_299 = arith.index_cast %add3A_294 : i32 to index
        %get3A_300 = arith.constant 0 : index
        %get3A_301 = tpu.vector_load %arg9[%get3A, %get3A_299, %get3A_300] {strides = array<i32>} : memref<4x128x128xf32, #tpu.memory_space<vmem>>, vector<1x1x16xf32>,
        %get3A_302 = vector.shape_cast %get3A_301 : vector<1x1x16xf32> to vector<16xf32>
        %mul3A_303 = arith.constant 5.000000e-01 : f32
        %mul3A_304 = vector.broadcast %mul3A_303 : f32 to vector<16xf32>
        %mul3A_305 = arith.mulf %get3A_302, %mul3A_304 : vector<16xf32>
        %add3A_306 = arith.constant 2.500000e-01 : f32
        %add3A_307 = vector.broadcast %add3A_306 : f32 to vector<16xf32>
        %add3A_308 = arith.addf %mul3A_305, %add3A_307 : vector<16xf32>
        %add3A_309 = arith.constant 200 : i32
        %add3A_310 = arith.addi %scan3A_203, %add3A_309 : i32
        %rem3A_311 = arith.constant 4 : i32
        %rem3A_312 = arith.remsi %add3A_310, %rem3A_311 : i32
        %swap3A = arith.index_cast %rem3A_312 : i32 to index
        %swap3A_313 = arith.index_cast %add3A_294 : i32 to index
        %swap3A_314 = arith.constant 0 : index
        %swap3A_315 = tpu.vector_load %arg9[%swap3A, %swap3A_313, %swap3A_314] {strides = array<i32>} : memref<4x128x128xf32, #tpu.memory_space<vmem>>, vector<1x1x16xf32>,
        %swap3A_316 = vector.shape_cast %swap3A_315 : vector<1x1x16xf32> to vector<16xf32>
        %swap3A_317 = vector.shape_cast %add3A_308 : vector<16xf32> to vector<1x1x16xf32>
        tpu.vector_store %arg9[%swap3A, %swap3A_313, %swap3A_314], %swap3A_317 {strides = array<i32>} : memref<4x128x128xf32, #tpu.memory_space<vmem>>, vector<1x1x16xf32>,
        %add3A_318 = arith.constant 200 : i32
        %add3A_319 = arith.addi %scan3A_203, %add3A_318 : i32
        %rem3A_320 = arith.constant 4 : i32
        %rem3A_321 = arith.remsi %add3A_319, %rem3A_320 : i32
        %get3A_322 = arith.index_cast %rem3A_321 : i32 to index
        %get3A_323 = arith.index_cast %add3A_294 : i32 to index
        %get3A_324 = arith.constant 16 : index
        %get3A_325 = tpu.vector_load %arg9[%get3A_322, %get3A_323, %get3A_324] {strides = array<i32>} : memref<4x128x128xf32, #tpu.memory_space<vmem>>, vector<1x1x16xf32>,
        %get3A_326 = vector.shape_cast %get3A_325 : vector<1x1x16xf32> to vector<16xf32>
        %mul3A_327 = arith.constant 5.000000e-01 : f32
        %mul3A_328 = vector.broadcast %mul3A_327 : f32 to vector<16xf32>
        %mul3A_329 = arith.mulf %get3A_326, %mul3A_328 : vector<16xf32>
        %add3A_330 = arith.constant 2.500000e-01 : f32
        %add3A_331 = vector.broadcast %add3A_330 : f32 to vector<16xf32>
        %add3A_332 = arith.addf %mul3A_329, %add3A_331 : vector<16xf32>
        %add3A_333 = arith.constant 200 : i32
        %add3A_334 = arith.addi %scan3A_203, %add3A_333 : i32
        %rem3A_335 = arith.constant 4 : i32
        %rem3A_336 = arith.remsi %add3A_334, %rem3A_335 : i32
        %swap3A_337 = arith.index_cast %rem3A_336 : i32 to index
        %swap3A_338 = arith.index_cast %add3A_294 : i32 to index
        %swap3A_339 = arith.constant 16 : index
        %swap3A_340 = tpu.vector_load %arg9[%swap3A_337, %swap3A_338, %swap3A_339] {strides = array<i32>} : memref<4x128x128xf32, #tpu.memory_space<vmem>>, vector<1x1x16xf32>,
        %swap3A_341 = vector.shape_cast %swap3A_340 : vector<1x1x16xf32> to vector<16xf32>
        %swap3A_342 = vector.shape_cast %add3A_332 : vector<16xf32> to vector<1x1x16xf32>
        tpu.vector_store %arg9[%swap3A_337, %swap3A_338, %swap3A_339], %swap3A_342 {strides = array<i32>} : memref<4x128x128xf32, #tpu.memory_space<vmem>>, vector<1x1x16xf32>,
        %add3A_343 = arith.constant 200 : i32
        %add3A_344 = arith.addi %scan3A_203, %add3A_343 : i32
        %rem3A_345 = arith.constant 4 : i32
        %rem3A_346 = arith.remsi %add3A_344, %rem3A_345 : i32
        %get3A_347 = arith.index_cast %rem3A_346 : i32 to index
        %get3A_348 = arith.index_cast %add3A_294 : i32 to index
        %get3A_349 = arith.constant 32 : index
        %get3A_350 = tpu.vector_load %arg9[%get3A_347, %get3A_348, %get3A_349] {strides = array<i32>} : memref<4x128x128xf32, #tpu.memory_space<vmem>>, vector<1x1x16xf32>,
        %get3A_351 = vector.shape_cast %get3A_350 : vector<1x1x16xf32> to vector<16xf32>
        %mul3A_352 = arith.constant 5.000000e-01 : f32
        %mul3A_353 = vector.broadcast %mul3A_352 : f32 to vector<16xf32>
        %mul3A_354 = arith.mulf %get3A_351, %mul3A_353 : vector<16xf32>
        %add3A_355 = arith.constant 2.500000e-01 : f32
        %add3A_356 = vector.broadcast %add3A_355 : f32 to vector<16xf32>
        %add3A_357 = arith.addf %mul3A_354, %add3A_356 : vector<16xf32>
        %add3A_358 = arith.constant 200 : i32
        %add3A_359 = arith.addi %scan3A_203, %add3A_358 : i32
        %rem3A_360 = arith.constant 4 : i32
        %rem3A_361 = arith.remsi %add3A_359, %rem3A_360 : i32
        %swap3A_362 = arith.index_cast %rem3A_361 : i32 to index
        %swap3A_363 = arith.index_cast %add3A_294 : i32 to index
        %swap3A_364 = arith.constant 32 : index
        %swap3A_365 = tpu.vector_load %arg9[%swap3A_362, %swap3A_363, %swap3A_364] {strides = array<i32>} : memref<4x128x128xf32, #tpu.memory_space<vmem>>, vector<1x1x16xf32>,
        %swap3A_366 = vector.shape_cast %swap3A_365 : vector<1x1x16xf32> to vector<16xf32>
        %swap3A_367 = vector.shape_cast %add3A_357 : vector<16xf32> to vector<1x1x16xf32>
        tpu.vector_store %arg9[%swap3A_362, %swap3A_363, %swap3A_364], %swap3A_367 {strides = array<i32>} : memref<4x128x128xf32, #tpu.memory_space<vmem>>, vector<1x1x16xf32>,
        %add3A_368 = arith.constant 200 : i32
        %add3A_369 = arith.addi %scan3A_203, %add3A_368 : i32
        %rem3A_370 = arith.constant 4 : i32
        %rem3A_371 = arith.remsi %add3A_369, %rem3A_370 : i32
        %get3A_372 = arith.index_cast %rem3A_371 : i32 to index
        %get3A_373 = arith.index_cast %add3A_294 : i32 to index
        %get3A_374 = arith.constant 48 : index
        %get3A_375 = tpu.vector_load %arg9[%get3A_372, %get3A_373, %get3A_374] {strides = array<i32>} : memref<4x128x128xf32, #tpu.memory_space<vmem>>, vector<1x1x16xf32>,
        %get3A_376 = vector.shape_cast %get3A_375 : vector<1x1x16xf32> to vector<16xf32>
        %mul3A_377 = arith.constant 5.000000e-01 : f32
        %mul3A_378 = vector.broadcast %mul3A_377 : f32 to vector<16xf32>
        %mul3A_379 = arith.mulf %get3A_376, %mul3A_378 : vector<16xf32>
        %add3A_380 = arith.constant 2.500000e-01 : f32
        %add3A_381 = vector.broadcast %add3A_380 : f32 to vector<16xf32>
        %add3A_382 = arith.addf %mul3A_379, %add3A_381 : vector<16xf32>
        %add3A_383 = arith.constant 200 : i32
        %add3A_384 = arith.addi %scan3A_203, %add3A_383 : i32
        %rem3A_385 = arith.constant 4 : i32
        %rem3A_386 = arith.remsi %add3A_384, %rem3A_385 : i32
        %swap3A_387 = arith.index_cast %rem3A_386 : i32 to index
        %swap3A_388 = arith.index_cast %add3A_294 : i32 to index
        %swap3A_389 = arith.constant 48 : index
        %swap3A_390 = tpu.vector_load %arg9[%swap3A_387, %swap3A_388, %swap3A_389] {strides = array<i32>} : memref<4x128x128xf32, #tpu.memory_space<vmem>>, vector<1x1x16xf32>,
        %swap3A_391 = vector.shape_cast %swap3A_390 : vector<1x1x16xf32> to vector<16xf32>
        %swap3A_392 = vector.shape_cast %add3A_382 : vector<16xf32> to vector<1x1x16xf32>
        tpu.vector_store %arg9[%swap3A_387, %swap3A_388, %swap3A_389], %swap3A_392 {strides = array<i32>} : memref<4x128x128xf32, #tpu.memory_space<vmem>>, vector<1x1x16xf32>,
        %add3A_393 = arith.constant 200 : i32
        %add3A_394 = arith.addi %scan3A_203, %add3A_393 : i32
        %rem3A_395 = arith.constant 4 : i32
        %rem3A_396 = arith.remsi %add3A_394, %rem3A_395 : i32
        %get3A_397 = arith.index_cast %rem3A_396 : i32 to index
        %get3A_398 = arith.index_cast %add3A_294 : i32 to index
        %get3A_399 = arith.constant 64 : index
        %get3A_400 = tpu.vector_load %arg9[%get3A_397, %get3A_398, %get3A_399] {strides = array<i32>} : memref<4x128x128xf32, #tpu.memory_space<vmem>>, vector<1x1x16xf32>,
        %get3A_401 = vector.shape_cast %get3A_400 : vector<1x1x16xf32> to vector<16xf32>
        %mul3A_402 = arith.constant 5.000000e-01 : f32
        %mul3A_403 = vector.broadcast %mul3A_402 : f32 to vector<16xf32>
        %mul3A_404 = arith.mulf %get3A_401, %mul3A_403 : vector<16xf32>
        %add3A_405 = arith.constant 2.500000e-01 : f32
        %add3A_406 = vector.broadcast %add3A_405 : f32 to vector<16xf32>
        %add3A_407 = arith.addf %mul3A_404, %add3A_406 : vector<16xf32>
        %add3A_408 = arith.constant 200 : i32
        %add3A_409 = arith.addi %scan3A_203, %add3A_408 : i32
        %rem3A_410 = arith.constant 4 : i32
        %rem3A_411 = arith.remsi %add3A_409, %rem3A_410 : i32
        %swap3A_412 = arith.index_cast %rem3A_411 : i32 to index
        %swap3A_413 = arith.index_cast %add3A_294 : i32 to index
        %swap3A_414 = arith.constant 64 : index
        %swap3A_415 = tpu.vector_load %arg9[%swap3A_412, %swap3A_413, %swap3A_414] {strides = array<i32>} : memref<4x128x128xf32, #tpu.memory_space<vmem>>, vector<1x1x16xf32>,
        %swap3A_416 = vector.shape_cast %swap3A_415 : vector<1x1x16xf32> to vector<16xf32>
        %swap3A_417 = vector.shape_cast %add3A_407 : vector<16xf32> to vector<1x1x16xf32>
        tpu.vector_store %arg9[%swap3A_412, %swap3A_413, %swap3A_414], %swap3A_417 {strides = array<i32>} : memref<4x128x128xf32, #tpu.memory_space<vmem>>, vector<1x1x16xf32>,
        %add3A_418 = arith.constant 200 : i32
        %add3A_419 = arith.addi %scan3A_203, %add3A_418 : i32
        %rem3A_420 = arith.constant 4 : i32
        %rem3A_421 = arith.remsi %add3A_419, %rem3A_420 : i32
        %get3A_422 = arith.index_cast %rem3A_421 : i32 to index
        %get3A_423 = arith.index_cast %add3A_294 : i32 to index
        %get3A_424 = arith.constant 80 : index
        %get3A_425 = tpu.vector_load %arg9[%get3A_422, %get3A_423, %get3A_424] {strides = array<i32>} : memref<4x128x128xf32, #tpu.memory_space<vmem>>, vector<1x1x16xf32>,
        %get3A_426 = vector.shape_cast %get3A_425 : vector<1x1x16xf32> to vector<16xf32>
        %mul3A_427 = arith.constant 5.000000e-01 : f32
        %mul3A_428 = vector.broadcast %mul3A_427 : f32 to vector<16xf32>
        %mul3A_429 = arith.mulf %get3A_426, %mul3A_428 : vector<16xf32>
        %add3A_430 = arith.constant 2.500000e-01 : f32
        %add3A_431 = vector.broadcast %add3A_430 : f32 to vector<16xf32>
        %add3A_432 = arith.addf %mul3A_429, %add3A_431 : vector<16xf32>
        %add3A_433 = arith.constant 200 : i32
        %add3A_434 = arith.addi %scan3A_203, %add3A_433 : i32
        %rem3A_435 = arith.constant 4 : i32
        %rem3A_436 = arith.remsi %add3A_434, %rem3A_435 : i32
        %swap3A_437 = arith.index_cast %rem3A_436 : i32 to index
        %swap3A_438 = arith.index_cast %add3A_294 : i32 to index
        %swap3A_439 = arith.constant 80 : index
        %swap3A_440 = tpu.vector_load %arg9[%swap3A_437, %swap3A_438, %swap3A_439] {strides = array<i32>} : memref<4x128x128xf32, #tpu.memory_space<vmem>>, vector<1x1x16xf32>,
        %swap3A_441 = vector.shape_cast %swap3A_440 : vector<1x1x16xf32> to vector<16xf32>
        %swap3A_442 = vector.shape_cast %add3A_432 : vector<16xf32> to vector<1x1x16xf32>
        tpu.vector_store %arg9[%swap3A_437, %swap3A_438, %swap3A_439], %swap3A_442 {strides = array<i32>} : memref<4x128x128xf32, #tpu.memory_space<vmem>>, vector<1x1x16xf32>,
        %add3A_443 = arith.constant 200 : i32
        %add3A_444 = arith.addi %scan3A_203, %add3A_443 : i32
        %rem3A_445 = arith.constant 4 : i32
        %rem3A_446 = arith.remsi %add3A_444, %rem3A_445 : i32
        %get3A_447 = arith.index_cast %rem3A_446 : i32 to index
        %get3A_448 = arith.index_cast %add3A_294 : i32 to index
        %get3A_449 = arith.constant 96 : index
        %get3A_450 = tpu.vector_load %arg9[%get3A_447, %get3A_448, %get3A_449] {strides = array<i32>} : memref<4x128x128xf32, #tpu.memory_space<vmem>>, vector<1x1x16xf32>,
        %get3A_451 = vector.shape_cast %get3A_450 : vector<1x1x16xf32> to vector<16xf32>
        %mul3A_452 = arith.constant 5.000000e-01 : f32
        %mul3A_453 = vector.broadcast %mul3A_452 : f32 to vector<16xf32>
        %mul3A_454 = arith.mulf %get3A_451, %mul3A_453 : vector<16xf32>
        %add3A_455 = arith.constant 2.500000e-01 : f32
        %add3A_456 = vector.broadcast %add3A_455 : f32 to vector<16xf32>
        %add3A_457 = arith.addf %mul3A_454, %add3A_456 : vector<16xf32>
        %add3A_458 = arith.constant 200 : i32
        %add3A_459 = arith.addi %scan3A_203, %add3A_458 : i32
        %rem3A_460 = arith.constant 4 : i32
        %rem3A_461 = arith.remsi %add3A_459, %rem3A_460 : i32
        %swap3A_462 = arith.index_cast %rem3A_461 : i32 to index
        %swap3A_463 = arith.index_cast %add3A_294 : i32 to index
        %swap3A_464 = arith.constant 96 : index
        %swap3A_465 = tpu.vector_load %arg9[%swap3A_462, %swap3A_463, %swap3A_464] {strides = array<i32>} : memref<4x128x128xf32, #tpu.memory_space<vmem>>, vector<1x1x16xf32>,
        %swap3A_466 = vector.shape_cast %swap3A_465 : vector<1x1x16xf32> to vector<16xf32>
        %swap3A_467 = vector.shape_cast %add3A_457 : vector<16xf32> to vector<1x1x16xf32>
        tpu.vector_store %arg9[%swap3A_462, %swap3A_463, %swap3A_464], %swap3A_467 {strides = array<i32>} : memref<4x128x128xf32, #tpu.memory_space<vmem>>, vector<1x1x16xf32>,
        %add3A_468 = arith.constant 200 : i32
        %add3A_469 = arith.addi %scan3A_203, %add3A_468 : i32
        %rem3A_470 = arith.constant 4 : i32
        %rem3A_471 = arith.remsi %add3A_469, %rem3A_470 : i32
        %get3A_472 = arith.index_cast %rem3A_471 : i32 to index
        %get3A_473 = arith.index_cast %add3A_294 : i32 to index
        %get3A_474 = arith.constant 112 : index
        %get3A_475 = tpu.vector_load %arg9[%get3A_472, %get3A_473, %get3A_474] {strides = array<i32>} : memref<4x128x128xf32, #tpu.memory_space<vmem>>, vector<1x1x16xf32>,
        %get3A_476 = vector.shape_cast %get3A_475 : vector<1x1x16xf32> to vector<16xf32>
        %mul3A_477 = arith.constant 5.000000e-01 : f32
        %mul3A_478 = vector.broadcast %mul3A_477 : f32 to vector<16xf32>
        %mul3A_479 = arith.mulf %get3A_476, %mul3A_478 : vector<16xf32>
        %add3A_480 = arith.constant 2.500000e-01 : f32
        %add3A_481 = vector.broadcast %add3A_480 : f32 to vector<16xf32>
        %add3A_482 = arith.addf %mul3A_479, %add3A_481 : vector<16xf32>
        %add3A_483 = arith.constant 200 : i32
        %add3A_484 = arith.addi %scan3A_203, %add3A_483 : i32
        %rem3A_485 = arith.constant 4 : i32
        %rem3A_486 = arith.remsi %add3A_484, %rem3A_485 : i32
        %swap3A_487 = arith.index_cast %rem3A_486 : i32 to index
        %swap3A_488 = arith.index_cast %add3A_294 : i32 to index
        %swap3A_489 = arith.constant 112 : index
        %swap3A_490 = tpu.vector_load %arg9[%swap3A_487, %swap3A_488, %swap3A_489] {strides = array<i32>} : memref<4x128x128xf32, #tpu.memory_space<vmem>>, vector<1x1x16xf32>,
        %swap3A_491 = vector.shape_cast %swap3A_490 : vector<1x1x16xf32> to vector<16xf32>
        %swap3A_492 = vector.shape_cast %add3A_482 : vector<16xf32> to vector<1x1x16xf32>
        tpu.vector_store %arg9[%swap3A_487, %swap3A_488, %swap3A_489], %swap3A_492 {strides = array<i32>} : memref<4x128x128xf32, #tpu.memory_space<vmem>>, vector<1x1x16xf32>,
        %mul3A_493 = arith.constant 2 : i32
        %mul3A_494 = arith.muli %scan3A_290, %mul3A_493 : i32
        %add3A_495 = arith.constant 1 : i32
        %add3A_496 = arith.addi %mul3A_494, %add3A_495 : i32
        %add3A_497 = arith.constant 200 : i32
        %add3A_498 = arith.addi %scan3A_203, %add3A_497 : i32
        %rem3A_499 = arith.constant 4 : i32
        %rem3A_500 = arith.remsi %add3A_498, %rem3A_499 : i32
        %get3A_501 = arith.index_cast %rem3A_500 : i32 to index
        %get3A_502 = arith.index_cast %add3A_496 : i32 to index
        %get3A_503 = arith.constant 0 : index
        %get3A_504 = tpu.vector_load %arg9[%get3A_501, %get3A_502, %get3A_503] {strides = array<i32>} : memref<4x128x128xf32, #tpu.memory_space<vmem>>, vector<1x1x16xf32>,
        %get3A_505 = vector.shape_cast %get3A_504 : vector<1x1x16xf32> to vector<16xf32>
        %mul3A_506 = arith.constant 5.000000e-01 : f32
        %mul3A_507 = vector.broadcast %mul3A_506 : f32 to vector<16xf32>
        %mul3A_508 = arith.mulf %get3A_505, %mul3A_507 : vector<16xf32>
        %add3A_509 = arith.constant 2.500000e-01 : f32
        %add3A_510 = vector.broadcast %add3A_509 : f32 to vector<16xf32>
        %add3A_511 = arith.addf %mul3A_508, %add3A_510 : vector<16xf32>
        %add3A_512 = arith.constant 200 : i32
        %add3A_513 = arith.addi %scan3A_203, %add3A_512 : i32
        %rem3A_514 = arith.constant 4 : i32
        %rem3A_515 = arith.remsi %add3A_513, %rem3A_514 : i32
        %swap3A_516 = arith.index_cast %rem3A_515 : i32 to index
        %swap3A_517 = arith.index_cast %add3A_496 : i32 to index
        %swap3A_518 = arith.constant 0 : index
        %swap3A_519 = tpu.vector_load %arg9[%swap3A_516, %swap3A_517, %swap3A_518] {strides = array<i32>} : memref<4x128x128xf32, #tpu.memory_space<vmem>>, vector<1x1x16xf32>,
        %swap3A_520 = vector.shape_cast %swap3A_519 : vector<1x1x16xf32> to vector<16xf32>
        %swap3A_521 = vector.shape_cast %add3A_511 : vector<16xf32> to vector<1x1x16xf32>
        tpu.vector_store %arg9[%swap3A_516, %swap3A_517, %swap3A_518], %swap3A_521 {strides = array<i32>} : memref<4x128x128xf32, #tpu.memory_space<vmem>>, vector<1x1x16xf32>,
        %add3A_522 = arith.constant 200 : i32
        %add3A_523 = arith.addi %scan3A_203, %add3A_522 : i32
        %rem3A_524 = arith.constant 4 : i32
        %rem3A_525 = arith.remsi %add3A_523, %rem3A_524 : i32
        %get3A_526 = arith.index_cast %rem3A_525 : i32 to index
        %get3A_527 = arith.index_cast %add3A_496 : i32 to index
        %get3A_528 = arith.constant 16 : index
        %get3A_529 = tpu.vector_load %arg9[%get3A_526, %get3A_527, %get3A_528] {strides = array<i32>} : memref<4x128x128xf32, #tpu.memory_space<vmem>>, vector<1x1x16xf32>,
        %get3A_530 = vector.shape_cast %get3A_529 : vector<1x1x16xf32> to vector<16xf32>
        %mul3A_531 = arith.constant 5.000000e-01 : f32
        %mul3A_532 = vector.broadcast %mul3A_531 : f32 to vector<16xf32>
        %mul3A_533 = arith.mulf %get3A_530, %mul3A_532 : vector<16xf32>
        %add3A_534 = arith.constant 2.500000e-01 : f32
        %add3A_535 = vector.broadcast %add3A_534 : f32 to vector<16xf32>
        %add3A_536 = arith.addf %mul3A_533, %add3A_535 : vector<16xf32>
        %add3A_537 = arith.constant 200 : i32
        %add3A_538 = arith.addi %scan3A_203, %add3A_537 : i32
        %rem3A_539 = arith.constant 4 : i32
        %rem3A_540 = arith.remsi %add3A_538, %rem3A_539 : i32
        %swap3A_541 = arith.index_cast %rem3A_540 : i32 to index
        %swap3A_542 = arith.index_cast %add3A_496 : i32 to index
        %swap3A_543 = arith.constant 16 : index
        %swap3A_544 = tpu.vector_load %arg9[%swap3A_541, %swap3A_542, %swap3A_543] {strides = array<i32>} : memref<4x128x128xf32, #tpu.memory_space<vmem>>, vector<1x1x16xf32>,
        %swap3A_545 = vector.shape_cast %swap3A_544 : vector<1x1x16xf32> to vector<16xf32>
        %swap3A_546 = vector.shape_cast %add3A_536 : vector<16xf32> to vector<1x1x16xf32>
        tpu.vector_store %arg9[%swap3A_541, %swap3A_542, %swap3A_543], %swap3A_546 {strides = array<i32>} : memref<4x128x128xf32, #tpu.memory_space<vmem>>, vector<1x1x16xf32>,
        %add3A_547 = arith.constant 200 : i32
        %add3A_548 = arith.addi %scan3A_203, %add3A_547 : i32
        %rem3A_549 = arith.constant 4 : i32
        %rem3A_550 = arith.remsi %add3A_548, %rem3A_549 : i32
        %get3A_551 = arith.index_cast %rem3A_550 : i32 to index
        %get3A_552 = arith.index_cast %add3A_496 : i32 to index
        %get3A_553 = arith.constant 32 : index
        %get3A_554 = tpu.vector_load %arg9[%get3A_551, %get3A_552, %get3A_553] {strides = array<i32>} : memref<4x128x128xf32, #tpu.memory_space<vmem>>, vector<1x1x16xf32>,
        %get3A_555 = vector.shape_cast %get3A_554 : vector<1x1x16xf32> to vector<16xf32>
        %mul3A_556 = arith.constant 5.000000e-01 : f32
        %mul3A_557 = vector.broadcast %mul3A_556 : f32 to vector<16xf32>
        %mul3A_558 = arith.mulf %get3A_555, %mul3A_557 : vector<16xf32>
        %add3A_559 = arith.constant 2.500000e-01 : f32
        %add3A_560 = vector.broadcast %add3A_559 : f32 to vector<16xf32>
        %add3A_561 = arith.addf %mul3A_558, %add3A_560 : vector<16xf32>
        %add3A_562 = arith.constant 200 : i32
        %add3A_563 = arith.addi %scan3A_203, %add3A_562 : i32
        %rem3A_564 = arith.constant 4 : i32
        %rem3A_565 = arith.remsi %add3A_563, %rem3A_564 : i32
        %swap3A_566 = arith.index_cast %rem3A_565 : i32 to index
        %swap3A_567 = arith.index_cast %add3A_496 : i32 to index
        %swap3A_568 = arith.constant 32 : index
        %swap3A_569 = tpu.vector_load %arg9[%swap3A_566, %swap3A_567, %swap3A_568] {strides = array<i32>} : memref<4x128x128xf32, #tpu.memory_space<vmem>>, vector<1x1x16xf32>,
        %swap3A_570 = vector.shape_cast %swap3A_569 : vector<1x1x16xf32> to vector<16xf32>
        %swap3A_571 = vector.shape_cast %add3A_561 : vector<16xf32> to vector<1x1x16xf32>
        tpu.vector_store %arg9[%swap3A_566, %swap3A_567, %swap3A_568], %swap3A_571 {strides = array<i32>} : memref<4x128x128xf32, #tpu.memory_space<vmem>>, vector<1x1x16xf32>,
        %add3A_572 = arith.constant 200 : i32
        %add3A_573 = arith.addi %scan3A_203, %add3A_572 : i32
        %rem3A_574 = arith.constant 4 : i32
        %rem3A_575 = arith.remsi %add3A_573, %rem3A_574 : i32
        %get3A_576 = arith.index_cast %rem3A_575 : i32 to index
        %get3A_577 = arith.index_cast %add3A_496 : i32 to index
        %get3A_578 = arith.constant 48 : index
        %get3A_579 = tpu.vector_load %arg9[%get3A_576, %get3A_577, %get3A_578] {strides = array<i32>} : memref<4x128x128xf32, #tpu.memory_space<vmem>>, vector<1x1x16xf32>,
        %get3A_580 = vector.shape_cast %get3A_579 : vector<1x1x16xf32> to vector<16xf32>
        %mul3A_581 = arith.constant 5.000000e-01 : f32
        %mul3A_582 = vector.broadcast %mul3A_581 : f32 to vector<16xf32>
        %mul3A_583 = arith.mulf %get3A_580, %mul3A_582 : vector<16xf32>
        %add3A_584 = arith.constant 2.500000e-01 : f32
        %add3A_585 = vector.broadcast %add3A_584 : f32 to vector<16xf32>
        %add3A_586 = arith.addf %mul3A_583, %add3A_585 : vector<16xf32>
        %add3A_587 = arith.constant 200 : i32
        %add3A_588 = arith.addi %scan3A_203, %add3A_587 : i32
        %rem3A_589 = arith.constant 4 : i32
        %rem3A_590 = arith.remsi %add3A_588, %rem3A_589 : i32
        %swap3A_591 = arith.index_cast %rem3A_590 : i32 to index
        %swap3A_592 = arith.index_cast %add3A_496 : i32 to index
        %swap3A_593 = arith.constant 48 : index
        %swap3A_594 = tpu.vector_load %arg9[%swap3A_591, %swap3A_592, %swap3A_593] {strides = array<i32>} : memref<4x128x128xf32, #tpu.memory_space<vmem>>, vector<1x1x16xf32>,
        %swap3A_595 = vector.shape_cast %swap3A_594 : vector<1x1x16xf32> to vector<16xf32>
        %swap3A_596 = vector.shape_cast %add3A_586 : vector<16xf32> to vector<1x1x16xf32>
        tpu.vector_store %arg9[%swap3A_591, %swap3A_592, %swap3A_593], %swap3A_596 {strides = array<i32>} : memref<4x128x128xf32, #tpu.memory_space<vmem>>, vector<1x1x16xf32>,
        %add3A_597 = arith.constant 200 : i32
        %add3A_598 = arith.addi %scan3A_203, %add3A_597 : i32
        %rem3A_599 = arith.constant 4 : i32
        %rem3A_600 = arith.remsi %add3A_598, %rem3A_599 : i32
        %get3A_601 = arith.index_cast %rem3A_600 : i32 to index
        %get3A_602 = arith.index_cast %add3A_496 : i32 to index
        %get3A_603 = arith.constant 64 : index
        %get3A_604 = tpu.vector_load %arg9[%get3A_601, %get3A_602, %get3A_603] {strides = array<i32>} : memref<4x128x128xf32, #tpu.memory_space<vmem>>, vector<1x1x16xf32>,
        %get3A_605 = vector.shape_cast %get3A_604 : vector<1x1x16xf32> to vector<16xf32>
        %mul3A_606 = arith.constant 5.000000e-01 : f32
        %mul3A_607 = vector.broadcast %mul3A_606 : f32 to vector<16xf32>
        %mul3A_608 = arith.mulf %get3A_605, %mul3A_607 : vector<16xf32>
        %add3A_609 = arith.constant 2.500000e-01 : f32
        %add3A_610 = vector.broadcast %add3A_609 : f32 to vector<16xf32>
        %add3A_611 = arith.addf %mul3A_608, %add3A_610 : vector<16xf32>
        %add3A_612 = arith.constant 200 : i32
        %add3A_613 = arith.addi %scan3A_203, %add3A_612 : i32
        %rem3A_614 = arith.constant 4 : i32
        %rem3A_615 = arith.remsi %add3A_613, %rem3A_614 : i32
        %swap3A_616 = arith.index_cast %rem3A_615 : i32 to index
        %swap3A_617 = arith.index_cast %add3A_496 : i32 to index
        %swap3A_618 = arith.constant 64 : index
        %swap3A_619 = tpu.vector_load %arg9[%swap3A_616, %swap3A_617, %swap3A_618] {strides = array<i32>} : memref<4x128x128xf32, #tpu.memory_space<vmem>>, vector<1x1x16xf32>,
        %swap3A_620 = vector.shape_cast %swap3A_619 : vector<1x1x16xf32> to vector<16xf32>
        %swap3A_621 = vector.shape_cast %add3A_611 : vector<16xf32> to vector<1x1x16xf32>
        tpu.vector_store %arg9[%swap3A_616, %swap3A_617, %swap3A_618], %swap3A_621 {strides = array<i32>} : memref<4x128x128xf32, #tpu.memory_space<vmem>>, vector<1x1x16xf32>,
        %add3A_622 = arith.constant 200 : i32
        %add3A_623 = arith.addi %scan3A_203, %add3A_622 : i32
        %rem3A_624 = arith.constant 4 : i32
        %rem3A_625 = arith.remsi %add3A_623, %rem3A_624 : i32
        %get3A_626 = arith.index_cast %rem3A_625 : i32 to index
        %get3A_627 = arith.index_cast %add3A_496 : i32 to index
        %get3A_628 = arith.constant 80 : index
        %get3A_629 = tpu.vector_load %arg9[%get3A_626, %get3A_627, %get3A_628] {strides = array<i32>} : memref<4x128x128xf32, #tpu.memory_space<vmem>>, vector<1x1x16xf32>,
        %get3A_630 = vector.shape_cast %get3A_629 : vector<1x1x16xf32> to vector<16xf32>
        %mul3A_631 = arith.constant 5.000000e-01 : f32
        %mul3A_632 = vector.broadcast %mul3A_631 : f32 to vector<16xf32>
        %mul3A_633 = arith.mulf %get3A_630, %mul3A_632 : vector<16xf32>
        %add3A_634 = arith.constant 2.500000e-01 : f32
        %add3A_635 = vector.broadcast %add3A_634 : f32 to vector<16xf32>
        %add3A_636 = arith.addf %mul3A_633, %add3A_635 : vector<16xf32>
        %add3A_637 = arith.constant 200 : i32
        %add3A_638 = arith.addi %scan3A_203, %add3A_637 : i32
        %rem3A_639 = arith.constant 4 : i32
        %rem3A_640 = arith.remsi %add3A_638, %rem3A_639 : i32
        %swap3A_641 = arith.index_cast %rem3A_640 : i32 to index
        %swap3A_642 = arith.index_cast %add3A_496 : i32 to index
        %swap3A_643 = arith.constant 80 : index
        %swap3A_644 = tpu.vector_load %arg9[%swap3A_641, %swap3A_642, %swap3A_643] {strides = array<i32>} : memref<4x128x128xf32, #tpu.memory_space<vmem>>, vector<1x1x16xf32>,
        %swap3A_645 = vector.shape_cast %swap3A_644 : vector<1x1x16xf32> to vector<16xf32>
        %swap3A_646 = vector.shape_cast %add3A_636 : vector<16xf32> to vector<1x1x16xf32>
        tpu.vector_store %arg9[%swap3A_641, %swap3A_642, %swap3A_643], %swap3A_646 {strides = array<i32>} : memref<4x128x128xf32, #tpu.memory_space<vmem>>, vector<1x1x16xf32>,
        %add3A_647 = arith.constant 200 : i32
        %add3A_648 = arith.addi %scan3A_203, %add3A_647 : i32
        %rem3A_649 = arith.constant 4 : i32
        %rem3A_650 = arith.remsi %add3A_648, %rem3A_649 : i32
        %get3A_651 = arith.index_cast %rem3A_650 : i32 to index
        %get3A_652 = arith.index_cast %add3A_496 : i32 to index
        %get3A_653 = arith.constant 96 : index
        %get3A_654 = tpu.vector_load %arg9[%get3A_651, %get3A_652, %get3A_653] {strides = array<i32>} : memref<4x128x128xf32, #tpu.memory_space<vmem>>, vector<1x1x16xf32>,
        %get3A_655 = vector.shape_cast %get3A_654 : vector<1x1x16xf32> to vector<16xf32>
        %mul3A_656 = arith.constant 5.000000e-01 : f32
        %mul3A_657 = vector.broadcast %mul3A_656 : f32 to vector<16xf32>
        %mul3A_658 = arith.mulf %get3A_655, %mul3A_657 : vector<16xf32>
        %add3A_659 = arith.constant 2.500000e-01 : f32
        %add3A_660 = vector.broadcast %add3A_659 : f32 to vector<16xf32>
        %add3A_661 = arith.addf %mul3A_658, %add3A_660 : vector<16xf32>
        %add3A_662 = arith.constant 200 : i32
        %add3A_663 = arith.addi %scan3A_203, %add3A_662 : i32
        %rem3A_664 = arith.constant 4 : i32
        %rem3A_665 = arith.remsi %add3A_663, %rem3A_664 : i32
        %swap3A_666 = arith.index_cast %rem3A_665 : i32 to index
        %swap3A_667 = arith.index_cast %add3A_496 : i32 to index
        %swap3A_668 = arith.constant 96 : index
        %swap3A_669 = tpu.vector_load %arg9[%swap3A_666, %swap3A_667, %swap3A_668] {strides = array<i32>} : memref<4x128x128xf32, #tpu.memory_space<vmem>>, vector<1x1x16xf32>,
        %swap3A_670 = vector.shape_cast %swap3A_669 : vector<1x1x16xf32> to vector<16xf32>
        %swap3A_671 = vector.shape_cast %add3A_661 : vector<16xf32> to vector<1x1x16xf32>
        tpu.vector_store %arg9[%swap3A_666, %swap3A_667, %swap3A_668], %swap3A_671 {strides = array<i32>} : memref<4x128x128xf32, #tpu.memory_space<vmem>>, vector<1x1x16xf32>,
        %add3A_672 = arith.constant 200 : i32
        %add3A_673 = arith.addi %scan3A_203, %add3A_672 : i32
        %rem3A_674 = arith.constant 4 : i32
        %rem3A_675 = arith.remsi %add3A_673, %rem3A_674 : i32
        %get3A_676 = arith.index_cast %rem3A_675 : i32 to index
        %get3A_677 = arith.index_cast %add3A_496 : i32 to index
        %get3A_678 = arith.constant 112 : index
        %get3A_679 = tpu.vector_load %arg9[%get3A_676, %get3A_677, %get3A_678] {strides = array<i32>} : memref<4x128x128xf32, #tpu.memory_space<vmem>>, vector<1x1x16xf32>,
        %get3A_680 = vector.shape_cast %get3A_679 : vector<1x1x16xf32> to vector<16xf32>
        %mul3A_681 = arith.constant 5.000000e-01 : f32
        %mul3A_682 = vector.broadcast %mul3A_681 : f32 to vector<16xf32>
        %mul3A_683 = arith.mulf %get3A_680, %mul3A_682 : vector<16xf32>
        %add3A_684 = arith.constant 2.500000e-01 : f32
        %add3A_685 = vector.broadcast %add3A_684 : f32 to vector<16xf32>
        %add3A_686 = arith.addf %mul3A_683, %add3A_685 : vector<16xf32>
        %add3A_687 = arith.constant 200 : i32
        %add3A_688 = arith.addi %scan3A_203, %add3A_687 : i32
        %rem3A_689 = arith.constant 4 : i32
        %rem3A_690 = arith.remsi %add3A_688, %rem3A_689 : i32
        %swap3A_691 = arith.index_cast %rem3A_690 : i32 to index
        %swap3A_692 = arith.index_cast %add3A_496 : i32 to index
        %swap3A_693 = arith.constant 112 : index
        %swap3A_694 = tpu.vector_load %arg9[%swap3A_691, %swap3A_692, %swap3A_693] {strides = array<i32>} : memref<4x128x128xf32, #tpu.memory_space<vmem>>, vector<1x1x16xf32>,
        %swap3A_695 = vector.shape_cast %swap3A_694 : vector<1x1x16xf32> to vector<16xf32>
        %swap3A_696 = vector.shape_cast %add3A_686 : vector<16xf32> to vector<1x1x16xf32>
        tpu.vector_store %arg9[%swap3A_691, %swap3A_692, %swap3A_693], %swap3A_696 {strides = array<i32>} : memref<4x128x128xf32, #tpu.memory_space<vmem>>, vector<1x1x16xf32>,
      }
      %scan3A_268 = arith.constant 64 : i32
      %add3A_269 = arith.constant 200 : i32
      %add3A_270 = arith.addi %scan3A_203, %add3A_269 : i32
      %rem3A_271 = arith.constant 4 : i32
      %rem3A_272 = arith.remsi %add3A_270, %rem3A_271 : i32
      %mul3A_273 = arith.constant 128 : i32
      %mul3A_274 = arith.muli %scan3A_203, %mul3A_273 : i32
      %add3A_275 = arith.addi %mul3A_4, %mul3A_274 : i32
      %dma_start3A_276 = arith.constant 0 : i32
      %dma_start3A_277 = arith.constant 0 : i32
      %dma_start3A_278 = tpu.memref_slice %arg9[%rem3A_272, %dma_start3A_276, %dma_start3A_277] : memref<4x128x128xf32, #tpu.memory_space<vmem>> -> memref<1x128x128xf32, #tpu.memory_space<vmem>>
      %dma_start3A_279 = tpu.memref_squeeze %dma_start3A_278 : memref<1x128x128xf32, #tpu.memory_space<vmem>> -> memref<128x128xf32, #tpu.memory_space<vmem>>
      %dma_start3A_280 = arith.constant 0 : i32
      %dma_start3A_281 = tpu.memref_slice %arg6[%add3A_275, %dma_start3A_280] : memref<204800x128xf32, #tpu.memory_space<hbm>> -> memref<128x128xf32, #tpu.memory_space<hbm>>
      %dma_start3A_282 = tpu.memref_slice %arg13[%rem3A_272] : memref<4x!tpu.dma_semaphore, #tpu.memory_space<semaphore_mem>> -> memref<1x!tpu.dma_semaphore, #tpu.memory_space<semaphore_mem>>
      %dma_start3A_283 = tpu.memref_squeeze %dma_start3A_282 : memref<1x!tpu.dma_semaphore, #tpu.memory_space<semaphore_mem>> -> memref<!tpu.dma_semaphore, #tpu.memory_space<semaphore_mem>>
      %dma_start3A_284 = arith.constant 0 : i32
      %dma_start3A_285 = tpu.memref_slice %arg6[%add3A_275, %dma_start3A_284] : memref<204800x128xf32, #tpu.memory_space<hbm>> -> memref<128x128xf32, #tpu.memory_space<hbm>>
      %dma_start3A_286 = arith.constant 0 : i32
      %dma_start3A_287 = arith.constant 0 : i32
      %dma_start3A_288 = tpu.memref_slice %arg9[%rem3A_272, %dma_start3A_286, %dma_start3A_287] : memref<4x128x128xf32, #tpu.memory_space<vmem>> -> memref<1x128x128xf32, #tpu.memory_space<vmem>>
      %dma_start3A_289 = tpu.memref_squeeze %dma_start3A_288 : memref<1x128x128xf32, #tpu.memory_space<vmem>> -> memref<128x128xf32, #tpu.memory_space<vmem>>
      tpu.enqueue_dma source(%dma_start3A_289 : memref<128x128xf32, #tpu.memory_space<vmem>>) target(%dma_start3A_285 : memref<128x128xf32, #tpu.memory_space<hbm>>) target_semaphore(%dma_start3A_283 : memref<!tpu.dma_semaphore, #tpu.memory_space<semaphore_mem>>)
    }
    %scan3A_126 = arith.constant 50 : i32
    %rem3A_127 = arith.constant 246 : i32
    %rem3A_128 = arith.constant 4 : i32
    %rem3A_129 = arith.remsi %rem3A_127, %rem3A_128 : i32
    %add3A_130 = arith.constant 5888 : i32
    %add3A_131 = arith.addi %mul3A_4, %add3A_130 : i32
    %dma_wait3A_132 = arith.constant 0 : i32
    %dma_wait3A_133 = arith.constant 0 : i32
    %dma_wait3A_134 = tpu.memref_slice %arg9[%rem3A_129, %dma_wait3A_132, %dma_wait3A_133] : memref<4x128x128xf32, #tpu.memory_space<vmem>> -> memref<1x128x128xf32, #tpu.memory_space<vmem>>
    %dma_wait3A_135 = tpu.memref_squeeze %dma_wait3A_134 : memref<1x128x128xf32, #tpu.memory_space<vmem>> -> memref<128x128xf32, #tpu.memory_space<vmem>>
    %dma_wait3A_136 = arith.constant 0 : i32
    %dma_wait3A_137 = tpu.memref_slice %arg6[%add3A_131, %dma_wait3A_136] : memref<204800x128xf32, #tpu.memory_space<hbm>> -> memref<128x128xf32, #tpu.memory_space<hbm>>
    %dma_wait3A_138 = tpu.memref_slice %arg13[%rem3A_129] : memref<4x!tpu.dma_semaphore, #tpu.memory_space<semaphore_mem>> -> memref<1x!tpu.dma_semaphore, #tpu.memory_space<semaphore_mem>>
    %dma_wait3A_139 = tpu.memref_squeeze %dma_wait3A_138 : memref<1x!tpu.dma_semaphore, #tpu.memory_space<semaphore_mem>> -> memref<!tpu.dma_semaphore, #tpu.memory_space<semaphore_mem>>
    %dma_wait3A_140 = arith.constant 0 : i32
    %dma_wait3A_141 = tpu.memref_slice %arg6[%add3A_131, %dma_wait3A_140] : memref<204800x128xf32, #tpu.memory_space<hbm>> -> memref<128x128xf32, #tpu.memory_space<hbm>>
    %dma_wait3A_142 = arith.constant 0 : i32
    %dma_wait3A_143 = arith.constant 0 : i32
    %dma_wait3A_144 = tpu.memref_slice %arg9[%rem3A_129, %dma_wait3A_142, %dma_wait3A_143] : memref<4x128x128xf32, #tpu.memory_space<vmem>> -> memref<1x128x128xf32, #tpu.memory_space<vmem>>
    %dma_wait3A_145 = tpu.memref_squeeze %dma_wait3A_144 : memref<1x128x128xf32, #tpu.memory_space<vmem>> -> memref<128x128xf32, #tpu.memory_space<vmem>>
    tpu.wait_dma2 semaphore(%dma_wait3A_139 : memref<!tpu.dma_semaphore, #tpu.memory_space<semaphore_mem>>) src(%dma_wait3A_145 : memref<128x128xf32, #tpu.memory_space<vmem>>) dst(%dma_wait3A_141 : memref<128x128xf32, #tpu.memory_space<hbm>>)
    %rem3A_146 = arith.constant 247 : i32
    %rem3A_147 = arith.constant 4 : i32
    %rem3A_148 = arith.remsi %rem3A_146, %rem3A_147 : i32
    %add3A_149 = arith.constant 6016 : i32
    %add3A_150 = arith.addi %mul3A_4, %add3A_149 : i32
    %dma_wait3A_151 = arith.constant 0 : i32
    %dma_wait3A_152 = arith.constant 0 : i32
    %dma_wait3A_153 = tpu.memref_slice %arg9[%rem3A_148, %dma_wait3A_151, %dma_wait3A_152] : memref<4x128x128xf32, #tpu.memory_space<vmem>> -> memref<1x128x128xf32, #tpu.memory_space<vmem>>
    %dma_wait3A_154 = tpu.memref_squeeze %dma_wait3A_153 : memref<1x128x128xf32, #tpu.memory_space<vmem>> -> memref<128x128xf32, #tpu.memory_space<vmem>>
    %dma_wait3A_155 = arith.constant 0 : i32
    %dma_wait3A_156 = tpu.memref_slice %arg6[%add3A_150, %dma_wait3A_155] : memref<204800x128xf32, #tpu.memory_space<hbm>> -> memref<128x128xf32, #tpu.memory_space<hbm>>
    %dma_wait3A_157 = tpu.memref_slice %arg13[%rem3A_148] : memref<4x!tpu.dma_semaphore, #tpu.memory_space<semaphore_mem>> -> memref<1x!tpu.dma_semaphore, #tpu.memory_space<semaphore_mem>>
    %dma_wait3A_158 = tpu.memref_squeeze %dma_wait3A_157 : memref<1x!tpu.dma_semaphore, #tpu.memory_space<semaphore_mem>> -> memref<!tpu.dma_semaphore, #tpu.memory_space<semaphore_mem>>
    %dma_wait3A_159 = arith.constant 0 : i32
    %dma_wait3A_160 = tpu.memref_slice %arg6[%add3A_150, %dma_wait3A_159] : memref<204800x128xf32, #tpu.memory_space<hbm>> -> memref<128x128xf32, #tpu.memory_space<hbm>>
    %dma_wait3A_161 = arith.constant 0 : i32
    %dma_wait3A_162 = arith.constant 0 : i32
    %dma_wait3A_163 = tpu.memref_slice %arg9[%rem3A_148, %dma_wait3A_161, %dma_wait3A_162] : memref<4x128x128xf32, #tpu.memory_space<vmem>> -> memref<1x128x128xf32, #tpu.memory_space<vmem>>
    %dma_wait3A_164 = tpu.memref_squeeze %dma_wait3A_163 : memref<1x128x128xf32, #tpu.memory_space<vmem>> -> memref<128x128xf32, #tpu.memory_space<vmem>>
    tpu.wait_dma2 semaphore(%dma_wait3A_158 : memref<!tpu.dma_semaphore, #tpu.memory_space<semaphore_mem>>) src(%dma_wait3A_164 : memref<128x128xf32, #tpu.memory_space<vmem>>) dst(%dma_wait3A_160 : memref<128x128xf32, #tpu.memory_space<hbm>>)
    %rem3A_165 = arith.constant 248 : i32
    %rem3A_166 = arith.constant 4 : i32
    %rem3A_167 = arith.remsi %rem3A_165, %rem3A_166 : i32
    %add3A_168 = arith.constant 6144 : i32
    %add3A_169 = arith.addi %mul3A_4, %add3A_168 : i32
    %dma_wait3A_170 = arith.constant 0 : i32
    %dma_wait3A_171 = arith.constant 0 : i32
    %dma_wait3A_172 = tpu.memref_slice %arg9[%rem3A_167, %dma_wait3A_170, %dma_wait3A_171] : memref<4x128x128xf32, #tpu.memory_space<vmem>> -> memref<1x128x128xf32, #tpu.memory_space<vmem>>
    %dma_wait3A_173 = tpu.memref_squeeze %dma_wait3A_172 : memref<1x128x128xf32, #tpu.memory_space<vmem>> -> memref<128x128xf32, #tpu.memory_space<vmem>>
    %dma_wait3A_174 = arith.constant 0 : i32
    %dma_wait3A_175 = tpu.memref_slice %arg6[%add3A_169, %dma_wait3A_174] : memref<204800x128xf32, #tpu.memory_space<hbm>> -> memref<128x128xf32, #tpu.memory_space<hbm>>
    %dma_wait3A_176 = tpu.memref_slice %arg13[%rem3A_167] : memref<4x!tpu.dma_semaphore, #tpu.memory_space<semaphore_mem>> -> memref<1x!tpu.dma_semaphore, #tpu.memory_space<semaphore_mem>>
    %dma_wait3A_177 = tpu.memref_squeeze %dma_wait3A_176 : memref<1x!tpu.dma_semaphore, #tpu.memory_space<semaphore_mem>> -> memref<!tpu.dma_semaphore, #tpu.memory_space<semaphore_mem>>
    %dma_wait3A_178 = arith.constant 0 : i32
    %dma_wait3A_179 = tpu.memref_slice %arg6[%add3A_169, %dma_wait3A_178] : memref<204800x128xf32, #tpu.memory_space<hbm>> -> memref<128x128xf32, #tpu.memory_space<hbm>>
    %dma_wait3A_180 = arith.constant 0 : i32
    %dma_wait3A_181 = arith.constant 0 : i32
    %dma_wait3A_182 = tpu.memref_slice %arg9[%rem3A_167, %dma_wait3A_180, %dma_wait3A_181] : memref<4x128x128xf32, #tpu.memory_space<vmem>> -> memref<1x128x128xf32, #tpu.memory_space<vmem>>
    %dma_wait3A_183 = tpu.memref_squeeze %dma_wait3A_182 : memref<1x128x128xf32, #tpu.memory_space<vmem>> -> memref<128x128xf32, #tpu.memory_space<vmem>>
    tpu.wait_dma2 semaphore(%dma_wait3A_177 : memref<!tpu.dma_semaphore, #tpu.memory_space<semaphore_mem>>) src(%dma_wait3A_183 : memref<128x128xf32, #tpu.memory_space<vmem>>) dst(%dma_wait3A_179 : memref<128x128xf32, #tpu.memory_space<hbm>>)
    %rem3A_184 = arith.constant 249 : i32
    %rem3A_185 = arith.constant 4 : i32
    %rem3A_186 = arith.remsi %rem3A_184, %rem3A_185 : i32
    %add3A_187 = arith.constant 6272 : i32
    %add3A_188 = arith.addi %mul3A_4, %add3A_187 : i32
    %dma_wait3A_189 = arith.constant 0 : i32
    %dma_wait3A_190 = arith.constant 0 : i32
    %dma_wait3A_191 = tpu.memref_slice %arg9[%rem3A_186, %dma_wait3A_189, %dma_wait3A_190] : memref<4x128x128xf32, #tpu.memory_space<vmem>> -> memref<1x128x128xf32, #tpu.memory_space<vmem>>
    %dma_wait3A_192 = tpu.memref_squeeze %dma_wait3A_191 : memref<1x128x128xf32, #tpu.memory_space<vmem>> -> memref<128x128xf32, #tpu.memory_space<vmem>>
    %dma_wait3A_193 = arith.constant 0 : i32
    %dma_wait3A_194 = tpu.memref_slice %arg6[%add3A_188, %dma_wait3A_193] : memref<204800x128xf32, #tpu.memory_space<hbm>> -> memref<128x128xf32, #tpu.memory_space<hbm>>
    %dma_wait3A_195 = tpu.memref_slice %arg13[%rem3A_186] : memref<4x!tpu.dma_semaphore, #tpu.memory_space<semaphore_mem>> -> memref<1x!tpu.dma_semaphore, #tpu.memory_space<semaphore_mem>>
    %dma_wait3A_196 = tpu.memref_squeeze %dma_wait3A_195 : memref<1x!tpu.dma_semaphore, #tpu.memory_space<semaphore_mem>> -> memref<!tpu.dma_semaphore, #tpu.memory_space<semaphore_mem>>
    %dma_wait3A_197 = arith.constant 0 : i32
    %dma_wait3A_198 = tpu.memref_slice %arg6[%add3A_188, %dma_wait3A_197] : memref<204800x128xf32, #tpu.memory_space<hbm>> -> memref<128x128xf32, #tpu.memory_space<hbm>>
    %dma_wait3A_199 = arith.constant 0 : i32
    %dma_wait3A_200 = arith.constant 0 : i32
    %dma_wait3A_201 = tpu.memref_slice %arg9[%rem3A_186, %dma_wait3A_199, %dma_wait3A_200] : memref<4x128x128xf32, #tpu.memory_space<vmem>> -> memref<1x128x128xf32, #tpu.memory_space<vmem>>
    %dma_wait3A_202 = tpu.memref_squeeze %dma_wait3A_201 : memref<1x128x128xf32, #tpu.memory_space<vmem>> -> memref<128x128xf32, #tpu.memory_space<vmem>>
    tpu.wait_dma2 semaphore(%dma_wait3A_196 : memref<!tpu.dma_semaphore, #tpu.memory_space<semaphore_mem>>) src(%dma_wait3A_202 : memref<128x128xf32, #tpu.memory_space<vmem>>) dst(%dma_wait3A_198 : memref<128x128xf32, #tpu.memory_space<hbm>>)
    return
  }
}

#map = affine_map<(d0, d1) -> (0, 0)>
module attributes {stable_mosaic.version = 14 : i64} {
  func.func @k(%arg0: i32, %arg1: i32, %arg2: memref<1600x128xi32, #tpu.memory_space<hbm>>, %arg3: memref<1600x128xi32, #tpu.memory_space<hbm>>, %arg4: memref<100000x128xf32, #tpu.memory_space<hbm>>, %arg5: memref<100000x128xf32, #tpu.memory_space<hbm>>, %arg6: memref<204800x128xf32, #tpu.memory_space<hbm>>, %arg7: memref<4x128xi32, #tpu.memory_space<vmem>>, %arg8: memref<4x128xi32, #tpu.memory_space<vmem>>, %arg9: memref<4x128x128xf32, #tpu.memory_space<vmem>>, %arg10: memref<4x!tpu.dma_semaphore, #tpu.memory_space<semaphore_mem>>, %arg11: memref<4x!tpu.dma_semaphore, #tpu.memory_space<semaphore_mem>>, %arg12: memref<4x!tpu.dma_semaphore, #tpu.memory_space<semaphore_mem>>, %arg13: memref<4x!tpu.dma_semaphore, #tpu.memory_space<semaphore_mem>>) attributes {dimension_semantics = [#tpu.dimension_semantics<core_parallel>, #tpu.dimension_semantics<subcore_parallel>], iteration_bounds = array<i64: 2, 16>, scalar_prefetch = 0 : i64, scratch_operands = 7 : i64, tpu.core_type = #tpu.core_type<sc_vector_subcore>, window_params = [{transform_indices = #map}, {transform_indices = #map}, {transform_indices = #map}, {transform_indices = #map}, {transform_indices = #map}]} {
    %mul3A = arith.constant 2 : i32
    %mul3A_0 = arith.muli %arg1, %mul3A : i32
    %add3A = arith.addi %mul3A_0, %arg0 : i32
    %mul3A_1 = arith.constant 50 : i32
    %mul3A_2 = arith.muli %add3A, %mul3A_1 : i32
    %mul3A_3 = arith.constant 6400 : i32
    %mul3A_4 = arith.muli %add3A, %mul3A_3 : i32
    %rem3A = arith.constant 200 : i32
    %rem3A_5 = arith.constant 4 : i32
    %rem3A_6 = arith.remsi %rem3A, %rem3A_5 : i32
    %add3A_7 = arith.constant 0 : i32
    %add3A_8 = arith.addi %mul3A_2, %add3A_7 : i32
    %add3A_9 = arith.constant 0 : i32
    %add3A_10 = arith.addi %mul3A_2, %add3A_9 : i32
    %dma_start3A = arith.constant 0 : i32
    %dma_start3A_11 = tpu.memref_slice %arg7[%rem3A_6, %dma_start3A] : memref<4x128xi32, #tpu.memory_space<vmem>> -> memref<1x128xi32, #tpu.memory_space<vmem>>
    %dma_start3A_12 = tpu.memref_squeeze %dma_start3A_11 : memref<1x128xi32, #tpu.memory_space<vmem>> -> memref<128xi32, #tpu.memory_space<vmem>>
    %dma_start3A_13 = arith.constant 0 : i32
    %dma_start3A_14 = tpu.memref_slice %arg2[%add3A_8, %dma_start3A_13] : memref<1600x128xi32, #tpu.memory_space<hbm>> -> memref<1x128xi32, #tpu.memory_space<hbm>>
    %dma_start3A_15 = tpu.memref_squeeze %dma_start3A_14 : memref<1x128xi32, #tpu.memory_space<hbm>> -> memref<128xi32, #tpu.memory_space<hbm>>
    %dma_start3A_16 = tpu.memref_slice %arg10[%rem3A_6] : memref<4x!tpu.dma_semaphore, #tpu.memory_space<semaphore_mem>> -> memref<1x!tpu.dma_semaphore, #tpu.memory_space<semaphore_mem>>
    %dma_start3A_17 = tpu.memref_squeeze %dma_start3A_16 : memref<1x!tpu.dma_semaphore, #tpu.memory_space<semaphore_mem>> -> memref<!tpu.dma_semaphore, #tpu.memory_space<semaphore_mem>>
    %dma_start3A_18 = arith.constant 0 : i32
    %dma_start3A_19 = tpu.memref_slice %arg7[%rem3A_6, %dma_start3A_18] : memref<4x128xi32, #tpu.memory_space<vmem>> -> memref<1x128xi32, #tpu.memory_space<vmem>>
    %dma_start3A_20 = tpu.memref_squeeze %dma_start3A_19 : memref<1x128xi32, #tpu.memory_space<vmem>> -> memref<128xi32, #tpu.memory_space<vmem>>
    %dma_start3A_21 = arith.constant 0 : i32
    %dma_start3A_22 = tpu.memref_slice %arg2[%add3A_8, %dma_start3A_21] : memref<1600x128xi32, #tpu.memory_space<hbm>> -> memref<1x128xi32, #tpu.memory_space<hbm>>
    %dma_start3A_23 = tpu.memref_squeeze %dma_start3A_22 : memref<1x128xi32, #tpu.memory_space<hbm>> -> memref<128xi32, #tpu.memory_space<hbm>>
    tpu.enqueue_dma source(%dma_start3A_23 : memref<128xi32, #tpu.memory_space<hbm>>) target(%dma_start3A_20 : memref<128xi32, #tpu.memory_space<vmem>>) target_semaphore(%dma_start3A_17 : memref<!tpu.dma_semaphore, #tpu.memory_space<semaphore_mem>>)
    %dma_start3A_24 = arith.constant 0 : i32
    %dma_start3A_25 = tpu.memref_slice %arg8[%rem3A_6, %dma_start3A_24] : memref<4x128xi32, #tpu.memory_space<vmem>> -> memref<1x128xi32, #tpu.memory_space<vmem>>
    %dma_start3A_26 = tpu.memref_squeeze %dma_start3A_25 : memref<1x128xi32, #tpu.memory_space<vmem>> -> memref<128xi32, #tpu.memory_space<vmem>>
    %dma_start3A_27 = arith.constant 0 : i32
    %dma_start3A_28 = tpu.memref_slice %arg3[%add3A_10, %dma_start3A_27] : memref<1600x128xi32, #tpu.memory_space<hbm>> -> memref<1x128xi32, #tpu.memory_space<hbm>>
    %dma_start3A_29 = tpu.memref_squeeze %dma_start3A_28 : memref<1x128xi32, #tpu.memory_space<hbm>> -> memref<128xi32, #tpu.memory_space<hbm>>
    %dma_start3A_30 = tpu.memref_slice %arg10[%rem3A_6] : memref<4x!tpu.dma_semaphore, #tpu.memory_space<semaphore_mem>> -> memref<1x!tpu.dma_semaphore, #tpu.memory_space<semaphore_mem>>
    %dma_start3A_31 = tpu.memref_squeeze %dma_start3A_30 : memref<1x!tpu.dma_semaphore, #tpu.memory_space<semaphore_mem>> -> memref<!tpu.dma_semaphore, #tpu.memory_space<semaphore_mem>>
    %dma_start3A_32 = arith.constant 0 : i32
    %dma_start3A_33 = tpu.memref_slice %arg8[%rem3A_6, %dma_start3A_32] : memref<4x128xi32, #tpu.memory_space<vmem>> -> memref<1x128xi32, #tpu.memory_space<vmem>>
    %dma_start3A_34 = tpu.memref_squeeze %dma_start3A_33 : memref<1x128xi32, #tpu.memory_space<vmem>> -> memref<128xi32, #tpu.memory_space<vmem>>
    %dma_start3A_35 = arith.constant 0 : i32
    %dma_start3A_36 = tpu.memref_slice %arg3[%add3A_10, %dma_start3A_35] : memref<1600x128xi32, #tpu.memory_space<hbm>> -> memref<1x128xi32, #tpu.memory_space<hbm>>
    %dma_start3A_37 = tpu.memref_squeeze %dma_start3A_36 : memref<1x128xi32, #tpu.memory_space<hbm>> -> memref<128xi32, #tpu.memory_space<hbm>>
    tpu.enqueue_dma source(%dma_start3A_37 : memref<128xi32, #tpu.memory_space<hbm>>) target(%dma_start3A_34 : memref<128xi32, #tpu.memory_space<vmem>>) target_semaphore(%dma_start3A_31 : memref<!tpu.dma_semaphore, #tpu.memory_space<semaphore_mem>>)
    %rem3A_38 = arith.constant 201 : i32
    %rem3A_39 = arith.constant 4 : i32
    %rem3A_40 = arith.remsi %rem3A_38, %rem3A_39 : i32
    %add3A_41 = arith.constant 1 : i32
    %add3A_42 = arith.addi %mul3A_2, %add3A_41 : i32
    %add3A_43 = arith.constant 1 : i32
    %add3A_44 = arith.addi %mul3A_2, %add3A_43 : i32
    %dma_start3A_45 = arith.constant 0 : i32
    %dma_start3A_46 = tpu.memref_slice %arg7[%rem3A_40, %dma_start3A_45] : memref<4x128xi32, #tpu.memory_space<vmem>> -> memref<1x128xi32, #tpu.memory_space<vmem>>
    %dma_start3A_47 = tpu.memref_squeeze %dma_start3A_46 : memref<1x128xi32, #tpu.memory_space<vmem>> -> memref<128xi32, #tpu.memory_space<vmem>>
    %dma_start3A_48 = arith.constant 0 : i32
    %dma_start3A_49 = tpu.memref_slice %arg2[%add3A_42, %dma_start3A_48] : memref<1600x128xi32, #tpu.memory_space<hbm>> -> memref<1x128xi32, #tpu.memory_space<hbm>>
    %dma_start3A_50 = tpu.memref_squeeze %dma_start3A_49 : memref<1x128xi32, #tpu.memory_space<hbm>> -> memref<128xi32, #tpu.memory_space<hbm>>
    %dma_start3A_51 = tpu.memref_slice %arg10[%rem3A_40] : memref<4x!tpu.dma_semaphore, #tpu.memory_space<semaphore_mem>> -> memref<1x!tpu.dma_semaphore, #tpu.memory_space<semaphore_mem>>
    %dma_start3A_52 = tpu.memref_squeeze %dma_start3A_51 : memref<1x!tpu.dma_semaphore, #tpu.memory_space<semaphore_mem>> -> memref<!tpu.dma_semaphore, #tpu.memory_space<semaphore_mem>>
    %dma_start3A_53 = arith.constant 0 : i32
    %dma_start3A_54 = tpu.memref_slice %arg7[%rem3A_40, %dma_start3A_53] : memref<4x128xi32, #tpu.memory_space<vmem>> -> memref<1x128xi32, #tpu.memory_space<vmem>>
    %dma_start3A_55 = tpu.memref_squeeze %dma_start3A_54 : memref<1x128xi32, #tpu.memory_space<vmem>> -> memref<128xi32, #tpu.memory_space<vmem>>
    %dma_start3A_56 = arith.constant 0 : i32
    %dma_start3A_57 = tpu.memref_slice %arg2[%add3A_42, %dma_start3A_56] : memref<1600x128xi32, #tpu.memory_space<hbm>> -> memref<1x128xi32, #tpu.memory_space<hbm>>
    %dma_start3A_58 = tpu.memref_squeeze %dma_start3A_57 : memref<1x128xi32, #tpu.memory_space<hbm>> -> memref<128xi32, #tpu.memory_space<hbm>>
    tpu.enqueue_dma source(%dma_start3A_58 : memref<128xi32, #tpu.memory_space<hbm>>) target(%dma_start3A_55 : memref<128xi32, #tpu.memory_space<vmem>>) target_semaphore(%dma_start3A_52 : memref<!tpu.dma_semaphore, #tpu.memory_space<semaphore_mem>>)
    %dma_start3A_59 = arith.constant 0 : i32
    %dma_start3A_60 = tpu.memref_slice %arg8[%rem3A_40, %dma_start3A_59] : memref<4x128xi32, #tpu.memory_space<vmem>> -> memref<1x128xi32, #tpu.memory_space<vmem>>
    %dma_start3A_61 = tpu.memref_squeeze %dma_start3A_60 : memref<1x128xi32, #tpu.memory_space<vmem>> -> memref<128xi32, #tpu.memory_space<vmem>>
    %dma_start3A_62 = arith.constant 0 : i32
    %dma_start3A_63 = tpu.memref_slice %arg3[%add3A_44, %dma_start3A_62] : memref<1600x128xi32, #tpu.memory_space<hbm>> -> memref<1x128xi32, #tpu.memory_space<hbm>>
    %dma_start3A_64 = tpu.memref_squeeze %dma_start3A_63 : memref<1x128xi32, #tpu.memory_space<hbm>> -> memref<128xi32, #tpu.memory_space<hbm>>
    %dma_start3A_65 = tpu.memref_slice %arg10[%rem3A_40] : memref<4x!tpu.dma_semaphore, #tpu.memory_space<semaphore_mem>> -> memref<1x!tpu.dma_semaphore, #tpu.memory_space<semaphore_mem>>
    %dma_start3A_66 = tpu.memref_squeeze %dma_start3A_65 : memref<1x!tpu.dma_semaphore, #tpu.memory_space<semaphore_mem>> -> memref<!tpu.dma_semaphore, #tpu.memory_space<semaphore_mem>>
    %dma_start3A_67 = arith.constant 0 : i32
    %dma_start3A_68 = tpu.memref_slice %arg8[%rem3A_40, %dma_start3A_67] : memref<4x128xi32, #tpu.memory_space<vmem>> -> memref<1x128xi32, #tpu.memory_space<vmem>>
    %dma_start3A_69 = tpu.memref_squeeze %dma_start3A_68 : memref<1x128xi32, #tpu.memory_space<vmem>> -> memref<128xi32, #tpu.memory_space<vmem>>
    %dma_start3A_70 = arith.constant 0 : i32
    %dma_start3A_71 = tpu.memref_slice %arg3[%add3A_44, %dma_start3A_70] : memref<1600x128xi32, #tpu.memory_space<hbm>> -> memref<1x128xi32, #tpu.memory_space<hbm>>
    %dma_start3A_72 = tpu.memref_squeeze %dma_start3A_71 : memref<1x128xi32, #tpu.memory_space<hbm>> -> memref<128xi32, #tpu.memory_space<hbm>>
    tpu.enqueue_dma source(%dma_start3A_72 : memref<128xi32, #tpu.memory_space<hbm>>) target(%dma_start3A_69 : memref<128xi32, #tpu.memory_space<vmem>>) target_semaphore(%dma_start3A_66 : memref<!tpu.dma_semaphore, #tpu.memory_space<semaphore_mem>>)
    %rem3A_73 = arith.constant 200 : i32
    %rem3A_74 = arith.constant 4 : i32
    %rem3A_75 = arith.remsi %rem3A_73, %rem3A_74 : i32
    %add3A_76 = arith.constant 0 : i32
    %add3A_77 = arith.addi %mul3A_2, %add3A_76 : i32
    %add3A_78 = arith.constant 0 : i32
    %add3A_79 = arith.addi %mul3A_2, %add3A_78 : i32
    %dma_wait3A = arith.constant 0 : i32
    %dma_wait3A_80 = tpu.memref_slice %arg7[%rem3A_75, %dma_wait3A] : memref<4x128xi32, #tpu.memory_space<vmem>> -> memref<1x128xi32, #tpu.memory_space<vmem>>
    %dma_wait3A_81 = tpu.memref_squeeze %dma_wait3A_80 : memref<1x128xi32, #tpu.memory_space<vmem>> -> memref<128xi32, #tpu.memory_space<vmem>>
    %dma_wait3A_82 = arith.constant 0 : i32
    %dma_wait3A_83 = tpu.memref_slice %arg2[%add3A_77, %dma_wait3A_82] : memref<1600x128xi32, #tpu.memory_space<hbm>> -> memref<1x128xi32, #tpu.memory_space<hbm>>
    %dma_wait3A_84 = tpu.memref_squeeze %dma_wait3A_83 : memref<1x128xi32, #tpu.memory_space<hbm>> -> memref<128xi32, #tpu.memory_space<hbm>>
    %dma_wait3A_85 = tpu.memref_slice %arg10[%rem3A_75] : memref<4x!tpu.dma_semaphore, #tpu.memory_space<semaphore_mem>> -> memref<1x!tpu.dma_semaphore, #tpu.memory_space<semaphore_mem>>
    %dma_wait3A_86 = tpu.memref_squeeze %dma_wait3A_85 : memref<1x!tpu.dma_semaphore, #tpu.memory_space<semaphore_mem>> -> memref<!tpu.dma_semaphore, #tpu.memory_space<semaphore_mem>>
    %dma_wait3A_87 = arith.constant 0 : i32
    %dma_wait3A_88 = tpu.memref_slice %arg7[%rem3A_75, %dma_wait3A_87] : memref<4x128xi32, #tpu.memory_space<vmem>> -> memref<1x128xi32, #tpu.memory_space<vmem>>
    %dma_wait3A_89 = tpu.memref_squeeze %dma_wait3A_88 : memref<1x128xi32, #tpu.memory_space<vmem>> -> memref<128xi32, #tpu.memory_space<vmem>>
    %dma_wait3A_90 = arith.constant 0 : i32
    %dma_wait3A_91 = tpu.memref_slice %arg2[%add3A_77, %dma_wait3A_90] : memref<1600x128xi32, #tpu.memory_space<hbm>> -> memref<1x128xi32, #tpu.memory_space<hbm>>
    %dma_wait3A_92 = tpu.memref_squeeze %dma_wait3A_91 : memref<1x128xi32, #tpu.memory_space<hbm>> -> memref<128xi32, #tpu.memory_space<hbm>>
    tpu.wait_dma2 semaphore(%dma_wait3A_86 : memref<!tpu.dma_semaphore, #tpu.memory_space<semaphore_mem>>) src(%dma_wait3A_92 : memref<128xi32, #tpu.memory_space<hbm>>) dst(%dma_wait3A_89 : memref<128xi32, #tpu.memory_space<vmem>>)
    %dma_wait3A_93 = arith.constant 0 : i32
    %dma_wait3A_94 = tpu.memref_slice %arg8[%rem3A_75, %dma_wait3A_93] : memref<4x128xi32, #tpu.memory_space<vmem>> -> memref<1x128xi32, #tpu.memory_space<vmem>>
    %dma_wait3A_95 = tpu.memref_squeeze %dma_wait3A_94 : memref<1x128xi32, #tpu.memory_space<vmem>> -> memref<128xi32, #tpu.memory_space<vmem>>
    %dma_wait3A_96 = arith.constant 0 : i32
    %dma_wait3A_97 = tpu.memref_slice %arg3[%add3A_79, %dma_wait3A_96] : memref<1600x128xi32, #tpu.memory_space<hbm>> -> memref<1x128xi32, #tpu.memory_space<hbm>>
    %dma_wait3A_98 = tpu.memref_squeeze %dma_wait3A_97 : memref<1x128xi32, #tpu.memory_space<hbm>> -> memref<128xi32, #tpu.memory_space<hbm>>
    %dma_wait3A_99 = tpu.memref_slice %arg10[%rem3A_75] : memref<4x!tpu.dma_semaphore, #tpu.memory_space<semaphore_mem>> -> memref<1x!tpu.dma_semaphore, #tpu.memory_space<semaphore_mem>>
    %dma_wait3A_100 = tpu.memref_squeeze %dma_wait3A_99 : memref<1x!tpu.dma_semaphore, #tpu.memory_space<semaphore_mem>> -> memref<!tpu.dma_semaphore, #tpu.memory_space<semaphore_mem>>
    %dma_wait3A_101 = arith.constant 0 : i32
    %dma_wait3A_102 = tpu.memref_slice %arg8[%rem3A_75, %dma_wait3A_101] : memref<4x128xi32, #tpu.memory_space<vmem>> -> memref<1x128xi32, #tpu.memory_space<vmem>>
    %dma_wait3A_103 = tpu.memref_squeeze %dma_wait3A_102 : memref<1x128xi32, #tpu.memory_space<vmem>> -> memref<128xi32, #tpu.memory_space<vmem>>
    %dma_wait3A_104 = arith.constant 0 : i32
    %dma_wait3A_105 = tpu.memref_slice %arg3[%add3A_79, %dma_wait3A_104] : memref<1600x128xi32, #tpu.memory_space<hbm>> -> memref<1x128xi32, #tpu.memory_space<hbm>>
    %dma_wait3A_106 = tpu.memref_squeeze %dma_wait3A_105 : memref<1x128xi32, #tpu.memory_space<hbm>> -> memref<128xi32, #tpu.memory_space<hbm>>
    tpu.wait_dma2 semaphore(%dma_wait3A_100 : memref<!tpu.dma_semaphore, #tpu.memory_space<semaphore_mem>>) src(%dma_wait3A_106 : memref<128xi32, #tpu.memory_space<hbm>>) dst(%dma_wait3A_103 : memref<128xi32, #tpu.memory_space<vmem>>)
    %rem3A_107 = arith.constant 200 : i32
    %rem3A_108 = arith.constant 4 : i32
    %rem3A_109 = arith.remsi %rem3A_107, %rem3A_108 : i32
    %dma_start3A_110 = arith.constant 0 : i32
    %dma_start3A_111 = arith.constant 0 : i32
    %dma_start3A_112 = tpu.memref_slice %arg9[%rem3A_109, %dma_start3A_110, %dma_start3A_111] : memref<4x128x128xf32, #tpu.memory_space<vmem>> -> memref<1x128x128xf32, #tpu.memory_space<vmem>>
    %dma_start3A_113 = tpu.memref_squeeze %dma_start3A_112 : memref<1x128x128xf32, #tpu.memory_space<vmem>> -> memref<128x128xf32, #tpu.memory_space<vmem>>
    %dma_start3A_114 = arith.constant 0 : i32
    %dma_start3A_115 = tpu.memref_slice %arg7[%rem3A_109, %dma_start3A_114] : memref<4x128xi32, #tpu.memory_space<vmem>> -> memref<1x128xi32, #tpu.memory_space<vmem>>
    %dma_start3A_116 = tpu.memref_squeeze %dma_start3A_115 : memref<1x128xi32, #tpu.memory_space<vmem>> -> memref<128xi32, #tpu.memory_space<vmem>>
    %dma_start3A_117 = arith.constant 0 : i32
    %dma_start3A_118 = arith.constant 0 : i32
    %dma_start3A_119 = tpu.memref_slice %arg4[%dma_start3A_117, %dma_start3A_118] : memref<100000x128xf32, #tpu.memory_space<hbm>> -> memref<100000x128xf32, #tpu.memory_space<hbm>>
    %dma_start3A_120 = tpu.memref_slice %arg11[%rem3A_109] : memref<4x!tpu.dma_semaphore, #tpu.memory_space<semaphore_mem>> -> memref<1x!tpu.dma_semaphore, #tpu.memory_space<semaphore_mem>>
    %dma_start3A_121 = tpu.memref_squeeze %dma_start3A_120 : memref<1x!tpu.dma_semaphore, #tpu.memory_space<semaphore_mem>> -> memref<!tpu.dma_semaphore, #tpu.memory_space<semaphore_mem>>
    tpu.enqueue_indirect_dma source(%dma_start3A_119 : memref<100000x128xf32, #tpu.memory_space<hbm>>) target(%dma_start3A_113 : memref<128x128xf32, #tpu.memory_space<vmem>>) offsets(%dma_start3A_116 : memref<128xi32, #tpu.memory_space<vmem>>) semaphore(%dma_start3A_121 : memref<!tpu.dma_semaphore, #tpu.memory_space<semaphore_mem>>)
    %scan3A = arith.constant 0 : i32
    %scan3A_122 = arith.constant 0 : i32
    %scan3A_123 = arith.constant 50 : i32
    %scan3A_124 = arith.addi %scan3A_122, %scan3A_123 : i32
    %scan3A_125 = arith.constant 1 : i32
    scf.for %scan3A_203 = %scan3A_122 to %scan3A_124 step %scan3A_125  : i32 {
      %add3A_204 = arith.constant 2 : i32
      %add3A_205 = arith.addi %scan3A_203, %add3A_204 : i32
      %lt3A = arith.constant 50 : i32
      %lt3A_206 = arith.cmpi slt, %add3A_205, %lt3A : i32
      %convert_element_type3A = arith.extui %lt3A_206 : i1 to i32
      %cond3A = arith.constant 0 : i32
      %cond3A_207 = arith.cmpi ne, %convert_element_type3A, %cond3A : i32
      scf.if %cond3A_207 {
        %add3A_290 = arith.constant 2 : i32
        %add3A_291 = arith.addi %scan3A_203, %add3A_290 : i32
        %add3A_292 = arith.constant 200 : i32
        %add3A_293 = arith.addi %add3A_291, %add3A_292 : i32
        %rem3A_294 = arith.constant 4 : i32
        %rem3A_295 = arith.remsi %add3A_293, %rem3A_294 : i32
        %add3A_296 = arith.addi %mul3A_2, %add3A_291 : i32
        %add3A_297 = arith.addi %mul3A_2, %add3A_291 : i32
        %dma_start3A_298 = arith.constant 0 : i32
        %dma_start3A_299 = tpu.memref_slice %arg7[%rem3A_295, %dma_start3A_298] : memref<4x128xi32, #tpu.memory_space<vmem>> -> memref<1x128xi32, #tpu.memory_space<vmem>>
        %dma_start3A_300 = tpu.memref_squeeze %dma_start3A_299 : memref<1x128xi32, #tpu.memory_space<vmem>> -> memref<128xi32, #tpu.memory_space<vmem>>
        %dma_start3A_301 = arith.constant 0 : i32
        %dma_start3A_302 = tpu.memref_slice %arg2[%add3A_296, %dma_start3A_301] : memref<1600x128xi32, #tpu.memory_space<hbm>> -> memref<1x128xi32, #tpu.memory_space<hbm>>
        %dma_start3A_303 = tpu.memref_squeeze %dma_start3A_302 : memref<1x128xi32, #tpu.memory_space<hbm>> -> memref<128xi32, #tpu.memory_space<hbm>>
        %dma_start3A_304 = tpu.memref_slice %arg10[%rem3A_295] : memref<4x!tpu.dma_semaphore, #tpu.memory_space<semaphore_mem>> -> memref<1x!tpu.dma_semaphore, #tpu.memory_space<semaphore_mem>>
        %dma_start3A_305 = tpu.memref_squeeze %dma_start3A_304 : memref<1x!tpu.dma_semaphore, #tpu.memory_space<semaphore_mem>> -> memref<!tpu.dma_semaphore, #tpu.memory_space<semaphore_mem>>
        %dma_start3A_306 = arith.constant 0 : i32
        %dma_start3A_307 = tpu.memref_slice %arg7[%rem3A_295, %dma_start3A_306] : memref<4x128xi32, #tpu.memory_space<vmem>> -> memref<1x128xi32, #tpu.memory_space<vmem>>
        %dma_start3A_308 = tpu.memref_squeeze %dma_start3A_307 : memref<1x128xi32, #tpu.memory_space<vmem>> -> memref<128xi32, #tpu.memory_space<vmem>>
        %dma_start3A_309 = arith.constant 0 : i32
        %dma_start3A_310 = tpu.memref_slice %arg2[%add3A_296, %dma_start3A_309] : memref<1600x128xi32, #tpu.memory_space<hbm>> -> memref<1x128xi32, #tpu.memory_space<hbm>>
        %dma_start3A_311 = tpu.memref_squeeze %dma_start3A_310 : memref<1x128xi32, #tpu.memory_space<hbm>> -> memref<128xi32, #tpu.memory_space<hbm>>
        tpu.enqueue_dma source(%dma_start3A_311 : memref<128xi32, #tpu.memory_space<hbm>>) target(%dma_start3A_308 : memref<128xi32, #tpu.memory_space<vmem>>) target_semaphore(%dma_start3A_305 : memref<!tpu.dma_semaphore, #tpu.memory_space<semaphore_mem>>)
        %dma_start3A_312 = arith.constant 0 : i32
        %dma_start3A_313 = tpu.memref_slice %arg8[%rem3A_295, %dma_start3A_312] : memref<4x128xi32, #tpu.memory_space<vmem>> -> memref<1x128xi32, #tpu.memory_space<vmem>>
        %dma_start3A_314 = tpu.memref_squeeze %dma_start3A_313 : memref<1x128xi32, #tpu.memory_space<vmem>> -> memref<128xi32, #tpu.memory_space<vmem>>
        %dma_start3A_315 = arith.constant 0 : i32
        %dma_start3A_316 = tpu.memref_slice %arg3[%add3A_297, %dma_start3A_315] : memref<1600x128xi32, #tpu.memory_space<hbm>> -> memref<1x128xi32, #tpu.memory_space<hbm>>
        %dma_start3A_317 = tpu.memref_squeeze %dma_start3A_316 : memref<1x128xi32, #tpu.memory_space<hbm>> -> memref<128xi32, #tpu.memory_space<hbm>>
        %dma_start3A_318 = tpu.memref_slice %arg10[%rem3A_295] : memref<4x!tpu.dma_semaphore, #tpu.memory_space<semaphore_mem>> -> memref<1x!tpu.dma_semaphore, #tpu.memory_space<semaphore_mem>>
        %dma_start3A_319 = tpu.memref_squeeze %dma_start3A_318 : memref<1x!tpu.dma_semaphore, #tpu.memory_space<semaphore_mem>> -> memref<!tpu.dma_semaphore, #tpu.memory_space<semaphore_mem>>
        %dma_start3A_320 = arith.constant 0 : i32
        %dma_start3A_321 = tpu.memref_slice %arg8[%rem3A_295, %dma_start3A_320] : memref<4x128xi32, #tpu.memory_space<vmem>> -> memref<1x128xi32, #tpu.memory_space<vmem>>
        %dma_start3A_322 = tpu.memref_squeeze %dma_start3A_321 : memref<1x128xi32, #tpu.memory_space<vmem>> -> memref<128xi32, #tpu.memory_space<vmem>>
        %dma_start3A_323 = arith.constant 0 : i32
        %dma_start3A_324 = tpu.memref_slice %arg3[%add3A_297, %dma_start3A_323] : memref<1600x128xi32, #tpu.memory_space<hbm>> -> memref<1x128xi32, #tpu.memory_space<hbm>>
        %dma_start3A_325 = tpu.memref_squeeze %dma_start3A_324 : memref<1x128xi32, #tpu.memory_space<hbm>> -> memref<128xi32, #tpu.memory_space<hbm>>
        tpu.enqueue_dma source(%dma_start3A_325 : memref<128xi32, #tpu.memory_space<hbm>>) target(%dma_start3A_322 : memref<128xi32, #tpu.memory_space<vmem>>) target_semaphore(%dma_start3A_319 : memref<!tpu.dma_semaphore, #tpu.memory_space<semaphore_mem>>)
      } else {
      }
      %add3A_208 = arith.constant 200 : i32
      %add3A_209 = arith.addi %scan3A_203, %add3A_208 : i32
      %rem3A_210 = arith.constant 4 : i32
      %rem3A_211 = arith.remsi %add3A_209, %rem3A_210 : i32
      %dma_wait3A_212 = arith.constant 0 : i32
      %dma_wait3A_213 = arith.constant 0 : i32
      %dma_wait3A_214 = tpu.memref_slice %arg9[%rem3A_211, %dma_wait3A_212, %dma_wait3A_213] : memref<4x128x128xf32, #tpu.memory_space<vmem>> -> memref<1x128x128xf32, #tpu.memory_space<vmem>>
      %dma_wait3A_215 = tpu.memref_squeeze %dma_wait3A_214 : memref<1x128x128xf32, #tpu.memory_space<vmem>> -> memref<128x128xf32, #tpu.memory_space<vmem>>
      %dma_wait3A_216 = arith.constant 0 : i32
      %dma_wait3A_217 = tpu.memref_slice %arg7[%rem3A_211, %dma_wait3A_216] : memref<4x128xi32, #tpu.memory_space<vmem>> -> memref<1x128xi32, #tpu.memory_space<vmem>>
      %dma_wait3A_218 = tpu.memref_squeeze %dma_wait3A_217 : memref<1x128xi32, #tpu.memory_space<vmem>> -> memref<128xi32, #tpu.memory_space<vmem>>
      %dma_wait3A_219 = arith.constant 0 : i32
      %dma_wait3A_220 = arith.constant 0 : i32
      %dma_wait3A_221 = tpu.memref_slice %arg4[%dma_wait3A_219, %dma_wait3A_220] : memref<100000x128xf32, #tpu.memory_space<hbm>> -> memref<100000x128xf32, #tpu.memory_space<hbm>>
      %dma_wait3A_222 = tpu.memref_slice %arg11[%rem3A_211] : memref<4x!tpu.dma_semaphore, #tpu.memory_space<semaphore_mem>> -> memref<1x!tpu.dma_semaphore, #tpu.memory_space<semaphore_mem>>
      %dma_wait3A_223 = tpu.memref_squeeze %dma_wait3A_222 : memref<1x!tpu.dma_semaphore, #tpu.memory_space<semaphore_mem>> -> memref<!tpu.dma_semaphore, #tpu.memory_space<semaphore_mem>>
      tpu.wait_indirect_dma semaphore(%dma_wait3A_223 : memref<!tpu.dma_semaphore, #tpu.memory_space<semaphore_mem>>) src(%dma_wait3A_221 : memref<100000x128xf32, #tpu.memory_space<hbm>>) dst(%dma_wait3A_215 : memref<128x128xf32, #tpu.memory_space<vmem>>)
      %add3A_224 = arith.constant 200 : i32
      %add3A_225 = arith.addi %scan3A_203, %add3A_224 : i32
      %rem3A_226 = arith.constant 4 : i32
      %rem3A_227 = arith.remsi %add3A_225, %rem3A_226 : i32
      %dma_start3A_228 = arith.constant 0 : i32
      %dma_start3A_229 = arith.constant 0 : i32
      %dma_start3A_230 = tpu.memref_slice %arg9[%rem3A_227, %dma_start3A_228, %dma_start3A_229] : memref<4x128x128xf32, #tpu.memory_space<vmem>> -> memref<1x128x128xf32, #tpu.memory_space<vmem>>
      %dma_start3A_231 = tpu.memref_squeeze %dma_start3A_230 : memref<1x128x128xf32, #tpu.memory_space<vmem>> -> memref<128x128xf32, #tpu.memory_space<vmem>>
      %dma_start3A_232 = arith.constant 0 : i32
      %dma_start3A_233 = tpu.memref_slice %arg8[%rem3A_227, %dma_start3A_232] : memref<4x128xi32, #tpu.memory_space<vmem>> -> memref<1x128xi32, #tpu.memory_space<vmem>>
      %dma_start3A_234 = tpu.memref_squeeze %dma_start3A_233 : memref<1x128xi32, #tpu.memory_space<vmem>> -> memref<128xi32, #tpu.memory_space<vmem>>
      %dma_start3A_235 = arith.constant 0 : i32
      %dma_start3A_236 = arith.constant 0 : i32
      %dma_start3A_237 = tpu.memref_slice %arg5[%dma_start3A_235, %dma_start3A_236] : memref<100000x128xf32, #tpu.memory_space<hbm>> -> memref<100000x128xf32, #tpu.memory_space<hbm>>
      %dma_start3A_238 = tpu.memref_slice %arg12[%rem3A_227] : memref<4x!tpu.dma_semaphore, #tpu.memory_space<semaphore_mem>> -> memref<1x!tpu.dma_semaphore, #tpu.memory_space<semaphore_mem>>
      %dma_start3A_239 = tpu.memref_squeeze %dma_start3A_238 : memref<1x!tpu.dma_semaphore, #tpu.memory_space<semaphore_mem>> -> memref<!tpu.dma_semaphore, #tpu.memory_space<semaphore_mem>>
      tpu.enqueue_indirect_dma source(%dma_start3A_237 : memref<100000x128xf32, #tpu.memory_space<hbm>>) target(%dma_start3A_231 : memref<128x128xf32, #tpu.memory_space<vmem>>) offsets(%dma_start3A_234 : memref<128xi32, #tpu.memory_space<vmem>>) semaphore(%dma_start3A_239 : memref<!tpu.dma_semaphore, #tpu.memory_space<semaphore_mem>>) {add = true}
      %add3A_240 = arith.constant 1 : i32
      %add3A_241 = arith.addi %scan3A_203, %add3A_240 : i32
      %lt3A_242 = arith.constant 50 : i32
      %lt3A_243 = arith.cmpi slt, %add3A_241, %lt3A_242 : i32
      %convert_element_type3A_244 = arith.extui %lt3A_243 : i1 to i32
      %cond3A_245 = arith.constant 0 : i32
      %cond3A_246 = arith.cmpi ne, %convert_element_type3A_244, %cond3A_245 : i32
      scf.if %cond3A_246 {
        %add3A_290 = arith.constant 1 : i32
        %add3A_291 = arith.addi %scan3A_203, %add3A_290 : i32
        %add3A_292 = arith.constant 200 : i32
        %add3A_293 = arith.addi %add3A_291, %add3A_292 : i32
        %rem3A_294 = arith.constant 4 : i32
        %rem3A_295 = arith.remsi %add3A_293, %rem3A_294 : i32
        %add3A_296 = arith.addi %mul3A_2, %add3A_291 : i32
        %add3A_297 = arith.addi %mul3A_2, %add3A_291 : i32
        %dma_wait3A_298 = arith.constant 0 : i32
        %dma_wait3A_299 = tpu.memref_slice %arg7[%rem3A_295, %dma_wait3A_298] : memref<4x128xi32, #tpu.memory_space<vmem>> -> memref<1x128xi32, #tpu.memory_space<vmem>>
        %dma_wait3A_300 = tpu.memref_squeeze %dma_wait3A_299 : memref<1x128xi32, #tpu.memory_space<vmem>> -> memref<128xi32, #tpu.memory_space<vmem>>
        %dma_wait3A_301 = arith.constant 0 : i32
        %dma_wait3A_302 = tpu.memref_slice %arg2[%add3A_296, %dma_wait3A_301] : memref<1600x128xi32, #tpu.memory_space<hbm>> -> memref<1x128xi32, #tpu.memory_space<hbm>>
        %dma_wait3A_303 = tpu.memref_squeeze %dma_wait3A_302 : memref<1x128xi32, #tpu.memory_space<hbm>> -> memref<128xi32, #tpu.memory_space<hbm>>
        %dma_wait3A_304 = tpu.memref_slice %arg10[%rem3A_295] : memref<4x!tpu.dma_semaphore, #tpu.memory_space<semaphore_mem>> -> memref<1x!tpu.dma_semaphore, #tpu.memory_space<semaphore_mem>>
        %dma_wait3A_305 = tpu.memref_squeeze %dma_wait3A_304 : memref<1x!tpu.dma_semaphore, #tpu.memory_space<semaphore_mem>> -> memref<!tpu.dma_semaphore, #tpu.memory_space<semaphore_mem>>
        %dma_wait3A_306 = arith.constant 0 : i32
        %dma_wait3A_307 = tpu.memref_slice %arg7[%rem3A_295, %dma_wait3A_306] : memref<4x128xi32, #tpu.memory_space<vmem>> -> memref<1x128xi32, #tpu.memory_space<vmem>>
        %dma_wait3A_308 = tpu.memref_squeeze %dma_wait3A_307 : memref<1x128xi32, #tpu.memory_space<vmem>> -> memref<128xi32, #tpu.memory_space<vmem>>
        %dma_wait3A_309 = arith.constant 0 : i32
        %dma_wait3A_310 = tpu.memref_slice %arg2[%add3A_296, %dma_wait3A_309] : memref<1600x128xi32, #tpu.memory_space<hbm>> -> memref<1x128xi32, #tpu.memory_space<hbm>>
        %dma_wait3A_311 = tpu.memref_squeeze %dma_wait3A_310 : memref<1x128xi32, #tpu.memory_space<hbm>> -> memref<128xi32, #tpu.memory_space<hbm>>
        tpu.wait_dma2 semaphore(%dma_wait3A_305 : memref<!tpu.dma_semaphore, #tpu.memory_space<semaphore_mem>>) src(%dma_wait3A_311 : memref<128xi32, #tpu.memory_space<hbm>>) dst(%dma_wait3A_308 : memref<128xi32, #tpu.memory_space<vmem>>)
        %dma_wait3A_312 = arith.constant 0 : i32
        %dma_wait3A_313 = tpu.memref_slice %arg8[%rem3A_295, %dma_wait3A_312] : memref<4x128xi32, #tpu.memory_space<vmem>> -> memref<1x128xi32, #tpu.memory_space<vmem>>
        %dma_wait3A_314 = tpu.memref_squeeze %dma_wait3A_313 : memref<1x128xi32, #tpu.memory_space<vmem>> -> memref<128xi32, #tpu.memory_space<vmem>>
        %dma_wait3A_315 = arith.constant 0 : i32
        %dma_wait3A_316 = tpu.memref_slice %arg3[%add3A_297, %dma_wait3A_315] : memref<1600x128xi32, #tpu.memory_space<hbm>> -> memref<1x128xi32, #tpu.memory_space<hbm>>
        %dma_wait3A_317 = tpu.memref_squeeze %dma_wait3A_316 : memref<1x128xi32, #tpu.memory_space<hbm>> -> memref<128xi32, #tpu.memory_space<hbm>>
        %dma_wait3A_318 = tpu.memref_slice %arg10[%rem3A_295] : memref<4x!tpu.dma_semaphore, #tpu.memory_space<semaphore_mem>> -> memref<1x!tpu.dma_semaphore, #tpu.memory_space<semaphore_mem>>
        %dma_wait3A_319 = tpu.memref_squeeze %dma_wait3A_318 : memref<1x!tpu.dma_semaphore, #tpu.memory_space<semaphore_mem>> -> memref<!tpu.dma_semaphore, #tpu.memory_space<semaphore_mem>>
        %dma_wait3A_320 = arith.constant 0 : i32
        %dma_wait3A_321 = tpu.memref_slice %arg8[%rem3A_295, %dma_wait3A_320] : memref<4x128xi32, #tpu.memory_space<vmem>> -> memref<1x128xi32, #tpu.memory_space<vmem>>
        %dma_wait3A_322 = tpu.memref_squeeze %dma_wait3A_321 : memref<1x128xi32, #tpu.memory_space<vmem>> -> memref<128xi32, #tpu.memory_space<vmem>>
        %dma_wait3A_323 = arith.constant 0 : i32
        %dma_wait3A_324 = tpu.memref_slice %arg3[%add3A_297, %dma_wait3A_323] : memref<1600x128xi32, #tpu.memory_space<hbm>> -> memref<1x128xi32, #tpu.memory_space<hbm>>
        %dma_wait3A_325 = tpu.memref_squeeze %dma_wait3A_324 : memref<1x128xi32, #tpu.memory_space<hbm>> -> memref<128xi32, #tpu.memory_space<hbm>>
        tpu.wait_dma2 semaphore(%dma_wait3A_319 : memref<!tpu.dma_semaphore, #tpu.memory_space<semaphore_mem>>) src(%dma_wait3A_325 : memref<128xi32, #tpu.memory_space<hbm>>) dst(%dma_wait3A_322 : memref<128xi32, #tpu.memory_space<vmem>>)
        %sub3A = arith.constant 3 : i32
        %sub3A_326 = arith.subi %scan3A_203, %sub3A : i32
        %ge3A = arith.constant 0 : i32
        %ge3A_327 = arith.cmpi sge, %sub3A_326, %ge3A : i32
        %convert_element_type3A_328 = arith.extui %ge3A_327 : i1 to i32
        %cond3A_329 = arith.constant 0 : i32
        %cond3A_330 = arith.cmpi ne, %convert_element_type3A_328, %cond3A_329 : i32
        scf.if %cond3A_330 {
          %sub3A_349 = arith.constant 3 : i32
          %sub3A_350 = arith.subi %scan3A_203, %sub3A_349 : i32
          %add3A_351 = arith.constant 200 : i32
          %add3A_352 = arith.addi %sub3A_350, %add3A_351 : i32
          %rem3A_353 = arith.constant 4 : i32
          %rem3A_354 = arith.remsi %add3A_352, %rem3A_353 : i32
          %mul3A_355 = arith.constant 128 : i32
          %mul3A_356 = arith.muli %sub3A_350, %mul3A_355 : i32
          %add3A_357 = arith.addi %mul3A_4, %mul3A_356 : i32
          %dma_wait3A_358 = arith.constant 0 : i32
          %dma_wait3A_359 = arith.constant 0 : i32
          %dma_wait3A_360 = tpu.memref_slice %arg9[%rem3A_354, %dma_wait3A_358, %dma_wait3A_359] : memref<4x128x128xf32, #tpu.memory_space<vmem>> -> memref<1x128x128xf32, #tpu.memory_space<vmem>>
          %dma_wait3A_361 = tpu.memref_squeeze %dma_wait3A_360 : memref<1x128x128xf32, #tpu.memory_space<vmem>> -> memref<128x128xf32, #tpu.memory_space<vmem>>
          %dma_wait3A_362 = arith.constant 0 : i32
          %dma_wait3A_363 = tpu.memref_slice %arg6[%add3A_357, %dma_wait3A_362] : memref<204800x128xf32, #tpu.memory_space<hbm>> -> memref<128x128xf32, #tpu.memory_space<hbm>>
          %dma_wait3A_364 = tpu.memref_slice %arg13[%rem3A_354] : memref<4x!tpu.dma_semaphore, #tpu.memory_space<semaphore_mem>> -> memref<1x!tpu.dma_semaphore, #tpu.memory_space<semaphore_mem>>
          %dma_wait3A_365 = tpu.memref_squeeze %dma_wait3A_364 : memref<1x!tpu.dma_semaphore, #tpu.memory_space<semaphore_mem>> -> memref<!tpu.dma_semaphore, #tpu.memory_space<semaphore_mem>>
          %dma_wait3A_366 = arith.constant 0 : i32
          %dma_wait3A_367 = tpu.memref_slice %arg6[%add3A_357, %dma_wait3A_366] : memref<204800x128xf32, #tpu.memory_space<hbm>> -> memref<128x128xf32, #tpu.memory_space<hbm>>
          %dma_wait3A_368 = arith.constant 0 : i32
          %dma_wait3A_369 = arith.constant 0 : i32
          %dma_wait3A_370 = tpu.memref_slice %arg9[%rem3A_354, %dma_wait3A_368, %dma_wait3A_369] : memref<4x128x128xf32, #tpu.memory_space<vmem>> -> memref<1x128x128xf32, #tpu.memory_space<vmem>>
          %dma_wait3A_371 = tpu.memref_squeeze %dma_wait3A_370 : memref<1x128x128xf32, #tpu.memory_space<vmem>> -> memref<128x128xf32, #tpu.memory_space<vmem>>
          tpu.wait_dma2 semaphore(%dma_wait3A_365 : memref<!tpu.dma_semaphore, #tpu.memory_space<semaphore_mem>>) src(%dma_wait3A_371 : memref<128x128xf32, #tpu.memory_space<vmem>>) dst(%dma_wait3A_367 : memref<128x128xf32, #tpu.memory_space<hbm>>)
        } else {
        }
        %add3A_331 = arith.constant 1 : i32
        %add3A_332 = arith.addi %scan3A_203, %add3A_331 : i32
        %add3A_333 = arith.constant 200 : i32
        %add3A_334 = arith.addi %add3A_332, %add3A_333 : i32
        %rem3A_335 = arith.constant 4 : i32
        %rem3A_336 = arith.remsi %add3A_334, %rem3A_335 : i32
        %dma_start3A_337 = arith.constant 0 : i32
        %dma_start3A_338 = arith.constant 0 : i32
        %dma_start3A_339 = tpu.memref_slice %arg9[%rem3A_336, %dma_start3A_337, %dma_start3A_338] : memref<4x128x128xf32, #tpu.memory_space<vmem>> -> memref<1x128x128xf32, #tpu.memory_space<vmem>>
        %dma_start3A_340 = tpu.memref_squeeze %dma_start3A_339 : memref<1x128x128xf32, #tpu.memory_space<vmem>> -> memref<128x128xf32, #tpu.memory_space<vmem>>
        %dma_start3A_341 = arith.constant 0 : i32
        %dma_start3A_342 = tpu.memref_slice %arg7[%rem3A_336, %dma_start3A_341] : memref<4x128xi32, #tpu.memory_space<vmem>> -> memref<1x128xi32, #tpu.memory_space<vmem>>
        %dma_start3A_343 = tpu.memref_squeeze %dma_start3A_342 : memref<1x128xi32, #tpu.memory_space<vmem>> -> memref<128xi32, #tpu.memory_space<vmem>>
        %dma_start3A_344 = arith.constant 0 : i32
        %dma_start3A_345 = arith.constant 0 : i32
        %dma_start3A_346 = tpu.memref_slice %arg4[%dma_start3A_344, %dma_start3A_345] : memref<100000x128xf32, #tpu.memory_space<hbm>> -> memref<100000x128xf32, #tpu.memory_space<hbm>>
        %dma_start3A_347 = tpu.memref_slice %arg11[%rem3A_336] : memref<4x!tpu.dma_semaphore, #tpu.memory_space<semaphore_mem>> -> memref<1x!tpu.dma_semaphore, #tpu.memory_space<semaphore_mem>>
        %dma_start3A_348 = tpu.memref_squeeze %dma_start3A_347 : memref<1x!tpu.dma_semaphore, #tpu.memory_space<semaphore_mem>> -> memref<!tpu.dma_semaphore, #tpu.memory_space<semaphore_mem>>
        tpu.enqueue_indirect_dma source(%dma_start3A_346 : memref<100000x128xf32, #tpu.memory_space<hbm>>) target(%dma_start3A_340 : memref<128x128xf32, #tpu.memory_space<vmem>>) offsets(%dma_start3A_343 : memref<128xi32, #tpu.memory_space<vmem>>) semaphore(%dma_start3A_348 : memref<!tpu.dma_semaphore, #tpu.memory_space<semaphore_mem>>)
      } else {
      }
      %add3A_247 = arith.constant 200 : i32
      %add3A_248 = arith.addi %scan3A_203, %add3A_247 : i32
      %rem3A_249 = arith.constant 4 : i32
      %rem3A_250 = arith.remsi %add3A_248, %rem3A_249 : i32
      %dma_wait3A_251 = arith.constant 0 : i32
      %dma_wait3A_252 = arith.constant 0 : i32
      %dma_wait3A_253 = tpu.memref_slice %arg9[%rem3A_250, %dma_wait3A_251, %dma_wait3A_252] : memref<4x128x128xf32, #tpu.memory_space<vmem>> -> memref<1x128x128xf32, #tpu.memory_space<vmem>>
      %dma_wait3A_254 = tpu.memref_squeeze %dma_wait3A_253 : memref<1x128x128xf32, #tpu.memory_space<vmem>> -> memref<128x128xf32, #tpu.memory_space<vmem>>
      %dma_wait3A_255 = arith.constant 0 : i32
      %dma_wait3A_256 = tpu.memref_slice %arg8[%rem3A_250, %dma_wait3A_255] : memref<4x128xi32, #tpu.memory_space<vmem>> -> memref<1x128xi32, #tpu.memory_space<vmem>>
      %dma_wait3A_257 = tpu.memref_squeeze %dma_wait3A_256 : memref<1x128xi32, #tpu.memory_space<vmem>> -> memref<128xi32, #tpu.memory_space<vmem>>
      %dma_wait3A_258 = arith.constant 0 : i32
      %dma_wait3A_259 = arith.constant 0 : i32
      %dma_wait3A_260 = tpu.memref_slice %arg5[%dma_wait3A_258, %dma_wait3A_259] : memref<100000x128xf32, #tpu.memory_space<hbm>> -> memref<100000x128xf32, #tpu.memory_space<hbm>>
      %dma_wait3A_261 = tpu.memref_slice %arg12[%rem3A_250] : memref<4x!tpu.dma_semaphore, #tpu.memory_space<semaphore_mem>> -> memref<1x!tpu.dma_semaphore, #tpu.memory_space<semaphore_mem>>
      %dma_wait3A_262 = tpu.memref_squeeze %dma_wait3A_261 : memref<1x!tpu.dma_semaphore, #tpu.memory_space<semaphore_mem>> -> memref<!tpu.dma_semaphore, #tpu.memory_space<semaphore_mem>>
      tpu.wait_indirect_dma semaphore(%dma_wait3A_262 : memref<!tpu.dma_semaphore, #tpu.memory_space<semaphore_mem>>) src(%dma_wait3A_260 : memref<100000x128xf32, #tpu.memory_space<hbm>>) dst(%dma_wait3A_254 : memref<128x128xf32, #tpu.memory_space<vmem>>)
      %scan3A_263 = arith.constant 0 : i32
      %scan3A_264 = arith.constant 0 : i32
      %scan3A_265 = arith.constant 64 : i32
      %scan3A_266 = arith.addi %scan3A_264, %scan3A_265 : i32
      %scan3A_267 = arith.constant 1 : i32
      scf.for %scan3A_290 = %scan3A_264 to %scan3A_266 step %scan3A_267  : i32 {
        %mul3A_291 = arith.constant 2 : i32
        %mul3A_292 = arith.muli %scan3A_290, %mul3A_291 : i32
        %add3A_293 = arith.constant 0 : i32
        %add3A_294 = arith.addi %mul3A_292, %add3A_293 : i32
        %add3A_295 = arith.constant 200 : i32
        %add3A_296 = arith.addi %scan3A_203, %add3A_295 : i32
        %rem3A_297 = arith.constant 4 : i32
        %rem3A_298 = arith.remsi %add3A_296, %rem3A_297 : i32
        %get3A = arith.index_cast %rem3A_298 : i32 to index
        %get3A_299 = arith.index_cast %add3A_294 : i32 to index
        %get3A_300 = arith.constant 0 : index
        %get3A_301 = tpu.vector_load %arg9[%get3A, %get3A_299, %get3A_300] {strides = array<i32>} : memref<4x128x128xf32, #tpu.memory_space<vmem>>, vector<1x1x16xf32>,
        %get3A_302 = vector.shape_cast %get3A_301 : vector<1x1x16xf32> to vector<16xf32>
        %mul3A_303 = arith.constant 5.000000e-01 : f32
        %mul3A_304 = vector.broadcast %mul3A_303 : f32 to vector<16xf32>
        %mul3A_305 = arith.mulf %get3A_302, %mul3A_304 : vector<16xf32>
        %add3A_306 = arith.constant 2.500000e-01 : f32
        %add3A_307 = vector.broadcast %add3A_306 : f32 to vector<16xf32>
        %add3A_308 = arith.addf %mul3A_305, %add3A_307 : vector<16xf32>
        %add3A_309 = arith.constant 200 : i32
        %add3A_310 = arith.addi %scan3A_203, %add3A_309 : i32
        %rem3A_311 = arith.constant 4 : i32
        %rem3A_312 = arith.remsi %add3A_310, %rem3A_311 : i32
        %swap3A = arith.index_cast %rem3A_312 : i32 to index
        %swap3A_313 = arith.index_cast %add3A_294 : i32 to index
        %swap3A_314 = arith.constant 0 : index
        %swap3A_315 = tpu.vector_load %arg9[%swap3A, %swap3A_313, %swap3A_314] {strides = array<i32>} : memref<4x128x128xf32, #tpu.memory_space<vmem>>, vector<1x1x16xf32>,
        %swap3A_316 = vector.shape_cast %swap3A_315 : vector<1x1x16xf32> to vector<16xf32>
        %swap3A_317 = vector.shape_cast %add3A_308 : vector<16xf32> to vector<1x1x16xf32>
        tpu.vector_store %arg9[%swap3A, %swap3A_313, %swap3A_314], %swap3A_317 {strides = array<i32>} : memref<4x128x128xf32, #tpu.memory_space<vmem>>, vector<1x1x16xf32>,
        %add3A_318 = arith.constant 200 : i32
        %add3A_319 = arith.addi %scan3A_203, %add3A_318 : i32
        %rem3A_320 = arith.constant 4 : i32
        %rem3A_321 = arith.remsi %add3A_319, %rem3A_320 : i32
        %get3A_322 = arith.index_cast %rem3A_321 : i32 to index
        %get3A_323 = arith.index_cast %add3A_294 : i32 to index
        %get3A_324 = arith.constant 16 : index
        %get3A_325 = tpu.vector_load %arg9[%get3A_322, %get3A_323, %get3A_324] {strides = array<i32>} : memref<4x128x128xf32, #tpu.memory_space<vmem>>, vector<1x1x16xf32>,
        %get3A_326 = vector.shape_cast %get3A_325 : vector<1x1x16xf32> to vector<16xf32>
        %mul3A_327 = arith.constant 5.000000e-01 : f32
        %mul3A_328 = vector.broadcast %mul3A_327 : f32 to vector<16xf32>
        %mul3A_329 = arith.mulf %get3A_326, %mul3A_328 : vector<16xf32>
        %add3A_330 = arith.constant 2.500000e-01 : f32
        %add3A_331 = vector.broadcast %add3A_330 : f32 to vector<16xf32>
        %add3A_332 = arith.addf %mul3A_329, %add3A_331 : vector<16xf32>
        %add3A_333 = arith.constant 200 : i32
        %add3A_334 = arith.addi %scan3A_203, %add3A_333 : i32
        %rem3A_335 = arith.constant 4 : i32
        %rem3A_336 = arith.remsi %add3A_334, %rem3A_335 : i32
        %swap3A_337 = arith.index_cast %rem3A_336 : i32 to index
        %swap3A_338 = arith.index_cast %add3A_294 : i32 to index
        %swap3A_339 = arith.constant 16 : index
        %swap3A_340 = tpu.vector_load %arg9[%swap3A_337, %swap3A_338, %swap3A_339] {strides = array<i32>} : memref<4x128x128xf32, #tpu.memory_space<vmem>>, vector<1x1x16xf32>,
        %swap3A_341 = vector.shape_cast %swap3A_340 : vector<1x1x16xf32> to vector<16xf32>
        %swap3A_342 = vector.shape_cast %add3A_332 : vector<16xf32> to vector<1x1x16xf32>
        tpu.vector_store %arg9[%swap3A_337, %swap3A_338, %swap3A_339], %swap3A_342 {strides = array<i32>} : memref<4x128x128xf32, #tpu.memory_space<vmem>>, vector<1x1x16xf32>,
        %add3A_343 = arith.constant 200 : i32
        %add3A_344 = arith.addi %scan3A_203, %add3A_343 : i32
        %rem3A_345 = arith.constant 4 : i32
        %rem3A_346 = arith.remsi %add3A_344, %rem3A_345 : i32
        %get3A_347 = arith.index_cast %rem3A_346 : i32 to index
        %get3A_348 = arith.index_cast %add3A_294 : i32 to index
        %get3A_349 = arith.constant 32 : index
        %get3A_350 = tpu.vector_load %arg9[%get3A_347, %get3A_348, %get3A_349] {strides = array<i32>} : memref<4x128x128xf32, #tpu.memory_space<vmem>>, vector<1x1x16xf32>,
        %get3A_351 = vector.shape_cast %get3A_350 : vector<1x1x16xf32> to vector<16xf32>
        %mul3A_352 = arith.constant 5.000000e-01 : f32
        %mul3A_353 = vector.broadcast %mul3A_352 : f32 to vector<16xf32>
        %mul3A_354 = arith.mulf %get3A_351, %mul3A_353 : vector<16xf32>
        %add3A_355 = arith.constant 2.500000e-01 : f32
        %add3A_356 = vector.broadcast %add3A_355 : f32 to vector<16xf32>
        %add3A_357 = arith.addf %mul3A_354, %add3A_356 : vector<16xf32>
        %add3A_358 = arith.constant 200 : i32
        %add3A_359 = arith.addi %scan3A_203, %add3A_358 : i32
        %rem3A_360 = arith.constant 4 : i32
        %rem3A_361 = arith.remsi %add3A_359, %rem3A_360 : i32
        %swap3A_362 = arith.index_cast %rem3A_361 : i32 to index
        %swap3A_363 = arith.index_cast %add3A_294 : i32 to index
        %swap3A_364 = arith.constant 32 : index
        %swap3A_365 = tpu.vector_load %arg9[%swap3A_362, %swap3A_363, %swap3A_364] {strides = array<i32>} : memref<4x128x128xf32, #tpu.memory_space<vmem>>, vector<1x1x16xf32>,
        %swap3A_366 = vector.shape_cast %swap3A_365 : vector<1x1x16xf32> to vector<16xf32>
        %swap3A_367 = vector.shape_cast %add3A_357 : vector<16xf32> to vector<1x1x16xf32>
        tpu.vector_store %arg9[%swap3A_362, %swap3A_363, %swap3A_364], %swap3A_367 {strides = array<i32>} : memref<4x128x128xf32, #tpu.memory_space<vmem>>, vector<1x1x16xf32>,
        %add3A_368 = arith.constant 200 : i32
        %add3A_369 = arith.addi %scan3A_203, %add3A_368 : i32
        %rem3A_370 = arith.constant 4 : i32
        %rem3A_371 = arith.remsi %add3A_369, %rem3A_370 : i32
        %get3A_372 = arith.index_cast %rem3A_371 : i32 to index
        %get3A_373 = arith.index_cast %add3A_294 : i32 to index
        %get3A_374 = arith.constant 48 : index
        %get3A_375 = tpu.vector_load %arg9[%get3A_372, %get3A_373, %get3A_374] {strides = array<i32>} : memref<4x128x128xf32, #tpu.memory_space<vmem>>, vector<1x1x16xf32>,
        %get3A_376 = vector.shape_cast %get3A_375 : vector<1x1x16xf32> to vector<16xf32>
        %mul3A_377 = arith.constant 5.000000e-01 : f32
        %mul3A_378 = vector.broadcast %mul3A_377 : f32 to vector<16xf32>
        %mul3A_379 = arith.mulf %get3A_376, %mul3A_378 : vector<16xf32>
        %add3A_380 = arith.constant 2.500000e-01 : f32
        %add3A_381 = vector.broadcast %add3A_380 : f32 to vector<16xf32>
        %add3A_382 = arith.addf %mul3A_379, %add3A_381 : vector<16xf32>
        %add3A_383 = arith.constant 200 : i32
        %add3A_384 = arith.addi %scan3A_203, %add3A_383 : i32
        %rem3A_385 = arith.constant 4 : i32
        %rem3A_386 = arith.remsi %add3A_384, %rem3A_385 : i32
        %swap3A_387 = arith.index_cast %rem3A_386 : i32 to index
        %swap3A_388 = arith.index_cast %add3A_294 : i32 to index
        %swap3A_389 = arith.constant 48 : index
        %swap3A_390 = tpu.vector_load %arg9[%swap3A_387, %swap3A_388, %swap3A_389] {strides = array<i32>} : memref<4x128x128xf32, #tpu.memory_space<vmem>>, vector<1x1x16xf32>,
        %swap3A_391 = vector.shape_cast %swap3A_390 : vector<1x1x16xf32> to vector<16xf32>
        %swap3A_392 = vector.shape_cast %add3A_382 : vector<16xf32> to vector<1x1x16xf32>
        tpu.vector_store %arg9[%swap3A_387, %swap3A_388, %swap3A_389], %swap3A_392 {strides = array<i32>} : memref<4x128x128xf32, #tpu.memory_space<vmem>>, vector<1x1x16xf32>,
        %add3A_393 = arith.constant 200 : i32
        %add3A_394 = arith.addi %scan3A_203, %add3A_393 : i32
        %rem3A_395 = arith.constant 4 : i32
        %rem3A_396 = arith.remsi %add3A_394, %rem3A_395 : i32
        %get3A_397 = arith.index_cast %rem3A_396 : i32 to index
        %get3A_398 = arith.index_cast %add3A_294 : i32 to index
        %get3A_399 = arith.constant 64 : index
        %get3A_400 = tpu.vector_load %arg9[%get3A_397, %get3A_398, %get3A_399] {strides = array<i32>} : memref<4x128x128xf32, #tpu.memory_space<vmem>>, vector<1x1x16xf32>,
        %get3A_401 = vector.shape_cast %get3A_400 : vector<1x1x16xf32> to vector<16xf32>
        %mul3A_402 = arith.constant 5.000000e-01 : f32
        %mul3A_403 = vector.broadcast %mul3A_402 : f32 to vector<16xf32>
        %mul3A_404 = arith.mulf %get3A_401, %mul3A_403 : vector<16xf32>
        %add3A_405 = arith.constant 2.500000e-01 : f32
        %add3A_406 = vector.broadcast %add3A_405 : f32 to vector<16xf32>
        %add3A_407 = arith.addf %mul3A_404, %add3A_406 : vector<16xf32>
        %add3A_408 = arith.constant 200 : i32
        %add3A_409 = arith.addi %scan3A_203, %add3A_408 : i32
        %rem3A_410 = arith.constant 4 : i32
        %rem3A_411 = arith.remsi %add3A_409, %rem3A_410 : i32
        %swap3A_412 = arith.index_cast %rem3A_411 : i32 to index
        %swap3A_413 = arith.index_cast %add3A_294 : i32 to index
        %swap3A_414 = arith.constant 64 : index
        %swap3A_415 = tpu.vector_load %arg9[%swap3A_412, %swap3A_413, %swap3A_414] {strides = array<i32>} : memref<4x128x128xf32, #tpu.memory_space<vmem>>, vector<1x1x16xf32>,
        %swap3A_416 = vector.shape_cast %swap3A_415 : vector<1x1x16xf32> to vector<16xf32>
        %swap3A_417 = vector.shape_cast %add3A_407 : vector<16xf32> to vector<1x1x16xf32>
        tpu.vector_store %arg9[%swap3A_412, %swap3A_413, %swap3A_414], %swap3A_417 {strides = array<i32>} : memref<4x128x128xf32, #tpu.memory_space<vmem>>, vector<1x1x16xf32>,
        %add3A_418 = arith.constant 200 : i32
        %add3A_419 = arith.addi %scan3A_203, %add3A_418 : i32
        %rem3A_420 = arith.constant 4 : i32
        %rem3A_421 = arith.remsi %add3A_419, %rem3A_420 : i32
        %get3A_422 = arith.index_cast %rem3A_421 : i32 to index
        %get3A_423 = arith.index_cast %add3A_294 : i32 to index
        %get3A_424 = arith.constant 80 : index
        %get3A_425 = tpu.vector_load %arg9[%get3A_422, %get3A_423, %get3A_424] {strides = array<i32>} : memref<4x128x128xf32, #tpu.memory_space<vmem>>, vector<1x1x16xf32>,
        %get3A_426 = vector.shape_cast %get3A_425 : vector<1x1x16xf32> to vector<16xf32>
        %mul3A_427 = arith.constant 5.000000e-01 : f32
        %mul3A_428 = vector.broadcast %mul3A_427 : f32 to vector<16xf32>
        %mul3A_429 = arith.mulf %get3A_426, %mul3A_428 : vector<16xf32>
        %add3A_430 = arith.constant 2.500000e-01 : f32
        %add3A_431 = vector.broadcast %add3A_430 : f32 to vector<16xf32>
        %add3A_432 = arith.addf %mul3A_429, %add3A_431 : vector<16xf32>
        %add3A_433 = arith.constant 200 : i32
        %add3A_434 = arith.addi %scan3A_203, %add3A_433 : i32
        %rem3A_435 = arith.constant 4 : i32
        %rem3A_436 = arith.remsi %add3A_434, %rem3A_435 : i32
        %swap3A_437 = arith.index_cast %rem3A_436 : i32 to index
        %swap3A_438 = arith.index_cast %add3A_294 : i32 to index
        %swap3A_439 = arith.constant 80 : index
        %swap3A_440 = tpu.vector_load %arg9[%swap3A_437, %swap3A_438, %swap3A_439] {strides = array<i32>} : memref<4x128x128xf32, #tpu.memory_space<vmem>>, vector<1x1x16xf32>,
        %swap3A_441 = vector.shape_cast %swap3A_440 : vector<1x1x16xf32> to vector<16xf32>
        %swap3A_442 = vector.shape_cast %add3A_432 : vector<16xf32> to vector<1x1x16xf32>
        tpu.vector_store %arg9[%swap3A_437, %swap3A_438, %swap3A_439], %swap3A_442 {strides = array<i32>} : memref<4x128x128xf32, #tpu.memory_space<vmem>>, vector<1x1x16xf32>,
        %add3A_443 = arith.constant 200 : i32
        %add3A_444 = arith.addi %scan3A_203, %add3A_443 : i32
        %rem3A_445 = arith.constant 4 : i32
        %rem3A_446 = arith.remsi %add3A_444, %rem3A_445 : i32
        %get3A_447 = arith.index_cast %rem3A_446 : i32 to index
        %get3A_448 = arith.index_cast %add3A_294 : i32 to index
        %get3A_449 = arith.constant 96 : index
        %get3A_450 = tpu.vector_load %arg9[%get3A_447, %get3A_448, %get3A_449] {strides = array<i32>} : memref<4x128x128xf32, #tpu.memory_space<vmem>>, vector<1x1x16xf32>,
        %get3A_451 = vector.shape_cast %get3A_450 : vector<1x1x16xf32> to vector<16xf32>
        %mul3A_452 = arith.constant 5.000000e-01 : f32
        %mul3A_453 = vector.broadcast %mul3A_452 : f32 to vector<16xf32>
        %mul3A_454 = arith.mulf %get3A_451, %mul3A_453 : vector<16xf32>
        %add3A_455 = arith.constant 2.500000e-01 : f32
        %add3A_456 = vector.broadcast %add3A_455 : f32 to vector<16xf32>
        %add3A_457 = arith.addf %mul3A_454, %add3A_456 : vector<16xf32>
        %add3A_458 = arith.constant 200 : i32
        %add3A_459 = arith.addi %scan3A_203, %add3A_458 : i32
        %rem3A_460 = arith.constant 4 : i32
        %rem3A_461 = arith.remsi %add3A_459, %rem3A_460 : i32
        %swap3A_462 = arith.index_cast %rem3A_461 : i32 to index
        %swap3A_463 = arith.index_cast %add3A_294 : i32 to index
        %swap3A_464 = arith.constant 96 : index
        %swap3A_465 = tpu.vector_load %arg9[%swap3A_462, %swap3A_463, %swap3A_464] {strides = array<i32>} : memref<4x128x128xf32, #tpu.memory_space<vmem>>, vector<1x1x16xf32>,
        %swap3A_466 = vector.shape_cast %swap3A_465 : vector<1x1x16xf32> to vector<16xf32>
        %swap3A_467 = vector.shape_cast %add3A_457 : vector<16xf32> to vector<1x1x16xf32>
        tpu.vector_store %arg9[%swap3A_462, %swap3A_463, %swap3A_464], %swap3A_467 {strides = array<i32>} : memref<4x128x128xf32, #tpu.memory_space<vmem>>, vector<1x1x16xf32>,
        %add3A_468 = arith.constant 200 : i32
        %add3A_469 = arith.addi %scan3A_203, %add3A_468 : i32
        %rem3A_470 = arith.constant 4 : i32
        %rem3A_471 = arith.remsi %add3A_469, %rem3A_470 : i32
        %get3A_472 = arith.index_cast %rem3A_471 : i32 to index
        %get3A_473 = arith.index_cast %add3A_294 : i32 to index
        %get3A_474 = arith.constant 112 : index
        %get3A_475 = tpu.vector_load %arg9[%get3A_472, %get3A_473, %get3A_474] {strides = array<i32>} : memref<4x128x128xf32, #tpu.memory_space<vmem>>, vector<1x1x16xf32>,
        %get3A_476 = vector.shape_cast %get3A_475 : vector<1x1x16xf32> to vector<16xf32>
        %mul3A_477 = arith.constant 5.000000e-01 : f32
        %mul3A_478 = vector.broadcast %mul3A_477 : f32 to vector<16xf32>
        %mul3A_479 = arith.mulf %get3A_476, %mul3A_478 : vector<16xf32>
        %add3A_480 = arith.constant 2.500000e-01 : f32
        %add3A_481 = vector.broadcast %add3A_480 : f32 to vector<16xf32>
        %add3A_482 = arith.addf %mul3A_479, %add3A_481 : vector<16xf32>
        %add3A_483 = arith.constant 200 : i32
        %add3A_484 = arith.addi %scan3A_203, %add3A_483 : i32
        %rem3A_485 = arith.constant 4 : i32
        %rem3A_486 = arith.remsi %add3A_484, %rem3A_485 : i32
        %swap3A_487 = arith.index_cast %rem3A_486 : i32 to index
        %swap3A_488 = arith.index_cast %add3A_294 : i32 to index
        %swap3A_489 = arith.constant 112 : index
        %swap3A_490 = tpu.vector_load %arg9[%swap3A_487, %swap3A_488, %swap3A_489] {strides = array<i32>} : memref<4x128x128xf32, #tpu.memory_space<vmem>>, vector<1x1x16xf32>,
        %swap3A_491 = vector.shape_cast %swap3A_490 : vector<1x1x16xf32> to vector<16xf32>
        %swap3A_492 = vector.shape_cast %add3A_482 : vector<16xf32> to vector<1x1x16xf32>
        tpu.vector_store %arg9[%swap3A_487, %swap3A_488, %swap3A_489], %swap3A_492 {strides = array<i32>} : memref<4x128x128xf32, #tpu.memory_space<vmem>>, vector<1x1x16xf32>,
        %mul3A_493 = arith.constant 2 : i32
        %mul3A_494 = arith.muli %scan3A_290, %mul3A_493 : i32
        %add3A_495 = arith.constant 1 : i32
        %add3A_496 = arith.addi %mul3A_494, %add3A_495 : i32
        %add3A_497 = arith.constant 200 : i32
        %add3A_498 = arith.addi %scan3A_203, %add3A_497 : i32
        %rem3A_499 = arith.constant 4 : i32
        %rem3A_500 = arith.remsi %add3A_498, %rem3A_499 : i32
        %get3A_501 = arith.index_cast %rem3A_500 : i32 to index
        %get3A_502 = arith.index_cast %add3A_496 : i32 to index
        %get3A_503 = arith.constant 0 : index
        %get3A_504 = tpu.vector_load %arg9[%get3A_501, %get3A_502, %get3A_503] {strides = array<i32>} : memref<4x128x128xf32, #tpu.memory_space<vmem>>, vector<1x1x16xf32>,
        %get3A_505 = vector.shape_cast %get3A_504 : vector<1x1x16xf32> to vector<16xf32>
        %mul3A_506 = arith.constant 5.000000e-01 : f32
        %mul3A_507 = vector.broadcast %mul3A_506 : f32 to vector<16xf32>
        %mul3A_508 = arith.mulf %get3A_505, %mul3A_507 : vector<16xf32>
        %add3A_509 = arith.constant 2.500000e-01 : f32
        %add3A_510 = vector.broadcast %add3A_509 : f32 to vector<16xf32>
        %add3A_511 = arith.addf %mul3A_508, %add3A_510 : vector<16xf32>
        %add3A_512 = arith.constant 200 : i32
        %add3A_513 = arith.addi %scan3A_203, %add3A_512 : i32
        %rem3A_514 = arith.constant 4 : i32
        %rem3A_515 = arith.remsi %add3A_513, %rem3A_514 : i32
        %swap3A_516 = arith.index_cast %rem3A_515 : i32 to index
        %swap3A_517 = arith.index_cast %add3A_496 : i32 to index
        %swap3A_518 = arith.constant 0 : index
        %swap3A_519 = tpu.vector_load %arg9[%swap3A_516, %swap3A_517, %swap3A_518] {strides = array<i32>} : memref<4x128x128xf32, #tpu.memory_space<vmem>>, vector<1x1x16xf32>,
        %swap3A_520 = vector.shape_cast %swap3A_519 : vector<1x1x16xf32> to vector<16xf32>
        %swap3A_521 = vector.shape_cast %add3A_511 : vector<16xf32> to vector<1x1x16xf32>
        tpu.vector_store %arg9[%swap3A_516, %swap3A_517, %swap3A_518], %swap3A_521 {strides = array<i32>} : memref<4x128x128xf32, #tpu.memory_space<vmem>>, vector<1x1x16xf32>,
        %add3A_522 = arith.constant 200 : i32
        %add3A_523 = arith.addi %scan3A_203, %add3A_522 : i32
        %rem3A_524 = arith.constant 4 : i32
        %rem3A_525 = arith.remsi %add3A_523, %rem3A_524 : i32
        %get3A_526 = arith.index_cast %rem3A_525 : i32 to index
        %get3A_527 = arith.index_cast %add3A_496 : i32 to index
        %get3A_528 = arith.constant 16 : index
        %get3A_529 = tpu.vector_load %arg9[%get3A_526, %get3A_527, %get3A_528] {strides = array<i32>} : memref<4x128x128xf32, #tpu.memory_space<vmem>>, vector<1x1x16xf32>,
        %get3A_530 = vector.shape_cast %get3A_529 : vector<1x1x16xf32> to vector<16xf32>
        %mul3A_531 = arith.constant 5.000000e-01 : f32
        %mul3A_532 = vector.broadcast %mul3A_531 : f32 to vector<16xf32>
        %mul3A_533 = arith.mulf %get3A_530, %mul3A_532 : vector<16xf32>
        %add3A_534 = arith.constant 2.500000e-01 : f32
        %add3A_535 = vector.broadcast %add3A_534 : f32 to vector<16xf32>
        %add3A_536 = arith.addf %mul3A_533, %add3A_535 : vector<16xf32>
        %add3A_537 = arith.constant 200 : i32
        %add3A_538 = arith.addi %scan3A_203, %add3A_537 : i32
        %rem3A_539 = arith.constant 4 : i32
        %rem3A_540 = arith.remsi %add3A_538, %rem3A_539 : i32
        %swap3A_541 = arith.index_cast %rem3A_540 : i32 to index
        %swap3A_542 = arith.index_cast %add3A_496 : i32 to index
        %swap3A_543 = arith.constant 16 : index
        %swap3A_544 = tpu.vector_load %arg9[%swap3A_541, %swap3A_542, %swap3A_543] {strides = array<i32>} : memref<4x128x128xf32, #tpu.memory_space<vmem>>, vector<1x1x16xf32>,
        %swap3A_545 = vector.shape_cast %swap3A_544 : vector<1x1x16xf32> to vector<16xf32>
        %swap3A_546 = vector.shape_cast %add3A_536 : vector<16xf32> to vector<1x1x16xf32>
        tpu.vector_store %arg9[%swap3A_541, %swap3A_542, %swap3A_543], %swap3A_546 {strides = array<i32>} : memref<4x128x128xf32, #tpu.memory_space<vmem>>, vector<1x1x16xf32>,
        %add3A_547 = arith.constant 200 : i32
        %add3A_548 = arith.addi %scan3A_203, %add3A_547 : i32
        %rem3A_549 = arith.constant 4 : i32
        %rem3A_550 = arith.remsi %add3A_548, %rem3A_549 : i32
        %get3A_551 = arith.index_cast %rem3A_550 : i32 to index
        %get3A_552 = arith.index_cast %add3A_496 : i32 to index
        %get3A_553 = arith.constant 32 : index
        %get3A_554 = tpu.vector_load %arg9[%get3A_551, %get3A_552, %get3A_553] {strides = array<i32>} : memref<4x128x128xf32, #tpu.memory_space<vmem>>, vector<1x1x16xf32>,
        %get3A_555 = vector.shape_cast %get3A_554 : vector<1x1x16xf32> to vector<16xf32>
        %mul3A_556 = arith.constant 5.000000e-01 : f32
        %mul3A_557 = vector.broadcast %mul3A_556 : f32 to vector<16xf32>
        %mul3A_558 = arith.mulf %get3A_555, %mul3A_557 : vector<16xf32>
        %add3A_559 = arith.constant 2.500000e-01 : f32
        %add3A_560 = vector.broadcast %add3A_559 : f32 to vector<16xf32>
        %add3A_561 = arith.addf %mul3A_558, %add3A_560 : vector<16xf32>
        %add3A_562 = arith.constant 200 : i32
        %add3A_563 = arith.addi %scan3A_203, %add3A_562 : i32
        %rem3A_564 = arith.constant 4 : i32
        %rem3A_565 = arith.remsi %add3A_563, %rem3A_564 : i32
        %swap3A_566 = arith.index_cast %rem3A_565 : i32 to index
        %swap3A_567 = arith.index_cast %add3A_496 : i32 to index
        %swap3A_568 = arith.constant 32 : index
        %swap3A_569 = tpu.vector_load %arg9[%swap3A_566, %swap3A_567, %swap3A_568] {strides = array<i32>} : memref<4x128x128xf32, #tpu.memory_space<vmem>>, vector<1x1x16xf32>,
        %swap3A_570 = vector.shape_cast %swap3A_569 : vector<1x1x16xf32> to vector<16xf32>
        %swap3A_571 = vector.shape_cast %add3A_561 : vector<16xf32> to vector<1x1x16xf32>
        tpu.vector_store %arg9[%swap3A_566, %swap3A_567, %swap3A_568], %swap3A_571 {strides = array<i32>} : memref<4x128x128xf32, #tpu.memory_space<vmem>>, vector<1x1x16xf32>,
        %add3A_572 = arith.constant 200 : i32
        %add3A_573 = arith.addi %scan3A_203, %add3A_572 : i32
        %rem3A_574 = arith.constant 4 : i32
        %rem3A_575 = arith.remsi %add3A_573, %rem3A_574 : i32
        %get3A_576 = arith.index_cast %rem3A_575 : i32 to index
        %get3A_577 = arith.index_cast %add3A_496 : i32 to index
        %get3A_578 = arith.constant 48 : index
        %get3A_579 = tpu.vector_load %arg9[%get3A_576, %get3A_577, %get3A_578] {strides = array<i32>} : memref<4x128x128xf32, #tpu.memory_space<vmem>>, vector<1x1x16xf32>,
        %get3A_580 = vector.shape_cast %get3A_579 : vector<1x1x16xf32> to vector<16xf32>
        %mul3A_581 = arith.constant 5.000000e-01 : f32
        %mul3A_582 = vector.broadcast %mul3A_581 : f32 to vector<16xf32>
        %mul3A_583 = arith.mulf %get3A_580, %mul3A_582 : vector<16xf32>
        %add3A_584 = arith.constant 2.500000e-01 : f32
        %add3A_585 = vector.broadcast %add3A_584 : f32 to vector<16xf32>
        %add3A_586 = arith.addf %mul3A_583, %add3A_585 : vector<16xf32>
        %add3A_587 = arith.constant 200 : i32
        %add3A_588 = arith.addi %scan3A_203, %add3A_587 : i32
        %rem3A_589 = arith.constant 4 : i32
        %rem3A_590 = arith.remsi %add3A_588, %rem3A_589 : i32
        %swap3A_591 = arith.index_cast %rem3A_590 : i32 to index
        %swap3A_592 = arith.index_cast %add3A_496 : i32 to index
        %swap3A_593 = arith.constant 48 : index
        %swap3A_594 = tpu.vector_load %arg9[%swap3A_591, %swap3A_592, %swap3A_593] {strides = array<i32>} : memref<4x128x128xf32, #tpu.memory_space<vmem>>, vector<1x1x16xf32>,
        %swap3A_595 = vector.shape_cast %swap3A_594 : vector<1x1x16xf32> to vector<16xf32>
        %swap3A_596 = vector.shape_cast %add3A_586 : vector<16xf32> to vector<1x1x16xf32>
        tpu.vector_store %arg9[%swap3A_591, %swap3A_592, %swap3A_593], %swap3A_596 {strides = array<i32>} : memref<4x128x128xf32, #tpu.memory_space<vmem>>, vector<1x1x16xf32>,
        %add3A_597 = arith.constant 200 : i32
        %add3A_598 = arith.addi %scan3A_203, %add3A_597 : i32
        %rem3A_599 = arith.constant 4 : i32
        %rem3A_600 = arith.remsi %add3A_598, %rem3A_599 : i32
        %get3A_601 = arith.index_cast %rem3A_600 : i32 to index
        %get3A_602 = arith.index_cast %add3A_496 : i32 to index
        %get3A_603 = arith.constant 64 : index
        %get3A_604 = tpu.vector_load %arg9[%get3A_601, %get3A_602, %get3A_603] {strides = array<i32>} : memref<4x128x128xf32, #tpu.memory_space<vmem>>, vector<1x1x16xf32>,
        %get3A_605 = vector.shape_cast %get3A_604 : vector<1x1x16xf32> to vector<16xf32>
        %mul3A_606 = arith.constant 5.000000e-01 : f32
        %mul3A_607 = vector.broadcast %mul3A_606 : f32 to vector<16xf32>
        %mul3A_608 = arith.mulf %get3A_605, %mul3A_607 : vector<16xf32>
        %add3A_609 = arith.constant 2.500000e-01 : f32
        %add3A_610 = vector.broadcast %add3A_609 : f32 to vector<16xf32>
        %add3A_611 = arith.addf %mul3A_608, %add3A_610 : vector<16xf32>
        %add3A_612 = arith.constant 200 : i32
        %add3A_613 = arith.addi %scan3A_203, %add3A_612 : i32
        %rem3A_614 = arith.constant 4 : i32
        %rem3A_615 = arith.remsi %add3A_613, %rem3A_614 : i32
        %swap3A_616 = arith.index_cast %rem3A_615 : i32 to index
        %swap3A_617 = arith.index_cast %add3A_496 : i32 to index
        %swap3A_618 = arith.constant 64 : index
        %swap3A_619 = tpu.vector_load %arg9[%swap3A_616, %swap3A_617, %swap3A_618] {strides = array<i32>} : memref<4x128x128xf32, #tpu.memory_space<vmem>>, vector<1x1x16xf32>,
        %swap3A_620 = vector.shape_cast %swap3A_619 : vector<1x1x16xf32> to vector<16xf32>
        %swap3A_621 = vector.shape_cast %add3A_611 : vector<16xf32> to vector<1x1x16xf32>
        tpu.vector_store %arg9[%swap3A_616, %swap3A_617, %swap3A_618], %swap3A_621 {strides = array<i32>} : memref<4x128x128xf32, #tpu.memory_space<vmem>>, vector<1x1x16xf32>,
        %add3A_622 = arith.constant 200 : i32
        %add3A_623 = arith.addi %scan3A_203, %add3A_622 : i32
        %rem3A_624 = arith.constant 4 : i32
        %rem3A_625 = arith.remsi %add3A_623, %rem3A_624 : i32
        %get3A_626 = arith.index_cast %rem3A_625 : i32 to index
        %get3A_627 = arith.index_cast %add3A_496 : i32 to index
        %get3A_628 = arith.constant 80 : index
        %get3A_629 = tpu.vector_load %arg9[%get3A_626, %get3A_627, %get3A_628] {strides = array<i32>} : memref<4x128x128xf32, #tpu.memory_space<vmem>>, vector<1x1x16xf32>,
        %get3A_630 = vector.shape_cast %get3A_629 : vector<1x1x16xf32> to vector<16xf32>
        %mul3A_631 = arith.constant 5.000000e-01 : f32
        %mul3A_632 = vector.broadcast %mul3A_631 : f32 to vector<16xf32>
        %mul3A_633 = arith.mulf %get3A_630, %mul3A_632 : vector<16xf32>
        %add3A_634 = arith.constant 2.500000e-01 : f32
        %add3A_635 = vector.broadcast %add3A_634 : f32 to vector<16xf32>
        %add3A_636 = arith.addf %mul3A_633, %add3A_635 : vector<16xf32>
        %add3A_637 = arith.constant 200 : i32
        %add3A_638 = arith.addi %scan3A_203, %add3A_637 : i32
        %rem3A_639 = arith.constant 4 : i32
        %rem3A_640 = arith.remsi %add3A_638, %rem3A_639 : i32
        %swap3A_641 = arith.index_cast %rem3A_640 : i32 to index
        %swap3A_642 = arith.index_cast %add3A_496 : i32 to index
        %swap3A_643 = arith.constant 80 : index
        %swap3A_644 = tpu.vector_load %arg9[%swap3A_641, %swap3A_642, %swap3A_643] {strides = array<i32>} : memref<4x128x128xf32, #tpu.memory_space<vmem>>, vector<1x1x16xf32>,
        %swap3A_645 = vector.shape_cast %swap3A_644 : vector<1x1x16xf32> to vector<16xf32>
        %swap3A_646 = vector.shape_cast %add3A_636 : vector<16xf32> to vector<1x1x16xf32>
        tpu.vector_store %arg9[%swap3A_641, %swap3A_642, %swap3A_643], %swap3A_646 {strides = array<i32>} : memref<4x128x128xf32, #tpu.memory_space<vmem>>, vector<1x1x16xf32>,
        %add3A_647 = arith.constant 200 : i32
        %add3A_648 = arith.addi %scan3A_203, %add3A_647 : i32
        %rem3A_649 = arith.constant 4 : i32
        %rem3A_650 = arith.remsi %add3A_648, %rem3A_649 : i32
        %get3A_651 = arith.index_cast %rem3A_650 : i32 to index
        %get3A_652 = arith.index_cast %add3A_496 : i32 to index
        %get3A_653 = arith.constant 96 : index
        %get3A_654 = tpu.vector_load %arg9[%get3A_651, %get3A_652, %get3A_653] {strides = array<i32>} : memref<4x128x128xf32, #tpu.memory_space<vmem>>, vector<1x1x16xf32>,
        %get3A_655 = vector.shape_cast %get3A_654 : vector<1x1x16xf32> to vector<16xf32>
        %mul3A_656 = arith.constant 5.000000e-01 : f32
        %mul3A_657 = vector.broadcast %mul3A_656 : f32 to vector<16xf32>
        %mul3A_658 = arith.mulf %get3A_655, %mul3A_657 : vector<16xf32>
        %add3A_659 = arith.constant 2.500000e-01 : f32
        %add3A_660 = vector.broadcast %add3A_659 : f32 to vector<16xf32>
        %add3A_661 = arith.addf %mul3A_658, %add3A_660 : vector<16xf32>
        %add3A_662 = arith.constant 200 : i32
        %add3A_663 = arith.addi %scan3A_203, %add3A_662 : i32
        %rem3A_664 = arith.constant 4 : i32
        %rem3A_665 = arith.remsi %add3A_663, %rem3A_664 : i32
        %swap3A_666 = arith.index_cast %rem3A_665 : i32 to index
        %swap3A_667 = arith.index_cast %add3A_496 : i32 to index
        %swap3A_668 = arith.constant 96 : index
        %swap3A_669 = tpu.vector_load %arg9[%swap3A_666, %swap3A_667, %swap3A_668] {strides = array<i32>} : memref<4x128x128xf32, #tpu.memory_space<vmem>>, vector<1x1x16xf32>,
        %swap3A_670 = vector.shape_cast %swap3A_669 : vector<1x1x16xf32> to vector<16xf32>
        %swap3A_671 = vector.shape_cast %add3A_661 : vector<16xf32> to vector<1x1x16xf32>
        tpu.vector_store %arg9[%swap3A_666, %swap3A_667, %swap3A_668], %swap3A_671 {strides = array<i32>} : memref<4x128x128xf32, #tpu.memory_space<vmem>>, vector<1x1x16xf32>,
        %add3A_672 = arith.constant 200 : i32
        %add3A_673 = arith.addi %scan3A_203, %add3A_672 : i32
        %rem3A_674 = arith.constant 4 : i32
        %rem3A_675 = arith.remsi %add3A_673, %rem3A_674 : i32
        %get3A_676 = arith.index_cast %rem3A_675 : i32 to index
        %get3A_677 = arith.index_cast %add3A_496 : i32 to index
        %get3A_678 = arith.constant 112 : index
        %get3A_679 = tpu.vector_load %arg9[%get3A_676, %get3A_677, %get3A_678] {strides = array<i32>} : memref<4x128x128xf32, #tpu.memory_space<vmem>>, vector<1x1x16xf32>,
        %get3A_680 = vector.shape_cast %get3A_679 : vector<1x1x16xf32> to vector<16xf32>
        %mul3A_681 = arith.constant 5.000000e-01 : f32
        %mul3A_682 = vector.broadcast %mul3A_681 : f32 to vector<16xf32>
        %mul3A_683 = arith.mulf %get3A_680, %mul3A_682 : vector<16xf32>
        %add3A_684 = arith.constant 2.500000e-01 : f32
        %add3A_685 = vector.broadcast %add3A_684 : f32 to vector<16xf32>
        %add3A_686 = arith.addf %mul3A_683, %add3A_685 : vector<16xf32>
        %add3A_687 = arith.constant 200 : i32
        %add3A_688 = arith.addi %scan3A_203, %add3A_687 : i32
        %rem3A_689 = arith.constant 4 : i32
        %rem3A_690 = arith.remsi %add3A_688, %rem3A_689 : i32
        %swap3A_691 = arith.index_cast %rem3A_690 : i32 to index
        %swap3A_692 = arith.index_cast %add3A_496 : i32 to index
        %swap3A_693 = arith.constant 112 : index
        %swap3A_694 = tpu.vector_load %arg9[%swap3A_691, %swap3A_692, %swap3A_693] {strides = array<i32>} : memref<4x128x128xf32, #tpu.memory_space<vmem>>, vector<1x1x16xf32>,
        %swap3A_695 = vector.shape_cast %swap3A_694 : vector<1x1x16xf32> to vector<16xf32>
        %swap3A_696 = vector.shape_cast %add3A_686 : vector<16xf32> to vector<1x1x16xf32>
        tpu.vector_store %arg9[%swap3A_691, %swap3A_692, %swap3A_693], %swap3A_696 {strides = array<i32>} : memref<4x128x128xf32, #tpu.memory_space<vmem>>, vector<1x1x16xf32>,
      }
      %scan3A_268 = arith.constant 64 : i32
      %add3A_269 = arith.constant 200 : i32
      %add3A_270 = arith.addi %scan3A_203, %add3A_269 : i32
      %rem3A_271 = arith.constant 4 : i32
      %rem3A_272 = arith.remsi %add3A_270, %rem3A_271 : i32
      %mul3A_273 = arith.constant 128 : i32
      %mul3A_274 = arith.muli %scan3A_203, %mul3A_273 : i32
      %add3A_275 = arith.addi %mul3A_4, %mul3A_274 : i32
      %dma_start3A_276 = arith.constant 0 : i32
      %dma_start3A_277 = arith.constant 0 : i32
      %dma_start3A_278 = tpu.memref_slice %arg9[%rem3A_272, %dma_start3A_276, %dma_start3A_277] : memref<4x128x128xf32, #tpu.memory_space<vmem>> -> memref<1x128x128xf32, #tpu.memory_space<vmem>>
      %dma_start3A_279 = tpu.memref_squeeze %dma_start3A_278 : memref<1x128x128xf32, #tpu.memory_space<vmem>> -> memref<128x128xf32, #tpu.memory_space<vmem>>
      %dma_start3A_280 = arith.constant 0 : i32
      %dma_start3A_281 = tpu.memref_slice %arg6[%add3A_275, %dma_start3A_280] : memref<204800x128xf32, #tpu.memory_space<hbm>> -> memref<128x128xf32, #tpu.memory_space<hbm>>
      %dma_start3A_282 = tpu.memref_slice %arg13[%rem3A_272] : memref<4x!tpu.dma_semaphore, #tpu.memory_space<semaphore_mem>> -> memref<1x!tpu.dma_semaphore, #tpu.memory_space<semaphore_mem>>
      %dma_start3A_283 = tpu.memref_squeeze %dma_start3A_282 : memref<1x!tpu.dma_semaphore, #tpu.memory_space<semaphore_mem>> -> memref<!tpu.dma_semaphore, #tpu.memory_space<semaphore_mem>>
      %dma_start3A_284 = arith.constant 0 : i32
      %dma_start3A_285 = tpu.memref_slice %arg6[%add3A_275, %dma_start3A_284] : memref<204800x128xf32, #tpu.memory_space<hbm>> -> memref<128x128xf32, #tpu.memory_space<hbm>>
      %dma_start3A_286 = arith.constant 0 : i32
      %dma_start3A_287 = arith.constant 0 : i32
      %dma_start3A_288 = tpu.memref_slice %arg9[%rem3A_272, %dma_start3A_286, %dma_start3A_287] : memref<4x128x128xf32, #tpu.memory_space<vmem>> -> memref<1x128x128xf32, #tpu.memory_space<vmem>>
      %dma_start3A_289 = tpu.memref_squeeze %dma_start3A_288 : memref<1x128x128xf32, #tpu.memory_space<vmem>> -> memref<128x128xf32, #tpu.memory_space<vmem>>
      tpu.enqueue_dma source(%dma_start3A_289 : memref<128x128xf32, #tpu.memory_space<vmem>>) target(%dma_start3A_285 : memref<128x128xf32, #tpu.memory_space<hbm>>) target_semaphore(%dma_start3A_283 : memref<!tpu.dma_semaphore, #tpu.memory_space<semaphore_mem>>)
    }
    %scan3A_126 = arith.constant 50 : i32
    %rem3A_127 = arith.constant 246 : i32
    %rem3A_128 = arith.constant 4 : i32
    %rem3A_129 = arith.remsi %rem3A_127, %rem3A_128 : i32
    %add3A_130 = arith.constant 5888 : i32
    %add3A_131 = arith.addi %mul3A_4, %add3A_130 : i32
    %dma_wait3A_132 = arith.constant 0 : i32
    %dma_wait3A_133 = arith.constant 0 : i32
    %dma_wait3A_134 = tpu.memref_slice %arg9[%rem3A_129, %dma_wait3A_132, %dma_wait3A_133] : memref<4x128x128xf32, #tpu.memory_space<vmem>> -> memref<1x128x128xf32, #tpu.memory_space<vmem>>
    %dma_wait3A_135 = tpu.memref_squeeze %dma_wait3A_134 : memref<1x128x128xf32, #tpu.memory_space<vmem>> -> memref<128x128xf32, #tpu.memory_space<vmem>>
    %dma_wait3A_136 = arith.constant 0 : i32
    %dma_wait3A_137 = tpu.memref_slice %arg6[%add3A_131, %dma_wait3A_136] : memref<204800x128xf32, #tpu.memory_space<hbm>> -> memref<128x128xf32, #tpu.memory_space<hbm>>
    %dma_wait3A_138 = tpu.memref_slice %arg13[%rem3A_129] : memref<4x!tpu.dma_semaphore, #tpu.memory_space<semaphore_mem>> -> memref<1x!tpu.dma_semaphore, #tpu.memory_space<semaphore_mem>>
    %dma_wait3A_139 = tpu.memref_squeeze %dma_wait3A_138 : memref<1x!tpu.dma_semaphore, #tpu.memory_space<semaphore_mem>> -> memref<!tpu.dma_semaphore, #tpu.memory_space<semaphore_mem>>
    %dma_wait3A_140 = arith.constant 0 : i32
    %dma_wait3A_141 = tpu.memref_slice %arg6[%add3A_131, %dma_wait3A_140] : memref<204800x128xf32, #tpu.memory_space<hbm>> -> memref<128x128xf32, #tpu.memory_space<hbm>>
    %dma_wait3A_142 = arith.constant 0 : i32
    %dma_wait3A_143 = arith.constant 0 : i32
    %dma_wait3A_144 = tpu.memref_slice %arg9[%rem3A_129, %dma_wait3A_142, %dma_wait3A_143] : memref<4x128x128xf32, #tpu.memory_space<vmem>> -> memref<1x128x128xf32, #tpu.memory_space<vmem>>
    %dma_wait3A_145 = tpu.memref_squeeze %dma_wait3A_144 : memref<1x128x128xf32, #tpu.memory_space<vmem>> -> memref<128x128xf32, #tpu.memory_space<vmem>>
    tpu.wait_dma2 semaphore(%dma_wait3A_139 : memref<!tpu.dma_semaphore, #tpu.memory_space<semaphore_mem>>) src(%dma_wait3A_145 : memref<128x128xf32, #tpu.memory_space<vmem>>) dst(%dma_wait3A_141 : memref<128x128xf32, #tpu.memory_space<hbm>>)
    %rem3A_146 = arith.constant 247 : i32
    %rem3A_147 = arith.constant 4 : i32
    %rem3A_148 = arith.remsi %rem3A_146, %rem3A_147 : i32
    %add3A_149 = arith.constant 6016 : i32
    %add3A_150 = arith.addi %mul3A_4, %add3A_149 : i32
    %dma_wait3A_151 = arith.constant 0 : i32
    %dma_wait3A_152 = arith.constant 0 : i32
    %dma_wait3A_153 = tpu.memref_slice %arg9[%rem3A_148, %dma_wait3A_151, %dma_wait3A_152] : memref<4x128x128xf32, #tpu.memory_space<vmem>> -> memref<1x128x128xf32, #tpu.memory_space<vmem>>
    %dma_wait3A_154 = tpu.memref_squeeze %dma_wait3A_153 : memref<1x128x128xf32, #tpu.memory_space<vmem>> -> memref<128x128xf32, #tpu.memory_space<vmem>>
    %dma_wait3A_155 = arith.constant 0 : i32
    %dma_wait3A_156 = tpu.memref_slice %arg6[%add3A_150, %dma_wait3A_155] : memref<204800x128xf32, #tpu.memory_space<hbm>> -> memref<128x128xf32, #tpu.memory_space<hbm>>
    %dma_wait3A_157 = tpu.memref_slice %arg13[%rem3A_148] : memref<4x!tpu.dma_semaphore, #tpu.memory_space<semaphore_mem>> -> memref<1x!tpu.dma_semaphore, #tpu.memory_space<semaphore_mem>>
    %dma_wait3A_158 = tpu.memref_squeeze %dma_wait3A_157 : memref<1x!tpu.dma_semaphore, #tpu.memory_space<semaphore_mem>> -> memref<!tpu.dma_semaphore, #tpu.memory_space<semaphore_mem>>
    %dma_wait3A_159 = arith.constant 0 : i32
    %dma_wait3A_160 = tpu.memref_slice %arg6[%add3A_150, %dma_wait3A_159] : memref<204800x128xf32, #tpu.memory_space<hbm>> -> memref<128x128xf32, #tpu.memory_space<hbm>>
    %dma_wait3A_161 = arith.constant 0 : i32
    %dma_wait3A_162 = arith.constant 0 : i32
    %dma_wait3A_163 = tpu.memref_slice %arg9[%rem3A_148, %dma_wait3A_161, %dma_wait3A_162] : memref<4x128x128xf32, #tpu.memory_space<vmem>> -> memref<1x128x128xf32, #tpu.memory_space<vmem>>
    %dma_wait3A_164 = tpu.memref_squeeze %dma_wait3A_163 : memref<1x128x128xf32, #tpu.memory_space<vmem>> -> memref<128x128xf32, #tpu.memory_space<vmem>>
    tpu.wait_dma2 semaphore(%dma_wait3A_158 : memref<!tpu.dma_semaphore, #tpu.memory_space<semaphore_mem>>) src(%dma_wait3A_164 : memref<128x128xf32, #tpu.memory_space<vmem>>) dst(%dma_wait3A_160 : memref<128x128xf32, #tpu.memory_space<hbm>>)
    %rem3A_165 = arith.constant 248 : i32
    %rem3A_166 = arith.constant 4 : i32
    %rem3A_167 = arith.remsi %rem3A_165, %rem3A_166 : i32
    %add3A_168 = arith.constant 6144 : i32
    %add3A_169 = arith.addi %mul3A_4, %add3A_168 : i32
    %dma_wait3A_170 = arith.constant 0 : i32
    %dma_wait3A_171 = arith.constant 0 : i32
    %dma_wait3A_172 = tpu.memref_slice %arg9[%rem3A_167, %dma_wait3A_170, %dma_wait3A_171] : memref<4x128x128xf32, #tpu.memory_space<vmem>> -> memref<1x128x128xf32, #tpu.memory_space<vmem>>
    %dma_wait3A_173 = tpu.memref_squeeze %dma_wait3A_172 : memref<1x128x128xf32, #tpu.memory_space<vmem>> -> memref<128x128xf32, #tpu.memory_space<vmem>>
    %dma_wait3A_174 = arith.constant 0 : i32
    %dma_wait3A_175 = tpu.memref_slice %arg6[%add3A_169, %dma_wait3A_174] : memref<204800x128xf32, #tpu.memory_space<hbm>> -> memref<128x128xf32, #tpu.memory_space<hbm>>
    %dma_wait3A_176 = tpu.memref_slice %arg13[%rem3A_167] : memref<4x!tpu.dma_semaphore, #tpu.memory_space<semaphore_mem>> -> memref<1x!tpu.dma_semaphore, #tpu.memory_space<semaphore_mem>>
    %dma_wait3A_177 = tpu.memref_squeeze %dma_wait3A_176 : memref<1x!tpu.dma_semaphore, #tpu.memory_space<semaphore_mem>> -> memref<!tpu.dma_semaphore, #tpu.memory_space<semaphore_mem>>
    %dma_wait3A_178 = arith.constant 0 : i32
    %dma_wait3A_179 = tpu.memref_slice %arg6[%add3A_169, %dma_wait3A_178] : memref<204800x128xf32, #tpu.memory_space<hbm>> -> memref<128x128xf32, #tpu.memory_space<hbm>>
    %dma_wait3A_180 = arith.constant 0 : i32
    %dma_wait3A_181 = arith.constant 0 : i32
    %dma_wait3A_182 = tpu.memref_slice %arg9[%rem3A_167, %dma_wait3A_180, %dma_wait3A_181] : memref<4x128x128xf32, #tpu.memory_space<vmem>> -> memref<1x128x128xf32, #tpu.memory_space<vmem>>
    %dma_wait3A_183 = tpu.memref_squeeze %dma_wait3A_182 : memref<1x128x128xf32, #tpu.memory_space<vmem>> -> memref<128x128xf32, #tpu.memory_space<vmem>>
    tpu.wait_dma2 semaphore(%dma_wait3A_177 : memref<!tpu.dma_semaphore, #tpu.memory_space<semaphore_mem>>) src(%dma_wait3A_183 : memref<128x128xf32, #tpu.memory_space<vmem>>) dst(%dma_wait3A_179 : memref<128x128xf32, #tpu.memory_space<hbm>>)
    %rem3A_184 = arith.constant 249 : i32
    %rem3A_185 = arith.constant 4 : i32
    %rem3A_186 = arith.remsi %rem3A_184, %rem3A_185 : i32
    %add3A_187 = arith.constant 6272 : i32
    %add3A_188 = arith.addi %mul3A_4, %add3A_187 : i32
    %dma_wait3A_189 = arith.constant 0 : i32
    %dma_wait3A_190 = arith.constant 0 : i32
    %dma_wait3A_191 = tpu.memref_slice %arg9[%rem3A_186, %dma_wait3A_189, %dma_wait3A_190] : memref<4x128x128xf32, #tpu.memory_space<vmem>> -> memref<1x128x128xf32, #tpu.memory_space<vmem>>
    %dma_wait3A_192 = tpu.memref_squeeze %dma_wait3A_191 : memref<1x128x128xf32, #tpu.memory_space<vmem>> -> memref<128x128xf32, #tpu.memory_space<vmem>>
    %dma_wait3A_193 = arith.constant 0 : i32
    %dma_wait3A_194 = tpu.memref_slice %arg6[%add3A_188, %dma_wait3A_193] : memref<204800x128xf32, #tpu.memory_space<hbm>> -> memref<128x128xf32, #tpu.memory_space<hbm>>
    %dma_wait3A_195 = tpu.memref_slice %arg13[%rem3A_186] : memref<4x!tpu.dma_semaphore, #tpu.memory_space<semaphore_mem>> -> memref<1x!tpu.dma_semaphore, #tpu.memory_space<semaphore_mem>>
    %dma_wait3A_196 = tpu.memref_squeeze %dma_wait3A_195 : memref<1x!tpu.dma_semaphore, #tpu.memory_space<semaphore_mem>> -> memref<!tpu.dma_semaphore, #tpu.memory_space<semaphore_mem>>
    %dma_wait3A_197 = arith.constant 0 : i32
    %dma_wait3A_198 = tpu.memref_slice %arg6[%add3A_188, %dma_wait3A_197] : memref<204800x128xf32, #tpu.memory_space<hbm>> -> memref<128x128xf32, #tpu.memory_space<hbm>>
    %dma_wait3A_199 = arith.constant 0 : i32
    %dma_wait3A_200 = arith.constant 0 : i32
    %dma_wait3A_201 = tpu.memref_slice %arg9[%rem3A_186, %dma_wait3A_199, %dma_wait3A_200] : memref<4x128x128xf32, #tpu.memory_space<vmem>> -> memref<1x128x128xf32, #tpu.memory_space<vmem>>
    %dma_wait3A_202 = tpu.memref_squeeze %dma_wait3A_201 : memref<1x128x128xf32, #tpu.memory_space<vmem>> -> memref<128x128xf32, #tpu.memory_space<vmem>>
    tpu.wait_dma2 semaphore(%dma_wait3A_196 : memref<!tpu.dma_semaphore, #tpu.memory_space<semaphore_mem>>) src(%dma_wait3A_202 : memref<128x128xf32, #tpu.memory_space<vmem>>) dst(%dma_wait3A_198 : memref<128x128xf32, #tpu.memory_space<hbm>>)
    return
  }
}

#map = affine_map<(d0, d1) -> (0, 0)>
module attributes {stable_mosaic.version = 14 : i64} {
  func.func @k(%arg0: i32, %arg1: i32, %arg2: memref<1600x128xi32, #tpu.memory_space<hbm>>, %arg3: memref<1600x128xi32, #tpu.memory_space<hbm>>, %arg4: memref<100000x128xf32, #tpu.memory_space<hbm>>, %arg5: memref<100000x128xf32, #tpu.memory_space<hbm>>, %arg6: memref<204800x128xf32, #tpu.memory_space<hbm>>, %arg7: memref<4x128xi32, #tpu.memory_space<vmem>>, %arg8: memref<4x128xi32, #tpu.memory_space<vmem>>, %arg9: memref<4x128x128xf32, #tpu.memory_space<vmem>>, %arg10: memref<4x!tpu.dma_semaphore, #tpu.memory_space<semaphore_mem>>, %arg11: memref<4x!tpu.dma_semaphore, #tpu.memory_space<semaphore_mem>>, %arg12: memref<4x!tpu.dma_semaphore, #tpu.memory_space<semaphore_mem>>, %arg13: memref<4x!tpu.dma_semaphore, #tpu.memory_space<semaphore_mem>>) attributes {dimension_semantics = [#tpu.dimension_semantics<core_parallel>, #tpu.dimension_semantics<subcore_parallel>], iteration_bounds = array<i64: 2, 16>, scalar_prefetch = 0 : i64, scratch_operands = 7 : i64, tpu.core_type = #tpu.core_type<sc_vector_subcore>, window_params = [{transform_indices = #map}, {transform_indices = #map}, {transform_indices = #map}, {transform_indices = #map}, {transform_indices = #map}]} {
    %mul3A = arith.constant 2 : i32
    %mul3A_0 = arith.muli %arg1, %mul3A : i32
    %add3A = arith.addi %mul3A_0, %arg0 : i32
    %mul3A_1 = arith.constant 50 : i32
    %mul3A_2 = arith.muli %add3A, %mul3A_1 : i32
    %mul3A_3 = arith.constant 6400 : i32
    %mul3A_4 = arith.muli %add3A, %mul3A_3 : i32
    %rem3A = arith.constant 200 : i32
    %rem3A_5 = arith.constant 4 : i32
    %rem3A_6 = arith.remsi %rem3A, %rem3A_5 : i32
    %add3A_7 = arith.constant 0 : i32
    %add3A_8 = arith.addi %mul3A_2, %add3A_7 : i32
    %add3A_9 = arith.constant 0 : i32
    %add3A_10 = arith.addi %mul3A_2, %add3A_9 : i32
    %dma_start3A = arith.constant 0 : i32
    %dma_start3A_11 = tpu.memref_slice %arg7[%rem3A_6, %dma_start3A] : memref<4x128xi32, #tpu.memory_space<vmem>> -> memref<1x128xi32, #tpu.memory_space<vmem>>
    %dma_start3A_12 = tpu.memref_squeeze %dma_start3A_11 : memref<1x128xi32, #tpu.memory_space<vmem>> -> memref<128xi32, #tpu.memory_space<vmem>>
    %dma_start3A_13 = arith.constant 0 : i32
    %dma_start3A_14 = tpu.memref_slice %arg2[%add3A_8, %dma_start3A_13] : memref<1600x128xi32, #tpu.memory_space<hbm>> -> memref<1x128xi32, #tpu.memory_space<hbm>>
    %dma_start3A_15 = tpu.memref_squeeze %dma_start3A_14 : memref<1x128xi32, #tpu.memory_space<hbm>> -> memref<128xi32, #tpu.memory_space<hbm>>
    %dma_start3A_16 = tpu.memref_slice %arg10[%rem3A_6] : memref<4x!tpu.dma_semaphore, #tpu.memory_space<semaphore_mem>> -> memref<1x!tpu.dma_semaphore, #tpu.memory_space<semaphore_mem>>
    %dma_start3A_17 = tpu.memref_squeeze %dma_start3A_16 : memref<1x!tpu.dma_semaphore, #tpu.memory_space<semaphore_mem>> -> memref<!tpu.dma_semaphore, #tpu.memory_space<semaphore_mem>>
    %dma_start3A_18 = arith.constant 0 : i32
    %dma_start3A_19 = tpu.memref_slice %arg7[%rem3A_6, %dma_start3A_18] : memref<4x128xi32, #tpu.memory_space<vmem>> -> memref<1x128xi32, #tpu.memory_space<vmem>>
    %dma_start3A_20 = tpu.memref_squeeze %dma_start3A_19 : memref<1x128xi32, #tpu.memory_space<vmem>> -> memref<128xi32, #tpu.memory_space<vmem>>
    %dma_start3A_21 = arith.constant 0 : i32
    %dma_start3A_22 = tpu.memref_slice %arg2[%add3A_8, %dma_start3A_21] : memref<1600x128xi32, #tpu.memory_space<hbm>> -> memref<1x128xi32, #tpu.memory_space<hbm>>
    %dma_start3A_23 = tpu.memref_squeeze %dma_start3A_22 : memref<1x128xi32, #tpu.memory_space<hbm>> -> memref<128xi32, #tpu.memory_space<hbm>>
    tpu.enqueue_dma source(%dma_start3A_23 : memref<128xi32, #tpu.memory_space<hbm>>) target(%dma_start3A_20 : memref<128xi32, #tpu.memory_space<vmem>>) target_semaphore(%dma_start3A_17 : memref<!tpu.dma_semaphore, #tpu.memory_space<semaphore_mem>>)
    %dma_start3A_24 = arith.constant 0 : i32
    %dma_start3A_25 = tpu.memref_slice %arg8[%rem3A_6, %dma_start3A_24] : memref<4x128xi32, #tpu.memory_space<vmem>> -> memref<1x128xi32, #tpu.memory_space<vmem>>
    %dma_start3A_26 = tpu.memref_squeeze %dma_start3A_25 : memref<1x128xi32, #tpu.memory_space<vmem>> -> memref<128xi32, #tpu.memory_space<vmem>>
    %dma_start3A_27 = arith.constant 0 : i32
    %dma_start3A_28 = tpu.memref_slice %arg3[%add3A_10, %dma_start3A_27] : memref<1600x128xi32, #tpu.memory_space<hbm>> -> memref<1x128xi32, #tpu.memory_space<hbm>>
    %dma_start3A_29 = tpu.memref_squeeze %dma_start3A_28 : memref<1x128xi32, #tpu.memory_space<hbm>> -> memref<128xi32, #tpu.memory_space<hbm>>
    %dma_start3A_30 = tpu.memref_slice %arg10[%rem3A_6] : memref<4x!tpu.dma_semaphore, #tpu.memory_space<semaphore_mem>> -> memref<1x!tpu.dma_semaphore, #tpu.memory_space<semaphore_mem>>
    %dma_start3A_31 = tpu.memref_squeeze %dma_start3A_30 : memref<1x!tpu.dma_semaphore, #tpu.memory_space<semaphore_mem>> -> memref<!tpu.dma_semaphore, #tpu.memory_space<semaphore_mem>>
    %dma_start3A_32 = arith.constant 0 : i32
    %dma_start3A_33 = tpu.memref_slice %arg8[%rem3A_6, %dma_start3A_32] : memref<4x128xi32, #tpu.memory_space<vmem>> -> memref<1x128xi32, #tpu.memory_space<vmem>>
    %dma_start3A_34 = tpu.memref_squeeze %dma_start3A_33 : memref<1x128xi32, #tpu.memory_space<vmem>> -> memref<128xi32, #tpu.memory_space<vmem>>
    %dma_start3A_35 = arith.constant 0 : i32
    %dma_start3A_36 = tpu.memref_slice %arg3[%add3A_10, %dma_start3A_35] : memref<1600x128xi32, #tpu.memory_space<hbm>> -> memref<1x128xi32, #tpu.memory_space<hbm>>
    %dma_start3A_37 = tpu.memref_squeeze %dma_start3A_36 : memref<1x128xi32, #tpu.memory_space<hbm>> -> memref<128xi32, #tpu.memory_space<hbm>>
    tpu.enqueue_dma source(%dma_start3A_37 : memref<128xi32, #tpu.memory_space<hbm>>) target(%dma_start3A_34 : memref<128xi32, #tpu.memory_space<vmem>>) target_semaphore(%dma_start3A_31 : memref<!tpu.dma_semaphore, #tpu.memory_space<semaphore_mem>>)
    %rem3A_38 = arith.constant 201 : i32
    %rem3A_39 = arith.constant 4 : i32
    %rem3A_40 = arith.remsi %rem3A_38, %rem3A_39 : i32
    %add3A_41 = arith.constant 1 : i32
    %add3A_42 = arith.addi %mul3A_2, %add3A_41 : i32
    %add3A_43 = arith.constant 1 : i32
    %add3A_44 = arith.addi %mul3A_2, %add3A_43 : i32
    %dma_start3A_45 = arith.constant 0 : i32
    %dma_start3A_46 = tpu.memref_slice %arg7[%rem3A_40, %dma_start3A_45] : memref<4x128xi32, #tpu.memory_space<vmem>> -> memref<1x128xi32, #tpu.memory_space<vmem>>
    %dma_start3A_47 = tpu.memref_squeeze %dma_start3A_46 : memref<1x128xi32, #tpu.memory_space<vmem>> -> memref<128xi32, #tpu.memory_space<vmem>>
    %dma_start3A_48 = arith.constant 0 : i32
    %dma_start3A_49 = tpu.memref_slice %arg2[%add3A_42, %dma_start3A_48] : memref<1600x128xi32, #tpu.memory_space<hbm>> -> memref<1x128xi32, #tpu.memory_space<hbm>>
    %dma_start3A_50 = tpu.memref_squeeze %dma_start3A_49 : memref<1x128xi32, #tpu.memory_space<hbm>> -> memref<128xi32, #tpu.memory_space<hbm>>
    %dma_start3A_51 = tpu.memref_slice %arg10[%rem3A_40] : memref<4x!tpu.dma_semaphore, #tpu.memory_space<semaphore_mem>> -> memref<1x!tpu.dma_semaphore, #tpu.memory_space<semaphore_mem>>
    %dma_start3A_52 = tpu.memref_squeeze %dma_start3A_51 : memref<1x!tpu.dma_semaphore, #tpu.memory_space<semaphore_mem>> -> memref<!tpu.dma_semaphore, #tpu.memory_space<semaphore_mem>>
    %dma_start3A_53 = arith.constant 0 : i32
    %dma_start3A_54 = tpu.memref_slice %arg7[%rem3A_40, %dma_start3A_53] : memref<4x128xi32, #tpu.memory_space<vmem>> -> memref<1x128xi32, #tpu.memory_space<vmem>>
    %dma_start3A_55 = tpu.memref_squeeze %dma_start3A_54 : memref<1x128xi32, #tpu.memory_space<vmem>> -> memref<128xi32, #tpu.memory_space<vmem>>
    %dma_start3A_56 = arith.constant 0 : i32
    %dma_start3A_57 = tpu.memref_slice %arg2[%add3A_42, %dma_start3A_56] : memref<1600x128xi32, #tpu.memory_space<hbm>> -> memref<1x128xi32, #tpu.memory_space<hbm>>
    %dma_start3A_58 = tpu.memref_squeeze %dma_start3A_57 : memref<1x128xi32, #tpu.memory_space<hbm>> -> memref<128xi32, #tpu.memory_space<hbm>>
    tpu.enqueue_dma source(%dma_start3A_58 : memref<128xi32, #tpu.memory_space<hbm>>) target(%dma_start3A_55 : memref<128xi32, #tpu.memory_space<vmem>>) target_semaphore(%dma_start3A_52 : memref<!tpu.dma_semaphore, #tpu.memory_space<semaphore_mem>>)
    %dma_start3A_59 = arith.constant 0 : i32
    %dma_start3A_60 = tpu.memref_slice %arg8[%rem3A_40, %dma_start3A_59] : memref<4x128xi32, #tpu.memory_space<vmem>> -> memref<1x128xi32, #tpu.memory_space<vmem>>
    %dma_start3A_61 = tpu.memref_squeeze %dma_start3A_60 : memref<1x128xi32, #tpu.memory_space<vmem>> -> memref<128xi32, #tpu.memory_space<vmem>>
    %dma_start3A_62 = arith.constant 0 : i32
    %dma_start3A_63 = tpu.memref_slice %arg3[%add3A_44, %dma_start3A_62] : memref<1600x128xi32, #tpu.memory_space<hbm>> -> memref<1x128xi32, #tpu.memory_space<hbm>>
    %dma_start3A_64 = tpu.memref_squeeze %dma_start3A_63 : memref<1x128xi32, #tpu.memory_space<hbm>> -> memref<128xi32, #tpu.memory_space<hbm>>
    %dma_start3A_65 = tpu.memref_slice %arg10[%rem3A_40] : memref<4x!tpu.dma_semaphore, #tpu.memory_space<semaphore_mem>> -> memref<1x!tpu.dma_semaphore, #tpu.memory_space<semaphore_mem>>
    %dma_start3A_66 = tpu.memref_squeeze %dma_start3A_65 : memref<1x!tpu.dma_semaphore, #tpu.memory_space<semaphore_mem>> -> memref<!tpu.dma_semaphore, #tpu.memory_space<semaphore_mem>>
    %dma_start3A_67 = arith.constant 0 : i32
    %dma_start3A_68 = tpu.memref_slice %arg8[%rem3A_40, %dma_start3A_67] : memref<4x128xi32, #tpu.memory_space<vmem>> -> memref<1x128xi32, #tpu.memory_space<vmem>>
    %dma_start3A_69 = tpu.memref_squeeze %dma_start3A_68 : memref<1x128xi32, #tpu.memory_space<vmem>> -> memref<128xi32, #tpu.memory_space<vmem>>
    %dma_start3A_70 = arith.constant 0 : i32
    %dma_start3A_71 = tpu.memref_slice %arg3[%add3A_44, %dma_start3A_70] : memref<1600x128xi32, #tpu.memory_space<hbm>> -> memref<1x128xi32, #tpu.memory_space<hbm>>
    %dma_start3A_72 = tpu.memref_squeeze %dma_start3A_71 : memref<1x128xi32, #tpu.memory_space<hbm>> -> memref<128xi32, #tpu.memory_space<hbm>>
    tpu.enqueue_dma source(%dma_start3A_72 : memref<128xi32, #tpu.memory_space<hbm>>) target(%dma_start3A_69 : memref<128xi32, #tpu.memory_space<vmem>>) target_semaphore(%dma_start3A_66 : memref<!tpu.dma_semaphore, #tpu.memory_space<semaphore_mem>>)
    %rem3A_73 = arith.constant 200 : i32
    %rem3A_74 = arith.constant 4 : i32
    %rem3A_75 = arith.remsi %rem3A_73, %rem3A_74 : i32
    %add3A_76 = arith.constant 0 : i32
    %add3A_77 = arith.addi %mul3A_2, %add3A_76 : i32
    %add3A_78 = arith.constant 0 : i32
    %add3A_79 = arith.addi %mul3A_2, %add3A_78 : i32
    %dma_wait3A = arith.constant 0 : i32
    %dma_wait3A_80 = tpu.memref_slice %arg7[%rem3A_75, %dma_wait3A] : memref<4x128xi32, #tpu.memory_space<vmem>> -> memref<1x128xi32, #tpu.memory_space<vmem>>
    %dma_wait3A_81 = tpu.memref_squeeze %dma_wait3A_80 : memref<1x128xi32, #tpu.memory_space<vmem>> -> memref<128xi32, #tpu.memory_space<vmem>>
    %dma_wait3A_82 = arith.constant 0 : i32
    %dma_wait3A_83 = tpu.memref_slice %arg2[%add3A_77, %dma_wait3A_82] : memref<1600x128xi32, #tpu.memory_space<hbm>> -> memref<1x128xi32, #tpu.memory_space<hbm>>
    %dma_wait3A_84 = tpu.memref_squeeze %dma_wait3A_83 : memref<1x128xi32, #tpu.memory_space<hbm>> -> memref<128xi32, #tpu.memory_space<hbm>>
    %dma_wait3A_85 = tpu.memref_slice %arg10[%rem3A_75] : memref<4x!tpu.dma_semaphore, #tpu.memory_space<semaphore_mem>> -> memref<1x!tpu.dma_semaphore, #tpu.memory_space<semaphore_mem>>
    %dma_wait3A_86 = tpu.memref_squeeze %dma_wait3A_85 : memref<1x!tpu.dma_semaphore, #tpu.memory_space<semaphore_mem>> -> memref<!tpu.dma_semaphore, #tpu.memory_space<semaphore_mem>>
    %dma_wait3A_87 = arith.constant 0 : i32
    %dma_wait3A_88 = tpu.memref_slice %arg7[%rem3A_75, %dma_wait3A_87] : memref<4x128xi32, #tpu.memory_space<vmem>> -> memref<1x128xi32, #tpu.memory_space<vmem>>
    %dma_wait3A_89 = tpu.memref_squeeze %dma_wait3A_88 : memref<1x128xi32, #tpu.memory_space<vmem>> -> memref<128xi32, #tpu.memory_space<vmem>>
    %dma_wait3A_90 = arith.constant 0 : i32
    %dma_wait3A_91 = tpu.memref_slice %arg2[%add3A_77, %dma_wait3A_90] : memref<1600x128xi32, #tpu.memory_space<hbm>> -> memref<1x128xi32, #tpu.memory_space<hbm>>
    %dma_wait3A_92 = tpu.memref_squeeze %dma_wait3A_91 : memref<1x128xi32, #tpu.memory_space<hbm>> -> memref<128xi32, #tpu.memory_space<hbm>>
    tpu.wait_dma2 semaphore(%dma_wait3A_86 : memref<!tpu.dma_semaphore, #tpu.memory_space<semaphore_mem>>) src(%dma_wait3A_92 : memref<128xi32, #tpu.memory_space<hbm>>) dst(%dma_wait3A_89 : memref<128xi32, #tpu.memory_space<vmem>>)
    %dma_wait3A_93 = arith.constant 0 : i32
    %dma_wait3A_94 = tpu.memref_slice %arg8[%rem3A_75, %dma_wait3A_93] : memref<4x128xi32, #tpu.memory_space<vmem>> -> memref<1x128xi32, #tpu.memory_space<vmem>>
    %dma_wait3A_95 = tpu.memref_squeeze %dma_wait3A_94 : memref<1x128xi32, #tpu.memory_space<vmem>> -> memref<128xi32, #tpu.memory_space<vmem>>
    %dma_wait3A_96 = arith.constant 0 : i32
    %dma_wait3A_97 = tpu.memref_slice %arg3[%add3A_79, %dma_wait3A_96] : memref<1600x128xi32, #tpu.memory_space<hbm>> -> memref<1x128xi32, #tpu.memory_space<hbm>>
    %dma_wait3A_98 = tpu.memref_squeeze %dma_wait3A_97 : memref<1x128xi32, #tpu.memory_space<hbm>> -> memref<128xi32, #tpu.memory_space<hbm>>
    %dma_wait3A_99 = tpu.memref_slice %arg10[%rem3A_75] : memref<4x!tpu.dma_semaphore, #tpu.memory_space<semaphore_mem>> -> memref<1x!tpu.dma_semaphore, #tpu.memory_space<semaphore_mem>>
    %dma_wait3A_100 = tpu.memref_squeeze %dma_wait3A_99 : memref<1x!tpu.dma_semaphore, #tpu.memory_space<semaphore_mem>> -> memref<!tpu.dma_semaphore, #tpu.memory_space<semaphore_mem>>
    %dma_wait3A_101 = arith.constant 0 : i32
    %dma_wait3A_102 = tpu.memref_slice %arg8[%rem3A_75, %dma_wait3A_101] : memref<4x128xi32, #tpu.memory_space<vmem>> -> memref<1x128xi32, #tpu.memory_space<vmem>>
    %dma_wait3A_103 = tpu.memref_squeeze %dma_wait3A_102 : memref<1x128xi32, #tpu.memory_space<vmem>> -> memref<128xi32, #tpu.memory_space<vmem>>
    %dma_wait3A_104 = arith.constant 0 : i32
    %dma_wait3A_105 = tpu.memref_slice %arg3[%add3A_79, %dma_wait3A_104] : memref<1600x128xi32, #tpu.memory_space<hbm>> -> memref<1x128xi32, #tpu.memory_space<hbm>>
    %dma_wait3A_106 = tpu.memref_squeeze %dma_wait3A_105 : memref<1x128xi32, #tpu.memory_space<hbm>> -> memref<128xi32, #tpu.memory_space<hbm>>
    tpu.wait_dma2 semaphore(%dma_wait3A_100 : memref<!tpu.dma_semaphore, #tpu.memory_space<semaphore_mem>>) src(%dma_wait3A_106 : memref<128xi32, #tpu.memory_space<hbm>>) dst(%dma_wait3A_103 : memref<128xi32, #tpu.memory_space<vmem>>)
    %rem3A_107 = arith.constant 200 : i32
    %rem3A_108 = arith.constant 4 : i32
    %rem3A_109 = arith.remsi %rem3A_107, %rem3A_108 : i32
    %dma_start3A_110 = arith.constant 0 : i32
    %dma_start3A_111 = arith.constant 0 : i32
    %dma_start3A_112 = tpu.memref_slice %arg9[%rem3A_109, %dma_start3A_110, %dma_start3A_111] : memref<4x128x128xf32, #tpu.memory_space<vmem>> -> memref<1x128x128xf32, #tpu.memory_space<vmem>>
    %dma_start3A_113 = tpu.memref_squeeze %dma_start3A_112 : memref<1x128x128xf32, #tpu.memory_space<vmem>> -> memref<128x128xf32, #tpu.memory_space<vmem>>
    %dma_start3A_114 = arith.constant 0 : i32
    %dma_start3A_115 = tpu.memref_slice %arg7[%rem3A_109, %dma_start3A_114] : memref<4x128xi32, #tpu.memory_space<vmem>> -> memref<1x128xi32, #tpu.memory_space<vmem>>
    %dma_start3A_116 = tpu.memref_squeeze %dma_start3A_115 : memref<1x128xi32, #tpu.memory_space<vmem>> -> memref<128xi32, #tpu.memory_space<vmem>>
    %dma_start3A_117 = arith.constant 0 : i32
    %dma_start3A_118 = arith.constant 0 : i32
    %dma_start3A_119 = tpu.memref_slice %arg4[%dma_start3A_117, %dma_start3A_118] : memref<100000x128xf32, #tpu.memory_space<hbm>> -> memref<100000x128xf32, #tpu.memory_space<hbm>>
    %dma_start3A_120 = tpu.memref_slice %arg11[%rem3A_109] : memref<4x!tpu.dma_semaphore, #tpu.memory_space<semaphore_mem>> -> memref<1x!tpu.dma_semaphore, #tpu.memory_space<semaphore_mem>>
    %dma_start3A_121 = tpu.memref_squeeze %dma_start3A_120 : memref<1x!tpu.dma_semaphore, #tpu.memory_space<semaphore_mem>> -> memref<!tpu.dma_semaphore, #tpu.memory_space<semaphore_mem>>
    tpu.enqueue_indirect_dma source(%dma_start3A_119 : memref<100000x128xf32, #tpu.memory_space<hbm>>) target(%dma_start3A_113 : memref<128x128xf32, #tpu.memory_space<vmem>>) offsets(%dma_start3A_116 : memref<128xi32, #tpu.memory_space<vmem>>) semaphore(%dma_start3A_121 : memref<!tpu.dma_semaphore, #tpu.memory_space<semaphore_mem>>)
    %scan3A = arith.constant 0 : i32
    %scan3A_122 = arith.constant 0 : i32
    %scan3A_123 = arith.constant 50 : i32
    %scan3A_124 = arith.addi %scan3A_122, %scan3A_123 : i32
    %scan3A_125 = arith.constant 1 : i32
    scf.for %scan3A_203 = %scan3A_122 to %scan3A_124 step %scan3A_125  : i32 {
      %add3A_204 = arith.constant 2 : i32
      %add3A_205 = arith.addi %scan3A_203, %add3A_204 : i32
      %lt3A = arith.constant 50 : i32
      %lt3A_206 = arith.cmpi slt, %add3A_205, %lt3A : i32
      %convert_element_type3A = arith.extui %lt3A_206 : i1 to i32
      %cond3A = arith.constant 0 : i32
      %cond3A_207 = arith.cmpi ne, %convert_element_type3A, %cond3A : i32
      scf.if %cond3A_207 {
        %add3A_290 = arith.constant 2 : i32
        %add3A_291 = arith.addi %scan3A_203, %add3A_290 : i32
        %add3A_292 = arith.constant 200 : i32
        %add3A_293 = arith.addi %add3A_291, %add3A_292 : i32
        %rem3A_294 = arith.constant 4 : i32
        %rem3A_295 = arith.remsi %add3A_293, %rem3A_294 : i32
        %add3A_296 = arith.addi %mul3A_2, %add3A_291 : i32
        %add3A_297 = arith.addi %mul3A_2, %add3A_291 : i32
        %dma_start3A_298 = arith.constant 0 : i32
        %dma_start3A_299 = tpu.memref_slice %arg7[%rem3A_295, %dma_start3A_298] : memref<4x128xi32, #tpu.memory_space<vmem>> -> memref<1x128xi32, #tpu.memory_space<vmem>>
        %dma_start3A_300 = tpu.memref_squeeze %dma_start3A_299 : memref<1x128xi32, #tpu.memory_space<vmem>> -> memref<128xi32, #tpu.memory_space<vmem>>
        %dma_start3A_301 = arith.constant 0 : i32
        %dma_start3A_302 = tpu.memref_slice %arg2[%add3A_296, %dma_start3A_301] : memref<1600x128xi32, #tpu.memory_space<hbm>> -> memref<1x128xi32, #tpu.memory_space<hbm>>
        %dma_start3A_303 = tpu.memref_squeeze %dma_start3A_302 : memref<1x128xi32, #tpu.memory_space<hbm>> -> memref<128xi32, #tpu.memory_space<hbm>>
        %dma_start3A_304 = tpu.memref_slice %arg10[%rem3A_295] : memref<4x!tpu.dma_semaphore, #tpu.memory_space<semaphore_mem>> -> memref<1x!tpu.dma_semaphore, #tpu.memory_space<semaphore_mem>>
        %dma_start3A_305 = tpu.memref_squeeze %dma_start3A_304 : memref<1x!tpu.dma_semaphore, #tpu.memory_space<semaphore_mem>> -> memref<!tpu.dma_semaphore, #tpu.memory_space<semaphore_mem>>
        %dma_start3A_306 = arith.constant 0 : i32
        %dma_start3A_307 = tpu.memref_slice %arg7[%rem3A_295, %dma_start3A_306] : memref<4x128xi32, #tpu.memory_space<vmem>> -> memref<1x128xi32, #tpu.memory_space<vmem>>
        %dma_start3A_308 = tpu.memref_squeeze %dma_start3A_307 : memref<1x128xi32, #tpu.memory_space<vmem>> -> memref<128xi32, #tpu.memory_space<vmem>>
        %dma_start3A_309 = arith.constant 0 : i32
        %dma_start3A_310 = tpu.memref_slice %arg2[%add3A_296, %dma_start3A_309] : memref<1600x128xi32, #tpu.memory_space<hbm>> -> memref<1x128xi32, #tpu.memory_space<hbm>>
        %dma_start3A_311 = tpu.memref_squeeze %dma_start3A_310 : memref<1x128xi32, #tpu.memory_space<hbm>> -> memref<128xi32, #tpu.memory_space<hbm>>
        tpu.enqueue_dma source(%dma_start3A_311 : memref<128xi32, #tpu.memory_space<hbm>>) target(%dma_start3A_308 : memref<128xi32, #tpu.memory_space<vmem>>) target_semaphore(%dma_start3A_305 : memref<!tpu.dma_semaphore, #tpu.memory_space<semaphore_mem>>)
        %dma_start3A_312 = arith.constant 0 : i32
        %dma_start3A_313 = tpu.memref_slice %arg8[%rem3A_295, %dma_start3A_312] : memref<4x128xi32, #tpu.memory_space<vmem>> -> memref<1x128xi32, #tpu.memory_space<vmem>>
        %dma_start3A_314 = tpu.memref_squeeze %dma_start3A_313 : memref<1x128xi32, #tpu.memory_space<vmem>> -> memref<128xi32, #tpu.memory_space<vmem>>
        %dma_start3A_315 = arith.constant 0 : i32
        %dma_start3A_316 = tpu.memref_slice %arg3[%add3A_297, %dma_start3A_315] : memref<1600x128xi32, #tpu.memory_space<hbm>> -> memref<1x128xi32, #tpu.memory_space<hbm>>
        %dma_start3A_317 = tpu.memref_squeeze %dma_start3A_316 : memref<1x128xi32, #tpu.memory_space<hbm>> -> memref<128xi32, #tpu.memory_space<hbm>>
        %dma_start3A_318 = tpu.memref_slice %arg10[%rem3A_295] : memref<4x!tpu.dma_semaphore, #tpu.memory_space<semaphore_mem>> -> memref<1x!tpu.dma_semaphore, #tpu.memory_space<semaphore_mem>>
        %dma_start3A_319 = tpu.memref_squeeze %dma_start3A_318 : memref<1x!tpu.dma_semaphore, #tpu.memory_space<semaphore_mem>> -> memref<!tpu.dma_semaphore, #tpu.memory_space<semaphore_mem>>
        %dma_start3A_320 = arith.constant 0 : i32
        %dma_start3A_321 = tpu.memref_slice %arg8[%rem3A_295, %dma_start3A_320] : memref<4x128xi32, #tpu.memory_space<vmem>> -> memref<1x128xi32, #tpu.memory_space<vmem>>
        %dma_start3A_322 = tpu.memref_squeeze %dma_start3A_321 : memref<1x128xi32, #tpu.memory_space<vmem>> -> memref<128xi32, #tpu.memory_space<vmem>>
        %dma_start3A_323 = arith.constant 0 : i32
        %dma_start3A_324 = tpu.memref_slice %arg3[%add3A_297, %dma_start3A_323] : memref<1600x128xi32, #tpu.memory_space<hbm>> -> memref<1x128xi32, #tpu.memory_space<hbm>>
        %dma_start3A_325 = tpu.memref_squeeze %dma_start3A_324 : memref<1x128xi32, #tpu.memory_space<hbm>> -> memref<128xi32, #tpu.memory_space<hbm>>
        tpu.enqueue_dma source(%dma_start3A_325 : memref<128xi32, #tpu.memory_space<hbm>>) target(%dma_start3A_322 : memref<128xi32, #tpu.memory_space<vmem>>) target_semaphore(%dma_start3A_319 : memref<!tpu.dma_semaphore, #tpu.memory_space<semaphore_mem>>)
      } else {
      }
      %add3A_208 = arith.constant 200 : i32
      %add3A_209 = arith.addi %scan3A_203, %add3A_208 : i32
      %rem3A_210 = arith.constant 4 : i32
      %rem3A_211 = arith.remsi %add3A_209, %rem3A_210 : i32
      %dma_wait3A_212 = arith.constant 0 : i32
      %dma_wait3A_213 = arith.constant 0 : i32
      %dma_wait3A_214 = tpu.memref_slice %arg9[%rem3A_211, %dma_wait3A_212, %dma_wait3A_213] : memref<4x128x128xf32, #tpu.memory_space<vmem>> -> memref<1x128x128xf32, #tpu.memory_space<vmem>>
      %dma_wait3A_215 = tpu.memref_squeeze %dma_wait3A_214 : memref<1x128x128xf32, #tpu.memory_space<vmem>> -> memref<128x128xf32, #tpu.memory_space<vmem>>
      %dma_wait3A_216 = arith.constant 0 : i32
      %dma_wait3A_217 = tpu.memref_slice %arg7[%rem3A_211, %dma_wait3A_216] : memref<4x128xi32, #tpu.memory_space<vmem>> -> memref<1x128xi32, #tpu.memory_space<vmem>>
      %dma_wait3A_218 = tpu.memref_squeeze %dma_wait3A_217 : memref<1x128xi32, #tpu.memory_space<vmem>> -> memref<128xi32, #tpu.memory_space<vmem>>
      %dma_wait3A_219 = arith.constant 0 : i32
      %dma_wait3A_220 = arith.constant 0 : i32
      %dma_wait3A_221 = tpu.memref_slice %arg4[%dma_wait3A_219, %dma_wait3A_220] : memref<100000x128xf32, #tpu.memory_space<hbm>> -> memref<100000x128xf32, #tpu.memory_space<hbm>>
      %dma_wait3A_222 = tpu.memref_slice %arg11[%rem3A_211] : memref<4x!tpu.dma_semaphore, #tpu.memory_space<semaphore_mem>> -> memref<1x!tpu.dma_semaphore, #tpu.memory_space<semaphore_mem>>
      %dma_wait3A_223 = tpu.memref_squeeze %dma_wait3A_222 : memref<1x!tpu.dma_semaphore, #tpu.memory_space<semaphore_mem>> -> memref<!tpu.dma_semaphore, #tpu.memory_space<semaphore_mem>>
      tpu.wait_indirect_dma semaphore(%dma_wait3A_223 : memref<!tpu.dma_semaphore, #tpu.memory_space<semaphore_mem>>) src(%dma_wait3A_221 : memref<100000x128xf32, #tpu.memory_space<hbm>>) dst(%dma_wait3A_215 : memref<128x128xf32, #tpu.memory_space<vmem>>)
      %add3A_224 = arith.constant 200 : i32
      %add3A_225 = arith.addi %scan3A_203, %add3A_224 : i32
      %rem3A_226 = arith.constant 4 : i32
      %rem3A_227 = arith.remsi %add3A_225, %rem3A_226 : i32
      %dma_start3A_228 = arith.constant 0 : i32
      %dma_start3A_229 = arith.constant 0 : i32
      %dma_start3A_230 = tpu.memref_slice %arg9[%rem3A_227, %dma_start3A_228, %dma_start3A_229] : memref<4x128x128xf32, #tpu.memory_space<vmem>> -> memref<1x128x128xf32, #tpu.memory_space<vmem>>
      %dma_start3A_231 = tpu.memref_squeeze %dma_start3A_230 : memref<1x128x128xf32, #tpu.memory_space<vmem>> -> memref<128x128xf32, #tpu.memory_space<vmem>>
      %dma_start3A_232 = arith.constant 0 : i32
      %dma_start3A_233 = tpu.memref_slice %arg8[%rem3A_227, %dma_start3A_232] : memref<4x128xi32, #tpu.memory_space<vmem>> -> memref<1x128xi32, #tpu.memory_space<vmem>>
      %dma_start3A_234 = tpu.memref_squeeze %dma_start3A_233 : memref<1x128xi32, #tpu.memory_space<vmem>> -> memref<128xi32, #tpu.memory_space<vmem>>
      %dma_start3A_235 = arith.constant 0 : i32
      %dma_start3A_236 = arith.constant 0 : i32
      %dma_start3A_237 = tpu.memref_slice %arg5[%dma_start3A_235, %dma_start3A_236] : memref<100000x128xf32, #tpu.memory_space<hbm>> -> memref<100000x128xf32, #tpu.memory_space<hbm>>
      %dma_start3A_238 = tpu.memref_slice %arg12[%rem3A_227] : memref<4x!tpu.dma_semaphore, #tpu.memory_space<semaphore_mem>> -> memref<1x!tpu.dma_semaphore, #tpu.memory_space<semaphore_mem>>
      %dma_start3A_239 = tpu.memref_squeeze %dma_start3A_238 : memref<1x!tpu.dma_semaphore, #tpu.memory_space<semaphore_mem>> -> memref<!tpu.dma_semaphore, #tpu.memory_space<semaphore_mem>>
      tpu.enqueue_indirect_dma source(%dma_start3A_237 : memref<100000x128xf32, #tpu.memory_space<hbm>>) target(%dma_start3A_231 : memref<128x128xf32, #tpu.memory_space<vmem>>) offsets(%dma_start3A_234 : memref<128xi32, #tpu.memory_space<vmem>>) semaphore(%dma_start3A_239 : memref<!tpu.dma_semaphore, #tpu.memory_space<semaphore_mem>>) {add = true}
      %add3A_240 = arith.constant 1 : i32
      %add3A_241 = arith.addi %scan3A_203, %add3A_240 : i32
      %lt3A_242 = arith.constant 50 : i32
      %lt3A_243 = arith.cmpi slt, %add3A_241, %lt3A_242 : i32
      %convert_element_type3A_244 = arith.extui %lt3A_243 : i1 to i32
      %cond3A_245 = arith.constant 0 : i32
      %cond3A_246 = arith.cmpi ne, %convert_element_type3A_244, %cond3A_245 : i32
      scf.if %cond3A_246 {
        %add3A_290 = arith.constant 1 : i32
        %add3A_291 = arith.addi %scan3A_203, %add3A_290 : i32
        %add3A_292 = arith.constant 200 : i32
        %add3A_293 = arith.addi %add3A_291, %add3A_292 : i32
        %rem3A_294 = arith.constant 4 : i32
        %rem3A_295 = arith.remsi %add3A_293, %rem3A_294 : i32
        %add3A_296 = arith.addi %mul3A_2, %add3A_291 : i32
        %add3A_297 = arith.addi %mul3A_2, %add3A_291 : i32
        %dma_wait3A_298 = arith.constant 0 : i32
        %dma_wait3A_299 = tpu.memref_slice %arg7[%rem3A_295, %dma_wait3A_298] : memref<4x128xi32, #tpu.memory_space<vmem>> -> memref<1x128xi32, #tpu.memory_space<vmem>>
        %dma_wait3A_300 = tpu.memref_squeeze %dma_wait3A_299 : memref<1x128xi32, #tpu.memory_space<vmem>> -> memref<128xi32, #tpu.memory_space<vmem>>
        %dma_wait3A_301 = arith.constant 0 : i32
        %dma_wait3A_302 = tpu.memref_slice %arg2[%add3A_296, %dma_wait3A_301] : memref<1600x128xi32, #tpu.memory_space<hbm>> -> memref<1x128xi32, #tpu.memory_space<hbm>>
        %dma_wait3A_303 = tpu.memref_squeeze %dma_wait3A_302 : memref<1x128xi32, #tpu.memory_space<hbm>> -> memref<128xi32, #tpu.memory_space<hbm>>
        %dma_wait3A_304 = tpu.memref_slice %arg10[%rem3A_295] : memref<4x!tpu.dma_semaphore, #tpu.memory_space<semaphore_mem>> -> memref<1x!tpu.dma_semaphore, #tpu.memory_space<semaphore_mem>>
        %dma_wait3A_305 = tpu.memref_squeeze %dma_wait3A_304 : memref<1x!tpu.dma_semaphore, #tpu.memory_space<semaphore_mem>> -> memref<!tpu.dma_semaphore, #tpu.memory_space<semaphore_mem>>
        %dma_wait3A_306 = arith.constant 0 : i32
        %dma_wait3A_307 = tpu.memref_slice %arg7[%rem3A_295, %dma_wait3A_306] : memref<4x128xi32, #tpu.memory_space<vmem>> -> memref<1x128xi32, #tpu.memory_space<vmem>>
        %dma_wait3A_308 = tpu.memref_squeeze %dma_wait3A_307 : memref<1x128xi32, #tpu.memory_space<vmem>> -> memref<128xi32, #tpu.memory_space<vmem>>
        %dma_wait3A_309 = arith.constant 0 : i32
        %dma_wait3A_310 = tpu.memref_slice %arg2[%add3A_296, %dma_wait3A_309] : memref<1600x128xi32, #tpu.memory_space<hbm>> -> memref<1x128xi32, #tpu.memory_space<hbm>>
        %dma_wait3A_311 = tpu.memref_squeeze %dma_wait3A_310 : memref<1x128xi32, #tpu.memory_space<hbm>> -> memref<128xi32, #tpu.memory_space<hbm>>
        tpu.wait_dma2 semaphore(%dma_wait3A_305 : memref<!tpu.dma_semaphore, #tpu.memory_space<semaphore_mem>>) src(%dma_wait3A_311 : memref<128xi32, #tpu.memory_space<hbm>>) dst(%dma_wait3A_308 : memref<128xi32, #tpu.memory_space<vmem>>)
        %dma_wait3A_312 = arith.constant 0 : i32
        %dma_wait3A_313 = tpu.memref_slice %arg8[%rem3A_295, %dma_wait3A_312] : memref<4x128xi32, #tpu.memory_space<vmem>> -> memref<1x128xi32, #tpu.memory_space<vmem>>
        %dma_wait3A_314 = tpu.memref_squeeze %dma_wait3A_313 : memref<1x128xi32, #tpu.memory_space<vmem>> -> memref<128xi32, #tpu.memory_space<vmem>>
        %dma_wait3A_315 = arith.constant 0 : i32
        %dma_wait3A_316 = tpu.memref_slice %arg3[%add3A_297, %dma_wait3A_315] : memref<1600x128xi32, #tpu.memory_space<hbm>> -> memref<1x128xi32, #tpu.memory_space<hbm>>
        %dma_wait3A_317 = tpu.memref_squeeze %dma_wait3A_316 : memref<1x128xi32, #tpu.memory_space<hbm>> -> memref<128xi32, #tpu.memory_space<hbm>>
        %dma_wait3A_318 = tpu.memref_slice %arg10[%rem3A_295] : memref<4x!tpu.dma_semaphore, #tpu.memory_space<semaphore_mem>> -> memref<1x!tpu.dma_semaphore, #tpu.memory_space<semaphore_mem>>
        %dma_wait3A_319 = tpu.memref_squeeze %dma_wait3A_318 : memref<1x!tpu.dma_semaphore, #tpu.memory_space<semaphore_mem>> -> memref<!tpu.dma_semaphore, #tpu.memory_space<semaphore_mem>>
        %dma_wait3A_320 = arith.constant 0 : i32
        %dma_wait3A_321 = tpu.memref_slice %arg8[%rem3A_295, %dma_wait3A_320] : memref<4x128xi32, #tpu.memory_space<vmem>> -> memref<1x128xi32, #tpu.memory_space<vmem>>
        %dma_wait3A_322 = tpu.memref_squeeze %dma_wait3A_321 : memref<1x128xi32, #tpu.memory_space<vmem>> -> memref<128xi32, #tpu.memory_space<vmem>>
        %dma_wait3A_323 = arith.constant 0 : i32
        %dma_wait3A_324 = tpu.memref_slice %arg3[%add3A_297, %dma_wait3A_323] : memref<1600x128xi32, #tpu.memory_space<hbm>> -> memref<1x128xi32, #tpu.memory_space<hbm>>
        %dma_wait3A_325 = tpu.memref_squeeze %dma_wait3A_324 : memref<1x128xi32, #tpu.memory_space<hbm>> -> memref<128xi32, #tpu.memory_space<hbm>>
        tpu.wait_dma2 semaphore(%dma_wait3A_319 : memref<!tpu.dma_semaphore, #tpu.memory_space<semaphore_mem>>) src(%dma_wait3A_325 : memref<128xi32, #tpu.memory_space<hbm>>) dst(%dma_wait3A_322 : memref<128xi32, #tpu.memory_space<vmem>>)
        %sub3A = arith.constant 3 : i32
        %sub3A_326 = arith.subi %scan3A_203, %sub3A : i32
        %ge3A = arith.constant 0 : i32
        %ge3A_327 = arith.cmpi sge, %sub3A_326, %ge3A : i32
        %convert_element_type3A_328 = arith.extui %ge3A_327 : i1 to i32
        %cond3A_329 = arith.constant 0 : i32
        %cond3A_330 = arith.cmpi ne, %convert_element_type3A_328, %cond3A_329 : i32
        scf.if %cond3A_330 {
          %sub3A_349 = arith.constant 3 : i32
          %sub3A_350 = arith.subi %scan3A_203, %sub3A_349 : i32
          %add3A_351 = arith.constant 200 : i32
          %add3A_352 = arith.addi %sub3A_350, %add3A_351 : i32
          %rem3A_353 = arith.constant 4 : i32
          %rem3A_354 = arith.remsi %add3A_352, %rem3A_353 : i32
          %mul3A_355 = arith.constant 128 : i32
          %mul3A_356 = arith.muli %sub3A_350, %mul3A_355 : i32
          %add3A_357 = arith.addi %mul3A_4, %mul3A_356 : i32
          %dma_wait3A_358 = arith.constant 0 : i32
          %dma_wait3A_359 = arith.constant 0 : i32
          %dma_wait3A_360 = tpu.memref_slice %arg9[%rem3A_354, %dma_wait3A_358, %dma_wait3A_359] : memref<4x128x128xf32, #tpu.memory_space<vmem>> -> memref<1x128x128xf32, #tpu.memory_space<vmem>>
          %dma_wait3A_361 = tpu.memref_squeeze %dma_wait3A_360 : memref<1x128x128xf32, #tpu.memory_space<vmem>> -> memref<128x128xf32, #tpu.memory_space<vmem>>
          %dma_wait3A_362 = arith.constant 0 : i32
          %dma_wait3A_363 = tpu.memref_slice %arg6[%add3A_357, %dma_wait3A_362] : memref<204800x128xf32, #tpu.memory_space<hbm>> -> memref<128x128xf32, #tpu.memory_space<hbm>>
          %dma_wait3A_364 = tpu.memref_slice %arg13[%rem3A_354] : memref<4x!tpu.dma_semaphore, #tpu.memory_space<semaphore_mem>> -> memref<1x!tpu.dma_semaphore, #tpu.memory_space<semaphore_mem>>
          %dma_wait3A_365 = tpu.memref_squeeze %dma_wait3A_364 : memref<1x!tpu.dma_semaphore, #tpu.memory_space<semaphore_mem>> -> memref<!tpu.dma_semaphore, #tpu.memory_space<semaphore_mem>>
          %dma_wait3A_366 = arith.constant 0 : i32
          %dma_wait3A_367 = tpu.memref_slice %arg6[%add3A_357, %dma_wait3A_366] : memref<204800x128xf32, #tpu.memory_space<hbm>> -> memref<128x128xf32, #tpu.memory_space<hbm>>
          %dma_wait3A_368 = arith.constant 0 : i32
          %dma_wait3A_369 = arith.constant 0 : i32
          %dma_wait3A_370 = tpu.memref_slice %arg9[%rem3A_354, %dma_wait3A_368, %dma_wait3A_369] : memref<4x128x128xf32, #tpu.memory_space<vmem>> -> memref<1x128x128xf32, #tpu.memory_space<vmem>>
          %dma_wait3A_371 = tpu.memref_squeeze %dma_wait3A_370 : memref<1x128x128xf32, #tpu.memory_space<vmem>> -> memref<128x128xf32, #tpu.memory_space<vmem>>
          tpu.wait_dma2 semaphore(%dma_wait3A_365 : memref<!tpu.dma_semaphore, #tpu.memory_space<semaphore_mem>>) src(%dma_wait3A_371 : memref<128x128xf32, #tpu.memory_space<vmem>>) dst(%dma_wait3A_367 : memref<128x128xf32, #tpu.memory_space<hbm>>)
        } else {
        }
        %add3A_331 = arith.constant 1 : i32
        %add3A_332 = arith.addi %scan3A_203, %add3A_331 : i32
        %add3A_333 = arith.constant 200 : i32
        %add3A_334 = arith.addi %add3A_332, %add3A_333 : i32
        %rem3A_335 = arith.constant 4 : i32
        %rem3A_336 = arith.remsi %add3A_334, %rem3A_335 : i32
        %dma_start3A_337 = arith.constant 0 : i32
        %dma_start3A_338 = arith.constant 0 : i32
        %dma_start3A_339 = tpu.memref_slice %arg9[%rem3A_336, %dma_start3A_337, %dma_start3A_338] : memref<4x128x128xf32, #tpu.memory_space<vmem>> -> memref<1x128x128xf32, #tpu.memory_space<vmem>>
        %dma_start3A_340 = tpu.memref_squeeze %dma_start3A_339 : memref<1x128x128xf32, #tpu.memory_space<vmem>> -> memref<128x128xf32, #tpu.memory_space<vmem>>
        %dma_start3A_341 = arith.constant 0 : i32
        %dma_start3A_342 = tpu.memref_slice %arg7[%rem3A_336, %dma_start3A_341] : memref<4x128xi32, #tpu.memory_space<vmem>> -> memref<1x128xi32, #tpu.memory_space<vmem>>
        %dma_start3A_343 = tpu.memref_squeeze %dma_start3A_342 : memref<1x128xi32, #tpu.memory_space<vmem>> -> memref<128xi32, #tpu.memory_space<vmem>>
        %dma_start3A_344 = arith.constant 0 : i32
        %dma_start3A_345 = arith.constant 0 : i32
        %dma_start3A_346 = tpu.memref_slice %arg4[%dma_start3A_344, %dma_start3A_345] : memref<100000x128xf32, #tpu.memory_space<hbm>> -> memref<100000x128xf32, #tpu.memory_space<hbm>>
        %dma_start3A_347 = tpu.memref_slice %arg11[%rem3A_336] : memref<4x!tpu.dma_semaphore, #tpu.memory_space<semaphore_mem>> -> memref<1x!tpu.dma_semaphore, #tpu.memory_space<semaphore_mem>>
        %dma_start3A_348 = tpu.memref_squeeze %dma_start3A_347 : memref<1x!tpu.dma_semaphore, #tpu.memory_space<semaphore_mem>> -> memref<!tpu.dma_semaphore, #tpu.memory_space<semaphore_mem>>
        tpu.enqueue_indirect_dma source(%dma_start3A_346 : memref<100000x128xf32, #tpu.memory_space<hbm>>) target(%dma_start3A_340 : memref<128x128xf32, #tpu.memory_space<vmem>>) offsets(%dma_start3A_343 : memref<128xi32, #tpu.memory_space<vmem>>) semaphore(%dma_start3A_348 : memref<!tpu.dma_semaphore, #tpu.memory_space<semaphore_mem>>)
      } else {
      }
      %add3A_247 = arith.constant 200 : i32
      %add3A_248 = arith.addi %scan3A_203, %add3A_247 : i32
      %rem3A_249 = arith.constant 4 : i32
      %rem3A_250 = arith.remsi %add3A_248, %rem3A_249 : i32
      %dma_wait3A_251 = arith.constant 0 : i32
      %dma_wait3A_252 = arith.constant 0 : i32
      %dma_wait3A_253 = tpu.memref_slice %arg9[%rem3A_250, %dma_wait3A_251, %dma_wait3A_252] : memref<4x128x128xf32, #tpu.memory_space<vmem>> -> memref<1x128x128xf32, #tpu.memory_space<vmem>>
      %dma_wait3A_254 = tpu.memref_squeeze %dma_wait3A_253 : memref<1x128x128xf32, #tpu.memory_space<vmem>> -> memref<128x128xf32, #tpu.memory_space<vmem>>
      %dma_wait3A_255 = arith.constant 0 : i32
      %dma_wait3A_256 = tpu.memref_slice %arg8[%rem3A_250, %dma_wait3A_255] : memref<4x128xi32, #tpu.memory_space<vmem>> -> memref<1x128xi32, #tpu.memory_space<vmem>>
      %dma_wait3A_257 = tpu.memref_squeeze %dma_wait3A_256 : memref<1x128xi32, #tpu.memory_space<vmem>> -> memref<128xi32, #tpu.memory_space<vmem>>
      %dma_wait3A_258 = arith.constant 0 : i32
      %dma_wait3A_259 = arith.constant 0 : i32
      %dma_wait3A_260 = tpu.memref_slice %arg5[%dma_wait3A_258, %dma_wait3A_259] : memref<100000x128xf32, #tpu.memory_space<hbm>> -> memref<100000x128xf32, #tpu.memory_space<hbm>>
      %dma_wait3A_261 = tpu.memref_slice %arg12[%rem3A_250] : memref<4x!tpu.dma_semaphore, #tpu.memory_space<semaphore_mem>> -> memref<1x!tpu.dma_semaphore, #tpu.memory_space<semaphore_mem>>
      %dma_wait3A_262 = tpu.memref_squeeze %dma_wait3A_261 : memref<1x!tpu.dma_semaphore, #tpu.memory_space<semaphore_mem>> -> memref<!tpu.dma_semaphore, #tpu.memory_space<semaphore_mem>>
      tpu.wait_indirect_dma semaphore(%dma_wait3A_262 : memref<!tpu.dma_semaphore, #tpu.memory_space<semaphore_mem>>) src(%dma_wait3A_260 : memref<100000x128xf32, #tpu.memory_space<hbm>>) dst(%dma_wait3A_254 : memref<128x128xf32, #tpu.memory_space<vmem>>)
      %scan3A_263 = arith.constant 0 : i32
      %scan3A_264 = arith.constant 0 : i32
      %scan3A_265 = arith.constant 64 : i32
      %scan3A_266 = arith.addi %scan3A_264, %scan3A_265 : i32
      %scan3A_267 = arith.constant 1 : i32
      scf.for %scan3A_290 = %scan3A_264 to %scan3A_266 step %scan3A_267  : i32 {
        %mul3A_291 = arith.constant 2 : i32
        %mul3A_292 = arith.muli %scan3A_290, %mul3A_291 : i32
        %add3A_293 = arith.constant 0 : i32
        %add3A_294 = arith.addi %mul3A_292, %add3A_293 : i32
        %add3A_295 = arith.constant 200 : i32
        %add3A_296 = arith.addi %scan3A_203, %add3A_295 : i32
        %rem3A_297 = arith.constant 4 : i32
        %rem3A_298 = arith.remsi %add3A_296, %rem3A_297 : i32
        %get3A = arith.index_cast %rem3A_298 : i32 to index
        %get3A_299 = arith.index_cast %add3A_294 : i32 to index
        %get3A_300 = arith.constant 0 : index
        %get3A_301 = tpu.vector_load %arg9[%get3A, %get3A_299, %get3A_300] {strides = array<i32>} : memref<4x128x128xf32, #tpu.memory_space<vmem>>, vector<1x1x16xf32>,
        %get3A_302 = vector.shape_cast %get3A_301 : vector<1x1x16xf32> to vector<16xf32>
        %mul3A_303 = arith.constant 5.000000e-01 : f32
        %mul3A_304 = vector.broadcast %mul3A_303 : f32 to vector<16xf32>
        %mul3A_305 = arith.mulf %get3A_302, %mul3A_304 : vector<16xf32>
        %add3A_306 = arith.constant 2.500000e-01 : f32
        %add3A_307 = vector.broadcast %add3A_306 : f32 to vector<16xf32>
        %add3A_308 = arith.addf %mul3A_305, %add3A_307 : vector<16xf32>
        %add3A_309 = arith.constant 200 : i32
        %add3A_310 = arith.addi %scan3A_203, %add3A_309 : i32
        %rem3A_311 = arith.constant 4 : i32
        %rem3A_312 = arith.remsi %add3A_310, %rem3A_311 : i32
        %swap3A = arith.index_cast %rem3A_312 : i32 to index
        %swap3A_313 = arith.index_cast %add3A_294 : i32 to index
        %swap3A_314 = arith.constant 0 : index
        %swap3A_315 = tpu.vector_load %arg9[%swap3A, %swap3A_313, %swap3A_314] {strides = array<i32>} : memref<4x128x128xf32, #tpu.memory_space<vmem>>, vector<1x1x16xf32>,
        %swap3A_316 = vector.shape_cast %swap3A_315 : vector<1x1x16xf32> to vector<16xf32>
        %swap3A_317 = vector.shape_cast %add3A_308 : vector<16xf32> to vector<1x1x16xf32>
        tpu.vector_store %arg9[%swap3A, %swap3A_313, %swap3A_314], %swap3A_317 {strides = array<i32>} : memref<4x128x128xf32, #tpu.memory_space<vmem>>, vector<1x1x16xf32>,
        %add3A_318 = arith.constant 200 : i32
        %add3A_319 = arith.addi %scan3A_203, %add3A_318 : i32
        %rem3A_320 = arith.constant 4 : i32
        %rem3A_321 = arith.remsi %add3A_319, %rem3A_320 : i32
        %get3A_322 = arith.index_cast %rem3A_321 : i32 to index
        %get3A_323 = arith.index_cast %add3A_294 : i32 to index
        %get3A_324 = arith.constant 16 : index
        %get3A_325 = tpu.vector_load %arg9[%get3A_322, %get3A_323, %get3A_324] {strides = array<i32>} : memref<4x128x128xf32, #tpu.memory_space<vmem>>, vector<1x1x16xf32>,
        %get3A_326 = vector.shape_cast %get3A_325 : vector<1x1x16xf32> to vector<16xf32>
        %mul3A_327 = arith.constant 5.000000e-01 : f32
        %mul3A_328 = vector.broadcast %mul3A_327 : f32 to vector<16xf32>
        %mul3A_329 = arith.mulf %get3A_326, %mul3A_328 : vector<16xf32>
        %add3A_330 = arith.constant 2.500000e-01 : f32
        %add3A_331 = vector.broadcast %add3A_330 : f32 to vector<16xf32>
        %add3A_332 = arith.addf %mul3A_329, %add3A_331 : vector<16xf32>
        %add3A_333 = arith.constant 200 : i32
        %add3A_334 = arith.addi %scan3A_203, %add3A_333 : i32
        %rem3A_335 = arith.constant 4 : i32
        %rem3A_336 = arith.remsi %add3A_334, %rem3A_335 : i32
        %swap3A_337 = arith.index_cast %rem3A_336 : i32 to index
        %swap3A_338 = arith.index_cast %add3A_294 : i32 to index
        %swap3A_339 = arith.constant 16 : index
        %swap3A_340 = tpu.vector_load %arg9[%swap3A_337, %swap3A_338, %swap3A_339] {strides = array<i32>} : memref<4x128x128xf32, #tpu.memory_space<vmem>>, vector<1x1x16xf32>,
        %swap3A_341 = vector.shape_cast %swap3A_340 : vector<1x1x16xf32> to vector<16xf32>
        %swap3A_342 = vector.shape_cast %add3A_332 : vector<16xf32> to vector<1x1x16xf32>
        tpu.vector_store %arg9[%swap3A_337, %swap3A_338, %swap3A_339], %swap3A_342 {strides = array<i32>} : memref<4x128x128xf32, #tpu.memory_space<vmem>>, vector<1x1x16xf32>,
        %add3A_343 = arith.constant 200 : i32
        %add3A_344 = arith.addi %scan3A_203, %add3A_343 : i32
        %rem3A_345 = arith.constant 4 : i32
        %rem3A_346 = arith.remsi %add3A_344, %rem3A_345 : i32
        %get3A_347 = arith.index_cast %rem3A_346 : i32 to index
        %get3A_348 = arith.index_cast %add3A_294 : i32 to index
        %get3A_349 = arith.constant 32 : index
        %get3A_350 = tpu.vector_load %arg9[%get3A_347, %get3A_348, %get3A_349] {strides = array<i32>} : memref<4x128x128xf32, #tpu.memory_space<vmem>>, vector<1x1x16xf32>,
        %get3A_351 = vector.shape_cast %get3A_350 : vector<1x1x16xf32> to vector<16xf32>
        %mul3A_352 = arith.constant 5.000000e-01 : f32
        %mul3A_353 = vector.broadcast %mul3A_352 : f32 to vector<16xf32>
        %mul3A_354 = arith.mulf %get3A_351, %mul3A_353 : vector<16xf32>
        %add3A_355 = arith.constant 2.500000e-01 : f32
        %add3A_356 = vector.broadcast %add3A_355 : f32 to vector<16xf32>
        %add3A_357 = arith.addf %mul3A_354, %add3A_356 : vector<16xf32>
        %add3A_358 = arith.constant 200 : i32
        %add3A_359 = arith.addi %scan3A_203, %add3A_358 : i32
        %rem3A_360 = arith.constant 4 : i32
        %rem3A_361 = arith.remsi %add3A_359, %rem3A_360 : i32
        %swap3A_362 = arith.index_cast %rem3A_361 : i32 to index
        %swap3A_363 = arith.index_cast %add3A_294 : i32 to index
        %swap3A_364 = arith.constant 32 : index
        %swap3A_365 = tpu.vector_load %arg9[%swap3A_362, %swap3A_363, %swap3A_364] {strides = array<i32>} : memref<4x128x128xf32, #tpu.memory_space<vmem>>, vector<1x1x16xf32>,
        %swap3A_366 = vector.shape_cast %swap3A_365 : vector<1x1x16xf32> to vector<16xf32>
        %swap3A_367 = vector.shape_cast %add3A_357 : vector<16xf32> to vector<1x1x16xf32>
        tpu.vector_store %arg9[%swap3A_362, %swap3A_363, %swap3A_364], %swap3A_367 {strides = array<i32>} : memref<4x128x128xf32, #tpu.memory_space<vmem>>, vector<1x1x16xf32>,
        %add3A_368 = arith.constant 200 : i32
        %add3A_369 = arith.addi %scan3A_203, %add3A_368 : i32
        %rem3A_370 = arith.constant 4 : i32
        %rem3A_371 = arith.remsi %add3A_369, %rem3A_370 : i32
        %get3A_372 = arith.index_cast %rem3A_371 : i32 to index
        %get3A_373 = arith.index_cast %add3A_294 : i32 to index
        %get3A_374 = arith.constant 48 : index
        %get3A_375 = tpu.vector_load %arg9[%get3A_372, %get3A_373, %get3A_374] {strides = array<i32>} : memref<4x128x128xf32, #tpu.memory_space<vmem>>, vector<1x1x16xf32>,
        %get3A_376 = vector.shape_cast %get3A_375 : vector<1x1x16xf32> to vector<16xf32>
        %mul3A_377 = arith.constant 5.000000e-01 : f32
        %mul3A_378 = vector.broadcast %mul3A_377 : f32 to vector<16xf32>
        %mul3A_379 = arith.mulf %get3A_376, %mul3A_378 : vector<16xf32>
        %add3A_380 = arith.constant 2.500000e-01 : f32
        %add3A_381 = vector.broadcast %add3A_380 : f32 to vector<16xf32>
        %add3A_382 = arith.addf %mul3A_379, %add3A_381 : vector<16xf32>
        %add3A_383 = arith.constant 200 : i32
        %add3A_384 = arith.addi %scan3A_203, %add3A_383 : i32
        %rem3A_385 = arith.constant 4 : i32
        %rem3A_386 = arith.remsi %add3A_384, %rem3A_385 : i32
        %swap3A_387 = arith.index_cast %rem3A_386 : i32 to index
        %swap3A_388 = arith.index_cast %add3A_294 : i32 to index
        %swap3A_389 = arith.constant 48 : index
        %swap3A_390 = tpu.vector_load %arg9[%swap3A_387, %swap3A_388, %swap3A_389] {strides = array<i32>} : memref<4x128x128xf32, #tpu.memory_space<vmem>>, vector<1x1x16xf32>,
        %swap3A_391 = vector.shape_cast %swap3A_390 : vector<1x1x16xf32> to vector<16xf32>
        %swap3A_392 = vector.shape_cast %add3A_382 : vector<16xf32> to vector<1x1x16xf32>
        tpu.vector_store %arg9[%swap3A_387, %swap3A_388, %swap3A_389], %swap3A_392 {strides = array<i32>} : memref<4x128x128xf32, #tpu.memory_space<vmem>>, vector<1x1x16xf32>,
        %add3A_393 = arith.constant 200 : i32
        %add3A_394 = arith.addi %scan3A_203, %add3A_393 : i32
        %rem3A_395 = arith.constant 4 : i32
        %rem3A_396 = arith.remsi %add3A_394, %rem3A_395 : i32
        %get3A_397 = arith.index_cast %rem3A_396 : i32 to index
        %get3A_398 = arith.index_cast %add3A_294 : i32 to index
        %get3A_399 = arith.constant 64 : index
        %get3A_400 = tpu.vector_load %arg9[%get3A_397, %get3A_398, %get3A_399] {strides = array<i32>} : memref<4x128x128xf32, #tpu.memory_space<vmem>>, vector<1x1x16xf32>,
        %get3A_401 = vector.shape_cast %get3A_400 : vector<1x1x16xf32> to vector<16xf32>
        %mul3A_402 = arith.constant 5.000000e-01 : f32
        %mul3A_403 = vector.broadcast %mul3A_402 : f32 to vector<16xf32>
        %mul3A_404 = arith.mulf %get3A_401, %mul3A_403 : vector<16xf32>
        %add3A_405 = arith.constant 2.500000e-01 : f32
        %add3A_406 = vector.broadcast %add3A_405 : f32 to vector<16xf32>
        %add3A_407 = arith.addf %mul3A_404, %add3A_406 : vector<16xf32>
        %add3A_408 = arith.constant 200 : i32
        %add3A_409 = arith.addi %scan3A_203, %add3A_408 : i32
        %rem3A_410 = arith.constant 4 : i32
        %rem3A_411 = arith.remsi %add3A_409, %rem3A_410 : i32
        %swap3A_412 = arith.index_cast %rem3A_411 : i32 to index
        %swap3A_413 = arith.index_cast %add3A_294 : i32 to index
        %swap3A_414 = arith.constant 64 : index
        %swap3A_415 = tpu.vector_load %arg9[%swap3A_412, %swap3A_413, %swap3A_414] {strides = array<i32>} : memref<4x128x128xf32, #tpu.memory_space<vmem>>, vector<1x1x16xf32>,
        %swap3A_416 = vector.shape_cast %swap3A_415 : vector<1x1x16xf32> to vector<16xf32>
        %swap3A_417 = vector.shape_cast %add3A_407 : vector<16xf32> to vector<1x1x16xf32>
        tpu.vector_store %arg9[%swap3A_412, %swap3A_413, %swap3A_414], %swap3A_417 {strides = array<i32>} : memref<4x128x128xf32, #tpu.memory_space<vmem>>, vector<1x1x16xf32>,
        %add3A_418 = arith.constant 200 : i32
        %add3A_419 = arith.addi %scan3A_203, %add3A_418 : i32
        %rem3A_420 = arith.constant 4 : i32
        %rem3A_421 = arith.remsi %add3A_419, %rem3A_420 : i32
        %get3A_422 = arith.index_cast %rem3A_421 : i32 to index
        %get3A_423 = arith.index_cast %add3A_294 : i32 to index
        %get3A_424 = arith.constant 80 : index
        %get3A_425 = tpu.vector_load %arg9[%get3A_422, %get3A_423, %get3A_424] {strides = array<i32>} : memref<4x128x128xf32, #tpu.memory_space<vmem>>, vector<1x1x16xf32>,
        %get3A_426 = vector.shape_cast %get3A_425 : vector<1x1x16xf32> to vector<16xf32>
        %mul3A_427 = arith.constant 5.000000e-01 : f32
        %mul3A_428 = vector.broadcast %mul3A_427 : f32 to vector<16xf32>
        %mul3A_429 = arith.mulf %get3A_426, %mul3A_428 : vector<16xf32>
        %add3A_430 = arith.constant 2.500000e-01 : f32
        %add3A_431 = vector.broadcast %add3A_430 : f32 to vector<16xf32>
        %add3A_432 = arith.addf %mul3A_429, %add3A_431 : vector<16xf32>
        %add3A_433 = arith.constant 200 : i32
        %add3A_434 = arith.addi %scan3A_203, %add3A_433 : i32
        %rem3A_435 = arith.constant 4 : i32
        %rem3A_436 = arith.remsi %add3A_434, %rem3A_435 : i32
        %swap3A_437 = arith.index_cast %rem3A_436 : i32 to index
        %swap3A_438 = arith.index_cast %add3A_294 : i32 to index
        %swap3A_439 = arith.constant 80 : index
        %swap3A_440 = tpu.vector_load %arg9[%swap3A_437, %swap3A_438, %swap3A_439] {strides = array<i32>} : memref<4x128x128xf32, #tpu.memory_space<vmem>>, vector<1x1x16xf32>,
        %swap3A_441 = vector.shape_cast %swap3A_440 : vector<1x1x16xf32> to vector<16xf32>
        %swap3A_442 = vector.shape_cast %add3A_432 : vector<16xf32> to vector<1x1x16xf32>
        tpu.vector_store %arg9[%swap3A_437, %swap3A_438, %swap3A_439], %swap3A_442 {strides = array<i32>} : memref<4x128x128xf32, #tpu.memory_space<vmem>>, vector<1x1x16xf32>,
        %add3A_443 = arith.constant 200 : i32
        %add3A_444 = arith.addi %scan3A_203, %add3A_443 : i32
        %rem3A_445 = arith.constant 4 : i32
        %rem3A_446 = arith.remsi %add3A_444, %rem3A_445 : i32
        %get3A_447 = arith.index_cast %rem3A_446 : i32 to index
        %get3A_448 = arith.index_cast %add3A_294 : i32 to index
        %get3A_449 = arith.constant 96 : index
        %get3A_450 = tpu.vector_load %arg9[%get3A_447, %get3A_448, %get3A_449] {strides = array<i32>} : memref<4x128x128xf32, #tpu.memory_space<vmem>>, vector<1x1x16xf32>,
        %get3A_451 = vector.shape_cast %get3A_450 : vector<1x1x16xf32> to vector<16xf32>
        %mul3A_452 = arith.constant 5.000000e-01 : f32
        %mul3A_453 = vector.broadcast %mul3A_452 : f32 to vector<16xf32>
        %mul3A_454 = arith.mulf %get3A_451, %mul3A_453 : vector<16xf32>
        %add3A_455 = arith.constant 2.500000e-01 : f32
        %add3A_456 = vector.broadcast %add3A_455 : f32 to vector<16xf32>
        %add3A_457 = arith.addf %mul3A_454, %add3A_456 : vector<16xf32>
        %add3A_458 = arith.constant 200 : i32
        %add3A_459 = arith.addi %scan3A_203, %add3A_458 : i32
        %rem3A_460 = arith.constant 4 : i32
        %rem3A_461 = arith.remsi %add3A_459, %rem3A_460 : i32
        %swap3A_462 = arith.index_cast %rem3A_461 : i32 to index
        %swap3A_463 = arith.index_cast %add3A_294 : i32 to index
        %swap3A_464 = arith.constant 96 : index
        %swap3A_465 = tpu.vector_load %arg9[%swap3A_462, %swap3A_463, %swap3A_464] {strides = array<i32>} : memref<4x128x128xf32, #tpu.memory_space<vmem>>, vector<1x1x16xf32>,
        %swap3A_466 = vector.shape_cast %swap3A_465 : vector<1x1x16xf32> to vector<16xf32>
        %swap3A_467 = vector.shape_cast %add3A_457 : vector<16xf32> to vector<1x1x16xf32>
        tpu.vector_store %arg9[%swap3A_462, %swap3A_463, %swap3A_464], %swap3A_467 {strides = array<i32>} : memref<4x128x128xf32, #tpu.memory_space<vmem>>, vector<1x1x16xf32>,
        %add3A_468 = arith.constant 200 : i32
        %add3A_469 = arith.addi %scan3A_203, %add3A_468 : i32
        %rem3A_470 = arith.constant 4 : i32
        %rem3A_471 = arith.remsi %add3A_469, %rem3A_470 : i32
        %get3A_472 = arith.index_cast %rem3A_471 : i32 to index
        %get3A_473 = arith.index_cast %add3A_294 : i32 to index
        %get3A_474 = arith.constant 112 : index
        %get3A_475 = tpu.vector_load %arg9[%get3A_472, %get3A_473, %get3A_474] {strides = array<i32>} : memref<4x128x128xf32, #tpu.memory_space<vmem>>, vector<1x1x16xf32>,
        %get3A_476 = vector.shape_cast %get3A_475 : vector<1x1x16xf32> to vector<16xf32>
        %mul3A_477 = arith.constant 5.000000e-01 : f32
        %mul3A_478 = vector.broadcast %mul3A_477 : f32 to vector<16xf32>
        %mul3A_479 = arith.mulf %get3A_476, %mul3A_478 : vector<16xf32>
        %add3A_480 = arith.constant 2.500000e-01 : f32
        %add3A_481 = vector.broadcast %add3A_480 : f32 to vector<16xf32>
        %add3A_482 = arith.addf %mul3A_479, %add3A_481 : vector<16xf32>
        %add3A_483 = arith.constant 200 : i32
        %add3A_484 = arith.addi %scan3A_203, %add3A_483 : i32
        %rem3A_485 = arith.constant 4 : i32
        %rem3A_486 = arith.remsi %add3A_484, %rem3A_485 : i32
        %swap3A_487 = arith.index_cast %rem3A_486 : i32 to index
        %swap3A_488 = arith.index_cast %add3A_294 : i32 to index
        %swap3A_489 = arith.constant 112 : index
        %swap3A_490 = tpu.vector_load %arg9[%swap3A_487, %swap3A_488, %swap3A_489] {strides = array<i32>} : memref<4x128x128xf32, #tpu.memory_space<vmem>>, vector<1x1x16xf32>,
        %swap3A_491 = vector.shape_cast %swap3A_490 : vector<1x1x16xf32> to vector<16xf32>
        %swap3A_492 = vector.shape_cast %add3A_482 : vector<16xf32> to vector<1x1x16xf32>
        tpu.vector_store %arg9[%swap3A_487, %swap3A_488, %swap3A_489], %swap3A_492 {strides = array<i32>} : memref<4x128x128xf32, #tpu.memory_space<vmem>>, vector<1x1x16xf32>,
        %mul3A_493 = arith.constant 2 : i32
        %mul3A_494 = arith.muli %scan3A_290, %mul3A_493 : i32
        %add3A_495 = arith.constant 1 : i32
        %add3A_496 = arith.addi %mul3A_494, %add3A_495 : i32
        %add3A_497 = arith.constant 200 : i32
        %add3A_498 = arith.addi %scan3A_203, %add3A_497 : i32
        %rem3A_499 = arith.constant 4 : i32
        %rem3A_500 = arith.remsi %add3A_498, %rem3A_499 : i32
        %get3A_501 = arith.index_cast %rem3A_500 : i32 to index
        %get3A_502 = arith.index_cast %add3A_496 : i32 to index
        %get3A_503 = arith.constant 0 : index
        %get3A_504 = tpu.vector_load %arg9[%get3A_501, %get3A_502, %get3A_503] {strides = array<i32>} : memref<4x128x128xf32, #tpu.memory_space<vmem>>, vector<1x1x16xf32>,
        %get3A_505 = vector.shape_cast %get3A_504 : vector<1x1x16xf32> to vector<16xf32>
        %mul3A_506 = arith.constant 5.000000e-01 : f32
        %mul3A_507 = vector.broadcast %mul3A_506 : f32 to vector<16xf32>
        %mul3A_508 = arith.mulf %get3A_505, %mul3A_507 : vector<16xf32>
        %add3A_509 = arith.constant 2.500000e-01 : f32
        %add3A_510 = vector.broadcast %add3A_509 : f32 to vector<16xf32>
        %add3A_511 = arith.addf %mul3A_508, %add3A_510 : vector<16xf32>
        %add3A_512 = arith.constant 200 : i32
        %add3A_513 = arith.addi %scan3A_203, %add3A_512 : i32
        %rem3A_514 = arith.constant 4 : i32
        %rem3A_515 = arith.remsi %add3A_513, %rem3A_514 : i32
        %swap3A_516 = arith.index_cast %rem3A_515 : i32 to index
        %swap3A_517 = arith.index_cast %add3A_496 : i32 to index
        %swap3A_518 = arith.constant 0 : index
        %swap3A_519 = tpu.vector_load %arg9[%swap3A_516, %swap3A_517, %swap3A_518] {strides = array<i32>} : memref<4x128x128xf32, #tpu.memory_space<vmem>>, vector<1x1x16xf32>,
        %swap3A_520 = vector.shape_cast %swap3A_519 : vector<1x1x16xf32> to vector<16xf32>
        %swap3A_521 = vector.shape_cast %add3A_511 : vector<16xf32> to vector<1x1x16xf32>
        tpu.vector_store %arg9[%swap3A_516, %swap3A_517, %swap3A_518], %swap3A_521 {strides = array<i32>} : memref<4x128x128xf32, #tpu.memory_space<vmem>>, vector<1x1x16xf32>,
        %add3A_522 = arith.constant 200 : i32
        %add3A_523 = arith.addi %scan3A_203, %add3A_522 : i32
        %rem3A_524 = arith.constant 4 : i32
        %rem3A_525 = arith.remsi %add3A_523, %rem3A_524 : i32
        %get3A_526 = arith.index_cast %rem3A_525 : i32 to index
        %get3A_527 = arith.index_cast %add3A_496 : i32 to index
        %get3A_528 = arith.constant 16 : index
        %get3A_529 = tpu.vector_load %arg9[%get3A_526, %get3A_527, %get3A_528] {strides = array<i32>} : memref<4x128x128xf32, #tpu.memory_space<vmem>>, vector<1x1x16xf32>,
        %get3A_530 = vector.shape_cast %get3A_529 : vector<1x1x16xf32> to vector<16xf32>
        %mul3A_531 = arith.constant 5.000000e-01 : f32
        %mul3A_532 = vector.broadcast %mul3A_531 : f32 to vector<16xf32>
        %mul3A_533 = arith.mulf %get3A_530, %mul3A_532 : vector<16xf32>
        %add3A_534 = arith.constant 2.500000e-01 : f32
        %add3A_535 = vector.broadcast %add3A_534 : f32 to vector<16xf32>
        %add3A_536 = arith.addf %mul3A_533, %add3A_535 : vector<16xf32>
        %add3A_537 = arith.constant 200 : i32
        %add3A_538 = arith.addi %scan3A_203, %add3A_537 : i32
        %rem3A_539 = arith.constant 4 : i32
        %rem3A_540 = arith.remsi %add3A_538, %rem3A_539 : i32
        %swap3A_541 = arith.index_cast %rem3A_540 : i32 to index
        %swap3A_542 = arith.index_cast %add3A_496 : i32 to index
        %swap3A_543 = arith.constant 16 : index
        %swap3A_544 = tpu.vector_load %arg9[%swap3A_541, %swap3A_542, %swap3A_543] {strides = array<i32>} : memref<4x128x128xf32, #tpu.memory_space<vmem>>, vector<1x1x16xf32>,
        %swap3A_545 = vector.shape_cast %swap3A_544 : vector<1x1x16xf32> to vector<16xf32>
        %swap3A_546 = vector.shape_cast %add3A_536 : vector<16xf32> to vector<1x1x16xf32>
        tpu.vector_store %arg9[%swap3A_541, %swap3A_542, %swap3A_543], %swap3A_546 {strides = array<i32>} : memref<4x128x128xf32, #tpu.memory_space<vmem>>, vector<1x1x16xf32>,
        %add3A_547 = arith.constant 200 : i32
        %add3A_548 = arith.addi %scan3A_203, %add3A_547 : i32
        %rem3A_549 = arith.constant 4 : i32
        %rem3A_550 = arith.remsi %add3A_548, %rem3A_549 : i32
        %get3A_551 = arith.index_cast %rem3A_550 : i32 to index
        %get3A_552 = arith.index_cast %add3A_496 : i32 to index
        %get3A_553 = arith.constant 32 : index
        %get3A_554 = tpu.vector_load %arg9[%get3A_551, %get3A_552, %get3A_553] {strides = array<i32>} : memref<4x128x128xf32, #tpu.memory_space<vmem>>, vector<1x1x16xf32>,
        %get3A_555 = vector.shape_cast %get3A_554 : vector<1x1x16xf32> to vector<16xf32>
        %mul3A_556 = arith.constant 5.000000e-01 : f32
        %mul3A_557 = vector.broadcast %mul3A_556 : f32 to vector<16xf32>
        %mul3A_558 = arith.mulf %get3A_555, %mul3A_557 : vector<16xf32>
        %add3A_559 = arith.constant 2.500000e-01 : f32
        %add3A_560 = vector.broadcast %add3A_559 : f32 to vector<16xf32>
        %add3A_561 = arith.addf %mul3A_558, %add3A_560 : vector<16xf32>
        %add3A_562 = arith.constant 200 : i32
        %add3A_563 = arith.addi %scan3A_203, %add3A_562 : i32
        %rem3A_564 = arith.constant 4 : i32
        %rem3A_565 = arith.remsi %add3A_563, %rem3A_564 : i32
        %swap3A_566 = arith.index_cast %rem3A_565 : i32 to index
        %swap3A_567 = arith.index_cast %add3A_496 : i32 to index
        %swap3A_568 = arith.constant 32 : index
        %swap3A_569 = tpu.vector_load %arg9[%swap3A_566, %swap3A_567, %swap3A_568] {strides = array<i32>} : memref<4x128x128xf32, #tpu.memory_space<vmem>>, vector<1x1x16xf32>,
        %swap3A_570 = vector.shape_cast %swap3A_569 : vector<1x1x16xf32> to vector<16xf32>
        %swap3A_571 = vector.shape_cast %add3A_561 : vector<16xf32> to vector<1x1x16xf32>
        tpu.vector_store %arg9[%swap3A_566, %swap3A_567, %swap3A_568], %swap3A_571 {strides = array<i32>} : memref<4x128x128xf32, #tpu.memory_space<vmem>>, vector<1x1x16xf32>,
        %add3A_572 = arith.constant 200 : i32
        %add3A_573 = arith.addi %scan3A_203, %add3A_572 : i32
        %rem3A_574 = arith.constant 4 : i32
        %rem3A_575 = arith.remsi %add3A_573, %rem3A_574 : i32
        %get3A_576 = arith.index_cast %rem3A_575 : i32 to index
        %get3A_577 = arith.index_cast %add3A_496 : i32 to index
        %get3A_578 = arith.constant 48 : index
        %get3A_579 = tpu.vector_load %arg9[%get3A_576, %get3A_577, %get3A_578] {strides = array<i32>} : memref<4x128x128xf32, #tpu.memory_space<vmem>>, vector<1x1x16xf32>,
        %get3A_580 = vector.shape_cast %get3A_579 : vector<1x1x16xf32> to vector<16xf32>
        %mul3A_581 = arith.constant 5.000000e-01 : f32
        %mul3A_582 = vector.broadcast %mul3A_581 : f32 to vector<16xf32>
        %mul3A_583 = arith.mulf %get3A_580, %mul3A_582 : vector<16xf32>
        %add3A_584 = arith.constant 2.500000e-01 : f32
        %add3A_585 = vector.broadcast %add3A_584 : f32 to vector<16xf32>
        %add3A_586 = arith.addf %mul3A_583, %add3A_585 : vector<16xf32>
        %add3A_587 = arith.constant 200 : i32
        %add3A_588 = arith.addi %scan3A_203, %add3A_587 : i32
        %rem3A_589 = arith.constant 4 : i32
        %rem3A_590 = arith.remsi %add3A_588, %rem3A_589 : i32
        %swap3A_591 = arith.index_cast %rem3A_590 : i32 to index
        %swap3A_592 = arith.index_cast %add3A_496 : i32 to index
        %swap3A_593 = arith.constant 48 : index
        %swap3A_594 = tpu.vector_load %arg9[%swap3A_591, %swap3A_592, %swap3A_593] {strides = array<i32>} : memref<4x128x128xf32, #tpu.memory_space<vmem>>, vector<1x1x16xf32>,
        %swap3A_595 = vector.shape_cast %swap3A_594 : vector<1x1x16xf32> to vector<16xf32>
        %swap3A_596 = vector.shape_cast %add3A_586 : vector<16xf32> to vector<1x1x16xf32>
        tpu.vector_store %arg9[%swap3A_591, %swap3A_592, %swap3A_593], %swap3A_596 {strides = array<i32>} : memref<4x128x128xf32, #tpu.memory_space<vmem>>, vector<1x1x16xf32>,
        %add3A_597 = arith.constant 200 : i32
        %add3A_598 = arith.addi %scan3A_203, %add3A_597 : i32
        %rem3A_599 = arith.constant 4 : i32
        %rem3A_600 = arith.remsi %add3A_598, %rem3A_599 : i32
        %get3A_601 = arith.index_cast %rem3A_600 : i32 to index
        %get3A_602 = arith.index_cast %add3A_496 : i32 to index
        %get3A_603 = arith.constant 64 : index
        %get3A_604 = tpu.vector_load %arg9[%get3A_601, %get3A_602, %get3A_603] {strides = array<i32>} : memref<4x128x128xf32, #tpu.memory_space<vmem>>, vector<1x1x16xf32>,
        %get3A_605 = vector.shape_cast %get3A_604 : vector<1x1x16xf32> to vector<16xf32>
        %mul3A_606 = arith.constant 5.000000e-01 : f32
        %mul3A_607 = vector.broadcast %mul3A_606 : f32 to vector<16xf32>
        %mul3A_608 = arith.mulf %get3A_605, %mul3A_607 : vector<16xf32>
        %add3A_609 = arith.constant 2.500000e-01 : f32
        %add3A_610 = vector.broadcast %add3A_609 : f32 to vector<16xf32>
        %add3A_611 = arith.addf %mul3A_608, %add3A_610 : vector<16xf32>
        %add3A_612 = arith.constant 200 : i32
        %add3A_613 = arith.addi %scan3A_203, %add3A_612 : i32
        %rem3A_614 = arith.constant 4 : i32
        %rem3A_615 = arith.remsi %add3A_613, %rem3A_614 : i32
        %swap3A_616 = arith.index_cast %rem3A_615 : i32 to index
        %swap3A_617 = arith.index_cast %add3A_496 : i32 to index
        %swap3A_618 = arith.constant 64 : index
        %swap3A_619 = tpu.vector_load %arg9[%swap3A_616, %swap3A_617, %swap3A_618] {strides = array<i32>} : memref<4x128x128xf32, #tpu.memory_space<vmem>>, vector<1x1x16xf32>,
        %swap3A_620 = vector.shape_cast %swap3A_619 : vector<1x1x16xf32> to vector<16xf32>
        %swap3A_621 = vector.shape_cast %add3A_611 : vector<16xf32> to vector<1x1x16xf32>
        tpu.vector_store %arg9[%swap3A_616, %swap3A_617, %swap3A_618], %swap3A_621 {strides = array<i32>} : memref<4x128x128xf32, #tpu.memory_space<vmem>>, vector<1x1x16xf32>,
        %add3A_622 = arith.constant 200 : i32
        %add3A_623 = arith.addi %scan3A_203, %add3A_622 : i32
        %rem3A_624 = arith.constant 4 : i32
        %rem3A_625 = arith.remsi %add3A_623, %rem3A_624 : i32
        %get3A_626 = arith.index_cast %rem3A_625 : i32 to index
        %get3A_627 = arith.index_cast %add3A_496 : i32 to index
        %get3A_628 = arith.constant 80 : index
        %get3A_629 = tpu.vector_load %arg9[%get3A_626, %get3A_627, %get3A_628] {strides = array<i32>} : memref<4x128x128xf32, #tpu.memory_space<vmem>>, vector<1x1x16xf32>,
        %get3A_630 = vector.shape_cast %get3A_629 : vector<1x1x16xf32> to vector<16xf32>
        %mul3A_631 = arith.constant 5.000000e-01 : f32
        %mul3A_632 = vector.broadcast %mul3A_631 : f32 to vector<16xf32>
        %mul3A_633 = arith.mulf %get3A_630, %mul3A_632 : vector<16xf32>
        %add3A_634 = arith.constant 2.500000e-01 : f32
        %add3A_635 = vector.broadcast %add3A_634 : f32 to vector<16xf32>
        %add3A_636 = arith.addf %mul3A_633, %add3A_635 : vector<16xf32>
        %add3A_637 = arith.constant 200 : i32
        %add3A_638 = arith.addi %scan3A_203, %add3A_637 : i32
        %rem3A_639 = arith.constant 4 : i32
        %rem3A_640 = arith.remsi %add3A_638, %rem3A_639 : i32
        %swap3A_641 = arith.index_cast %rem3A_640 : i32 to index
        %swap3A_642 = arith.index_cast %add3A_496 : i32 to index
        %swap3A_643 = arith.constant 80 : index
        %swap3A_644 = tpu.vector_load %arg9[%swap3A_641, %swap3A_642, %swap3A_643] {strides = array<i32>} : memref<4x128x128xf32, #tpu.memory_space<vmem>>, vector<1x1x16xf32>,
        %swap3A_645 = vector.shape_cast %swap3A_644 : vector<1x1x16xf32> to vector<16xf32>
        %swap3A_646 = vector.shape_cast %add3A_636 : vector<16xf32> to vector<1x1x16xf32>
        tpu.vector_store %arg9[%swap3A_641, %swap3A_642, %swap3A_643], %swap3A_646 {strides = array<i32>} : memref<4x128x128xf32, #tpu.memory_space<vmem>>, vector<1x1x16xf32>,
        %add3A_647 = arith.constant 200 : i32
        %add3A_648 = arith.addi %scan3A_203, %add3A_647 : i32
        %rem3A_649 = arith.constant 4 : i32
        %rem3A_650 = arith.remsi %add3A_648, %rem3A_649 : i32
        %get3A_651 = arith.index_cast %rem3A_650 : i32 to index
        %get3A_652 = arith.index_cast %add3A_496 : i32 to index
        %get3A_653 = arith.constant 96 : index
        %get3A_654 = tpu.vector_load %arg9[%get3A_651, %get3A_652, %get3A_653] {strides = array<i32>} : memref<4x128x128xf32, #tpu.memory_space<vmem>>, vector<1x1x16xf32>,
        %get3A_655 = vector.shape_cast %get3A_654 : vector<1x1x16xf32> to vector<16xf32>
        %mul3A_656 = arith.constant 5.000000e-01 : f32
        %mul3A_657 = vector.broadcast %mul3A_656 : f32 to vector<16xf32>
        %mul3A_658 = arith.mulf %get3A_655, %mul3A_657 : vector<16xf32>
        %add3A_659 = arith.constant 2.500000e-01 : f32
        %add3A_660 = vector.broadcast %add3A_659 : f32 to vector<16xf32>
        %add3A_661 = arith.addf %mul3A_658, %add3A_660 : vector<16xf32>
        %add3A_662 = arith.constant 200 : i32
        %add3A_663 = arith.addi %scan3A_203, %add3A_662 : i32
        %rem3A_664 = arith.constant 4 : i32
        %rem3A_665 = arith.remsi %add3A_663, %rem3A_664 : i32
        %swap3A_666 = arith.index_cast %rem3A_665 : i32 to index
        %swap3A_667 = arith.index_cast %add3A_496 : i32 to index
        %swap3A_668 = arith.constant 96 : index
        %swap3A_669 = tpu.vector_load %arg9[%swap3A_666, %swap3A_667, %swap3A_668] {strides = array<i32>} : memref<4x128x128xf32, #tpu.memory_space<vmem>>, vector<1x1x16xf32>,
        %swap3A_670 = vector.shape_cast %swap3A_669 : vector<1x1x16xf32> to vector<16xf32>
        %swap3A_671 = vector.shape_cast %add3A_661 : vector<16xf32> to vector<1x1x16xf32>
        tpu.vector_store %arg9[%swap3A_666, %swap3A_667, %swap3A_668], %swap3A_671 {strides = array<i32>} : memref<4x128x128xf32, #tpu.memory_space<vmem>>, vector<1x1x16xf32>,
        %add3A_672 = arith.constant 200 : i32
        %add3A_673 = arith.addi %scan3A_203, %add3A_672 : i32
        %rem3A_674 = arith.constant 4 : i32
        %rem3A_675 = arith.remsi %add3A_673, %rem3A_674 : i32
        %get3A_676 = arith.index_cast %rem3A_675 : i32 to index
        %get3A_677 = arith.index_cast %add3A_496 : i32 to index
        %get3A_678 = arith.constant 112 : index
        %get3A_679 = tpu.vector_load %arg9[%get3A_676, %get3A_677, %get3A_678] {strides = array<i32>} : memref<4x128x128xf32, #tpu.memory_space<vmem>>, vector<1x1x16xf32>,
        %get3A_680 = vector.shape_cast %get3A_679 : vector<1x1x16xf32> to vector<16xf32>
        %mul3A_681 = arith.constant 5.000000e-01 : f32
        %mul3A_682 = vector.broadcast %mul3A_681 : f32 to vector<16xf32>
        %mul3A_683 = arith.mulf %get3A_680, %mul3A_682 : vector<16xf32>
        %add3A_684 = arith.constant 2.500000e-01 : f32
        %add3A_685 = vector.broadcast %add3A_684 : f32 to vector<16xf32>
        %add3A_686 = arith.addf %mul3A_683, %add3A_685 : vector<16xf32>
        %add3A_687 = arith.constant 200 : i32
        %add3A_688 = arith.addi %scan3A_203, %add3A_687 : i32
        %rem3A_689 = arith.constant 4 : i32
        %rem3A_690 = arith.remsi %add3A_688, %rem3A_689 : i32
        %swap3A_691 = arith.index_cast %rem3A_690 : i32 to index
        %swap3A_692 = arith.index_cast %add3A_496 : i32 to index
        %swap3A_693 = arith.constant 112 : index
        %swap3A_694 = tpu.vector_load %arg9[%swap3A_691, %swap3A_692, %swap3A_693] {strides = array<i32>} : memref<4x128x128xf32, #tpu.memory_space<vmem>>, vector<1x1x16xf32>,
        %swap3A_695 = vector.shape_cast %swap3A_694 : vector<1x1x16xf32> to vector<16xf32>
        %swap3A_696 = vector.shape_cast %add3A_686 : vector<16xf32> to vector<1x1x16xf32>
        tpu.vector_store %arg9[%swap3A_691, %swap3A_692, %swap3A_693], %swap3A_696 {strides = array<i32>} : memref<4x128x128xf32, #tpu.memory_space<vmem>>, vector<1x1x16xf32>,
      }
      %scan3A_268 = arith.constant 64 : i32
      %add3A_269 = arith.constant 200 : i32
      %add3A_270 = arith.addi %scan3A_203, %add3A_269 : i32
      %rem3A_271 = arith.constant 4 : i32
      %rem3A_272 = arith.remsi %add3A_270, %rem3A_271 : i32
      %mul3A_273 = arith.constant 128 : i32
      %mul3A_274 = arith.muli %scan3A_203, %mul3A_273 : i32
      %add3A_275 = arith.addi %mul3A_4, %mul3A_274 : i32
      %dma_start3A_276 = arith.constant 0 : i32
      %dma_start3A_277 = arith.constant 0 : i32
      %dma_start3A_278 = tpu.memref_slice %arg9[%rem3A_272, %dma_start3A_276, %dma_start3A_277] : memref<4x128x128xf32, #tpu.memory_space<vmem>> -> memref<1x128x128xf32, #tpu.memory_space<vmem>>
      %dma_start3A_279 = tpu.memref_squeeze %dma_start3A_278 : memref<1x128x128xf32, #tpu.memory_space<vmem>> -> memref<128x128xf32, #tpu.memory_space<vmem>>
      %dma_start3A_280 = arith.constant 0 : i32
      %dma_start3A_281 = tpu.memref_slice %arg6[%add3A_275, %dma_start3A_280] : memref<204800x128xf32, #tpu.memory_space<hbm>> -> memref<128x128xf32, #tpu.memory_space<hbm>>
      %dma_start3A_282 = tpu.memref_slice %arg13[%rem3A_272] : memref<4x!tpu.dma_semaphore, #tpu.memory_space<semaphore_mem>> -> memref<1x!tpu.dma_semaphore, #tpu.memory_space<semaphore_mem>>
      %dma_start3A_283 = tpu.memref_squeeze %dma_start3A_282 : memref<1x!tpu.dma_semaphore, #tpu.memory_space<semaphore_mem>> -> memref<!tpu.dma_semaphore, #tpu.memory_space<semaphore_mem>>
      %dma_start3A_284 = arith.constant 0 : i32
      %dma_start3A_285 = tpu.memref_slice %arg6[%add3A_275, %dma_start3A_284] : memref<204800x128xf32, #tpu.memory_space<hbm>> -> memref<128x128xf32, #tpu.memory_space<hbm>>
      %dma_start3A_286 = arith.constant 0 : i32
      %dma_start3A_287 = arith.constant 0 : i32
      %dma_start3A_288 = tpu.memref_slice %arg9[%rem3A_272, %dma_start3A_286, %dma_start3A_287] : memref<4x128x128xf32, #tpu.memory_space<vmem>> -> memref<1x128x128xf32, #tpu.memory_space<vmem>>
      %dma_start3A_289 = tpu.memref_squeeze %dma_start3A_288 : memref<1x128x128xf32, #tpu.memory_space<vmem>> -> memref<128x128xf32, #tpu.memory_space<vmem>>
      tpu.enqueue_dma source(%dma_start3A_289 : memref<128x128xf32, #tpu.memory_space<vmem>>) target(%dma_start3A_285 : memref<128x128xf32, #tpu.memory_space<hbm>>) target_semaphore(%dma_start3A_283 : memref<!tpu.dma_semaphore, #tpu.memory_space<semaphore_mem>>)
    }
    %scan3A_126 = arith.constant 50 : i32
    %rem3A_127 = arith.constant 246 : i32
    %rem3A_128 = arith.constant 4 : i32
    %rem3A_129 = arith.remsi %rem3A_127, %rem3A_128 : i32
    %add3A_130 = arith.constant 5888 : i32
    %add3A_131 = arith.addi %mul3A_4, %add3A_130 : i32
    %dma_wait3A_132 = arith.constant 0 : i32
    %dma_wait3A_133 = arith.constant 0 : i32
    %dma_wait3A_134 = tpu.memref_slice %arg9[%rem3A_129, %dma_wait3A_132, %dma_wait3A_133] : memref<4x128x128xf32, #tpu.memory_space<vmem>> -> memref<1x128x128xf32, #tpu.memory_space<vmem>>
    %dma_wait3A_135 = tpu.memref_squeeze %dma_wait3A_134 : memref<1x128x128xf32, #tpu.memory_space<vmem>> -> memref<128x128xf32, #tpu.memory_space<vmem>>
    %dma_wait3A_136 = arith.constant 0 : i32
    %dma_wait3A_137 = tpu.memref_slice %arg6[%add3A_131, %dma_wait3A_136] : memref<204800x128xf32, #tpu.memory_space<hbm>> -> memref<128x128xf32, #tpu.memory_space<hbm>>
    %dma_wait3A_138 = tpu.memref_slice %arg13[%rem3A_129] : memref<4x!tpu.dma_semaphore, #tpu.memory_space<semaphore_mem>> -> memref<1x!tpu.dma_semaphore, #tpu.memory_space<semaphore_mem>>
    %dma_wait3A_139 = tpu.memref_squeeze %dma_wait3A_138 : memref<1x!tpu.dma_semaphore, #tpu.memory_space<semaphore_mem>> -> memref<!tpu.dma_semaphore, #tpu.memory_space<semaphore_mem>>
    %dma_wait3A_140 = arith.constant 0 : i32
    %dma_wait3A_141 = tpu.memref_slice %arg6[%add3A_131, %dma_wait3A_140] : memref<204800x128xf32, #tpu.memory_space<hbm>> -> memref<128x128xf32, #tpu.memory_space<hbm>>
    %dma_wait3A_142 = arith.constant 0 : i32
    %dma_wait3A_143 = arith.constant 0 : i32
    %dma_wait3A_144 = tpu.memref_slice %arg9[%rem3A_129, %dma_wait3A_142, %dma_wait3A_143] : memref<4x128x128xf32, #tpu.memory_space<vmem>> -> memref<1x128x128xf32, #tpu.memory_space<vmem>>
    %dma_wait3A_145 = tpu.memref_squeeze %dma_wait3A_144 : memref<1x128x128xf32, #tpu.memory_space<vmem>> -> memref<128x128xf32, #tpu.memory_space<vmem>>
    tpu.wait_dma2 semaphore(%dma_wait3A_139 : memref<!tpu.dma_semaphore, #tpu.memory_space<semaphore_mem>>) src(%dma_wait3A_145 : memref<128x128xf32, #tpu.memory_space<vmem>>) dst(%dma_wait3A_141 : memref<128x128xf32, #tpu.memory_space<hbm>>)
    %rem3A_146 = arith.constant 247 : i32
    %rem3A_147 = arith.constant 4 : i32
    %rem3A_148 = arith.remsi %rem3A_146, %rem3A_147 : i32
    %add3A_149 = arith.constant 6016 : i32
    %add3A_150 = arith.addi %mul3A_4, %add3A_149 : i32
    %dma_wait3A_151 = arith.constant 0 : i32
    %dma_wait3A_152 = arith.constant 0 : i32
    %dma_wait3A_153 = tpu.memref_slice %arg9[%rem3A_148, %dma_wait3A_151, %dma_wait3A_152] : memref<4x128x128xf32, #tpu.memory_space<vmem>> -> memref<1x128x128xf32, #tpu.memory_space<vmem>>
    %dma_wait3A_154 = tpu.memref_squeeze %dma_wait3A_153 : memref<1x128x128xf32, #tpu.memory_space<vmem>> -> memref<128x128xf32, #tpu.memory_space<vmem>>
    %dma_wait3A_155 = arith.constant 0 : i32
    %dma_wait3A_156 = tpu.memref_slice %arg6[%add3A_150, %dma_wait3A_155] : memref<204800x128xf32, #tpu.memory_space<hbm>> -> memref<128x128xf32, #tpu.memory_space<hbm>>
    %dma_wait3A_157 = tpu.memref_slice %arg13[%rem3A_148] : memref<4x!tpu.dma_semaphore, #tpu.memory_space<semaphore_mem>> -> memref<1x!tpu.dma_semaphore, #tpu.memory_space<semaphore_mem>>
    %dma_wait3A_158 = tpu.memref_squeeze %dma_wait3A_157 : memref<1x!tpu.dma_semaphore, #tpu.memory_space<semaphore_mem>> -> memref<!tpu.dma_semaphore, #tpu.memory_space<semaphore_mem>>
    %dma_wait3A_159 = arith.constant 0 : i32
    %dma_wait3A_160 = tpu.memref_slice %arg6[%add3A_150, %dma_wait3A_159] : memref<204800x128xf32, #tpu.memory_space<hbm>> -> memref<128x128xf32, #tpu.memory_space<hbm>>
    %dma_wait3A_161 = arith.constant 0 : i32
    %dma_wait3A_162 = arith.constant 0 : i32
    %dma_wait3A_163 = tpu.memref_slice %arg9[%rem3A_148, %dma_wait3A_161, %dma_wait3A_162] : memref<4x128x128xf32, #tpu.memory_space<vmem>> -> memref<1x128x128xf32, #tpu.memory_space<vmem>>
    %dma_wait3A_164 = tpu.memref_squeeze %dma_wait3A_163 : memref<1x128x128xf32, #tpu.memory_space<vmem>> -> memref<128x128xf32, #tpu.memory_space<vmem>>
    tpu.wait_dma2 semaphore(%dma_wait3A_158 : memref<!tpu.dma_semaphore, #tpu.memory_space<semaphore_mem>>) src(%dma_wait3A_164 : memref<128x128xf32, #tpu.memory_space<vmem>>) dst(%dma_wait3A_160 : memref<128x128xf32, #tpu.memory_space<hbm>>)
    %rem3A_165 = arith.constant 248 : i32
    %rem3A_166 = arith.constant 4 : i32
    %rem3A_167 = arith.remsi %rem3A_165, %rem3A_166 : i32
    %add3A_168 = arith.constant 6144 : i32
    %add3A_169 = arith.addi %mul3A_4, %add3A_168 : i32
    %dma_wait3A_170 = arith.constant 0 : i32
    %dma_wait3A_171 = arith.constant 0 : i32
    %dma_wait3A_172 = tpu.memref_slice %arg9[%rem3A_167, %dma_wait3A_170, %dma_wait3A_171] : memref<4x128x128xf32, #tpu.memory_space<vmem>> -> memref<1x128x128xf32, #tpu.memory_space<vmem>>
    %dma_wait3A_173 = tpu.memref_squeeze %dma_wait3A_172 : memref<1x128x128xf32, #tpu.memory_space<vmem>> -> memref<128x128xf32, #tpu.memory_space<vmem>>
    %dma_wait3A_174 = arith.constant 0 : i32
    %dma_wait3A_175 = tpu.memref_slice %arg6[%add3A_169, %dma_wait3A_174] : memref<204800x128xf32, #tpu.memory_space<hbm>> -> memref<128x128xf32, #tpu.memory_space<hbm>>
    %dma_wait3A_176 = tpu.memref_slice %arg13[%rem3A_167] : memref<4x!tpu.dma_semaphore, #tpu.memory_space<semaphore_mem>> -> memref<1x!tpu.dma_semaphore, #tpu.memory_space<semaphore_mem>>
    %dma_wait3A_177 = tpu.memref_squeeze %dma_wait3A_176 : memref<1x!tpu.dma_semaphore, #tpu.memory_space<semaphore_mem>> -> memref<!tpu.dma_semaphore, #tpu.memory_space<semaphore_mem>>
    %dma_wait3A_178 = arith.constant 0 : i32
    %dma_wait3A_179 = tpu.memref_slice %arg6[%add3A_169, %dma_wait3A_178] : memref<204800x128xf32, #tpu.memory_space<hbm>> -> memref<128x128xf32, #tpu.memory_space<hbm>>
    %dma_wait3A_180 = arith.constant 0 : i32
    %dma_wait3A_181 = arith.constant 0 : i32
    %dma_wait3A_182 = tpu.memref_slice %arg9[%rem3A_167, %dma_wait3A_180, %dma_wait3A_181] : memref<4x128x128xf32, #tpu.memory_space<vmem>> -> memref<1x128x128xf32, #tpu.memory_space<vmem>>
    %dma_wait3A_183 = tpu.memref_squeeze %dma_wait3A_182 : memref<1x128x128xf32, #tpu.memory_space<vmem>> -> memref<128x128xf32, #tpu.memory_space<vmem>>
    tpu.wait_dma2 semaphore(%dma_wait3A_177 : memref<!tpu.dma_semaphore, #tpu.memory_space<semaphore_mem>>) src(%dma_wait3A_183 : memref<128x128xf32, #tpu.memory_space<vmem>>) dst(%dma_wait3A_179 : memref<128x128xf32, #tpu.memory_space<hbm>>)
    %rem3A_184 = arith.constant 249 : i32
    %rem3A_185 = arith.constant 4 : i32
    %rem3A_186 = arith.remsi %rem3A_184, %rem3A_185 : i32
    %add3A_187 = arith.constant 6272 : i32
    %add3A_188 = arith.addi %mul3A_4, %add3A_187 : i32
    %dma_wait3A_189 = arith.constant 0 : i32
    %dma_wait3A_190 = arith.constant 0 : i32
    %dma_wait3A_191 = tpu.memref_slice %arg9[%rem3A_186, %dma_wait3A_189, %dma_wait3A_190] : memref<4x128x128xf32, #tpu.memory_space<vmem>> -> memref<1x128x128xf32, #tpu.memory_space<vmem>>
    %dma_wait3A_192 = tpu.memref_squeeze %dma_wait3A_191 : memref<1x128x128xf32, #tpu.memory_space<vmem>> -> memref<128x128xf32, #tpu.memory_space<vmem>>
    %dma_wait3A_193 = arith.constant 0 : i32
    %dma_wait3A_194 = tpu.memref_slice %arg6[%add3A_188, %dma_wait3A_193] : memref<204800x128xf32, #tpu.memory_space<hbm>> -> memref<128x128xf32, #tpu.memory_space<hbm>>
    %dma_wait3A_195 = tpu.memref_slice %arg13[%rem3A_186] : memref<4x!tpu.dma_semaphore, #tpu.memory_space<semaphore_mem>> -> memref<1x!tpu.dma_semaphore, #tpu.memory_space<semaphore_mem>>
    %dma_wait3A_196 = tpu.memref_squeeze %dma_wait3A_195 : memref<1x!tpu.dma_semaphore, #tpu.memory_space<semaphore_mem>> -> memref<!tpu.dma_semaphore, #tpu.memory_space<semaphore_mem>>
    %dma_wait3A_197 = arith.constant 0 : i32
    %dma_wait3A_198 = tpu.memref_slice %arg6[%add3A_188, %dma_wait3A_197] : memref<204800x128xf32, #tpu.memory_space<hbm>> -> memref<128x128xf32, #tpu.memory_space<hbm>>
    %dma_wait3A_199 = arith.constant 0 : i32
    %dma_wait3A_200 = arith.constant 0 : i32
    %dma_wait3A_201 = tpu.memref_slice %arg9[%rem3A_186, %dma_wait3A_199, %dma_wait3A_200] : memref<4x128x128xf32, #tpu.memory_space<vmem>> -> memref<1x128x128xf32, #tpu.memory_space<vmem>>
    %dma_wait3A_202 = tpu.memref_squeeze %dma_wait3A_201 : memref<1x128x128xf32, #tpu.memory_space<vmem>> -> memref<128x128xf32, #tpu.memory_space<vmem>>
    tpu.wait_dma2 semaphore(%dma_wait3A_196 : memref<!tpu.dma_semaphore, #tpu.memory_space<semaphore_mem>>) src(%dma_wait3A_202 : memref<128x128xf32, #tpu.memory_space<vmem>>) dst(%dma_wait3A_198 : memref<128x128xf32, #tpu.memory_space<hbm>>)
    return
  }
}

module attributes {stable_mosaic.version = 14 : i64} {
  func.func @body(%arg0: i32, %arg1: memref<5000x64xf32, #tpu.memory_space<vmem>>, %arg2: memref<64x128xf32, #tpu.memory_space<vmem>>, %arg3: memref<64x128xf32, #tpu.memory_space<vmem>>, %arg4: memref<1x128xf32, #tpu.memory_space<vmem>>, %arg5: memref<5000x128xf32, #tpu.memory_space<vmem>>, %arg6: memref<5000x128xf32, #tpu.memory_space<vmem>>) attributes {dimension_semantics = [#tpu.dimension_semantics<arbitrary>], iteration_bounds = array<i64: 20>, scalar_prefetch = 0 : i64, scratch_operands = 0 : i64, tpu.core_type = #tpu.core_type<tc>, window_params = [{transform_indices = @transform_0, window_bounds = array<i64: 5000, 64>}, {pipeline_mode = #tpu.pipeline_mode<synchronous>, transform_indices = @transform_1, window_bounds = array<i64: 64, 128>}, {pipeline_mode = #tpu.pipeline_mode<synchronous>, transform_indices = @transform_2, window_bounds = array<i64: 64, 128>}, {pipeline_mode = #tpu.pipeline_mode<synchronous>, transform_indices = @transform_3, window_bounds = array<i64: 1, 128>}, {transform_indices = @transform_4, window_bounds = array<i64: 5000, 128>}, {transform_indices = @transform_5, window_bounds = array<i64: 5000, 128>}]} {
    %get3A = arith.constant 0 : index
    %get3A_0 = arith.constant 0 : index
    %get3A_1 = vector.load %arg1[%get3A, %get3A_0] : memref<5000x64xf32, #tpu.memory_space<vmem>>, vector<5000x64xf32>
    %get3A_2 = arith.constant 0 : index
    %get3A_3 = arith.constant 0 : index
    %get3A_4 = vector.load %arg2[%get3A_2, %get3A_3] : memref<64x128xf32, #tpu.memory_space<vmem>>, vector<64x128xf32>
    %dot_general3A = arith.constant dense<0.000000e+00> : vector<5000x128xf32>
    %dot_general3A_5 = tpu.matmul %get3A_1, %get3A_4, %dot_general3A {dimension_numbers = #tpu.dot_dimension_numbers<[1], [0], [0], [1], [0, 0, 1, 1], [], []>, transpose_lhs_hint = false} : vector<5000x64xf32>, vector<64x128xf32>, vector<5000x128xf32> -> vector<5000x128xf32>
    %get3A_6 = arith.constant 0 : index
    %get3A_7 = arith.constant 0 : index
    %get3A_8 = vector.load %arg4[%get3A_6, %get3A_7] : memref<1x128xf32, #tpu.memory_space<vmem>>, vector<1x128xf32>
    %add3A = vector.broadcast %get3A_8 : vector<1x128xf32> to vector<5000x128xf32>
    %add3A_9 = arith.addf %dot_general3A_5, %add3A : vector<5000x128xf32>
    %swap3A = arith.constant 0 : index
    %swap3A_10 = arith.constant 0 : index
    %swap3A_11 = vector.load %arg5[%swap3A, %swap3A_10] : memref<5000x128xf32, #tpu.memory_space<vmem>>, vector<5000x128xf32>
    tpu.vector_store %arg5[%swap3A, %swap3A_10], %add3A_9 {strides = array<i32>} : memref<5000x128xf32, #tpu.memory_space<vmem>>, vector<5000x128xf32>,
    %get3A_12 = arith.constant 0 : index
    %get3A_13 = arith.constant 0 : index
    %get3A_14 = vector.load %arg3[%get3A_12, %get3A_13] : memref<64x128xf32, #tpu.memory_space<vmem>>, vector<64x128xf32>
    %dot_general3A_15 = arith.constant dense<0.000000e+00> : vector<5000x128xf32>
    %dot_general3A_16 = tpu.matmul %get3A_1, %get3A_14, %dot_general3A_15 {dimension_numbers = #tpu.dot_dimension_numbers<[1], [0], [0], [1], [0, 0, 1, 1], [], []>, transpose_lhs_hint = false} : vector<5000x64xf32>, vector<64x128xf32>, vector<5000x128xf32> -> vector<5000x128xf32>
    %swap3A_17 = arith.constant 0 : index
    %swap3A_18 = arith.constant 0 : index
    %swap3A_19 = vector.load %arg6[%swap3A_17, %swap3A_18] : memref<5000x128xf32, #tpu.memory_space<vmem>>, vector<5000x128xf32>
    tpu.vector_store %arg6[%swap3A_17, %swap3A_18], %dot_general3A_16 {strides = array<i32>} : memref<5000x128xf32, #tpu.memory_space<vmem>>, vector<5000x128xf32>,
    return
  }
  func.func @transform_0(%arg0: i32) -> (i32, i32) {
    %c0_i32 = arith.constant 0 : i32
    %c0_i32_0 = arith.constant 0 : i32
    return %arg0, %c0_i32 : i32, i32
  }
  func.func @transform_1(%arg0: i32) -> (i32, i32) {
    %c0_i32 = arith.constant 0 : i32
    %c0_i32_0 = arith.constant 0 : i32
    %c0_i32_1 = arith.constant 0 : i32
    return %c0_i32, %c0_i32_0 : i32, i32
  }
  func.func @transform_2(%arg0: i32) -> (i32, i32) {
    %c0_i32 = arith.constant 0 : i32
    %c0_i32_0 = arith.constant 0 : i32
    %c0_i32_1 = arith.constant 0 : i32
    return %c0_i32, %c0_i32_0 : i32, i32
  }
  func.func @transform_3(%arg0: i32) -> (i32, i32) {
    %c0_i32 = arith.constant 0 : i32
    %c0_i32_0 = arith.constant 0 : i32
    %c0_i32_1 = arith.constant 0 : i32
    return %c0_i32, %c0_i32_0 : i32, i32
  }
  func.func @transform_4(%arg0: i32) -> (i32, i32) {
    %c0_i32 = arith.constant 0 : i32
    %c0_i32_0 = arith.constant 0 : i32
    return %arg0, %c0_i32 : i32, i32
  }
  func.func @transform_5(%arg0: i32) -> (i32, i32) {
    %c0_i32 = arith.constant 0 : i32
    %c0_i32_0 = arith.constant 0 : i32
    return %arg0, %c0_i32 : i32, i32
  }
}

module attributes {stable_mosaic.version = 14 : i64} {
  func.func @body(%arg0: i32, %arg1: memref<2048x128xf32, #tpu.memory_space<vmem>>, %arg2: memref<2048x128xf32, #tpu.memory_space<vmem>>) attributes {dimension_semantics = [#tpu.dimension_semantics<arbitrary>], iteration_bounds = array<i64: 100>, scalar_prefetch = 0 : i64, scratch_operands = 0 : i64, tpu.core_type = #tpu.core_type<tc>, window_params = [{transform_indices = @transform_0, window_bounds = array<i64: 2048, 128>}, {transform_indices = @transform_1, window_bounds = array<i64: 2048, 128>}]} {
    %get3A = arith.constant 0 : index
    %get3A_0 = arith.constant 0 : index
    %get3A_1 = vector.load %arg1[%get3A, %get3A_0] : memref<2048x128xf32, #tpu.memory_space<vmem>>, vector<2048x128xf32>
    %tanh3A = math.tanh %get3A_1 : vector<2048x128xf32>
    %swap3A = arith.constant 0 : index
    %swap3A_2 = arith.constant 0 : index
    %swap3A_3 = vector.load %arg2[%swap3A, %swap3A_2] : memref<2048x128xf32, #tpu.memory_space<vmem>>, vector<2048x128xf32>
    tpu.vector_store %arg2[%swap3A, %swap3A_2], %tanh3A {strides = array<i32>} : memref<2048x128xf32, #tpu.memory_space<vmem>>, vector<2048x128xf32>,
    return
  }
  func.func @transform_0(%arg0: i32) -> (i32, i32) {
    %c0_i32 = arith.constant 0 : i32
    %c0_i32_0 = arith.constant 0 : i32
    return %arg0, %c0_i32 : i32, i32
  }
  func.func @transform_1(%arg0: i32) -> (i32, i32) {
    %add3A = arith.constant 0 : i32
    %add3A_0 = arith.addi %add3A, %arg0 : i32
    %c0_i32 = arith.constant 0 : i32
    %c0_i32_1 = arith.constant 0 : i32
    return %add3A_0, %c0_i32 : i32, i32
  }
}

module attributes {stable_mosaic.version = 14 : i64} {
  func.func @body(%arg0: i32, %arg1: memref<2048x128xf32, #tpu.memory_space<vmem>>, %arg2: memref<819200x128xf32, #tpu.memory_space<any>>, %arg3: memref<2048x128xf32, #tpu.memory_space<vmem>>) attributes {dimension_semantics = [#tpu.dimension_semantics<arbitrary>], iteration_bounds = array<i64: 100>, scalar_prefetch = 0 : i64, scratch_operands = 0 : i64, tpu.core_type = #tpu.core_type<tc>, window_params = [{transform_indices = @transform_0, window_bounds = array<i64: 2048, 128>}, {}, {transform_indices = @transform_2, window_bounds = array<i64: 2048, 128>}]} {
    %get3A = arith.constant 0 : index
    %get3A_0 = arith.constant 0 : index
    %get3A_1 = vector.load %arg1[%get3A, %get3A_0] : memref<2048x128xf32, #tpu.memory_space<vmem>>, vector<2048x128xf32>
    %tanh3A = math.tanh %get3A_1 : vector<2048x128xf32>
    %swap3A = arith.constant 0 : index
    %swap3A_2 = arith.constant 0 : index
    %swap3A_3 = vector.load %arg3[%swap3A, %swap3A_2] : memref<2048x128xf32, #tpu.memory_space<vmem>>, vector<2048x128xf32>
    tpu.vector_store %arg3[%swap3A, %swap3A_2], %tanh3A {strides = array<i32>} : memref<2048x128xf32, #tpu.memory_space<vmem>>, vector<2048x128xf32>,
    return
  }
  func.func @transform_0(%arg0: i32) -> (i32, i32) {
    %c0_i32 = arith.constant 0 : i32
    %c0_i32_0 = arith.constant 0 : i32
    return %arg0, %c0_i32 : i32, i32
  }
  func.func @transform_2(%arg0: i32) -> (i32, i32) {
    %add3A = arith.constant 100 : i32
    %add3A_0 = arith.addi %add3A, %arg0 : i32
    %c0_i32 = arith.constant 0 : i32
    %c0_i32_1 = arith.constant 0 : i32
    return %add3A_0, %c0_i32 : i32, i32
  }
}

module attributes {stable_mosaic.version = 14 : i64} {
  func.func @body(%arg0: i32, %arg1: memref<2048x128xf32, #tpu.memory_space<vmem>>, %arg2: memref<819200x128xf32, #tpu.memory_space<any>>, %arg3: memref<2048x128xf32, #tpu.memory_space<vmem>>) attributes {dimension_semantics = [#tpu.dimension_semantics<arbitrary>], iteration_bounds = array<i64: 100>, scalar_prefetch = 0 : i64, scratch_operands = 0 : i64, tpu.core_type = #tpu.core_type<tc>, window_params = [{transform_indices = @transform_0, window_bounds = array<i64: 2048, 128>}, {}, {transform_indices = @transform_2, window_bounds = array<i64: 2048, 128>}]} {
    %get3A = arith.constant 0 : index
    %get3A_0 = arith.constant 0 : index
    %get3A_1 = vector.load %arg1[%get3A, %get3A_0] : memref<2048x128xf32, #tpu.memory_space<vmem>>, vector<2048x128xf32>
    %tanh3A = math.tanh %get3A_1 : vector<2048x128xf32>
    %swap3A = arith.constant 0 : index
    %swap3A_2 = arith.constant 0 : index
    %swap3A_3 = vector.load %arg3[%swap3A, %swap3A_2] : memref<2048x128xf32, #tpu.memory_space<vmem>>, vector<2048x128xf32>
    tpu.vector_store %arg3[%swap3A, %swap3A_2], %tanh3A {strides = array<i32>} : memref<2048x128xf32, #tpu.memory_space<vmem>>, vector<2048x128xf32>,
    return
  }
  func.func @transform_0(%arg0: i32) -> (i32, i32) {
    %c0_i32 = arith.constant 0 : i32
    %c0_i32_0 = arith.constant 0 : i32
    return %arg0, %c0_i32 : i32, i32
  }
  func.func @transform_2(%arg0: i32) -> (i32, i32) {
    %add3A = arith.constant 200 : i32
    %add3A_0 = arith.addi %add3A, %arg0 : i32
    %c0_i32 = arith.constant 0 : i32
    %c0_i32_1 = arith.constant 0 : i32
    return %add3A_0, %c0_i32 : i32, i32
  }
}

module attributes {stable_mosaic.version = 14 : i64} {
  func.func @body(%arg0: i32, %arg1: memref<2048x128xf32, #tpu.memory_space<vmem>>, %arg2: memref<819200x128xf32, #tpu.memory_space<any>>, %arg3: memref<2048x128xf32, #tpu.memory_space<vmem>>) attributes {dimension_semantics = [#tpu.dimension_semantics<arbitrary>], iteration_bounds = array<i64: 100>, scalar_prefetch = 0 : i64, scratch_operands = 0 : i64, tpu.core_type = #tpu.core_type<tc>, window_params = [{transform_indices = @transform_0, window_bounds = array<i64: 2048, 128>}, {}, {transform_indices = @transform_2, window_bounds = array<i64: 2048, 128>}]} {
    %get3A = arith.constant 0 : index
    %get3A_0 = arith.constant 0 : index
    %get3A_1 = vector.load %arg1[%get3A, %get3A_0] : memref<2048x128xf32, #tpu.memory_space<vmem>>, vector<2048x128xf32>
    %tanh3A = math.tanh %get3A_1 : vector<2048x128xf32>
    %swap3A = arith.constant 0 : index
    %swap3A_2 = arith.constant 0 : index
    %swap3A_3 = vector.load %arg3[%swap3A, %swap3A_2] : memref<2048x128xf32, #tpu.memory_space<vmem>>, vector<2048x128xf32>
    tpu.vector_store %arg3[%swap3A, %swap3A_2], %tanh3A {strides = array<i32>} : memref<2048x128xf32, #tpu.memory_space<vmem>>, vector<2048x128xf32>,
    return
  }
  func.func @transform_0(%arg0: i32) -> (i32, i32) {
    %c0_i32 = arith.constant 0 : i32
    %c0_i32_0 = arith.constant 0 : i32
    return %arg0, %c0_i32 : i32, i32
  }
  func.func @transform_2(%arg0: i32) -> (i32, i32) {
    %add3A = arith.constant 300 : i32
    %add3A_0 = arith.addi %add3A, %arg0 : i32
    %c0_i32 = arith.constant 0 : i32
    %c0_i32_1 = arith.constant 0 : i32
    return %add3A_0, %c0_i32 : i32, i32
  }
}

</mosaic_0001>

<sc_bundles>
// kernel: kernel.11.cloned.1.call-start
scs
__scs_entry_jumppad:
0x0: {  	(pc) =	sbr.rel $0x88, $3  }
0x1: {  	(tag) =	ssettag $0x0;
	lr =	simm.s32 $0x1  }
0x2: {  	[smem:$0x3F9D] =	sst lr;
	_ =	strace $0xD0000000  }
0x3: {  	_ = 	snop  }
0x4: {  	_ = 	snop  }
0x5: {  	_ = 	snop  }
0x6: {  	_ = 	snop  }
0x7: {  	_ = 	snop  }
__scs_overlays_trampoline_lowered:
0x8: {  	[smem:$0x3FAC] =	sst s0  }
0x9: {  	[smem:$0x3FAD] =	sst s1  }
0xa: {  	[smem:$0x3FAE] =	sst s2  }
0xb: {  	[smem:$0x3FAF] =	sst s3  }
0xc: {  	[smem:$0x3FB0] =	sst s4  }
0xd: {  	[smem:$0x3FB1] =	sst s5  }
0xe: {  	[smem:$0x3FB2] =	sst s6  }
0xf: {  	[smem:$0x3FB3] =	sst s7  }
0x10: {  	[smem:$0x3FB4] =	sst s8  }
0x11: {  	[smem:$0x3FB5] =	sst s9;
	s0 =	simm.s32 @!p0 $0x0  }
0x12: {  	s1 =	sld [smem:$0x3F9B];
	s0 =	simm.s32 @p0 $0x1  }
0x13: {  	[smem:$0x3FB6] =	sst s0;
	s0 =	simm.s32 @!p1 $0x0  }
0x14: {  	s2 =	sld [smem:$0x3F9A];
	s0 =	simm.s32 @p1 $0x1  }
0x15: {  	[smem:$0x3FB7] =	sst s0;
	s0 =	simm.s32 @!p2 $0x0  }
0x16: {  	s3 =	sld [smem:$0x3FDB];
	s0 =	simm.s32 @p2 $0x1  }
0x17: {  	s4 =	simm.s32 $0x1BF5;
	[smem:$0x3FB9] =	sst s0  }
0x18: {  	s0 =	sld [smem:$0x3F9C];
	_ =	swait.ge [sflag:s4], $0x0  }
0x19: {  	s7 =	sld [smem:$0x3F9D]  }
0x1a: {  	s8 =	sadd.s32 $0xFFFFE003, lr  }
0x1b: {  	s9 =	sadd.s32 $0xFFFFFEF7, lr;
	s5 =	simm.s32 $0xFFFFFFFF;
	p2 =	slt.u32 s8, $0xFFFFF086  }
0x1c: {  	p1 =	slt.u32 s9, $0xF7A;
	s5 =	simm.s32 @!p2 $0x0  }
0x1d: {  	s5 =	simm.s32 @p1 $0x1;
	p0 =	seq.s32 s7, s2  }
0x1e: {  	s7 =	smul.u32 @!p0 $0xF7A, s2;
	p2 =	seq.s32 @!p0 s5, $0x0  }
0x1f: {  	s9 =	smul.u32 $0xF7A, s1;
	s8 =	simm.s32 @!p0 $0x1BF5;
	p2 =	por !p2, p0  }
0x20: {  	[sflag:s8] =	ssyncset.s32 @!p0 $0xFFFFF086;
	s6 =	sadd.s32 @!p0 s3, s7;
	s7 =	simm.s32 @!p0 $0x108  }
0x21: {  	s3 =	sadd.s32 s3, s9;
	s6 =	sadd.s32 @!p0 $0x88, s6;
	s7 =	simm.s32 @p2 $0x1082  }
0x22: {  	[simem:s7], [sflag:s8] =	dma.local @!p0 [hbm:s6], $0xF7A  }
0x23: {  	s9 =	sor.u32 $0xD0000000, s2;
	s6 =	simm.s32 $0x108;
	_ =	swait.ge @!p0 [sflag:s8], $0x0  }
0x24: {  	s3 =	sadd.s32 $0x88, s3;
	s6 =	simm.s32 @!p1 $0x1082;
	[sflag:s4] =	ssyncset.s32 $0xFFFFF086  }
0x25: {  	[simem:s6], [sflag:s4] =	dma.local [hbm:s3], $0xF7A  }
0x26: {  	[smem:$0x3F9D] =	sst s1;
	(tag) =	ssettag s2;
	_ =	strace s9  }
0x27: {  	s1 =	sld [smem:$0x3FAD]  }
0x28: {  	s2 =	sld [smem:$0x3FAE]  }
0x29: {  	s4 =	sld [smem:$0x3FB0]  }
0x2a: {  	p0 =	seq.s32 s5, $0x0;
	s5 =	sld [smem:$0x3FB1]  }
0x2b: {  	s6 =	sld [smem:$0x3FB2]  }
0x2c: {  	s7 =	sld [smem:$0x3FB3]  }
0x2d: {  	s3 =	simm.s32 $0x108;
	s8 =	sld [smem:$0x3FB4]  }
0x2e: {  	s3 =	simm.s32 @!p0 $0x1082;
	s9 =	sld [smem:$0x3FB5]  }
0x2f: {  	lr =	sadd.s32 s0, s3;
	s0 =	sld [smem:$0x3FAC]  }
0x30: {  	s3 =	sld [smem:$0x3FAF]  }
0x31: {  	[smem:$0x3FB8] =	sst s10  }
0x32: {  	s10 =	sld [smem:$0x3FB6];
	_ =	sdelay $0x3  }
0x33: {  	p0 =	seq.s32 s10, $0x1;
	s10 =	sld [smem:$0x3FB8];
	_ =	sdelay $0x3  }
0x34: {  	[smem:$0x3FB8] =	sst s10  }
0x35: {  	s10 =	sld [smem:$0x3FB7];
	_ =	sdelay $0x3  }
0x36: {  	p1 =	seq.s32 s10, $0x1;
	s10 =	sld [smem:$0x3FB8];
	_ =	sdelay $0x3  }
0x37: {  	[smem:$0x3FB8] =	sst s10  }
0x38: {  	s10 =	sld [smem:$0x3FB9]  }
0x39: {  	_ = 	snop;
	(pc) =	sbr.ind lr, $3  }
0x3a: {  	_ = 	snop  }
0x3b: {  	_ = 	snop  }
0x3c: {  	p2 =	seq.s32 s10, $0x1;
	s10 =	sld [smem:$0x3FB8]  }
0x3d: {  	_ =	shalt  }
0x3e: {  	_ =	shalt  }
0x3f: {  	_ =	shalt  }
0x40: {  	_ =	shalt  }
0x41: {  	_ =	shalt  }
0x42: {  	_ =	shalt  }
0x43: {  	_ =	shalt  }
0x44: {  	_ =	shalt  }
0x45: {  	_ =	shalt  }
0x46: {  	_ =	shalt  }
0x47: {  	_ =	shalt  }
0x48: {  	_ =	shalt  }
0x49: {  	_ =	shalt  }
0x4a: {  	_ =	shalt  }
0x4b: {  	_ =	shalt  }
0x4c: {  	_ =	shalt  }
0x4d: {  	_ =	shalt  }
0x4e: {  	_ =	shalt  }
0x4f: {  	_ =	shalt  }
0x50: {  	_ =	shalt  }
0x51: {  	_ =	shalt  }
0x52: {  	_ =	shalt  }
0x53: {  	_ =	shalt  }
0x54: {  	_ =	shalt  }
0x55: {  	_ =	shalt  }
0x56: {  	_ =	shalt  }
0x57: {  	_ =	shalt  }
0x58: {  	_ =	shalt  }
0x59: {  	_ =	shalt  }
0x5a: {  	_ =	shalt  }
0x5b: {  	_ =	shalt  }
0x5c: {  	_ =	shalt  }
0x5d: {  	_ =	shalt  }
0x5e: {  	_ =	shalt  }
0x5f: {  	_ =	shalt  }
0x60: {  	_ =	shalt  }
0x61: {  	_ =	shalt  }
0x62: {  	_ =	shalt  }
0x63: {  	_ =	shalt  }
0x64: {  	_ =	shalt  }
0x65: {  	_ =	shalt  }
0x66: {  	_ =	shalt  }
0x67: {  	_ =	shalt  }
0x68: {  	_ =	shalt  }
0x69: {  	_ =	shalt  }
0x6a: {  	_ =	shalt  }
0x6b: {  	_ =	shalt  }
0x6c: {  	_ =	shalt  }
0x6d: {  	_ =	shalt  }
0x6e: {  	_ =	shalt  }
0x6f: {  	_ =	shalt  }
0x70: {  	_ =	shalt  }
0x71: {  	_ =	shalt  }
0x72: {  	_ =	shalt  }
0x73: {  	_ =	shalt  }
0x74: {  	_ =	shalt  }
0x75: {  	_ =	shalt  }
0x76: {  	_ =	shalt  }
0x77: {  	_ =	shalt  }
0x78: {  	_ =	shalt  }
0x79: {  	_ =	shalt  }
0x7a: {  	_ =	shalt  }
0x7b: {  	_ =	shalt  }
0x7c: {  	_ =	shalt  }
0x7d: {  	_ =	shalt  }
0x7e: {  	_ =	shalt  }
0x7f: {  	_ =	shalt  }
0x80: {  	_ =	shalt  }
0x81: {  	_ =	shalt  }
0x82: {  	_ =	shalt  }
0x83: {  	_ =	shalt  }
0x84: {  	_ =	shalt  }
0x85: {  	_ =	shalt  }
0x86: {  	_ =	shalt  }
0x87: {  	_ =	shalt  }
.Lfunc_end0:
.L_simem_size_0:
called_computation_lowered:
.L_overlay_start_0:
0x88: {  	s2 =	sld [smem:$0x3FD9]  }
0x89: {  	s3 =	sld [smem:$0x3FFE];
	_ =	sdelay $0x1  }
0x8a: {  	s1 =	srdreg.scid  }
0x8b: {  	s0 =	sand.u32 $0x1, s1  }
0x8c: {  	s16 =	sshll.u32 s0, $0xA;
	s2 =	sadd.s32 s3, s2  }
0x8d: {  	s2 =	sadd.s32 s2, s16  }
0x8e: {  	[smem:$0x3FC4] =	sst s2  }
0x8f: {  	_ = 	snop  }
0x90: {  	(tm) =	ssettm $0x1  }
0x91: {  	s17 =	sld [smem:$0x3FFB];
	_ =	sdelay $0x3  }
0x92: {  	_ =	strace s17  }
0x93: {  	s2 =	sld [smem:$0x3FFC];
	_ =	sdelay $0x3  }
0x94: {  	_ =	strace s2  }
0x95: {  	s2 =	sld [smem:$0x3FFD];
	_ =	sdelay $0x3  }
0x96: {  	_ =	strace s2  }
0x97: {  	_ =	strace $0x8FFFFFFF  }
0x98: {  	s18 =	sld [smem:$0x3FDB];
	_ =	sdelay $0x1  }
0x99: {  	s19 =	simm.s32 $_scs_section_size  }
0x9a: {  	s4 =	simm.s32 $_size__tile_overlayer_lowered;
	s5 =	simm.s32 $_tile_overlayer_lowered  }
0x9b: {  	s22 =	simm.s32 $0x1BFF;
	s21 =	sshll.u32 s5, $0x1;
	s2 =	sadd.s32 s19, s18  }
0x9c: {  	s6 =	simm.s32 $0x0;
	s20 =	sshll.u32 s4, $0x1;
	s4 =	sadd.s32 s21, s2  }
0x9d: {  	[timem:s6], [sflag:s22] =	dma.local [hbm:s4], s20  }
0x9e: {  	_ =	swait.ge [sflag:s22], s20  }
0x9f: {  	s3 =	ssub.s32 $0x0, s20;
	[sflag:s22] =	ssyncset.done $0x0  }
0xa0: {  	[sflag:s22] =	ssyncadd.s32 s3;
	_ =	sdelay $0x1  }
0xa1: {  	s23 =	simm.s32 $0x1B8B  }
0xa2: {  	_ =	swait.ge [sflag:s23], $0x1  }
0xa3: {  	[sflag:s23] =	ssyncset.done $0x0  }
0xa4: {  	s25 =	simm.s32 $0x1B8E;
	s24 =	sld [smem:$0x3FFE];
	[sflag:s23] =	ssyncadd.s32 $0xFFFFFFFF  }
0xa5: {  	s26 =	simm.s32 $execute0_lowered;
	[smem:$0x3FD2] =	sst s25  }
0xa6: {  	s4 =	sshll.u32 s26, $0x1;
	_ =	strace $0x80000046;
	[dreg:$0x1] =	wrdreg $0xFFFFFFFF  }
0xa7: {  	s28 =	simm.s32 $_size_execute0_lowered;
	s2 =	sadd.s32 s2, s4;
	[dreg:$0x0] =	wrdreg $0x0  }
0xa8: {  	s4 =	sshll.u32 s28, $0x1;
	[dreg:$0x2] =	wrdreg s2  }
0xa9: {  	[dreg:$0x3] =	wrdreg s4  }
0xaa: {  	[dreg:$0x4] =	wrdreg $0xC0  }
0xab: {  	_ =	task [dreg:s6], $0x5FFFF  }
0xac: {  	[dreg:$0x1] =	wrdreg $0xFFFFFFFF  }
0xad: {  	[dreg:$0x0] =	wrdreg $0x60  }
0xae: {  	[dreg:$0x2] =	wrdreg s24  }
0xaf: {  	[dreg:$0x3] =	wrdreg $0x9  }
0xb0: {  	_ =	task.clear_ibuf [dreg:s6], $0x4FFFF;
	_ =	strace $0x90000046  }
0xb1: {  	s29 =	simm.s32 $0x9;
	_ =	strace $0x80000048  }
0xb2: {  	_ =	swait.ge [sflag:s29], $0x1  }
0xb3: {  	[sflag:s29] =	ssyncadd.s32 $0xFFFFFFFF  }
0xb4: {  	_ =	strace $0x90000048  }
0xb5: {  	_ =	sfence  }
0xb6: {  	s30 =	sld [smem:$0x0];
	_ =	sdelay $0x2  }
0xb7: {  	s31 =	sshll.u32 s1, $0xD;
	s1 =	sshrl.u32 s1, $0x2  }
0xb8: {  	s3 =	sand.u32 $0x4000, s31;
	s1 =	sadd.s32 s1, s30  }
0xb9: {  	s0 =	sor.u32 s3, s0;
	s1 =	sshll.u32 s1, $0x11  }
0xba: {  	s0 =	sor.u32 s1, s0  }
0xbb: {  	s0 =	sadd.s32 $0x8F2B, s0  }
0xbc: {  	[sflag:s0] =	ssyncadd.remote.s32 $0x1  }
0xbd: {  	_ =	sfence.sel $0xFFFF  }
0xbe: {  	[dreg:$0x0] =	wrdreg $0xFFFFFFFF;
	(pc) =	sbr.abs _section_cstart, $3  }
0xbf: {  	[dreg:$0x1] =	wrdreg $0xFFFFFFFF  }
0xc0: {  	_ =	task.clear_ibuf [dreg:s6], $0x2FFFF;
	_ =	strace $0x9FFFFFFF  }
0xc1: {  	(tm) =	ssettm $0x7FFFFFFF  }
tec
execute0_lowered:
.L_overlay_start_1:
0x0: {  	(tag) =	ssettag $0x1  }
0x1: {  	s0 =	rddreg [dreg:$0x0];
	s2 =	simm.s32 $0x0;
	s1 =	srdreg.scid  }
0x2: {  	s3 =	stileid.u32;
	s16 =	simm.s32 $0x80;
	s18 =	simm.s32 $0x1  }
0x3: {  	s20 =	simm.s32 $0xF;
	s21 =	simm.s32 $0x10;
	s22 =	simm.s32 $0xD  }
0x4: {  	s23 =	simm.s32 $0xE;
	s24 =	simm.s32 $0x0;
	[smem:$0x7FF] =	sst s2  }
0x5: {  	s1 =	sand.u32 $0x1, s1;
	s3 =	sshll.u32 s3, $0x1;
	s4 =	sadd.s32 $0x8200, s0  }
0x6: {  	s5 =	sadd.s32 $0xE600, s0;
	s6 =	sadd.s32 $0x195000, s0;
	s13 =	sor.u32 s1, s3  }
0x7: {  	_ =	strace $0x80000047;
	s1 =	ssub.s32 $0x2, s1;
	s7 =	smul.u32 $0x1900, s13  }
0x8: {  	s3 =	sadd.s32 $0x1E00, s0;
	s8 =	sshll.u32 s13, $0x8;
	s30 =	sshrl.u32 s1, $0x1  }
0x9: {  	s31 =	smul.u32 $0x32, s13;
	s8 =	sand.u32 $0x300, s8;
	s9 =	sand.u32 $0x3FC00, s7  }
0xa: {  	s13 =	smul.u32 $0xC8000, s13;
	s7 =	sadd.s32 $0x31BA00, s0;
	s8 =	sor.u32 s8, s9  }
0xb: {  	s0 =	ssub.s32 s1, s30;
	s12 =	sadd.s32 $0x2, s31;
	s10 =	sshrl.u32 s8, $0x3  }
0xc: {  	s14 =	smax.u32 s0, $0x1;
	s8 =	sadd.s32 s3, s10;
	s11 =	sor.u32 $0x10, s10  }
0xd: {  	s9 =	sadd.s32 s4, s10;
	s10 =	sadd.s32 s3, s11;
	s11 =	sadd.s32 s4, s11  }
.LBB2_1:
0xe: {  	[tilespmem:s2], [sflag:$0x1] =	stream.linear.gather [hbm4b:s8+s2], $0x80, $0x38;
	[tilespmem:$0x10400] =	vst v63  }
0xf: {  	s0 =	simm.s32 $0x200  }
0x10: {  	[tilespmem:s0], [sflag:$0x1] =	stream.linear.gather [hbm4b:s9+s2], $0x80, $0x38;
	[tilespmem:$0x10400] =	vst v63  }
0x11: {  	_ = 	snop  }
0x12: {  	[tilespmem:s16], [sflag:$0x2] =	stream.linear.gather [hbm4b:s10+s2], $0x80, $0x38;
	[tilespmem:$0x10400] =	vst v63  }
0x13: {  	s30 =	simm.s32 $0x280  }
0x14: {  	[tilespmem:s30], [sflag:$0x2] =	stream.linear.gather [hbm4b:s11+s2], $0x80, $0x38;
	[tilespmem:$0x10400] =	vst v63  }
0x15: {  	_ =	swait.ge [sflag:s18], $0x80  }
0x16: {  	[sflag:s18] =	ssyncset.done $0x0  }
0x17: {  	[sflag:s18] =	ssyncadd.s32 $0xFFFFFF80  }
0x18: {  	_ =	swait.ge [sflag:s18], $0x80  }
0x19: {  	s31 =	simm.s32 $0x400;
	[sflag:s18] =	ssyncset.done $0x0  }
0x1a: {  	s25 =	simm.s32 $0x0;
	s26 =	simm.s32 $0x0;
	[sflag:s18] =	ssyncadd.s32 $0xFFFFFF80  }
0x1b: {  	[tilespmem:s31], [sflag:$0x5] =	stream.indirect.gather [hbm4b:s5+s16], $0x80, s2, s16, $0xb8;
	[tilespmem:$0x10400] =	vst v63  }
.LBB2_2:
0x1c: {  	p0 =	sgt.u32 s26, $0x2F;
	s28 =	sand.u32 $0x3, s26  }
0x1d: {  	s0 =	sadd.s32 @!p0 s26, s12;
	s1 =	sxor.u32 @!p0 $0x2, s28  }
0x1e: {  	s31 =	simm.s32 @!p0 $0x0;
	s19 =	sadd.s32 $0x5, s28;
	s0 =	sshll.u32 @!p0 s0, $0x4  }
0x1f: {  	s15 =	sshll.u32 s28, $0xE;
	s17 =	sshll.u32 s28, $0x7;
	s0 =	sand.u32 @!p0 $0xFFFFFF0, s0  }
0x20: {  	s29 =	sadd.s32 @!p0 $0x1, s1;
	s1 =	sshll.u32 @!p0 s1, $0x7;
	s30 =	sadd.s32 @!p0 s3, s0  }
0x21: {  	[tilespmem:s1], [sflag:s29] =	stream.linear.gather @!p0 [hbm4b:s30+s31], $0x80, $0x38;
	[tilespmem:$0x10400] =	vst v63  }
0x22: {  	s0 =	sadd.s32 @!p0 s4, s0;
	s1 =	sor.u32 @!p0 $0x200, s1;
	s30 =	sadd.s32 $0x1, s26  }
0x23: {  	[tilespmem:s1], [sflag:s29] =	stream.linear.gather @!p0 [hbm4b:s0+s31], $0x80, $0x38;
	[tilespmem:$0x10400] =	vst v63  }
0x24: {  	s29 =	sor.u32 $0x400, s15;
	p0 =	seq.s32 s26, $0x31;
	_ =	swait.ge [sflag:s19], $0x4000  }
0x25: {  	s1 =	sadd.s32 $0x9, s28;
	s0 =	sand.u32 @!p0 $0x3, s30;
	[sflag:s19] =	ssyncset.done $0x0  }
0x26: {  	s31 =	sadd.s32 @!p0 $0x1, s0;
	[sflag:s19] =	ssyncadd.s32 $0xFFFFC000;
	s19 =	sor.u32 $0x200, s17  }
0x27: {  	[tilespmem:s29], [sflag:s1] =	stream.indirect.gather.add.f32 [hbm:s6], $0x80, s19, s16, $0xb8;
	[tilespmem:$0x10400] =	vst v63  }
0x28: {  	_ =	swait.ge @!p0 [sflag:s31], $0x80  }
0x29: {  	[sflag:s31] =	ssyncset.done @!p0 $0x0  }
0x2a: {  	[sflag:s31] =	ssyncadd.s32 @!p0 $0xFFFFFF80  }
0x2b: {  	p1 =	slt.u32 @!p0 s26, $0x3;
	_ =	swait.ge @!p0 [sflag:s31], $0x80  }
0x2c: {  	p1 =	por p1, p0;
	[sflag:s31] =	ssyncset.done @!p0 $0x0  }
0x2d: {  	s15 =	sand.u32 $0x3, s25;
	[sflag:s31] =	ssyncadd.s32 @!p0 $0xFFFFFF80;
	s31 =	sadd.s32 @!p1 $0xD, s0  }
0x2e: {  	s15 =	sshll.u32 s15, $0xE;
	_ =	swait.ge @!p1 [sflag:s31], $0x4000  }
0x2f: {  	s15 =	sor.u32 $0x400, s15;
	[sflag:s31] =	ssyncset.done @!p1 $0x0  }
0x30: {  	s17 =	sshll.u32 @!p0 s0, $0x7;
	[sflag:s31] =	ssyncadd.s32 @!p1 $0xFFFFC000;
	s31 =	sshll.u32 @!p0 s0, $0xE  }
0x31: {  	v0 =	vmov s15;
	s19 =	simm.s32 @!p0 $0x80;
	s0 =	sadd.s32 @!p0 $0x5, s0;
	s31 =	sor.u32 @!p0 $0x400, s31  }
0x32: {  	[tilespmem:s31], [sflag:s0] =	stream.indirect.gather @!p0 [hbm4b:s5+s19], $0x80, s17, s19, $0xb8;
	[tilespmem:$0x10400] =	vst v63  }
0x33: {  	_ =	swait.ge [sflag:s1], $0x4000  }
0x34: {  	[sflag:s1] =	ssyncset.done $0x0  }
0x35: {  	s31 =	simm.s32 $0x0;
	[sflag:s1] =	ssyncadd.s32 $0xFFFFC000  }
0x36: {  	v1 =	vld.idx.msk [tilespmem:v0+s31+$0x0 ss:$0x1], $0xffff;
	_ =	sdelay $0x4  }
0x37: {  	v1 =	vmul.f32 $5.000000000e-01, v1;
	_ =	sdelay $0x1  }
0x38: {  	v1 =	vadd.f32 $2.500000000e-01, v1;
	_ =	sdelay $0x1  }
0x39: {  	[tilespmem:v0+s31+$0x0 ss:$0x1] =	vst.idx.msk $0xffff, v1  }
0x3a: {  	v1 =	vld.idx.msk [tilespmem:v0+s31+$0x10 ss:$0x1], $0xffff;
	_ =	sdelay $0x4  }
0x3b: {  	v1 =	vmul.f32 $5.000000000e-01, v1;
	_ =	sdelay $0x1  }
0x3c: {  	v1 =	vadd.f32 $2.500000000e-01, v1;
	_ =	sdelay $0x1  }
0x3d: {  	[tilespmem:v0+s31+$0x10 ss:$0x1] =	vst.idx.msk $0xffff, v1  }
0x3e: {  	v1 =	vld.idx.msk [tilespmem:v0+s31+$0x20 ss:$0x1], $0xffff;
	_ =	sdelay $0x4  }
0x3f: {  	v1 =	vmul.f32 $5.000000000e-01, v1;
	_ =	sdelay $0x1  }
0x40: {  	v1 =	vadd.f32 $2.500000000e-01, v1;
	_ =	sdelay $0x1  }
0x41: {  	[tilespmem:v0+s31+$0x20 ss:$0x1] =	vst.idx.msk $0xffff, v1  }
0x42: {  	v1 =	vld.idx.msk [tilespmem:v0+s31+$0x30 ss:$0x1], $0xffff;
	_ =	sdelay $0x4  }
0x43: {  	v1 =	vmul.f32 $5.000000000e-01, v1;
	_ =	sdelay $0x1  }
0x44: {  	v1 =	vadd.f32 $2.500000000e-01, v1;
	_ =	sdelay $0x1  }
0x45: {  	[tilespmem:v0+s31+$0x30 ss:$0x1] =	vst.idx.msk $0xffff, v1  }
0x46: {  	v1 =	vld.idx.msk [tilespmem:v0+s31+$0x40 ss:$0x1], $0xffff;
	_ =	sdelay $0x4  }
0x47: {  	v1 =	vmul.f32 $5.000000000e-01, v1;
	_ =	sdelay $0x1  }
0x48: {  	v1 =	vadd.f32 $2.500000000e-01, v1;
	_ =	sdelay $0x1  }
0x49: {  	[tilespmem:v0+s31+$0x40 ss:$0x1] =	vst.idx.msk $0xffff, v1  }
0x4a: {  	v1 =	vld.idx.msk [tilespmem:v0+s31+$0x50 ss:$0x1], $0xffff;
	_ =	sdelay $0x4  }
0x4b: {  	v1 =	vmul.f32 $5.000000000e-01, v1;
	_ =	sdelay $0x1  }
0x4c: {  	v1 =	vadd.f32 $2.500000000e-01, v1;
	_ =	sdelay $0x1  }
0x4d: {  	[tilespmem:v0+s31+$0x50 ss:$0x1] =	vst.idx.msk $0xffff, v1  }
0x4e: {  	v1 =	vld.idx.msk [tilespmem:v0+s31+$0x60 ss:$0x1], $0xffff;
	_ =	sdelay $0x4  }
0x4f: {  	v1 =	vmul.f32 $5.000000000e-01, v1;
	_ =	sdelay $0x1  }
0x50: {  	v1 =	vadd.f32 $2.500000000e-01, v1;
	_ =	sdelay $0x1  }
0x51: {  	[tilespmem:v0+s31+$0x60 ss:$0x1] =	vst.idx.msk $0xffff, v1  }
0x52: {  	v1 =	vld.idx.msk [tilespmem:v0+s31+$0x70 ss:$0x1], $0xffff;
	_ =	sdelay $0x4  }
0x53: {  	v1 =	vmul.f32 $5.000000000e-01, v1;
	_ =	sdelay $0x1  }
0x54: {  	v1 =	vadd.f32 $2.500000000e-01, v1;
	_ =	sdelay $0x1  }
0x55: {  	[tilespmem:v0+s31+$0x70 ss:$0x1] =	vst.idx.msk $0xffff, v1  }
0x56: {  	v1 =	vld.idx.msk [tilespmem:v0+s31+$0x80 ss:$0x1], $0xffff;
	_ =	sdelay $0x4  }
0x57: {  	v1 =	vmul.f32 $5.000000000e-01, v1;
	_ =	sdelay $0x1  }
0x58: {  	v1 =	vadd.f32 $2.500000000e-01, v1;
	_ =	sdelay $0x1  }
0x59: {  	[tilespmem:v0+s31+$0x80 ss:$0x1] =	vst.idx.msk $0xffff, v1  }
0x5a: {  	v1 =	vld.idx.msk [tilespmem:v0+s31+$0x90 ss:$0x1], $0xffff;
	_ =	sdelay $0x4  }
0x5b: {  	v1 =	vmul.f32 $5.000000000e-01, v1;
	_ =	sdelay $0x1  }
0x5c: {  	v1 =	vadd.f32 $2.500000000e-01, v1;
	_ =	sdelay $0x1  }
0x5d: {  	[tilespmem:v0+s31+$0x90 ss:$0x1] =	vst.idx.msk $0xffff, v1  }
0x5e: {  	v1 =	vld.idx.msk [tilespmem:v0+s31+$0xA0 ss:$0x1], $0xffff;
	_ =	sdelay $0x4  }
0x5f: {  	v1 =	vmul.f32 $5.000000000e-01, v1;
	_ =	sdelay $0x1  }
0x60: {  	v1 =	vadd.f32 $2.500000000e-01, v1;
	_ =	sdelay $0x1  }
0x61: {  	[tilespmem:v0+s31+$0xA0 ss:$0x1] =	vst.idx.msk $0xffff, v1  }
0x62: {  	v1 =	vld.idx.msk [tilespmem:v0+s31+$0xB0 ss:$0x1], $0xffff;
	_ =	sdelay $0x4  }
0x63: {  	v1 =	vmul.f32 $5.000000000e-01, v1;
	_ =	sdelay $0x1  }
0x64: {  	v1 =	vadd.f32 $2.500000000e-01, v1;
	_ =	sdelay $0x1  }
0x65: {  	[tilespmem:v0+s31+$0xB0 ss:$0x1] =	vst.idx.msk $0xffff, v1  }
0x66: {  	v1 =	vld.idx.msk [tilespmem:v0+s31+$0xC0 ss:$0x1], $0xffff;
	_ =	sdelay $0x4  }
0x67: {  	v1 =	vmul.f32 $5.000000000e-01, v1;
	_ =	sdelay $0x1  }
0x68: {  	v1 =	vadd.f32 $2.500000000e-01, v1;
	_ =	sdelay $0x1  }
0x69: {  	[tilespmem:v0+s31+$0xC0 ss:$0x1] =	vst.idx.msk $0xffff, v1  }
0x6a: {  	v1 =	vld.idx.msk [tilespmem:v0+s31+$0xD0 ss:$0x1], $0xffff;
	_ =	sdelay $0x4  }
0x6b: {  	v1 =	vmul.f32 $5.000000000e-01, v1;
	_ =	sdelay $0x1  }
0x6c: {  	v1 =	vadd.f32 $2.500000000e-01, v1;
	_ =	sdelay $0x1  }
0x6d: {  	[tilespmem:v0+s31+$0xD0 ss:$0x1] =	vst.idx.msk $0xffff, v1  }
0x6e: {  	v1 =	vld.idx.msk [tilespmem:v0+s31+$0xE0 ss:$0x1], $0xffff;
	_ =	sdelay $0x4  }
0x6f: {  	v1 =	vmul.f32 $5.000000000e-01, v1;
	_ =	sdelay $0x1  }
0x70: {  	v1 =	vadd.f32 $2.500000000e-01, v1;
	_ =	sdelay $0x1  }
0x71: {  	[tilespmem:v0+s31+$0xE0 ss:$0x1] =	vst.idx.msk $0xffff, v1  }
0x72: {  	v1 =	vld.idx.msk [tilespmem:v0+s31+$0xF0 ss:$0x1], $0xffff;
	_ =	sdelay $0x4  }
0x73: {  	v1 =	vmul.f32 $5.000000000e-01, v1;
	_ =	sdelay $0x1  }
0x74: {  	s0 =	simm.s32 $0x400;
	s1 =	simm.s32 $0x800;
	v1 =	vadd.f32 $2.500000000e-01, v1  }
.LBB2_3:
0x75: {  	p0 =	sne.s32 s1, $0xFC00  }
0x76: {  	[tilespmem:v0+s31+$0xF0 ss:$0x1] =	vst.idx.msk $0xffff, v1;
	s31 =	sshra.s32 s0, $0x2;
	s0 =	smov.u32 s1;
	s1 =	sadd.s32 $0x400, s1  }
0x77: {  	v1 =	vld.idx.msk [tilespmem:v0+s31+$0x0 ss:$0x1], $0xffff;
	_ =	sdelay $0x5  }
0x78: {  	v1 =	vmul.f32 $5.000000000e-01, v1;
	_ =	sdelay $0x1  }
0x79: {  	v1 =	vadd.f32 $2.500000000e-01, v1;
	_ =	sdelay $0x1  }
0x7a: {  	[tilespmem:v0+s31+$0x0 ss:$0x1] =	vst.idx.msk $0xffff, v1  }
0x7b: {  	v1 =	vld.idx.msk [tilespmem:v0+s31+$0x10 ss:$0x1], $0xffff;
	_ =	sdelay $0x5  }
0x7c: {  	v1 =	vmul.f32 $5.000000000e-01, v1;
	_ =	sdelay $0x1  }
0x7d: {  	v1 =	vadd.f32 $2.500000000e-01, v1;
	_ =	sdelay $0x1  }
0x7e: {  	[tilespmem:v0+s31+$0x10 ss:$0x1] =	vst.idx.msk $0xffff, v1  }
0x7f: {  	v1 =	vld.idx.msk [tilespmem:v0+s31+$0x20 ss:$0x1], $0xffff;
	_ =	sdelay $0x5  }
0x80: {  	v1 =	vmul.f32 $5.000000000e-01, v1;
	_ =	sdelay $0x1  }
0x81: {  	v1 =	vadd.f32 $2.500000000e-01, v1;
	_ =	sdelay $0x1  }
0x82: {  	[tilespmem:v0+s31+$0x20 ss:$0x1] =	vst.idx.msk $0xffff, v1  }
0x83: {  	v1 =	vld.idx.msk [tilespmem:v0+s31+$0x30 ss:$0x1], $0xffff;
	_ =	sdelay $0x5  }
0x84: {  	v1 =	vmul.f32 $5.000000000e-01, v1;
	_ =	sdelay $0x1  }
0x85: {  	v1 =	vadd.f32 $2.500000000e-01, v1;
	_ =	sdelay $0x1  }
0x86: {  	[tilespmem:v0+s31+$0x30 ss:$0x1] =	vst.idx.msk $0xffff, v1  }
0x87: {  	v1 =	vld.idx.msk [tilespmem:v0+s31+$0x40 ss:$0x1], $0xffff;
	_ =	sdelay $0x5  }
0x88: {  	v1 =	vmul.f32 $5.000000000e-01, v1;
	_ =	sdelay $0x1  }
0x89: {  	v1 =	vadd.f32 $2.500000000e-01, v1;
	_ =	sdelay $0x1  }
0x8a: {  	[tilespmem:v0+s31+$0x40 ss:$0x1] =	vst.idx.msk $0xffff, v1  }
0x8b: {  	v1 =	vld.idx.msk [tilespmem:v0+s31+$0x50 ss:$0x1], $0xffff;
	_ =	sdelay $0x5  }
0x8c: {  	v1 =	vmul.f32 $5.000000000e-01, v1;
	_ =	sdelay $0x1  }
0x8d: {  	v1 =	vadd.f32 $2.500000000e-01, v1;
	_ =	sdelay $0x1  }
0x8e: {  	[tilespmem:v0+s31+$0x50 ss:$0x1] =	vst.idx.msk $0xffff, v1  }
0x8f: {  	v1 =	vld.idx.msk [tilespmem:v0+s31+$0x60 ss:$0x1], $0xffff;
	_ =	sdelay $0x5  }
0x90: {  	v1 =	vmul.f32 $5.000000000e-01, v1;
	_ =	sdelay $0x1  }
0x91: {  	v1 =	vadd.f32 $2.500000000e-01, v1;
	_ =	sdelay $0x1  }
0x92: {  	[tilespmem:v0+s31+$0x60 ss:$0x1] =	vst.idx.msk $0xffff, v1  }
0x93: {  	v1 =	vld.idx.msk [tilespmem:v0+s31+$0x70 ss:$0x1], $0xffff;
	_ =	sdelay $0x5  }
0x94: {  	v1 =	vmul.f32 $5.000000000e-01, v1;
	_ =	sdelay $0x1  }
0x95: {  	v1 =	vadd.f32 $2.500000000e-01, v1;
	_ =	sdelay $0x1  }
0x96: {  	[tilespmem:v0+s31+$0x70 ss:$0x1] =	vst.idx.msk $0xffff, v1  }
0x97: {  	v1 =	vld.idx.msk [tilespmem:v0+s31+$0x80 ss:$0x1], $0xffff;
	_ =	sdelay $0x5  }
0x98: {  	v1 =	vmul.f32 $5.000000000e-01, v1;
	_ =	sdelay $0x1  }
0x99: {  	v1 =	vadd.f32 $2.500000000e-01, v1;
	_ =	sdelay $0x1  }
0x9a: {  	[tilespmem:v0+s31+$0x80 ss:$0x1] =	vst.idx.msk $0xffff, v1  }
0x9b: {  	v1 =	vld.idx.msk [tilespmem:v0+s31+$0x90 ss:$0x1], $0xffff;
	_ =	sdelay $0x5  }
0x9c: {  	v1 =	vmul.f32 $5.000000000e-01, v1;
	_ =	sdelay $0x1  }
0x9d: {  	v1 =	vadd.f32 $2.500000000e-01, v1;
	_ =	sdelay $0x1  }
0x9e: {  	[tilespmem:v0+s31+$0x90 ss:$0x1] =	vst.idx.msk $0xffff, v1  }
0x9f: {  	v1 =	vld.idx.msk [tilespmem:v0+s31+$0xA0 ss:$0x1], $0xffff;
	_ =	sdelay $0x5  }
0xa0: {  	v1 =	vmul.f32 $5.000000000e-01, v1;
	_ =	sdelay $0x1  }
0xa1: {  	v1 =	vadd.f32 $2.500000000e-01, v1;
	_ =	sdelay $0x1  }
0xa2: {  	[tilespmem:v0+s31+$0xA0 ss:$0x1] =	vst.idx.msk $0xffff, v1  }
0xa3: {  	v1 =	vld.idx.msk [tilespmem:v0+s31+$0xB0 ss:$0x1], $0xffff;
	_ =	sdelay $0x5  }
0xa4: {  	v1 =	vmul.f32 $5.000000000e-01, v1;
	_ =	sdelay $0x1  }
0xa5: {  	v1 =	vadd.f32 $2.500000000e-01, v1;
	_ =	sdelay $0x1  }
0xa6: {  	[tilespmem:v0+s31+$0xB0 ss:$0x1] =	vst.idx.msk $0xffff, v1  }
0xa7: {  	v1 =	vld.idx.msk [tilespmem:v0+s31+$0xC0 ss:$0x1], $0xffff;
	_ =	sdelay $0x5  }
0xa8: {  	v1 =	vmul.f32 $5.000000000e-01, v1;
	_ =	sdelay $0x1  }
0xa9: {  	v1 =	vadd.f32 $2.500000000e-01, v1;
	_ =	sdelay $0x1  }
0xaa: {  	[tilespmem:v0+s31+$0xC0 ss:$0x1] =	vst.idx.msk $0xffff, v1  }
0xab: {  	v1 =	vld.idx.msk [tilespmem:v0+s31+$0xD0 ss:$0x1], $0xffff;
	_ =	sdelay $0x5  }
0xac: {  	v1 =	vmul.f32 $5.000000000e-01, v1;
	_ =	sdelay $0x1  }
0xad: {  	v1 =	vadd.f32 $2.500000000e-01, v1;
	_ =	sdelay $0x1  }
0xae: {  	[tilespmem:v0+s31+$0xD0 ss:$0x1] =	vst.idx.msk $0xffff, v1  }
0xaf: {  	v1 =	vld.idx.msk [tilespmem:v0+s31+$0xE0 ss:$0x1], $0xffff;
	_ =	sdelay $0x5  }
0xb0: {  	v1 =	vmul.f32 $5.000000000e-01, v1;
	_ =	sdelay $0x1  }
0xb1: {  	v1 =	vadd.f32 $2.500000000e-01, v1;
	_ =	sdelay $0x1  }
0xb2: {  	[tilespmem:v0+s31+$0xE0 ss:$0x1] =	vst.idx.msk $0xffff, v1  }
0xb3: {  	v1 =	vld.idx.msk [tilespmem:v0+s31+$0xF0 ss:$0x1], $0xffff;
	_ =	sdelay $0x3  }
.Ltmp0:
0xb4: {  	(pc) =	sbr.rel @p0 .LBB2_3-.Ltmp0, $3  }
0xb5: {  	_ = 	snop  }
0xb6: {  	v1 =	vmul.f32 $5.000000000e-01, v1;
	_ =	sdelay $0x1  }
0xb7: {  	v1 =	vadd.f32 $2.500000000e-01, v1  }
0xb8: {  	_ =	sdelay $0x3  }
0xb9: {  	s0 =	sshra.s32 s0, $0x2;
	[tilespmem:v0+s31+$0xF0 ss:$0x1] =	vst.idx.msk $0xffff, v1  }
0xba: {  	v1 =	vld.idx.msk [tilespmem:v0+s0+$0x0 ss:$0x1], $0xffff;
	_ =	sdelay $0x4  }
0xbb: {  	v1 =	vmul.f32 $5.000000000e-01, v1;
	_ =	sdelay $0x1  }
0xbc: {  	v1 =	vadd.f32 $2.500000000e-01, v1;
	_ =	sdelay $0x1  }
0xbd: {  	[tilespmem:v0+s0+$0x0 ss:$0x1] =	vst.idx.msk $0xffff, v1  }
0xbe: {  	v1 =	vld.idx.msk [tilespmem:v0+s0+$0x10 ss:$0x1], $0xffff;
	_ =	sdelay $0x4  }
0xbf: {  	v1 =	vmul.f32 $5.000000000e-01, v1;
	_ =	sdelay $0x1  }
0xc0: {  	v1 =	vadd.f32 $2.500000000e-01, v1;
	_ =	sdelay $0x1  }
0xc1: {  	[tilespmem:v0+s0+$0x10 ss:$0x1] =	vst.idx.msk $0xffff, v1  }
0xc2: {  	v1 =	vld.idx.msk [tilespmem:v0+s0+$0x20 ss:$0x1], $0xffff;
	_ =	sdelay $0x4  }
0xc3: {  	v1 =	vmul.f32 $5.000000000e-01, v1;
	_ =	sdelay $0x1  }
0xc4: {  	v1 =	vadd.f32 $2.500000000e-01, v1;
	_ =	sdelay $0x1  }
0xc5: {  	[tilespmem:v0+s0+$0x20 ss:$0x1] =	vst.idx.msk $0xffff, v1  }
0xc6: {  	v1 =	vld.idx.msk [tilespmem:v0+s0+$0x30 ss:$0x1], $0xffff;
	_ =	sdelay $0x4  }
0xc7: {  	v1 =	vmul.f32 $5.000000000e-01, v1;
	_ =	sdelay $0x1  }
0xc8: {  	v1 =	vadd.f32 $2.500000000e-01, v1;
	_ =	sdelay $0x1  }
0xc9: {  	[tilespmem:v0+s0+$0x30 ss:$0x1] =	vst.idx.msk $0xffff, v1  }
0xca: {  	v1 =	vld.idx.msk [tilespmem:v0+s0+$0x40 ss:$0x1], $0xffff;
	_ =	sdelay $0x4  }
0xcb: {  	v1 =	vmul.f32 $5.000000000e-01, v1;
	_ =	sdelay $0x1  }
0xcc: {  	v1 =	vadd.f32 $2.500000000e-01, v1;
	_ =	sdelay $0x1  }
0xcd: {  	[tilespmem:v0+s0+$0x40 ss:$0x1] =	vst.idx.msk $0xffff, v1  }
0xce: {  	v1 =	vld.idx.msk [tilespmem:v0+s0+$0x50 ss:$0x1], $0xffff;
	_ =	sdelay $0x4  }
0xcf: {  	v1 =	vmul.f32 $5.000000000e-01, v1;
	_ =	sdelay $0x1  }
0xd0: {  	v1 =	vadd.f32 $2.500000000e-01, v1;
	_ =	sdelay $0x1  }
0xd1: {  	[tilespmem:v0+s0+$0x50 ss:$0x1] =	vst.idx.msk $0xffff, v1  }
0xd2: {  	v1 =	vld.idx.msk [tilespmem:v0+s0+$0x60 ss:$0x1], $0xffff;
	_ =	sdelay $0x4  }
0xd3: {  	v1 =	vmul.f32 $5.000000000e-01, v1;
	_ =	sdelay $0x1  }
0xd4: {  	v1 =	vadd.f32 $2.500000000e-01, v1;
	_ =	sdelay $0x1  }
0xd5: {  	[tilespmem:v0+s0+$0x60 ss:$0x1] =	vst.idx.msk $0xffff, v1  }
0xd6: {  	v1 =	vld.idx.msk [tilespmem:v0+s0+$0x70 ss:$0x1], $0xffff;
	_ =	sdelay $0x4  }
0xd7: {  	v1 =	vmul.f32 $5.000000000e-01, v1;
	_ =	sdelay $0x1  }
0xd8: {  	v1 =	vadd.f32 $2.500000000e-01, v1;
	_ =	sdelay $0x1  }
0xd9: {  	[tilespmem:v0+s0+$0x70 ss:$0x1] =	vst.idx.msk $0xffff, v1  }
0xda: {  	v1 =	vld.idx.msk [tilespmem:v0+s0+$0x80 ss:$0x1], $0xffff;
	_ =	sdelay $0x4  }
0xdb: {  	v1 =	vmul.f32 $5.000000000e-01, v1;
	_ =	sdelay $0x1  }
0xdc: {  	v1 =	vadd.f32 $2.500000000e-01, v1;
	_ =	sdelay $0x1  }
0xdd: {  	[tilespmem:v0+s0+$0x80 ss:$0x1] =	vst.idx.msk $0xffff, v1  }
0xde: {  	v1 =	vld.idx.msk [tilespmem:v0+s0+$0x90 ss:$0x1], $0xffff;
	_ =	sdelay $0x4  }
0xdf: {  	v1 =	vmul.f32 $5.000000000e-01, v1;
	_ =	sdelay $0x1  }
0xe0: {  	v1 =	vadd.f32 $2.500000000e-01, v1;
	_ =	sdelay $0x1  }
0xe1: {  	[tilespmem:v0+s0+$0x90 ss:$0x1] =	vst.idx.msk $0xffff, v1  }
0xe2: {  	v1 =	vld.idx.msk [tilespmem:v0+s0+$0xA0 ss:$0x1], $0xffff;
	_ =	sdelay $0x4  }
0xe3: {  	v1 =	vmul.f32 $5.000000000e-01, v1;
	_ =	sdelay $0x1  }
0xe4: {  	v1 =	vadd.f32 $2.500000000e-01, v1;
	_ =	sdelay $0x1  }
0xe5: {  	[tilespmem:v0+s0+$0xA0 ss:$0x1] =	vst.idx.msk $0xffff, v1  }
0xe6: {  	v1 =	vld.idx.msk [tilespmem:v0+s0+$0xB0 ss:$0x1], $0xffff;
	_ =	sdelay $0x4  }
0xe7: {  	v1 =	vmul.f32 $5.000000000e-01, v1;
	_ =	sdelay $0x1  }
0xe8: {  	v1 =	vadd.f32 $2.500000000e-01, v1;
	_ =	sdelay $0x1  }
0xe9: {  	[tilespmem:v0+s0+$0xB0 ss:$0x1] =	vst.idx.msk $0xffff, v1  }
0xea: {  	v1 =	vld.idx.msk [tilespmem:v0+s0+$0xC0 ss:$0x1], $0xffff;
	_ =	sdelay $0x4  }
0xeb: {  	v1 =	vmul.f32 $5.000000000e-01, v1;
	_ =	sdelay $0x1  }
0xec: {  	v1 =	vadd.f32 $2.500000000e-01, v1;
	_ =	sdelay $0x1  }
0xed: {  	[tilespmem:v0+s0+$0xC0 ss:$0x1] =	vst.idx.msk $0xffff, v1  }
0xee: {  	v1 =	vld.idx.msk [tilespmem:v0+s0+$0xD0 ss:$0x1], $0xffff;
	_ =	sdelay $0x4  }
0xef: {  	v1 =	vmul.f32 $5.000000000e-01, v1;
	_ =	sdelay $0x1  }
0xf0: {  	v1 =	vadd.f32 $2.500000000e-01, v1;
	_ =	sdelay $0x1  }
0xf1: {  	[tilespmem:v0+s0+$0xD0 ss:$0x1] =	vst.idx.msk $0xffff, v1  }
0xf2: {  	v1 =	vld.idx.msk [tilespmem:v0+s0+$0xE0 ss:$0x1], $0xffff;
	_ =	sdelay $0x4  }
0xf3: {  	v1 =	vmul.f32 $5.000000000e-01, v1;
	_ =	sdelay $0x1  }
0xf4: {  	v1 =	vadd.f32 $2.500000000e-01, v1;
	_ =	sdelay $0x1  }
0xf5: {  	[tilespmem:v0+s0+$0xE0 ss:$0x1] =	vst.idx.msk $0xffff, v1  }
0xf6: {  	v1 =	vld.idx.msk [tilespmem:v0+s0+$0xF0 ss:$0x1], $0xffff;
	_ =	sdelay $0x4  }
0xf7: {  	p0 =	sne.s32 s30, $0x32;
	v1 =	vmul.f32 $5.000000000e-01, v1  }
.Ltmp1:
0xf8: {  	s1 =	sshll.u32 s26, $0xE;
	(pc) =	sbr.rel @p0 .LBB2_2-.Ltmp1, $4  }
0xf9: {  	s1 =	sadd.s32 s13, s1;
	v1 =	vadd.f32 $2.500000000e-01, v1  }
0xfa: {  	s25 =	sadd.s32 $0x1, s25;
	s1 =	sshrl.u32 s1, $0x3  }
0xfb: {  	s26 =	smov.u32 s30;
	s31 =	sadd.s32 $0xD, s28;
	s1 =	sadd.s32 s7, s1;
	[tilespmem:v0+s0+$0xF0 ss:$0x1] =	vst.idx.msk $0xffff, v1  }
0xfc: {  	[hbm4b:s1+s2] =	stream.linear.scatter [tilespmem:s29], [sflag:s31], $0x4000, $0x38;
	[tilespmem:$0x10400] =	vst v63  }
0xfd: {  	_ =	swait.ge [sflag:s20], $0x4000  }
0xfe: {  	[sflag:s20] =	ssyncset.done $0x0  }
0xff: {  	[sflag:s20] =	ssyncadd.s32 $0xFFFFC000  }
0x100: {  	_ =	swait.ge [sflag:s21], $0x4000  }
0x101: {  	[sflag:s21] =	ssyncset.done $0x0  }
0x102: {  	s24 =	sadd.s32 $0x1, s24;
	[sflag:s21] =	ssyncadd.s32 $0xFFFFC000  }
0x103: {  	p0 =	sne.s32 s24, s14;
	_ =	swait.ge [sflag:s22], $0x4000  }
.Ltmp2:
0x104: {  	[sflag:s22] =	ssyncset.done $0x0;
	(pc) =	sbr.rel @p0 .LBB2_1-.Ltmp2, $4  }
0x105: {  	[sflag:s22] =	ssyncadd.s32 $0xFFFFC000  }
0x106: {  	_ =	swait.ge [sflag:s23], $0x4000  }
0x107: {  	[sflag:s23] =	ssyncset.done $0x0  }
0x108: {  	[sflag:s23] =	ssyncadd.s32 $0xFFFFC000  }
0x109: {  	_ =	sfence.sel $0x180000  }
0x10a: {  	[bflag:$0x0] =	sbarrier.arrive $0xFFFF  }
0x10b: {  	_ =	strace $0x90000047  }
0x10c: {  	s0 =	stileid.u32;
	[bflag:$0x2] =	sbarrier.arrive $0xFFFF  }
0x10d: {  	p0 =	sne.s32 s0, $0x0;
	s0 =	rddreg [dreg:$0x1]  }
0x10e: {  	s0 =	sadd.s32 @!p0 $0x100000, s0  }
0x10f: {  	[sflag:s0] =	ssyncadd.tile.s32 @!p0 $0x1;
	_ =	shalt  }
.Lfunc_end2:
_tile_overlayer_lowered:
.L_overlay_start_2:
0x110: {  	(tag) =	ssettag $0x2  }
0x111: {  	s0 =	rddreg [dreg:$0x0];
	s2 =	stileid.u32  }
0x112: {  	s1 =	rddreg [dreg:$0x1];
	p0 =	sne.s32 s2, $0x0  }
0x113: {  	s3 =	rddreg [dreg:$0x2];
	[bflag:$0x3] =	sbarrier.arrive $0xFFFF;
	s2 =	simm.s32 @!p0 $0x1C11  }
0x114: {  	[timem:s3], [sflag:s2] =	dma.local @!p0 [hbm:s0], s1  }
0x115: {  	s0 =	simm.s32 @!p0 $0x11  }
0x116: {  	_ =	swait.ge @!p0 [sflag:s0], s1  }
0x117: {  	s1 =	ssub.s32 @!p0 $0x0, s1;
	[sflag:s0] =	ssyncset.done @!p0 $0x0  }
0x118: {  	[sflag:s0] =	ssyncadd.s32 @!p0 s1  }
0x119: {  	[bflag:$0x3] =	sbarrier.arrive $0xFFFF  }
0x11a: {  	_ =	shalt  }

// kernel: kernel.14.cloned.1.call-start
scs
__scs_entry_jumppad:
0x0: {  	(pc) =	sbr.rel $0x88, $3  }
0x1: {  	(tag) =	ssettag $0x0;
	lr =	simm.s32 $0x1  }
0x2: {  	[smem:$0x3F9D] =	sst lr;
	_ =	strace $0xD0000000  }
0x3: {  	_ = 	snop  }
0x4: {  	_ = 	snop  }
0x5: {  	_ = 	snop  }
0x6: {  	_ = 	snop  }
0x7: {  	_ = 	snop  }
__scs_overlays_trampoline_lowered:
0x8: {  	[smem:$0x3FAC] =	sst s0  }
0x9: {  	[smem:$0x3FAD] =	sst s1  }
0xa: {  	[smem:$0x3FAE] =	sst s2  }
0xb: {  	[smem:$0x3FAF] =	sst s3  }
0xc: {  	[smem:$0x3FB0] =	sst s4  }
0xd: {  	[smem:$0x3FB1] =	sst s5  }
0xe: {  	[smem:$0x3FB2] =	sst s6  }
0xf: {  	[smem:$0x3FB3] =	sst s7  }
0x10: {  	[smem:$0x3FB4] =	sst s8  }
0x11: {  	[smem:$0x3FB5] =	sst s9;
	s0 =	simm.s32 @!p0 $0x0  }
0x12: {  	s1 =	sld [smem:$0x3F9B];
	s0 =	simm.s32 @p0 $0x1  }
0x13: {  	[smem:$0x3FB6] =	sst s0;
	s0 =	simm.s32 @!p1 $0x0  }
0x14: {  	s2 =	sld [smem:$0x3F9A];
	s0 =	simm.s32 @p1 $0x1  }
0x15: {  	[smem:$0x3FB7] =	sst s0;
	s0 =	simm.s32 @!p2 $0x0  }
0x16: {  	s3 =	sld [smem:$0x3FDB];
	s0 =	simm.s32 @p2 $0x1  }
0x17: {  	s4 =	simm.s32 $0x1BF5;
	[smem:$0x3FB9] =	sst s0  }
0x18: {  	s0 =	sld [smem:$0x3F9C];
	_ =	swait.ge [sflag:s4], $0x0  }
0x19: {  	s7 =	sld [smem:$0x3F9D]  }
0x1a: {  	s8 =	sadd.s32 $0xFFFFE003, lr  }
0x1b: {  	s9 =	sadd.s32 $0xFFFFFEF7, lr;
	s5 =	simm.s32 $0xFFFFFFFF;
	p2 =	slt.u32 s8, $0xFFFFF086  }
0x1c: {  	p1 =	slt.u32 s9, $0xF7A;
	s5 =	simm.s32 @!p2 $0x0  }
0x1d: {  	s5 =	simm.s32 @p1 $0x1;
	p0 =	seq.s32 s7, s2  }
0x1e: {  	s7 =	smul.u32 @!p0 $0xF7A, s2;
	p2 =	seq.s32 @!p0 s5, $0x0  }
0x1f: {  	s9 =	smul.u32 $0xF7A, s1;
	s8 =	simm.s32 @!p0 $0x1BF5;
	p2 =	por !p2, p0  }
0x20: {  	[sflag:s8] =	ssyncset.s32 @!p0 $0xFFFFF086;
	s6 =	sadd.s32 @!p0 s3, s7;
	s7 =	simm.s32 @!p0 $0x108  }
0x21: {  	s3 =	sadd.s32 s3, s9;
	s6 =	sadd.s32 @!p0 $0x88, s6;
	s7 =	simm.s32 @p2 $0x1082  }
0x22: {  	[simem:s7], [sflag:s8] =	dma.local @!p0 [hbm:s6], $0xF7A  }
0x23: {  	s9 =	sor.u32 $0xD0000000, s2;
	s6 =	simm.s32 $0x108;
	_ =	swait.ge @!p0 [sflag:s8], $0x0  }
0x24: {  	s3 =	sadd.s32 $0x88, s3;
	s6 =	simm.s32 @!p1 $0x1082;
	[sflag:s4] =	ssyncset.s32 $0xFFFFF086  }
0x25: {  	[simem:s6], [sflag:s4] =	dma.local [hbm:s3], $0xF7A  }
0x26: {  	[smem:$0x3F9D] =	sst s1;
	(tag) =	ssettag s2;
	_ =	strace s9  }
0x27: {  	s1 =	sld [smem:$0x3FAD]  }
0x28: {  	s2 =	sld [smem:$0x3FAE]  }
0x29: {  	s4 =	sld [smem:$0x3FB0]  }
0x2a: {  	p0 =	seq.s32 s5, $0x0;
	s5 =	sld [smem:$0x3FB1]  }
0x2b: {  	s6 =	sld [smem:$0x3FB2]  }
0x2c: {  	s7 =	sld [smem:$0x3FB3]  }
0x2d: {  	s3 =	simm.s32 $0x108;
	s8 =	sld [smem:$0x3FB4]  }
0x2e: {  	s3 =	simm.s32 @!p0 $0x1082;
	s9 =	sld [smem:$0x3FB5]  }
0x2f: {  	lr =	sadd.s32 s0, s3;
	s0 =	sld [smem:$0x3FAC]  }
0x30: {  	s3 =	sld [smem:$0x3FAF]  }
0x31: {  	[smem:$0x3FB8] =	sst s10  }
0x32: {  	s10 =	sld [smem:$0x3FB6];
	_ =	sdelay $0x3  }
0x33: {  	p0 =	seq.s32 s10, $0x1;
	s10 =	sld [smem:$0x3FB8];
	_ =	sdelay $0x3  }
0x34: {  	[smem:$0x3FB8] =	sst s10  }
0x35: {  	s10 =	sld [smem:$0x3FB7];
	_ =	sdelay $0x3  }
0x36: {  	p1 =	seq.s32 s10, $0x1;
	s10 =	sld [smem:$0x3FB8];
	_ =	sdelay $0x3  }
0x37: {  	[smem:$0x3FB8] =	sst s10  }
0x38: {  	s10 =	sld [smem:$0x3FB9]  }
0x39: {  	_ = 	snop;
	(pc) =	sbr.ind lr, $3  }
0x3a: {  	_ = 	snop  }
0x3b: {  	_ = 	snop  }
0x3c: {  	p2 =	seq.s32 s10, $0x1;
	s10 =	sld [smem:$0x3FB8]  }
0x3d: {  	_ =	shalt  }
0x3e: {  	_ =	shalt  }
0x3f: {  	_ =	shalt  }
0x40: {  	_ =	shalt  }
0x41: {  	_ =	shalt  }
0x42: {  	_ =	shalt  }
0x43: {  	_ =	shalt  }
0x44: {  	_ =	shalt  }
0x45: {  	_ =	shalt  }
0x46: {  	_ =	shalt  }
0x47: {  	_ =	shalt  }
0x48: {  	_ =	shalt  }
0x49: {  	_ =	shalt  }
0x4a: {  	_ =	shalt  }
0x4b: {  	_ =	shalt  }
0x4c: {  	_ =	shalt  }
0x4d: {  	_ =	shalt  }
0x4e: {  	_ =	shalt  }
0x4f: {  	_ =	shalt  }
0x50: {  	_ =	shalt  }
0x51: {  	_ =	shalt  }
0x52: {  	_ =	shalt  }
0x53: {  	_ =	shalt  }
0x54: {  	_ =	shalt  }
0x55: {  	_ =	shalt  }
0x56: {  	_ =	shalt  }
0x57: {  	_ =	shalt  }
0x58: {  	_ =	shalt  }
0x59: {  	_ =	shalt  }
0x5a: {  	_ =	shalt  }
0x5b: {  	_ =	shalt  }
0x5c: {  	_ =	shalt  }
0x5d: {  	_ =	shalt  }
0x5e: {  	_ =	shalt  }
0x5f: {  	_ =	shalt  }
0x60: {  	_ =	shalt  }
0x61: {  	_ =	shalt  }
0x62: {  	_ =	shalt  }
0x63: {  	_ =	shalt  }
0x64: {  	_ =	shalt  }
0x65: {  	_ =	shalt  }
0x66: {  	_ =	shalt  }
0x67: {  	_ =	shalt  }
0x68: {  	_ =	shalt  }
0x69: {  	_ =	shalt  }
0x6a: {  	_ =	shalt  }
0x6b: {  	_ =	shalt  }
0x6c: {  	_ =	shalt  }
0x6d: {  	_ =	shalt  }
0x6e: {  	_ =	shalt  }
0x6f: {  	_ =	shalt  }
0x70: {  	_ =	shalt  }
0x71: {  	_ =	shalt  }
0x72: {  	_ =	shalt  }
0x73: {  	_ =	shalt  }
0x74: {  	_ =	shalt  }
0x75: {  	_ =	shalt  }
0x76: {  	_ =	shalt  }
0x77: {  	_ =	shalt  }
0x78: {  	_ =	shalt  }
0x79: {  	_ =	shalt  }
0x7a: {  	_ =	shalt  }
0x7b: {  	_ =	shalt  }
0x7c: {  	_ =	shalt  }
0x7d: {  	_ =	shalt  }
0x7e: {  	_ =	shalt  }
0x7f: {  	_ =	shalt  }
0x80: {  	_ =	shalt  }
0x81: {  	_ =	shalt  }
0x82: {  	_ =	shalt  }
0x83: {  	_ =	shalt  }
0x84: {  	_ =	shalt  }
0x85: {  	_ =	shalt  }
0x86: {  	_ =	shalt  }
0x87: {  	_ =	shalt  }
.Lfunc_end0:
.L_simem_size_0:
called_computation.1_lowered:
.L_overlay_start_0:
0x88: {  	s2 =	sld [smem:$0x3FD9]  }
0x89: {  	s3 =	sld [smem:$0x3FFE];
	_ =	sdelay $0x1  }
0x8a: {  	s1 =	srdreg.scid  }
0x8b: {  	s0 =	sand.u32 $0x1, s1  }
0x8c: {  	s17 =	sshll.u32 s0, $0xA;
	s2 =	sadd.s32 s3, s2  }
0x8d: {  	s2 =	sadd.s32 s2, s17  }
0x8e: {  	[smem:$0x3FC4] =	sst s2  }
0x8f: {  	_ = 	snop  }
0x90: {  	(tm) =	ssettm $0x1  }
0x91: {  	s18 =	sld [smem:$0x3FFB];
	_ =	sdelay $0x3  }
0x92: {  	_ =	strace s18  }
0x93: {  	s2 =	sld [smem:$0x3FFC];
	_ =	sdelay $0x3  }
0x94: {  	_ =	strace s2  }
0x95: {  	s2 =	sld [smem:$0x3FFD];
	_ =	sdelay $0x3  }
0x96: {  	_ =	strace s2  }
0x97: {  	_ =	strace $0x8FFFFFFF  }
0x98: {  	s19 =	sld [smem:$0x3FDB];
	_ =	sdelay $0x1  }
0x99: {  	s20 =	simm.s32 $_scs_section_size  }
0x9a: {  	s4 =	simm.s32 $_size__tile_overlayer_lowered;
	s5 =	simm.s32 $_tile_overlayer_lowered  }
0x9b: {  	s6 =	simm.s32 $0x1BFF;
	s21 =	sshll.u32 s5, $0x1;
	s3 =	sadd.s32 s20, s19  }
0x9c: {  	s22 =	simm.s32 $0x0;
	s4 =	sshll.u32 s4, $0x1;
	s5 =	sadd.s32 s21, s3  }
0x9d: {  	[timem:s22], [sflag:s6] =	dma.local [hbm:s5], s4  }
0x9e: {  	_ =	swait.ge [sflag:s6], s4  }
0x9f: {  	s4 =	ssub.s32 $0x0, s4;
	[sflag:s6] =	ssyncset.done $0x0  }
0xa0: {  	[sflag:s6] =	ssyncadd.s32 s4;
	_ =	sdelay $0x1  }
0xa1: {  	s23 =	simm.s32 $0x1B8B  }
0xa2: {  	_ =	swait.ge [sflag:s23], $0x1  }
0xa3: {  	[sflag:s23] =	ssyncset.done $0x0  }
0xa4: {  	[sflag:s23] =	ssyncadd.s32 $0xFFFFFFFF  }
0xa5: {  	s4 =	sld [smem:$0x0]  }
0xa6: {  	s5 =	sand.u32 $0xFFFFFFFE, s1  }
0xa7: {  	p0 =	sne.s32 s1, s5  }
0xa8: {  	s5 =	sshll.u32 @p0 s5, $0xE  }
0xa9: {  	s5 =	sadd.s32 @p0 $0x11B8D, s5;
	s6 =	sshll.u32 @p0 s4, $0x11  }
0xaa: {  	s5 =	sor.u32 @p0 s6, s5  }
0xab: {  	[sflag:s5] =	ssyncadd.remote.s32 @p0 $0x1;
	_ =	sdelay $0x1  }
0xac: {  	s5 =	simm.s32 @p0 $0x1B8D  }
0xad: {  	_ =	swait.eq @p0 [sflag:s5], $0x1  }
0xae: {  	[sflag:s5] =	ssyncadd.s32 @p0 $0xFFFFFFFF  }
0xaf: {  	s6 =	sshll.u32 @!p0 s1, $0xE  }
0xb0: {  	s6 =	sor.u32 @!p0 $0x4000, s6;
	s5 =	simm.s32 @!p0 $0x1B8D  }
0xb1: {  	s4 =	sshll.u32 @!p0 s4, $0x11;
	s6 =	sadd.s32 @!p0 $0x11B8D, s6;
	_ =	swait.eq @!p0 [sflag:s5], $0x1  }
0xb2: {  	s4 =	sor.u32 @!p0 s4, s6;
	[sflag:s5] =	ssyncadd.s32 @!p0 $0xFFFFFFFF  }
0xb3: {  	s25 =	simm.s32 $0x1B8E;
	s24 =	sld [smem:$0x3FFE];
	[sflag:s4] =	ssyncadd.remote.s32 @!p0 $0x1  }
0xb4: {  	s26 =	simm.s32 $execute0_lowered;
	[smem:$0x3FD2] =	sst s25  }
0xb5: {  	s5 =	sshll.u32 s26, $0x1;
	_ =	strace $0x80000049;
	[dreg:$0x1] =	wrdreg $0xFFFFFFFF  }
0xb6: {  	s28 =	simm.s32 $_size_execute0_lowered;
	s3 =	sadd.s32 s3, s5;
	[dreg:$0x0] =	wrdreg $0x0  }
0xb7: {  	s5 =	sshll.u32 s28, $0x1;
	[dreg:$0x2] =	wrdreg s3  }
0xb8: {  	[dreg:$0x3] =	wrdreg s5  }
0xb9: {  	[dreg:$0x4] =	wrdreg $0xC0  }
0xba: {  	_ =	task [dreg:s22], $0x5FFFF  }
0xbb: {  	[dreg:$0x1] =	wrdreg $0xFFFFFFFF  }
0xbc: {  	[dreg:$0x0] =	wrdreg $0x60  }
0xbd: {  	[dreg:$0x2] =	wrdreg s24  }
0xbe: {  	[dreg:$0x3] =	wrdreg $0xA  }
0xbf: {  	_ =	task.clear_ibuf [dreg:s22], $0x4FFFF;
	_ =	strace $0x90000049  }
0xc0: {  	s29 =	simm.s32 $0xA;
	_ =	strace $0x8000004B  }
0xc1: {  	_ =	swait.ge [sflag:s29], $0x1  }
0xc2: {  	[sflag:s29] =	ssyncadd.s32 $0xFFFFFFFF  }
0xc3: {  	_ =	strace $0x9000004B  }
0xc4: {  	_ =	sfence  }
0xc5: {  	s30 =	sld [smem:$0x0];
	_ =	sdelay $0x2  }
0xc6: {  	s31 =	sshll.u32 s1, $0xD;
	s1 =	sshrl.u32 s1, $0x2  }
0xc7: {  	s4 =	sand.u32 $0x4000, s31;
	s1 =	sadd.s32 s1, s30  }
0xc8: {  	s0 =	sor.u32 s4, s0;
	s1 =	sshll.u32 s1, $0x11  }
0xc9: {  	s0 =	sor.u32 s1, s0  }
0xca: {  	s0 =	sadd.s32 $0x8F2B, s0  }
0xcb: {  	[sflag:s0] =	ssyncadd.remote.s32 $0x1  }
0xcc: {  	_ =	sfence.sel $0xFFFF  }
0xcd: {  	[dreg:$0x0] =	wrdreg $0xFFFFFFFF;
	(pc) =	sbr.abs _section_cstart, $3  }
0xce: {  	[dreg:$0x1] =	wrdreg $0xFFFFFFFF  }
0xcf: {  	_ =	task.clear_ibuf [dreg:s22], $0x2FFFF;
	_ =	strace $0x9FFFFFFF  }
0xd0: {  	(tm) =	ssettm $0x7FFFFFFF  }
0xd1: {  	_ =	shalt  }
tec
execute0_lowered:
.L_overlay_start_1:
0x0: {  	(tag) =	ssettag $0x1  }
0x1: {  	s0 =	rddreg [dreg:$0x0];
	s2 =	simm.s32 $0x0;
	s1 =	srdreg.scid  }
0x2: {  	s3 =	stileid.u32;
	s16 =	simm.s32 $0x80;
	s18 =	simm.s32 $0x1  }
0x3: {  	s20 =	simm.s32 $0xF;
	s21 =	simm.s32 $0x10;
	s22 =	simm.s32 $0xD  }
0x4: {  	s23 =	simm.s32 $0xE;
	s24 =	simm.s32 $0x0;
	[smem:$0x7FF] =	sst s2  }
0x5: {  	s1 =	sand.u32 $0x1, s1;
	s4 =	sshll.u32 s3, $0x1;
	s3 =	sadd.s32 $0x641E00, s0  }
0x6: {  	s5 =	sadd.s32 $0xE600, s0;
	s6 =	sadd.s32 $0x195000, s0;
	s13 =	sor.u32 s1, s4  }
0x7: {  	_ =	strace $0x8000004A;
	s1 =	ssub.s32 $0x2, s1;
	s7 =	smul.u32 $0x1900, s13  }
0x8: {  	s4 =	sadd.s32 $0x63BA00, s0;
	s8 =	sshll.u32 s13, $0x8;
	s30 =	sshrl.u32 s1, $0x1  }
0x9: {  	s31 =	smul.u32 $0x32, s13;
	s8 =	sand.u32 $0x300, s8;
	s9 =	sand.u32 $0x3FC00, s7  }
0xa: {  	s13 =	smul.u32 $0xC8000, s13;
	s7 =	sadd.s32 $0x661200, s0;
	s8 =	sor.u32 s8, s9  }
0xb: {  	s0 =	ssub.s32 s1, s30;
	s12 =	sadd.s32 $0x2, s31;
	s10 =	sshrl.u32 s8, $0x3  }
0xc: {  	s14 =	smax.u32 s0, $0x1;
	s8 =	sadd.s32 s3, s10;
	s11 =	sor.u32 $0x10, s10  }
0xd: {  	s9 =	sadd.s32 s4, s10;
	s10 =	sadd.s32 s3, s11;
	s11 =	sadd.s32 s4, s11  }
.LBB2_1:
0xe: {  	[tilespmem:s2], [sflag:$0x1] =	stream.linear.gather [hbm4b:s8+s2], $0x80, $0x38;
	[tilespmem:$0x10400] =	vst v63  }
0xf: {  	s0 =	simm.s32 $0x200  }
0x10: {  	[tilespmem:s0], [sflag:$0x1] =	stream.linear.gather [hbm4b:s9+s2], $0x80, $0x38;
	[tilespmem:$0x10400] =	vst v63  }
0x11: {  	_ = 	snop  }
0x12: {  	[tilespmem:s16], [sflag:$0x2] =	stream.linear.gather [hbm4b:s10+s2], $0x80, $0x38;
	[tilespmem:$0x10400] =	vst v63  }
0x13: {  	s30 =	simm.s32 $0x280  }
0x14: {  	[tilespmem:s30], [sflag:$0x2] =	stream.linear.gather [hbm4b:s11+s2], $0x80, $0x38;
	[tilespmem:$0x10400] =	vst v63  }
0x15: {  	_ =	swait.ge [sflag:s18], $0x80  }
0x16: {  	[sflag:s18] =	ssyncset.done $0x0  }
0x17: {  	[sflag:s18] =	ssyncadd.s32 $0xFFFFFF80  }
0x18: {  	_ =	swait.ge [sflag:s18], $0x80  }
0x19: {  	s31 =	simm.s32 $0x400;
	[sflag:s18] =	ssyncset.done $0x0  }
0x1a: {  	s25 =	simm.s32 $0x0;
	s26 =	simm.s32 $0x0;
	[sflag:s18] =	ssyncadd.s32 $0xFFFFFF80  }
0x1b: {  	[tilespmem:s31], [sflag:$0x5] =	stream.indirect.gather [hbm4b:s5+s16], $0x80, s2, s16, $0xb8;
	[tilespmem:$0x10400] =	vst v63  }
.LBB2_2:
0x1c: {  	p0 =	sgt.u32 s26, $0x2F;
	s28 =	sand.u32 $0x3, s26  }
0x1d: {  	s0 =	sadd.s32 @!p0 s26, s12;
	s1 =	sxor.u32 @!p0 $0x2, s28  }
0x1e: {  	s31 =	simm.s32 @!p0 $0x0;
	s19 =	sadd.s32 $0x5, s28;
	s0 =	sshll.u32 @!p0 s0, $0x4  }
0x1f: {  	s15 =	sshll.u32 s28, $0xE;
	s17 =	sshll.u32 s28, $0x7;
	s0 =	sand.u32 @!p0 $0xFFFFFF0, s0  }
0x20: {  	s29 =	sadd.s32 @!p0 $0x1, s1;
	s1 =	sshll.u32 @!p0 s1, $0x7;
	s30 =	sadd.s32 @!p0 s3, s0  }
0x21: {  	[tilespmem:s1], [sflag:s29] =	stream.linear.gather @!p0 [hbm4b:s30+s31], $0x80, $0x38;
	[tilespmem:$0x10400] =	vst v63  }
0x22: {  	s0 =	sadd.s32 @!p0 s4, s0;
	s1 =	sor.u32 @!p0 $0x200, s1;
	s30 =	sadd.s32 $0x1, s26  }
0x23: {  	[tilespmem:s1], [sflag:s29] =	stream.linear.gather @!p0 [hbm4b:s0+s31], $0x80, $0x38;
	[tilespmem:$0x10400] =	vst v63  }
0x24: {  	s29 =	sor.u32 $0x400, s15;
	p0 =	seq.s32 s26, $0x31;
	_ =	swait.ge [sflag:s19], $0x4000  }
0x25: {  	s1 =	sadd.s32 $0x9, s28;
	s0 =	sand.u32 @!p0 $0x3, s30;
	[sflag:s19] =	ssyncset.done $0x0  }
0x26: {  	s31 =	sadd.s32 @!p0 $0x1, s0;
	[sflag:s19] =	ssyncadd.s32 $0xFFFFC000;
	s19 =	sor.u32 $0x200, s17  }
0x27: {  	[tilespmem:s29], [sflag:s1] =	stream.indirect.gather.add.f32 [hbm:s6], $0x80, s19, s16, $0xb8;
	[tilespmem:$0x10400] =	vst v63  }
0x28: {  	_ =	swait.ge @!p0 [sflag:s31], $0x80  }
0x29: {  	[sflag:s31] =	ssyncset.done @!p0 $0x0  }
0x2a: {  	[sflag:s31] =	ssyncadd.s32 @!p0 $0xFFFFFF80  }
0x2b: {  	p1 =	slt.u32 @!p0 s26, $0x3;
	_ =	swait.ge @!p0 [sflag:s31], $0x80  }
0x2c: {  	p1 =	por p1, p0;
	[sflag:s31] =	ssyncset.done @!p0 $0x0  }
0x2d: {  	s15 =	sand.u32 $0x3, s25;
	[sflag:s31] =	ssyncadd.s32 @!p0 $0xFFFFFF80;
	s31 =	sadd.s32 @!p1 $0xD, s0  }
0x2e: {  	s15 =	sshll.u32 s15, $0xE;
	_ =	swait.ge @!p1 [sflag:s31], $0x4000  }
0x2f: {  	s15 =	sor.u32 $0x400, s15;
	[sflag:s31] =	ssyncset.done @!p1 $0x0  }
0x30: {  	s17 =	sshll.u32 @!p0 s0, $0x7;
	[sflag:s31] =	ssyncadd.s32 @!p1 $0xFFFFC000;
	s31 =	sshll.u32 @!p0 s0, $0xE  }
0x31: {  	v0 =	vmov s15;
	s19 =	simm.s32 @!p0 $0x80;
	s0 =	sadd.s32 @!p0 $0x5, s0;
	s31 =	sor.u32 @!p0 $0x400, s31  }
0x32: {  	[tilespmem:s31], [sflag:s0] =	stream.indirect.gather @!p0 [hbm4b:s5+s19], $0x80, s17, s19, $0xb8;
	[tilespmem:$0x10400] =	vst v63  }
0x33: {  	_ =	swait.ge [sflag:s1], $0x4000  }
0x34: {  	[sflag:s1] =	ssyncset.done $0x0  }
0x35: {  	s31 =	simm.s32 $0x0;
	[sflag:s1] =	ssyncadd.s32 $0xFFFFC000  }
0x36: {  	v1 =	vld.idx.msk [tilespmem:v0+s31+$0x0 ss:$0x1], $0xffff;
	_ =	sdelay $0x4  }
0x37: {  	v1 =	vmul.f32 $5.000000000e-01, v1;
	_ =	sdelay $0x1  }
0x38: {  	v1 =	vadd.f32 $2.500000000e-01, v1;
	_ =	sdelay $0x1  }
0x39: {  	[tilespmem:v0+s31+$0x0 ss:$0x1] =	vst.idx.msk $0xffff, v1  }
0x3a: {  	v1 =	vld.idx.msk [tilespmem:v0+s31+$0x10 ss:$0x1], $0xffff;
	_ =	sdelay $0x4  }
0x3b: {  	v1 =	vmul.f32 $5.000000000e-01, v1;
	_ =	sdelay $0x1  }
0x3c: {  	v1 =	vadd.f32 $2.500000000e-01, v1;
	_ =	sdelay $0x1  }
0x3d: {  	[tilespmem:v0+s31+$0x10 ss:$0x1] =	vst.idx.msk $0xffff, v1  }
0x3e: {  	v1 =	vld.idx.msk [tilespmem:v0+s31+$0x20 ss:$0x1], $0xffff;
	_ =	sdelay $0x4  }
0x3f: {  	v1 =	vmul.f32 $5.000000000e-01, v1;
	_ =	sdelay $0x1  }
0x40: {  	v1 =	vadd.f32 $2.500000000e-01, v1;
	_ =	sdelay $0x1  }
0x41: {  	[tilespmem:v0+s31+$0x20 ss:$0x1] =	vst.idx.msk $0xffff, v1  }
0x42: {  	v1 =	vld.idx.msk [tilespmem:v0+s31+$0x30 ss:$0x1], $0xffff;
	_ =	sdelay $0x4  }
0x43: {  	v1 =	vmul.f32 $5.000000000e-01, v1;
	_ =	sdelay $0x1  }
0x44: {  	v1 =	vadd.f32 $2.500000000e-01, v1;
	_ =	sdelay $0x1  }
0x45: {  	[tilespmem:v0+s31+$0x30 ss:$0x1] =	vst.idx.msk $0xffff, v1  }
0x46: {  	v1 =	vld.idx.msk [tilespmem:v0+s31+$0x40 ss:$0x1], $0xffff;
	_ =	sdelay $0x4  }
0x47: {  	v1 =	vmul.f32 $5.000000000e-01, v1;
	_ =	sdelay $0x1  }
0x48: {  	v1 =	vadd.f32 $2.500000000e-01, v1;
	_ =	sdelay $0x1  }
0x49: {  	[tilespmem:v0+s31+$0x40 ss:$0x1] =	vst.idx.msk $0xffff, v1  }
0x4a: {  	v1 =	vld.idx.msk [tilespmem:v0+s31+$0x50 ss:$0x1], $0xffff;
	_ =	sdelay $0x4  }
0x4b: {  	v1 =	vmul.f32 $5.000000000e-01, v1;
	_ =	sdelay $0x1  }
0x4c: {  	v1 =	vadd.f32 $2.500000000e-01, v1;
	_ =	sdelay $0x1  }
0x4d: {  	[tilespmem:v0+s31+$0x50 ss:$0x1] =	vst.idx.msk $0xffff, v1  }
0x4e: {  	v1 =	vld.idx.msk [tilespmem:v0+s31+$0x60 ss:$0x1], $0xffff;
	_ =	sdelay $0x4  }
0x4f: {  	v1 =	vmul.f32 $5.000000000e-01, v1;
	_ =	sdelay $0x1  }
0x50: {  	v1 =	vadd.f32 $2.500000000e-01, v1;
	_ =	sdelay $0x1  }
0x51: {  	[tilespmem:v0+s31+$0x60 ss:$0x1] =	vst.idx.msk $0xffff, v1  }
0x52: {  	v1 =	vld.idx.msk [tilespmem:v0+s31+$0x70 ss:$0x1], $0xffff;
	_ =	sdelay $0x4  }
0x53: {  	v1 =	vmul.f32 $5.000000000e-01, v1;
	_ =	sdelay $0x1  }
0x54: {  	v1 =	vadd.f32 $2.500000000e-01, v1;
	_ =	sdelay $0x1  }
0x55: {  	[tilespmem:v0+s31+$0x70 ss:$0x1] =	vst.idx.msk $0xffff, v1  }
0x56: {  	v1 =	vld.idx.msk [tilespmem:v0+s31+$0x80 ss:$0x1], $0xffff;
	_ =	sdelay $0x4  }
0x57: {  	v1 =	vmul.f32 $5.000000000e-01, v1;
	_ =	sdelay $0x1  }
0x58: {  	v1 =	vadd.f32 $2.500000000e-01, v1;
	_ =	sdelay $0x1  }
0x59: {  	[tilespmem:v0+s31+$0x80 ss:$0x1] =	vst.idx.msk $0xffff, v1  }
0x5a: {  	v1 =	vld.idx.msk [tilespmem:v0+s31+$0x90 ss:$0x1], $0xffff;
	_ =	sdelay $0x4  }
0x5b: {  	v1 =	vmul.f32 $5.000000000e-01, v1;
	_ =	sdelay $0x1  }
0x5c: {  	v1 =	vadd.f32 $2.500000000e-01, v1;
	_ =	sdelay $0x1  }
0x5d: {  	[tilespmem:v0+s31+$0x90 ss:$0x1] =	vst.idx.msk $0xffff, v1  }
0x5e: {  	v1 =	vld.idx.msk [tilespmem:v0+s31+$0xA0 ss:$0x1], $0xffff;
	_ =	sdelay $0x4  }
0x5f: {  	v1 =	vmul.f32 $5.000000000e-01, v1;
	_ =	sdelay $0x1  }
0x60: {  	v1 =	vadd.f32 $2.500000000e-01, v1;
	_ =	sdelay $0x1  }
0x61: {  	[tilespmem:v0+s31+$0xA0 ss:$0x1] =	vst.idx.msk $0xffff, v1  }
0x62: {  	v1 =	vld.idx.msk [tilespmem:v0+s31+$0xB0 ss:$0x1], $0xffff;
	_ =	sdelay $0x4  }
0x63: {  	v1 =	vmul.f32 $5.000000000e-01, v1;
	_ =	sdelay $0x1  }
0x64: {  	v1 =	vadd.f32 $2.500000000e-01, v1;
	_ =	sdelay $0x1  }
0x65: {  	[tilespmem:v0+s31+$0xB0 ss:$0x1] =	vst.idx.msk $0xffff, v1  }
0x66: {  	v1 =	vld.idx.msk [tilespmem:v0+s31+$0xC0 ss:$0x1], $0xffff;
	_ =	sdelay $0x4  }
0x67: {  	v1 =	vmul.f32 $5.000000000e-01, v1;
	_ =	sdelay $0x1  }
0x68: {  	v1 =	vadd.f32 $2.500000000e-01, v1;
	_ =	sdelay $0x1  }
0x69: {  	[tilespmem:v0+s31+$0xC0 ss:$0x1] =	vst.idx.msk $0xffff, v1  }
0x6a: {  	v1 =	vld.idx.msk [tilespmem:v0+s31+$0xD0 ss:$0x1], $0xffff;
	_ =	sdelay $0x4  }
0x6b: {  	v1 =	vmul.f32 $5.000000000e-01, v1;
	_ =	sdelay $0x1  }
0x6c: {  	v1 =	vadd.f32 $2.500000000e-01, v1;
	_ =	sdelay $0x1  }
0x6d: {  	[tilespmem:v0+s31+$0xD0 ss:$0x1] =	vst.idx.msk $0xffff, v1  }
0x6e: {  	v1 =	vld.idx.msk [tilespmem:v0+s31+$0xE0 ss:$0x1], $0xffff;
	_ =	sdelay $0x4  }
0x6f: {  	v1 =	vmul.f32 $5.000000000e-01, v1;
	_ =	sdelay $0x1  }
0x70: {  	v1 =	vadd.f32 $2.500000000e-01, v1;
	_ =	sdelay $0x1  }
0x71: {  	[tilespmem:v0+s31+$0xE0 ss:$0x1] =	vst.idx.msk $0xffff, v1  }
0x72: {  	v1 =	vld.idx.msk [tilespmem:v0+s31+$0xF0 ss:$0x1], $0xffff;
	_ =	sdelay $0x4  }
0x73: {  	v1 =	vmul.f32 $5.000000000e-01, v1;
	_ =	sdelay $0x1  }
0x74: {  	s0 =	simm.s32 $0x400;
	s1 =	simm.s32 $0x800;
	v1 =	vadd.f32 $2.500000000e-01, v1  }
.LBB2_3:
0x75: {  	p0 =	sne.s32 s1, $0xFC00  }
0x76: {  	[tilespmem:v0+s31+$0xF0 ss:$0x1] =	vst.idx.msk $0xffff, v1;
	s31 =	sshra.s32 s0, $0x2;
	s0 =	smov.u32 s1;
	s1 =	sadd.s32 $0x400, s1  }
0x77: {  	v1 =	vld.idx.msk [tilespmem:v0+s31+$0x0 ss:$0x1], $0xffff;
	_ =	sdelay $0x5  }
0x78: {  	v1 =	vmul.f32 $5.000000000e-01, v1;
	_ =	sdelay $0x1  }
0x79: {  	v1 =	vadd.f32 $2.500000000e-01, v1;
	_ =	sdelay $0x1  }
0x7a: {  	[tilespmem:v0+s31+$0x0 ss:$0x1] =	vst.idx.msk $0xffff, v1  }
0x7b: {  	v1 =	vld.idx.msk [tilespmem:v0+s31+$0x10 ss:$0x1], $0xffff;
	_ =	sdelay $0x5  }
0x7c: {  	v1 =	vmul.f32 $5.000000000e-01, v1;
	_ =	sdelay $0x1  }
0x7d: {  	v1 =	vadd.f32 $2.500000000e-01, v1;
	_ =	sdelay $0x1  }
0x7e: {  	[tilespmem:v0+s31+$0x10 ss:$0x1] =	vst.idx.msk $0xffff, v1  }
0x7f: {  	v1 =	vld.idx.msk [tilespmem:v0+s31+$0x20 ss:$0x1], $0xffff;
	_ =	sdelay $0x5  }
0x80: {  	v1 =	vmul.f32 $5.000000000e-01, v1;
	_ =	sdelay $0x1  }
0x81: {  	v1 =	vadd.f32 $2.500000000e-01, v1;
	_ =	sdelay $0x1  }
0x82: {  	[tilespmem:v0+s31+$0x20 ss:$0x1] =	vst.idx.msk $0xffff, v1  }
0x83: {  	v1 =	vld.idx.msk [tilespmem:v0+s31+$0x30 ss:$0x1], $0xffff;
	_ =	sdelay $0x5  }
0x84: {  	v1 =	vmul.f32 $5.000000000e-01, v1;
	_ =	sdelay $0x1  }
0x85: {  	v1 =	vadd.f32 $2.500000000e-01, v1;
	_ =	sdelay $0x1  }
0x86: {  	[tilespmem:v0+s31+$0x30 ss:$0x1] =	vst.idx.msk $0xffff, v1  }
0x87: {  	v1 =	vld.idx.msk [tilespmem:v0+s31+$0x40 ss:$0x1], $0xffff;
	_ =	sdelay $0x5  }
0x88: {  	v1 =	vmul.f32 $5.000000000e-01, v1;
	_ =	sdelay $0x1  }
0x89: {  	v1 =	vadd.f32 $2.500000000e-01, v1;
	_ =	sdelay $0x1  }
0x8a: {  	[tilespmem:v0+s31+$0x40 ss:$0x1] =	vst.idx.msk $0xffff, v1  }
0x8b: {  	v1 =	vld.idx.msk [tilespmem:v0+s31+$0x50 ss:$0x1], $0xffff;
	_ =	sdelay $0x5  }
0x8c: {  	v1 =	vmul.f32 $5.000000000e-01, v1;
	_ =	sdelay $0x1  }
0x8d: {  	v1 =	vadd.f32 $2.500000000e-01, v1;
	_ =	sdelay $0x1  }
0x8e: {  	[tilespmem:v0+s31+$0x50 ss:$0x1] =	vst.idx.msk $0xffff, v1  }
0x8f: {  	v1 =	vld.idx.msk [tilespmem:v0+s31+$0x60 ss:$0x1], $0xffff;
	_ =	sdelay $0x5  }
0x90: {  	v1 =	vmul.f32 $5.000000000e-01, v1;
	_ =	sdelay $0x1  }
0x91: {  	v1 =	vadd.f32 $2.500000000e-01, v1;
	_ =	sdelay $0x1  }
0x92: {  	[tilespmem:v0+s31+$0x60 ss:$0x1] =	vst.idx.msk $0xffff, v1  }
0x93: {  	v1 =	vld.idx.msk [tilespmem:v0+s31+$0x70 ss:$0x1], $0xffff;
	_ =	sdelay $0x5  }
0x94: {  	v1 =	vmul.f32 $5.000000000e-01, v1;
	_ =	sdelay $0x1  }
0x95: {  	v1 =	vadd.f32 $2.500000000e-01, v1;
	_ =	sdelay $0x1  }
0x96: {  	[tilespmem:v0+s31+$0x70 ss:$0x1] =	vst.idx.msk $0xffff, v1  }
0x97: {  	v1 =	vld.idx.msk [tilespmem:v0+s31+$0x80 ss:$0x1], $0xffff;
	_ =	sdelay $0x5  }
0x98: {  	v1 =	vmul.f32 $5.000000000e-01, v1;
	_ =	sdelay $0x1  }
0x99: {  	v1 =	vadd.f32 $2.500000000e-01, v1;
	_ =	sdelay $0x1  }
0x9a: {  	[tilespmem:v0+s31+$0x80 ss:$0x1] =	vst.idx.msk $0xffff, v1  }
0x9b: {  	v1 =	vld.idx.msk [tilespmem:v0+s31+$0x90 ss:$0x1], $0xffff;
	_ =	sdelay $0x5  }
0x9c: {  	v1 =	vmul.f32 $5.000000000e-01, v1;
	_ =	sdelay $0x1  }
0x9d: {  	v1 =	vadd.f32 $2.500000000e-01, v1;
	_ =	sdelay $0x1  }
0x9e: {  	[tilespmem:v0+s31+$0x90 ss:$0x1] =	vst.idx.msk $0xffff, v1  }
0x9f: {  	v1 =	vld.idx.msk [tilespmem:v0+s31+$0xA0 ss:$0x1], $0xffff;
	_ =	sdelay $0x5  }
0xa0: {  	v1 =	vmul.f32 $5.000000000e-01, v1;
	_ =	sdelay $0x1  }
0xa1: {  	v1 =	vadd.f32 $2.500000000e-01, v1;
	_ =	sdelay $0x1  }
0xa2: {  	[tilespmem:v0+s31+$0xA0 ss:$0x1] =	vst.idx.msk $0xffff, v1  }
0xa3: {  	v1 =	vld.idx.msk [tilespmem:v0+s31+$0xB0 ss:$0x1], $0xffff;
	_ =	sdelay $0x5  }
0xa4: {  	v1 =	vmul.f32 $5.000000000e-01, v1;
	_ =	sdelay $0x1  }
0xa5: {  	v1 =	vadd.f32 $2.500000000e-01, v1;
	_ =	sdelay $0x1  }
0xa6: {  	[tilespmem:v0+s31+$0xB0 ss:$0x1] =	vst.idx.msk $0xffff, v1  }
0xa7: {  	v1 =	vld.idx.msk [tilespmem:v0+s31+$0xC0 ss:$0x1], $0xffff;
	_ =	sdelay $0x5  }
0xa8: {  	v1 =	vmul.f32 $5.000000000e-01, v1;
	_ =	sdelay $0x1  }
0xa9: {  	v1 =	vadd.f32 $2.500000000e-01, v1;
	_ =	sdelay $0x1  }
0xaa: {  	[tilespmem:v0+s31+$0xC0 ss:$0x1] =	vst.idx.msk $0xffff, v1  }
0xab: {  	v1 =	vld.idx.msk [tilespmem:v0+s31+$0xD0 ss:$0x1], $0xffff;
	_ =	sdelay $0x5  }
0xac: {  	v1 =	vmul.f32 $5.000000000e-01, v1;
	_ =	sdelay $0x1  }
0xad: {  	v1 =	vadd.f32 $2.500000000e-01, v1;
	_ =	sdelay $0x1  }
0xae: {  	[tilespmem:v0+s31+$0xD0 ss:$0x1] =	vst.idx.msk $0xffff, v1  }
0xaf: {  	v1 =	vld.idx.msk [tilespmem:v0+s31+$0xE0 ss:$0x1], $0xffff;
	_ =	sdelay $0x5  }
0xb0: {  	v1 =	vmul.f32 $5.000000000e-01, v1;
	_ =	sdelay $0x1  }
0xb1: {  	v1 =	vadd.f32 $2.500000000e-01, v1;
	_ =	sdelay $0x1  }
0xb2: {  	[tilespmem:v0+s31+$0xE0 ss:$0x1] =	vst.idx.msk $0xffff, v1  }
0xb3: {  	v1 =	vld.idx.msk [tilespmem:v0+s31+$0xF0 ss:$0x1], $0xffff;
	_ =	sdelay $0x3  }
.Ltmp0:
0xb4: {  	(pc) =	sbr.rel @p0 .LBB2_3-.Ltmp0, $3  }
0xb5: {  	_ = 	snop  }
0xb6: {  	v1 =	vmul.f32 $5.000000000e-01, v1;
	_ =	sdelay $0x1  }
0xb7: {  	v1 =	vadd.f32 $2.500000000e-01, v1  }
0xb8: {  	_ =	sdelay $0x3  }
0xb9: {  	s0 =	sshra.s32 s0, $0x2;
	[tilespmem:v0+s31+$0xF0 ss:$0x1] =	vst.idx.msk $0xffff, v1  }
0xba: {  	v1 =	vld.idx.msk [tilespmem:v0+s0+$0x0 ss:$0x1], $0xffff;
	_ =	sdelay $0x4  }
0xbb: {  	v1 =	vmul.f32 $5.000000000e-01, v1;
	_ =	sdelay $0x1  }
0xbc: {  	v1 =	vadd.f32 $2.500000000e-01, v1;
	_ =	sdelay $0x1  }
0xbd: {  	[tilespmem:v0+s0+$0x0 ss:$0x1] =	vst.idx.msk $0xffff, v1  }
0xbe: {  	v1 =	vld.idx.msk [tilespmem:v0+s0+$0x10 ss:$0x1], $0xffff;
	_ =	sdelay $0x4  }
0xbf: {  	v1 =	vmul.f32 $5.000000000e-01, v1;
	_ =	sdelay $0x1  }
0xc0: {  	v1 =	vadd.f32 $2.500000000e-01, v1;
	_ =	sdelay $0x1  }
0xc1: {  	[tilespmem:v0+s0+$0x10 ss:$0x1] =	vst.idx.msk $0xffff, v1  }
0xc2: {  	v1 =	vld.idx.msk [tilespmem:v0+s0+$0x20 ss:$0x1], $0xffff;
	_ =	sdelay $0x4  }
0xc3: {  	v1 =	vmul.f32 $5.000000000e-01, v1;
	_ =	sdelay $0x1  }
0xc4: {  	v1 =	vadd.f32 $2.500000000e-01, v1;
	_ =	sdelay $0x1  }
0xc5: {  	[tilespmem:v0+s0+$0x20 ss:$0x1] =	vst.idx.msk $0xffff, v1  }
0xc6: {  	v1 =	vld.idx.msk [tilespmem:v0+s0+$0x30 ss:$0x1], $0xffff;
	_ =	sdelay $0x4  }
0xc7: {  	v1 =	vmul.f32 $5.000000000e-01, v1;
	_ =	sdelay $0x1  }
0xc8: {  	v1 =	vadd.f32 $2.500000000e-01, v1;
	_ =	sdelay $0x1  }
0xc9: {  	[tilespmem:v0+s0+$0x30 ss:$0x1] =	vst.idx.msk $0xffff, v1  }
0xca: {  	v1 =	vld.idx.msk [tilespmem:v0+s0+$0x40 ss:$0x1], $0xffff;
	_ =	sdelay $0x4  }
0xcb: {  	v1 =	vmul.f32 $5.000000000e-01, v1;
	_ =	sdelay $0x1  }
0xcc: {  	v1 =	vadd.f32 $2.500000000e-01, v1;
	_ =	sdelay $0x1  }
0xcd: {  	[tilespmem:v0+s0+$0x40 ss:$0x1] =	vst.idx.msk $0xffff, v1  }
0xce: {  	v1 =	vld.idx.msk [tilespmem:v0+s0+$0x50 ss:$0x1], $0xffff;
	_ =	sdelay $0x4  }
0xcf: {  	v1 =	vmul.f32 $5.000000000e-01, v1;
	_ =	sdelay $0x1  }
0xd0: {  	v1 =	vadd.f32 $2.500000000e-01, v1;
	_ =	sdelay $0x1  }
0xd1: {  	[tilespmem:v0+s0+$0x50 ss:$0x1] =	vst.idx.msk $0xffff, v1  }
0xd2: {  	v1 =	vld.idx.msk [tilespmem:v0+s0+$0x60 ss:$0x1], $0xffff;
	_ =	sdelay $0x4  }
0xd3: {  	v1 =	vmul.f32 $5.000000000e-01, v1;
	_ =	sdelay $0x1  }
0xd4: {  	v1 =	vadd.f32 $2.500000000e-01, v1;
	_ =	sdelay $0x1  }
0xd5: {  	[tilespmem:v0+s0+$0x60 ss:$0x1] =	vst.idx.msk $0xffff, v1  }
0xd6: {  	v1 =	vld.idx.msk [tilespmem:v0+s0+$0x70 ss:$0x1], $0xffff;
	_ =	sdelay $0x4  }
0xd7: {  	v1 =	vmul.f32 $5.000000000e-01, v1;
	_ =	sdelay $0x1  }
0xd8: {  	v1 =	vadd.f32 $2.500000000e-01, v1;
	_ =	sdelay $0x1  }
0xd9: {  	[tilespmem:v0+s0+$0x70 ss:$0x1] =	vst.idx.msk $0xffff, v1  }
0xda: {  	v1 =	vld.idx.msk [tilespmem:v0+s0+$0x80 ss:$0x1], $0xffff;
	_ =	sdelay $0x4  }
0xdb: {  	v1 =	vmul.f32 $5.000000000e-01, v1;
	_ =	sdelay $0x1  }
0xdc: {  	v1 =	vadd.f32 $2.500000000e-01, v1;
	_ =	sdelay $0x1  }
0xdd: {  	[tilespmem:v0+s0+$0x80 ss:$0x1] =	vst.idx.msk $0xffff, v1  }
0xde: {  	v1 =	vld.idx.msk [tilespmem:v0+s0+$0x90 ss:$0x1], $0xffff;
	_ =	sdelay $0x4  }
0xdf: {  	v1 =	vmul.f32 $5.000000000e-01, v1;
	_ =	sdelay $0x1  }
0xe0: {  	v1 =	vadd.f32 $2.500000000e-01, v1;
	_ =	sdelay $0x1  }
0xe1: {  	[tilespmem:v0+s0+$0x90 ss:$0x1] =	vst.idx.msk $0xffff, v1  }
0xe2: {  	v1 =	vld.idx.msk [tilespmem:v0+s0+$0xA0 ss:$0x1], $0xffff;
	_ =	sdelay $0x4  }
0xe3: {  	v1 =	vmul.f32 $5.000000000e-01, v1;
	_ =	sdelay $0x1  }
0xe4: {  	v1 =	vadd.f32 $2.500000000e-01, v1;
	_ =	sdelay $0x1  }
0xe5: {  	[tilespmem:v0+s0+$0xA0 ss:$0x1] =	vst.idx.msk $0xffff, v1  }
0xe6: {  	v1 =	vld.idx.msk [tilespmem:v0+s0+$0xB0 ss:$0x1], $0xffff;
	_ =	sdelay $0x4  }
0xe7: {  	v1 =	vmul.f32 $5.000000000e-01, v1;
	_ =	sdelay $0x1  }
0xe8: {  	v1 =	vadd.f32 $2.500000000e-01, v1;
	_ =	sdelay $0x1  }
0xe9: {  	[tilespmem:v0+s0+$0xB0 ss:$0x1] =	vst.idx.msk $0xffff, v1  }
0xea: {  	v1 =	vld.idx.msk [tilespmem:v0+s0+$0xC0 ss:$0x1], $0xffff;
	_ =	sdelay $0x4  }
0xeb: {  	v1 =	vmul.f32 $5.000000000e-01, v1;
	_ =	sdelay $0x1  }
0xec: {  	v1 =	vadd.f32 $2.500000000e-01, v1;
	_ =	sdelay $0x1  }
0xed: {  	[tilespmem:v0+s0+$0xC0 ss:$0x1] =	vst.idx.msk $0xffff, v1  }
0xee: {  	v1 =	vld.idx.msk [tilespmem:v0+s0+$0xD0 ss:$0x1], $0xffff;
	_ =	sdelay $0x4  }
0xef: {  	v1 =	vmul.f32 $5.000000000e-01, v1;
	_ =	sdelay $0x1  }
0xf0: {  	v1 =	vadd.f32 $2.500000000e-01, v1;
	_ =	sdelay $0x1  }
0xf1: {  	[tilespmem:v0+s0+$0xD0 ss:$0x1] =	vst.idx.msk $0xffff, v1  }
0xf2: {  	v1 =	vld.idx.msk [tilespmem:v0+s0+$0xE0 ss:$0x1], $0xffff;
	_ =	sdelay $0x4  }
0xf3: {  	v1 =	vmul.f32 $5.000000000e-01, v1;
	_ =	sdelay $0x1  }
0xf4: {  	v1 =	vadd.f32 $2.500000000e-01, v1;
	_ =	sdelay $0x1  }
0xf5: {  	[tilespmem:v0+s0+$0xE0 ss:$0x1] =	vst.idx.msk $0xffff, v1  }
0xf6: {  	v1 =	vld.idx.msk [tilespmem:v0+s0+$0xF0 ss:$0x1], $0xffff;
	_ =	sdelay $0x4  }
0xf7: {  	p0 =	sne.s32 s30, $0x32;
	v1 =	vmul.f32 $5.000000000e-01, v1  }
.Ltmp1:
0xf8: {  	s1 =	sshll.u32 s26, $0xE;
	(pc) =	sbr.rel @p0 .LBB2_2-.Ltmp1, $4  }
0xf9: {  	s1 =	sadd.s32 s13, s1;
	v1 =	vadd.f32 $2.500000000e-01, v1  }
0xfa: {  	s25 =	sadd.s32 $0x1, s25;
	s1 =	sshrl.u32 s1, $0x3  }
0xfb: {  	s26 =	smov.u32 s30;
	s31 =	sadd.s32 $0xD, s28;
	s1 =	sadd.s32 s7, s1;
	[tilespmem:v0+s0+$0xF0 ss:$0x1] =	vst.idx.msk $0xffff, v1  }
0xfc: {  	[hbm4b:s1+s2] =	stream.linear.scatter [tilespmem:s29], [sflag:s31], $0x4000, $0x38;
	[tilespmem:$0x10400] =	vst v63  }
0xfd: {  	_ =	swait.ge [sflag:s20], $0x4000  }
0xfe: {  	[sflag:s20] =	ssyncset.done $0x0  }
0xff: {  	[sflag:s20] =	ssyncadd.s32 $0xFFFFC000  }
0x100: {  	_ =	swait.ge [sflag:s21], $0x4000  }
0x101: {  	[sflag:s21] =	ssyncset.done $0x0  }
0x102: {  	s24 =	sadd.s32 $0x1, s24;
	[sflag:s21] =	ssyncadd.s32 $0xFFFFC000  }
0x103: {  	p0 =	sne.s32 s24, s14;
	_ =	swait.ge [sflag:s22], $0x4000  }
.Ltmp2:
0x104: {  	[sflag:s22] =	ssyncset.done $0x0;
	(pc) =	sbr.rel @p0 .LBB2_1-.Ltmp2, $4  }
0x105: {  	[sflag:s22] =	ssyncadd.s32 $0xFFFFC000  }
0x106: {  	_ =	swait.ge [sflag:s23], $0x4000  }
0x107: {  	[sflag:s23] =	ssyncset.done $0x0  }
0x108: {  	[sflag:s23] =	ssyncadd.s32 $0xFFFFC000  }
0x109: {  	_ =	sfence.sel $0x180000  }
0x10a: {  	[bflag:$0x0] =	sbarrier.arrive $0xFFFF  }
0x10b: {  	_ =	strace $0x9000004A  }
0x10c: {  	s0 =	stileid.u32;
	[bflag:$0x2] =	sbarrier.arrive $0xFFFF  }
0x10d: {  	p0 =	sne.s32 s0, $0x0;
	s0 =	rddreg [dreg:$0x1]  }
0x10e: {  	s0 =	sadd.s32 @!p0 $0x100000, s0  }
0x10f: {  	[sflag:s0] =	ssyncadd.tile.s32 @!p0 $0x1;
	_ =	shalt  }
.Lfunc_end2:
_tile_overlayer_lowered:
.L_overlay_start_2:
0x110: {  	(tag) =	ssettag $0x2  }
0x111: {  	s0 =	rddreg [dreg:$0x0];
	s2 =	stileid.u32  }
0x112: {  	s1 =	rddreg [dreg:$0x1];
	p0 =	sne.s32 s2, $0x0  }
0x113: {  	s3 =	rddreg [dreg:$0x2];
	[bflag:$0x3] =	sbarrier.arrive $0xFFFF;
	s2 =	simm.s32 @!p0 $0x1C11  }
0x114: {  	[timem:s3], [sflag:s2] =	dma.local @!p0 [hbm:s0], s1  }
0x115: {  	s0 =	simm.s32 @!p0 $0x11  }
0x116: {  	_ =	swait.ge @!p0 [sflag:s0], s1  }
0x117: {  	s1 =	ssub.s32 @!p0 $0x0, s1;
	[sflag:s0] =	ssyncset.done @!p0 $0x0  }
0x118: {  	[sflag:s0] =	ssyncadd.s32 @!p0 s1  }
0x119: {  	[bflag:$0x3] =	sbarrier.arrive $0xFFFF  }
0x11a: {  	_ =	shalt  }

// kernel: kernel.17.cloned.1.call-start
scs
__scs_entry_jumppad:
0x0: {  	(pc) =	sbr.rel $0x88, $3  }
0x1: {  	(tag) =	ssettag $0x0;
	lr =	simm.s32 $0x1  }
0x2: {  	[smem:$0x3F9D] =	sst lr;
	_ =	strace $0xD0000000  }
0x3: {  	_ = 	snop  }
0x4: {  	_ = 	snop  }
0x5: {  	_ = 	snop  }
0x6: {  	_ = 	snop  }
0x7: {  	_ = 	snop  }
__scs_overlays_trampoline_lowered:
0x8: {  	[smem:$0x3FAC] =	sst s0  }
0x9: {  	[smem:$0x3FAD] =	sst s1  }
0xa: {  	[smem:$0x3FAE] =	sst s2  }
0xb: {  	[smem:$0x3FAF] =	sst s3  }
0xc: {  	[smem:$0x3FB0] =	sst s4  }
0xd: {  	[smem:$0x3FB1] =	sst s5  }
0xe: {  	[smem:$0x3FB2] =	sst s6  }
0xf: {  	[smem:$0x3FB3] =	sst s7  }
0x10: {  	[smem:$0x3FB4] =	sst s8  }
0x11: {  	[smem:$0x3FB5] =	sst s9;
	s0 =	simm.s32 @!p0 $0x0  }
0x12: {  	s1 =	sld [smem:$0x3F9B];
	s0 =	simm.s32 @p0 $0x1  }
0x13: {  	[smem:$0x3FB6] =	sst s0;
	s0 =	simm.s32 @!p1 $0x0  }
0x14: {  	s2 =	sld [smem:$0x3F9A];
	s0 =	simm.s32 @p1 $0x1  }
0x15: {  	[smem:$0x3FB7] =	sst s0;
	s0 =	simm.s32 @!p2 $0x0  }
0x16: {  	s3 =	sld [smem:$0x3FDB];
	s0 =	simm.s32 @p2 $0x1  }
0x17: {  	s4 =	simm.s32 $0x1BF5;
	[smem:$0x3FB9] =	sst s0  }
0x18: {  	s0 =	sld [smem:$0x3F9C];
	_ =	swait.ge [sflag:s4], $0x0  }
0x19: {  	s7 =	sld [smem:$0x3F9D]  }
0x1a: {  	s8 =	sadd.s32 $0xFFFFE003, lr  }
0x1b: {  	s9 =	sadd.s32 $0xFFFFFEF7, lr;
	s5 =	simm.s32 $0xFFFFFFFF;
	p2 =	slt.u32 s8, $0xFFFFF086  }
0x1c: {  	p1 =	slt.u32 s9, $0xF7A;
	s5 =	simm.s32 @!p2 $0x0  }
0x1d: {  	s5 =	simm.s32 @p1 $0x1;
	p0 =	seq.s32 s7, s2  }
0x1e: {  	s7 =	smul.u32 @!p0 $0xF7A, s2;
	p2 =	seq.s32 @!p0 s5, $0x0  }
0x1f: {  	s9 =	smul.u32 $0xF7A, s1;
	s8 =	simm.s32 @!p0 $0x1BF5;
	p2 =	por !p2, p0  }
0x20: {  	[sflag:s8] =	ssyncset.s32 @!p0 $0xFFFFF086;
	s6 =	sadd.s32 @!p0 s3, s7;
	s7 =	simm.s32 @!p0 $0x108  }
0x21: {  	s3 =	sadd.s32 s3, s9;
	s6 =	sadd.s32 @!p0 $0x88, s6;
	s7 =	simm.s32 @p2 $0x1082  }
0x22: {  	[simem:s7], [sflag:s8] =	dma.local @!p0 [hbm:s6], $0xF7A  }
0x23: {  	s9 =	sor.u32 $0xD0000000, s2;
	s6 =	simm.s32 $0x108;
	_ =	swait.ge @!p0 [sflag:s8], $0x0  }
0x24: {  	s3 =	sadd.s32 $0x88, s3;
	s6 =	simm.s32 @!p1 $0x1082;
	[sflag:s4] =	ssyncset.s32 $0xFFFFF086  }
0x25: {  	[simem:s6], [sflag:s4] =	dma.local [hbm:s3], $0xF7A  }
0x26: {  	[smem:$0x3F9D] =	sst s1;
	(tag) =	ssettag s2;
	_ =	strace s9  }
0x27: {  	s1 =	sld [smem:$0x3FAD]  }
0x28: {  	s2 =	sld [smem:$0x3FAE]  }
0x29: {  	s4 =	sld [smem:$0x3FB0]  }
0x2a: {  	p0 =	seq.s32 s5, $0x0;
	s5 =	sld [smem:$0x3FB1]  }
0x2b: {  	s6 =	sld [smem:$0x3FB2]  }
0x2c: {  	s7 =	sld [smem:$0x3FB3]  }
0x2d: {  	s3 =	simm.s32 $0x108;
	s8 =	sld [smem:$0x3FB4]  }
0x2e: {  	s3 =	simm.s32 @!p0 $0x1082;
	s9 =	sld [smem:$0x3FB5]  }
0x2f: {  	lr =	sadd.s32 s0, s3;
	s0 =	sld [smem:$0x3FAC]  }
0x30: {  	s3 =	sld [smem:$0x3FAF]  }
0x31: {  	[smem:$0x3FB8] =	sst s10  }
0x32: {  	s10 =	sld [smem:$0x3FB6];
	_ =	sdelay $0x3  }
0x33: {  	p0 =	seq.s32 s10, $0x1;
	s10 =	sld [smem:$0x3FB8];
	_ =	sdelay $0x3  }
0x34: {  	[smem:$0x3FB8] =	sst s10  }
0x35: {  	s10 =	sld [smem:$0x3FB7];
	_ =	sdelay $0x3  }
0x36: {  	p1 =	seq.s32 s10, $0x1;
	s10 =	sld [smem:$0x3FB8];
	_ =	sdelay $0x3  }
0x37: {  	[smem:$0x3FB8] =	sst s10  }
0x38: {  	s10 =	sld [smem:$0x3FB9]  }
0x39: {  	_ = 	snop;
	(pc) =	sbr.ind lr, $3  }
0x3a: {  	_ = 	snop  }
0x3b: {  	_ = 	snop  }
0x3c: {  	p2 =	seq.s32 s10, $0x1;
	s10 =	sld [smem:$0x3FB8]  }
0x3d: {  	_ =	shalt  }
0x3e: {  	_ =	shalt  }
0x3f: {  	_ =	shalt  }
0x40: {  	_ =	shalt  }
0x41: {  	_ =	shalt  }
0x42: {  	_ =	shalt  }
0x43: {  	_ =	shalt  }
0x44: {  	_ =	shalt  }
0x45: {  	_ =	shalt  }
0x46: {  	_ =	shalt  }
0x47: {  	_ =	shalt  }
0x48: {  	_ =	shalt  }
0x49: {  	_ =	shalt  }
0x4a: {  	_ =	shalt  }
0x4b: {  	_ =	shalt  }
0x4c: {  	_ =	shalt  }
0x4d: {  	_ =	shalt  }
0x4e: {  	_ =	shalt  }
0x4f: {  	_ =	shalt  }
0x50: {  	_ =	shalt  }
0x51: {  	_ =	shalt  }
0x52: {  	_ =	shalt  }
0x53: {  	_ =	shalt  }
0x54: {  	_ =	shalt  }
0x55: {  	_ =	shalt  }
0x56: {  	_ =	shalt  }
0x57: {  	_ =	shalt  }
0x58: {  	_ =	shalt  }
0x59: {  	_ =	shalt  }
0x5a: {  	_ =	shalt  }
0x5b: {  	_ =	shalt  }
0x5c: {  	_ =	shalt  }
0x5d: {  	_ =	shalt  }
0x5e: {  	_ =	shalt  }
0x5f: {  	_ =	shalt  }
0x60: {  	_ =	shalt  }
0x61: {  	_ =	shalt  }
0x62: {  	_ =	shalt  }
0x63: {  	_ =	shalt  }
0x64: {  	_ =	shalt  }
0x65: {  	_ =	shalt  }
0x66: {  	_ =	shalt  }
0x67: {  	_ =	shalt  }
0x68: {  	_ =	shalt  }
0x69: {  	_ =	shalt  }
0x6a: {  	_ =	shalt  }
0x6b: {  	_ =	shalt  }
0x6c: {  	_ =	shalt  }
0x6d: {  	_ =	shalt  }
0x6e: {  	_ =	shalt  }
0x6f: {  	_ =	shalt  }
0x70: {  	_ =	shalt  }
0x71: {  	_ =	shalt  }
0x72: {  	_ =	shalt  }
0x73: {  	_ =	shalt  }
0x74: {  	_ =	shalt  }
0x75: {  	_ =	shalt  }
0x76: {  	_ =	shalt  }
0x77: {  	_ =	shalt  }
0x78: {  	_ =	shalt  }
0x79: {  	_ =	shalt  }
0x7a: {  	_ =	shalt  }
0x7b: {  	_ =	shalt  }
0x7c: {  	_ =	shalt  }
0x7d: {  	_ =	shalt  }
0x7e: {  	_ =	shalt  }
0x7f: {  	_ =	shalt  }
0x80: {  	_ =	shalt  }
0x81: {  	_ =	shalt  }
0x82: {  	_ =	shalt  }
0x83: {  	_ =	shalt  }
0x84: {  	_ =	shalt  }
0x85: {  	_ =	shalt  }
0x86: {  	_ =	shalt  }
0x87: {  	_ =	shalt  }
.Lfunc_end0:
.L_simem_size_0:
called_computation.2_lowered:
.L_overlay_start_0:
0x88: {  	s2 =	sld [smem:$0x3FD9]  }
0x89: {  	s3 =	sld [smem:$0x3FFE];
	_ =	sdelay $0x1  }
0x8a: {  	s1 =	srdreg.scid  }
0x8b: {  	s0 =	sand.u32 $0x1, s1  }
0x8c: {  	s17 =	sshll.u32 s0, $0xA;
	s2 =	sadd.s32 s3, s2  }
0x8d: {  	s2 =	sadd.s32 s2, s17  }
0x8e: {  	[smem:$0x3FC4] =	sst s2  }
0x8f: {  	_ = 	snop  }
0x90: {  	(tm) =	ssettm $0x1  }
0x91: {  	s18 =	sld [smem:$0x3FFB];
	_ =	sdelay $0x3  }
0x92: {  	_ =	strace s18  }
0x93: {  	s2 =	sld [smem:$0x3FFC];
	_ =	sdelay $0x3  }
0x94: {  	_ =	strace s2  }
0x95: {  	s2 =	sld [smem:$0x3FFD];
	_ =	sdelay $0x3  }
0x96: {  	_ =	strace s2  }
0x97: {  	_ =	strace $0x8FFFFFFF  }
0x98: {  	s19 =	sld [smem:$0x3FDB];
	_ =	sdelay $0x1  }
0x99: {  	s20 =	simm.s32 $_scs_section_size  }
0x9a: {  	s4 =	simm.s32 $_size__tile_overlayer_lowered;
	s5 =	simm.s32 $_tile_overlayer_lowered  }
0x9b: {  	s6 =	simm.s32 $0x1BFF;
	s21 =	sshll.u32 s5, $0x1;
	s3 =	sadd.s32 s20, s19  }
0x9c: {  	s22 =	simm.s32 $0x0;
	s4 =	sshll.u32 s4, $0x1;
	s5 =	sadd.s32 s21, s3  }
0x9d: {  	[timem:s22], [sflag:s6] =	dma.local [hbm:s5], s4  }
0x9e: {  	_ =	swait.ge [sflag:s6], s4  }
0x9f: {  	s4 =	ssub.s32 $0x0, s4;
	[sflag:s6] =	ssyncset.done $0x0  }
0xa0: {  	[sflag:s6] =	ssyncadd.s32 s4;
	_ =	sdelay $0x1  }
0xa1: {  	s23 =	simm.s32 $0x1B8B  }
0xa2: {  	_ =	swait.ge [sflag:s23], $0x1  }
0xa3: {  	[sflag:s23] =	ssyncset.done $0x0  }
0xa4: {  	[sflag:s23] =	ssyncadd.s32 $0xFFFFFFFF  }
0xa5: {  	s4 =	sld [smem:$0x0]  }
0xa6: {  	s5 =	sand.u32 $0xFFFFFFFE, s1  }
0xa7: {  	p0 =	sne.s32 s1, s5  }
0xa8: {  	s5 =	sshll.u32 @p0 s5, $0xE  }
0xa9: {  	s5 =	sadd.s32 @p0 $0x11B8D, s5;
	s6 =	sshll.u32 @p0 s4, $0x11  }
0xaa: {  	s5 =	sor.u32 @p0 s6, s5  }
0xab: {  	[sflag:s5] =	ssyncadd.remote.s32 @p0 $0x1;
	_ =	sdelay $0x1  }
0xac: {  	s5 =	simm.s32 @p0 $0x1B8D  }
0xad: {  	_ =	swait.eq @p0 [sflag:s5], $0x1  }
0xae: {  	[sflag:s5] =	ssyncadd.s32 @p0 $0xFFFFFFFF  }
0xaf: {  	s6 =	sshll.u32 @!p0 s1, $0xE  }
0xb0: {  	s6 =	sor.u32 @!p0 $0x4000, s6;
	s5 =	simm.s32 @!p0 $0x1B8D  }
0xb1: {  	s4 =	sshll.u32 @!p0 s4, $0x11;
	s6 =	sadd.s32 @!p0 $0x11B8D, s6;
	_ =	swait.eq @!p0 [sflag:s5], $0x1  }
0xb2: {  	s4 =	sor.u32 @!p0 s4, s6;
	[sflag:s5] =	ssyncadd.s32 @!p0 $0xFFFFFFFF  }
0xb3: {  	s25 =	simm.s32 $0x1B8E;
	s24 =	sld [smem:$0x3FFE];
	[sflag:s4] =	ssyncadd.remote.s32 @!p0 $0x1  }
0xb4: {  	s26 =	simm.s32 $execute0_lowered;
	[smem:$0x3FD2] =	sst s25  }
0xb5: {  	s5 =	sshll.u32 s26, $0x1;
	_ =	strace $0x8000004C;
	[dreg:$0x1] =	wrdreg $0xFFFFFFFF  }
0xb6: {  	s28 =	simm.s32 $_size_execute0_lowered;
	s3 =	sadd.s32 s3, s5;
	[dreg:$0x0] =	wrdreg $0x0  }
0xb7: {  	s5 =	sshll.u32 s28, $0x1;
	[dreg:$0x2] =	wrdreg s3  }
0xb8: {  	[dreg:$0x3] =	wrdreg s5  }
0xb9: {  	[dreg:$0x4] =	wrdreg $0xC0  }
0xba: {  	_ =	task [dreg:s22], $0x5FFFF  }
0xbb: {  	[dreg:$0x1] =	wrdreg $0xFFFFFFFF  }
0xbc: {  	[dreg:$0x0] =	wrdreg $0x60  }
0xbd: {  	[dreg:$0x2] =	wrdreg s24  }
0xbe: {  	[dreg:$0x3] =	wrdreg $0xB  }
0xbf: {  	_ =	task.clear_ibuf [dreg:s22], $0x4FFFF;
	_ =	strace $0x9000004C  }
0xc0: {  	s29 =	simm.s32 $0xB;
	_ =	strace $0x8000004E  }
0xc1: {  	_ =	swait.ge [sflag:s29], $0x1  }
0xc2: {  	[sflag:s29] =	ssyncadd.s32 $0xFFFFFFFF  }
0xc3: {  	_ =	strace $0x9000004E  }
0xc4: {  	_ =	sfence  }
0xc5: {  	s30 =	sld [smem:$0x0];
	_ =	sdelay $0x2  }
0xc6: {  	s31 =	sshll.u32 s1, $0xD;
	s1 =	sshrl.u32 s1, $0x2  }
0xc7: {  	s4 =	sand.u32 $0x4000, s31;
	s1 =	sadd.s32 s1, s30  }
0xc8: {  	s0 =	sor.u32 s4, s0;
	s1 =	sshll.u32 s1, $0x11  }
0xc9: {  	s0 =	sor.u32 s1, s0  }
0xca: {  	s0 =	sadd.s32 $0x8F2B, s0  }
0xcb: {  	[sflag:s0] =	ssyncadd.remote.s32 $0x1  }
0xcc: {  	_ =	sfence.sel $0xFFFF  }
0xcd: {  	[dreg:$0x0] =	wrdreg $0xFFFFFFFF;
	(pc) =	sbr.abs _section_cstart, $3  }
0xce: {  	[dreg:$0x1] =	wrdreg $0xFFFFFFFF  }
0xcf: {  	_ =	task.clear_ibuf [dreg:s22], $0x2FFFF;
	_ =	strace $0x9FFFFFFF  }
0xd0: {  	(tm) =	ssettm $0x7FFFFFFF  }
0xd1: {  	_ =	shalt  }
tec
execute0_lowered:
.L_overlay_start_1:
0x0: {  	(tag) =	ssettag $0x1  }
0x1: {  	s0 =	rddreg [dreg:$0x0];
	s2 =	simm.s32 $0x0;
	s1 =	srdreg.scid  }
0x2: {  	s3 =	stileid.u32;
	s16 =	simm.s32 $0x80;
	s18 =	simm.s32 $0x1  }
0x3: {  	s20 =	simm.s32 $0xF;
	s21 =	simm.s32 $0x10;
	s22 =	simm.s32 $0xD  }
0x4: {  	s23 =	simm.s32 $0xE;
	s24 =	simm.s32 $0x0;
	[smem:$0x7FF] =	sst s2  }
0x5: {  	s1 =	sand.u32 $0x1, s1;
	s4 =	sshll.u32 s3, $0x1;
	s3 =	sadd.s32 $0x64E600, s0  }
0x6: {  	s5 =	sadd.s32 $0xE600, s0;
	s6 =	sadd.s32 $0x195000, s0;
	s13 =	sor.u32 s1, s4  }
0x7: {  	_ =	strace $0x8000004D;
	s1 =	ssub.s32 $0x2, s1;
	s7 =	smul.u32 $0x1900, s13  }
0x8: {  	s4 =	sadd.s32 $0x648200, s0;
	s8 =	sshll.u32 s13, $0x8;
	s30 =	sshrl.u32 s1, $0x1  }
0x9: {  	s31 =	smul.u32 $0x32, s13;
	s8 =	sand.u32 $0x300, s8;
	s9 =	sand.u32 $0x3FC00, s7  }
0xa: {  	s13 =	smul.u32 $0xC8000, s13;
	s7 =	sadd.s32 $0x981200, s0;
	s8 =	sor.u32 s8, s9  }
0xb: {  	s0 =	ssub.s32 s1, s30;
	s12 =	sadd.s32 $0x2, s31;
	s10 =	sshrl.u32 s8, $0x3  }
0xc: {  	s14 =	smax.u32 s0, $0x1;
	s8 =	sadd.s32 s3, s10;
	s11 =	sor.u32 $0x10, s10  }
0xd: {  	s9 =	sadd.s32 s4, s10;
	s10 =	sadd.s32 s3, s11;
	s11 =	sadd.s32 s4, s11  }
.LBB2_1:
0xe: {  	[tilespmem:s2], [sflag:$0x1] =	stream.linear.gather [hbm4b:s8+s2], $0x80, $0x38;
	[tilespmem:$0x10400] =	vst v63  }
0xf: {  	s0 =	simm.s32 $0x200  }
0x10: {  	[tilespmem:s0], [sflag:$0x1] =	stream.linear.gather [hbm4b:s9+s2], $0x80, $0x38;
	[tilespmem:$0x10400] =	vst v63  }
0x11: {  	_ = 	snop  }
0x12: {  	[tilespmem:s16], [sflag:$0x2] =	stream.linear.gather [hbm4b:s10+s2], $0x80, $0x38;
	[tilespmem:$0x10400] =	vst v63  }
0x13: {  	s30 =	simm.s32 $0x280  }
0x14: {  	[tilespmem:s30], [sflag:$0x2] =	stream.linear.gather [hbm4b:s11+s2], $0x80, $0x38;
	[tilespmem:$0x10400] =	vst v63  }
0x15: {  	_ =	swait.ge [sflag:s18], $0x80  }
0x16: {  	[sflag:s18] =	ssyncset.done $0x0  }
0x17: {  	[sflag:s18] =	ssyncadd.s32 $0xFFFFFF80  }
0x18: {  	_ =	swait.ge [sflag:s18], $0x80  }
0x19: {  	s31 =	simm.s32 $0x400;
	[sflag:s18] =	ssyncset.done $0x0  }
0x1a: {  	s25 =	simm.s32 $0x0;
	s26 =	simm.s32 $0x0;
	[sflag:s18] =	ssyncadd.s32 $0xFFFFFF80  }
0x1b: {  	[tilespmem:s31], [sflag:$0x5] =	stream.indirect.gather [hbm4b:s5+s16], $0x80, s2, s16, $0xb8;
	[tilespmem:$0x10400] =	vst v63  }
.LBB2_2:
0x1c: {  	p0 =	sgt.u32 s26, $0x2F;
	s28 =	sand.u32 $0x3, s26  }
0x1d: {  	s0 =	sadd.s32 @!p0 s26, s12;
	s1 =	sxor.u32 @!p0 $0x2, s28  }
0x1e: {  	s31 =	simm.s32 @!p0 $0x0;
	s19 =	sadd.s32 $0x5, s28;
	s0 =	sshll.u32 @!p0 s0, $0x4  }
0x1f: {  	s15 =	sshll.u32 s28, $0xE;
	s17 =	sshll.u32 s28, $0x7;
	s0 =	sand.u32 @!p0 $0xFFFFFF0, s0  }
0x20: {  	s29 =	sadd.s32 @!p0 $0x1, s1;
	s1 =	sshll.u32 @!p0 s1, $0x7;
	s30 =	sadd.s32 @!p0 s3, s0  }
0x21: {  	[tilespmem:s1], [sflag:s29] =	stream.linear.gather @!p0 [hbm4b:s30+s31], $0x80, $0x38;
	[tilespmem:$0x10400] =	vst v63  }
0x22: {  	s0 =	sadd.s32 @!p0 s4, s0;
	s1 =	sor.u32 @!p0 $0x200, s1;
	s30 =	sadd.s32 $0x1, s26  }
0x23: {  	[tilespmem:s1], [sflag:s29] =	stream.linear.gather @!p0 [hbm4b:s0+s31], $0x80, $0x38;
	[tilespmem:$0x10400] =	vst v63  }
0x24: {  	s29 =	sor.u32 $0x400, s15;
	p0 =	seq.s32 s26, $0x31;
	_ =	swait.ge [sflag:s19], $0x4000  }
0x25: {  	s1 =	sadd.s32 $0x9, s28;
	s0 =	sand.u32 @!p0 $0x3, s30;
	[sflag:s19] =	ssyncset.done $0x0  }
0x26: {  	s31 =	sadd.s32 @!p0 $0x1, s0;
	[sflag:s19] =	ssyncadd.s32 $0xFFFFC000;
	s19 =	sor.u32 $0x200, s17  }
0x27: {  	[tilespmem:s29], [sflag:s1] =	stream.indirect.gather.add.f32 [hbm:s6], $0x80, s19, s16, $0xb8;
	[tilespmem:$0x10400] =	vst v63  }
0x28: {  	_ =	swait.ge @!p0 [sflag:s31], $0x80  }
0x29: {  	[sflag:s31] =	ssyncset.done @!p0 $0x0  }
0x2a: {  	[sflag:s31] =	ssyncadd.s32 @!p0 $0xFFFFFF80  }
0x2b: {  	p1 =	slt.u32 @!p0 s26, $0x3;
	_ =	swait.ge @!p0 [sflag:s31], $0x80  }
0x2c: {  	p1 =	por p1, p0;
	[sflag:s31] =	ssyncset.done @!p0 $0x0  }
0x2d: {  	s15 =	sand.u32 $0x3, s25;
	[sflag:s31] =	ssyncadd.s32 @!p0 $0xFFFFFF80;
	s31 =	sadd.s32 @!p1 $0xD, s0  }
0x2e: {  	s15 =	sshll.u32 s15, $0xE;
	_ =	swait.ge @!p1 [sflag:s31], $0x4000  }
0x2f: {  	s15 =	sor.u32 $0x400, s15;
	[sflag:s31] =	ssyncset.done @!p1 $0x0  }
0x30: {  	s17 =	sshll.u32 @!p0 s0, $0x7;
	[sflag:s31] =	ssyncadd.s32 @!p1 $0xFFFFC000;
	s31 =	sshll.u32 @!p0 s0, $0xE  }
0x31: {  	v0 =	vmov s15;
	s19 =	simm.s32 @!p0 $0x80;
	s0 =	sadd.s32 @!p0 $0x5, s0;
	s31 =	sor.u32 @!p0 $0x400, s31  }
0x32: {  	[tilespmem:s31], [sflag:s0] =	stream.indirect.gather @!p0 [hbm4b:s5+s19], $0x80, s17, s19, $0xb8;
	[tilespmem:$0x10400] =	vst v63  }
0x33: {  	_ =	swait.ge [sflag:s1], $0x4000  }
0x34: {  	[sflag:s1] =	ssyncset.done $0x0  }
0x35: {  	s31 =	simm.s32 $0x0;
	[sflag:s1] =	ssyncadd.s32 $0xFFFFC000  }
0x36: {  	v1 =	vld.idx.msk [tilespmem:v0+s31+$0x0 ss:$0x1], $0xffff;
	_ =	sdelay $0x4  }
0x37: {  	v1 =	vmul.f32 $5.000000000e-01, v1;
	_ =	sdelay $0x1  }
0x38: {  	v1 =	vadd.f32 $2.500000000e-01, v1;
	_ =	sdelay $0x1  }
0x39: {  	[tilespmem:v0+s31+$0x0 ss:$0x1] =	vst.idx.msk $0xffff, v1  }
0x3a: {  	v1 =	vld.idx.msk [tilespmem:v0+s31+$0x10 ss:$0x1], $0xffff;
	_ =	sdelay $0x4  }
0x3b: {  	v1 =	vmul.f32 $5.000000000e-01, v1;
	_ =	sdelay $0x1  }
0x3c: {  	v1 =	vadd.f32 $2.500000000e-01, v1;
	_ =	sdelay $0x1  }
0x3d: {  	[tilespmem:v0+s31+$0x10 ss:$0x1] =	vst.idx.msk $0xffff, v1  }
0x3e: {  	v1 =	vld.idx.msk [tilespmem:v0+s31+$0x20 ss:$0x1], $0xffff;
	_ =	sdelay $0x4  }
0x3f: {  	v1 =	vmul.f32 $5.000000000e-01, v1;
	_ =	sdelay $0x1  }
0x40: {  	v1 =	vadd.f32 $2.500000000e-01, v1;
	_ =	sdelay $0x1  }
0x41: {  	[tilespmem:v0+s31+$0x20 ss:$0x1] =	vst.idx.msk $0xffff, v1  }
0x42: {  	v1 =	vld.idx.msk [tilespmem:v0+s31+$0x30 ss:$0x1], $0xffff;
	_ =	sdelay $0x4  }
0x43: {  	v1 =	vmul.f32 $5.000000000e-01, v1;
	_ =	sdelay $0x1  }
0x44: {  	v1 =	vadd.f32 $2.500000000e-01, v1;
	_ =	sdelay $0x1  }
0x45: {  	[tilespmem:v0+s31+$0x30 ss:$0x1] =	vst.idx.msk $0xffff, v1  }
0x46: {  	v1 =	vld.idx.msk [tilespmem:v0+s31+$0x40 ss:$0x1], $0xffff;
	_ =	sdelay $0x4  }
0x47: {  	v1 =	vmul.f32 $5.000000000e-01, v1;
	_ =	sdelay $0x1  }
0x48: {  	v1 =	vadd.f32 $2.500000000e-01, v1;
	_ =	sdelay $0x1  }
0x49: {  	[tilespmem:v0+s31+$0x40 ss:$0x1] =	vst.idx.msk $0xffff, v1  }
0x4a: {  	v1 =	vld.idx.msk [tilespmem:v0+s31+$0x50 ss:$0x1], $0xffff;
	_ =	sdelay $0x4  }
0x4b: {  	v1 =	vmul.f32 $5.000000000e-01, v1;
	_ =	sdelay $0x1  }
0x4c: {  	v1 =	vadd.f32 $2.500000000e-01, v1;
	_ =	sdelay $0x1  }
0x4d: {  	[tilespmem:v0+s31+$0x50 ss:$0x1] =	vst.idx.msk $0xffff, v1  }
0x4e: {  	v1 =	vld.idx.msk [tilespmem:v0+s31+$0x60 ss:$0x1], $0xffff;
	_ =	sdelay $0x4  }
0x4f: {  	v1 =	vmul.f32 $5.000000000e-01, v1;
	_ =	sdelay $0x1  }
0x50: {  	v1 =	vadd.f32 $2.500000000e-01, v1;
	_ =	sdelay $0x1  }
0x51: {  	[tilespmem:v0+s31+$0x60 ss:$0x1] =	vst.idx.msk $0xffff, v1  }
0x52: {  	v1 =	vld.idx.msk [tilespmem:v0+s31+$0x70 ss:$0x1], $0xffff;
	_ =	sdelay $0x4  }
0x53: {  	v1 =	vmul.f32 $5.000000000e-01, v1;
	_ =	sdelay $0x1  }
0x54: {  	v1 =	vadd.f32 $2.500000000e-01, v1;
	_ =	sdelay $0x1  }
0x55: {  	[tilespmem:v0+s31+$0x70 ss:$0x1] =	vst.idx.msk $0xffff, v1  }
0x56: {  	v1 =	vld.idx.msk [tilespmem:v0+s31+$0x80 ss:$0x1], $0xffff;
	_ =	sdelay $0x4  }
0x57: {  	v1 =	vmul.f32 $5.000000000e-01, v1;
	_ =	sdelay $0x1  }
0x58: {  	v1 =	vadd.f32 $2.500000000e-01, v1;
	_ =	sdelay $0x1  }
0x59: {  	[tilespmem:v0+s31+$0x80 ss:$0x1] =	vst.idx.msk $0xffff, v1  }
0x5a: {  	v1 =	vld.idx.msk [tilespmem:v0+s31+$0x90 ss:$0x1], $0xffff;
	_ =	sdelay $0x4  }
0x5b: {  	v1 =	vmul.f32 $5.000000000e-01, v1;
	_ =	sdelay $0x1  }
0x5c: {  	v1 =	vadd.f32 $2.500000000e-01, v1;
	_ =	sdelay $0x1  }
0x5d: {  	[tilespmem:v0+s31+$0x90 ss:$0x1] =	vst.idx.msk $0xffff, v1  }
0x5e: {  	v1 =	vld.idx.msk [tilespmem:v0+s31+$0xA0 ss:$0x1], $0xffff;
	_ =	sdelay $0x4  }
0x5f: {  	v1 =	vmul.f32 $5.000000000e-01, v1;
	_ =	sdelay $0x1  }
0x60: {  	v1 =	vadd.f32 $2.500000000e-01, v1;
	_ =	sdelay $0x1  }
0x61: {  	[tilespmem:v0+s31+$0xA0 ss:$0x1] =	vst.idx.msk $0xffff, v1  }
0x62: {  	v1 =	vld.idx.msk [tilespmem:v0+s31+$0xB0 ss:$0x1], $0xffff;
	_ =	sdelay $0x4  }
0x63: {  	v1 =	vmul.f32 $5.000000000e-01, v1;
	_ =	sdelay $0x1  }
0x64: {  	v1 =	vadd.f32 $2.500000000e-01, v1;
	_ =	sdelay $0x1  }
0x65: {  	[tilespmem:v0+s31+$0xB0 ss:$0x1] =	vst.idx.msk $0xffff, v1  }
0x66: {  	v1 =	vld.idx.msk [tilespmem:v0+s31+$0xC0 ss:$0x1], $0xffff;
	_ =	sdelay $0x4  }
0x67: {  	v1 =	vmul.f32 $5.000000000e-01, v1;
	_ =	sdelay $0x1  }
0x68: {  	v1 =	vadd.f32 $2.500000000e-01, v1;
	_ =	sdelay $0x1  }
0x69: {  	[tilespmem:v0+s31+$0xC0 ss:$0x1] =	vst.idx.msk $0xffff, v1  }
0x6a: {  	v1 =	vld.idx.msk [tilespmem:v0+s31+$0xD0 ss:$0x1], $0xffff;
	_ =	sdelay $0x4  }
0x6b: {  	v1 =	vmul.f32 $5.000000000e-01, v1;
	_ =	sdelay $0x1  }
0x6c: {  	v1 =	vadd.f32 $2.500000000e-01, v1;
	_ =	sdelay $0x1  }
0x6d: {  	[tilespmem:v0+s31+$0xD0 ss:$0x1] =	vst.idx.msk $0xffff, v1  }
0x6e: {  	v1 =	vld.idx.msk [tilespmem:v0+s31+$0xE0 ss:$0x1], $0xffff;
	_ =	sdelay $0x4  }
0x6f: {  	v1 =	vmul.f32 $5.000000000e-01, v1;
	_ =	sdelay $0x1  }
0x70: {  	v1 =	vadd.f32 $2.500000000e-01, v1;
	_ =	sdelay $0x1  }
0x71: {  	[tilespmem:v0+s31+$0xE0 ss:$0x1] =	vst.idx.msk $0xffff, v1  }
0x72: {  	v1 =	vld.idx.msk [tilespmem:v0+s31+$0xF0 ss:$0x1], $0xffff;
	_ =	sdelay $0x4  }
0x73: {  	v1 =	vmul.f32 $5.000000000e-01, v1;
	_ =	sdelay $0x1  }
0x74: {  	s0 =	simm.s32 $0x400;
	s1 =	simm.s32 $0x800;
	v1 =	vadd.f32 $2.500000000e-01, v1  }
.LBB2_3:
0x75: {  	p0 =	sne.s32 s1, $0xFC00  }
0x76: {  	[tilespmem:v0+s31+$0xF0 ss:$0x1] =	vst.idx.msk $0xffff, v1;
	s31 =	sshra.s32 s0, $0x2;
	s0 =	smov.u32 s1;
	s1 =	sadd.s32 $0x400, s1  }
0x77: {  	v1 =	vld.idx.msk [tilespmem:v0+s31+$0x0 ss:$0x1], $0xffff;
	_ =	sdelay $0x5  }
0x78: {  	v1 =	vmul.f32 $5.000000000e-01, v1;
	_ =	sdelay $0x1  }
0x79: {  	v1 =	vadd.f32 $2.500000000e-01, v1;
	_ =	sdelay $0x1  }
0x7a: {  	[tilespmem:v0+s31+$0x0 ss:$0x1] =	vst.idx.msk $0xffff, v1  }
0x7b: {  	v1 =	vld.idx.msk [tilespmem:v0+s31+$0x10 ss:$0x1], $0xffff;
	_ =	sdelay $0x5  }
0x7c: {  	v1 =	vmul.f32 $5.000000000e-01, v1;
	_ =	sdelay $0x1  }
0x7d: {  	v1 =	vadd.f32 $2.500000000e-01, v1;
	_ =	sdelay $0x1  }
0x7e: {  	[tilespmem:v0+s31+$0x10 ss:$0x1] =	vst.idx.msk $0xffff, v1  }
0x7f: {  	v1 =	vld.idx.msk [tilespmem:v0+s31+$0x20 ss:$0x1], $0xffff;
	_ =	sdelay $0x5  }
0x80: {  	v1 =	vmul.f32 $5.000000000e-01, v1;
	_ =	sdelay $0x1  }
0x81: {  	v1 =	vadd.f32 $2.500000000e-01, v1;
	_ =	sdelay $0x1  }
0x82: {  	[tilespmem:v0+s31+$0x20 ss:$0x1] =	vst.idx.msk $0xffff, v1  }
0x83: {  	v1 =	vld.idx.msk [tilespmem:v0+s31+$0x30 ss:$0x1], $0xffff;
	_ =	sdelay $0x5  }
0x84: {  	v1 =	vmul.f32 $5.000000000e-01, v1;
	_ =	sdelay $0x1  }
0x85: {  	v1 =	vadd.f32 $2.500000000e-01, v1;
	_ =	sdelay $0x1  }
0x86: {  	[tilespmem:v0+s31+$0x30 ss:$0x1] =	vst.idx.msk $0xffff, v1  }
0x87: {  	v1 =	vld.idx.msk [tilespmem:v0+s31+$0x40 ss:$0x1], $0xffff;
	_ =	sdelay $0x5  }
0x88: {  	v1 =	vmul.f32 $5.000000000e-01, v1;
	_ =	sdelay $0x1  }
0x89: {  	v1 =	vadd.f32 $2.500000000e-01, v1;
	_ =	sdelay $0x1  }
0x8a: {  	[tilespmem:v0+s31+$0x40 ss:$0x1] =	vst.idx.msk $0xffff, v1  }
0x8b: {  	v1 =	vld.idx.msk [tilespmem:v0+s31+$0x50 ss:$0x1], $0xffff;
	_ =	sdelay $0x5  }
0x8c: {  	v1 =	vmul.f32 $5.000000000e-01, v1;
	_ =	sdelay $0x1  }
0x8d: {  	v1 =	vadd.f32 $2.500000000e-01, v1;
	_ =	sdelay $0x1  }
0x8e: {  	[tilespmem:v0+s31+$0x50 ss:$0x1] =	vst.idx.msk $0xffff, v1  }
0x8f: {  	v1 =	vld.idx.msk [tilespmem:v0+s31+$0x60 ss:$0x1], $0xffff;
	_ =	sdelay $0x5  }
0x90: {  	v1 =	vmul.f32 $5.000000000e-01, v1;
	_ =	sdelay $0x1  }
0x91: {  	v1 =	vadd.f32 $2.500000000e-01, v1;
	_ =	sdelay $0x1  }
0x92: {  	[tilespmem:v0+s31+$0x60 ss:$0x1] =	vst.idx.msk $0xffff, v1  }
0x93: {  	v1 =	vld.idx.msk [tilespmem:v0+s31+$0x70 ss:$0x1], $0xffff;
	_ =	sdelay $0x5  }
0x94: {  	v1 =	vmul.f32 $5.000000000e-01, v1;
	_ =	sdelay $0x1  }
0x95: {  	v1 =	vadd.f32 $2.500000000e-01, v1;
	_ =	sdelay $0x1  }
0x96: {  	[tilespmem:v0+s31+$0x70 ss:$0x1] =	vst.idx.msk $0xffff, v1  }
0x97: {  	v1 =	vld.idx.msk [tilespmem:v0+s31+$0x80 ss:$0x1], $0xffff;
	_ =	sdelay $0x5  }
0x98: {  	v1 =	vmul.f32 $5.000000000e-01, v1;
	_ =	sdelay $0x1  }
0x99: {  	v1 =	vadd.f32 $2.500000000e-01, v1;
	_ =	sdelay $0x1  }
0x9a: {  	[tilespmem:v0+s31+$0x80 ss:$0x1] =	vst.idx.msk $0xffff, v1  }
0x9b: {  	v1 =	vld.idx.msk [tilespmem:v0+s31+$0x90 ss:$0x1], $0xffff;
	_ =	sdelay $0x5  }
0x9c: {  	v1 =	vmul.f32 $5.000000000e-01, v1;
	_ =	sdelay $0x1  }
0x9d: {  	v1 =	vadd.f32 $2.500000000e-01, v1;
	_ =	sdelay $0x1  }
0x9e: {  	[tilespmem:v0+s31+$0x90 ss:$0x1] =	vst.idx.msk $0xffff, v1  }
0x9f: {  	v1 =	vld.idx.msk [tilespmem:v0+s31+$0xA0 ss:$0x1], $0xffff;
	_ =	sdelay $0x5  }
0xa0: {  	v1 =	vmul.f32 $5.000000000e-01, v1;
	_ =	sdelay $0x1  }
0xa1: {  	v1 =	vadd.f32 $2.500000000e-01, v1;
	_ =	sdelay $0x1  }
0xa2: {  	[tilespmem:v0+s31+$0xA0 ss:$0x1] =	vst.idx.msk $0xffff, v1  }
0xa3: {  	v1 =	vld.idx.msk [tilespmem:v0+s31+$0xB0 ss:$0x1], $0xffff;
	_ =	sdelay $0x5  }
0xa4: {  	v1 =	vmul.f32 $5.000000000e-01, v1;
	_ =	sdelay $0x1  }
0xa5: {  	v1 =	vadd.f32 $2.500000000e-01, v1;
	_ =	sdelay $0x1  }
0xa6: {  	[tilespmem:v0+s31+$0xB0 ss:$0x1] =	vst.idx.msk $0xffff, v1  }
0xa7: {  	v1 =	vld.idx.msk [tilespmem:v0+s31+$0xC0 ss:$0x1], $0xffff;
	_ =	sdelay $0x5  }
0xa8: {  	v1 =	vmul.f32 $5.000000000e-01, v1;
	_ =	sdelay $0x1  }
0xa9: {  	v1 =	vadd.f32 $2.500000000e-01, v1;
	_ =	sdelay $0x1  }
0xaa: {  	[tilespmem:v0+s31+$0xC0 ss:$0x1] =	vst.idx.msk $0xffff, v1  }
0xab: {  	v1 =	vld.idx.msk [tilespmem:v0+s31+$0xD0 ss:$0x1], $0xffff;
	_ =	sdelay $0x5  }
0xac: {  	v1 =	vmul.f32 $5.000000000e-01, v1;
	_ =	sdelay $0x1  }
0xad: {  	v1 =	vadd.f32 $2.500000000e-01, v1;
	_ =	sdelay $0x1  }
0xae: {  	[tilespmem:v0+s31+$0xD0 ss:$0x1] =	vst.idx.msk $0xffff, v1  }
0xaf: {  	v1 =	vld.idx.msk [tilespmem:v0+s31+$0xE0 ss:$0x1], $0xffff;
	_ =	sdelay $0x5  }
0xb0: {  	v1 =	vmul.f32 $5.000000000e-01, v1;
	_ =	sdelay $0x1  }
0xb1: {  	v1 =	vadd.f32 $2.500000000e-01, v1;
	_ =	sdelay $0x1  }
0xb2: {  	[tilespmem:v0+s31+$0xE0 ss:$0x1] =	vst.idx.msk $0xffff, v1  }
0xb3: {  	v1 =	vld.idx.msk [tilespmem:v0+s31+$0xF0 ss:$0x1], $0xffff;
	_ =	sdelay $0x3  }
.Ltmp0:
0xb4: {  	(pc) =	sbr.rel @p0 .LBB2_3-.Ltmp0, $3  }
0xb5: {  	_ = 	snop  }
0xb6: {  	v1 =	vmul.f32 $5.000000000e-01, v1;
	_ =	sdelay $0x1  }
0xb7: {  	v1 =	vadd.f32 $2.500000000e-01, v1  }
0xb8: {  	_ =	sdelay $0x3  }
0xb9: {  	s0 =	sshra.s32 s0, $0x2;
	[tilespmem:v0+s31+$0xF0 ss:$0x1] =	vst.idx.msk $0xffff, v1  }
0xba: {  	v1 =	vld.idx.msk [tilespmem:v0+s0+$0x0 ss:$0x1], $0xffff;
	_ =	sdelay $0x4  }
0xbb: {  	v1 =	vmul.f32 $5.000000000e-01, v1;
	_ =	sdelay $0x1  }
0xbc: {  	v1 =	vadd.f32 $2.500000000e-01, v1;
	_ =	sdelay $0x1  }
0xbd: {  	[tilespmem:v0+s0+$0x0 ss:$0x1] =	vst.idx.msk $0xffff, v1  }
0xbe: {  	v1 =	vld.idx.msk [tilespmem:v0+s0+$0x10 ss:$0x1], $0xffff;
	_ =	sdelay $0x4  }
0xbf: {  	v1 =	vmul.f32 $5.000000000e-01, v1;
	_ =	sdelay $0x1  }
0xc0: {  	v1 =	vadd.f32 $2.500000000e-01, v1;
	_ =	sdelay $0x1  }
0xc1: {  	[tilespmem:v0+s0+$0x10 ss:$0x1] =	vst.idx.msk $0xffff, v1  }
0xc2: {  	v1 =	vld.idx.msk [tilespmem:v0+s0+$0x20 ss:$0x1], $0xffff;
	_ =	sdelay $0x4  }
0xc3: {  	v1 =	vmul.f32 $5.000000000e-01, v1;
	_ =	sdelay $0x1  }
0xc4: {  	v1 =	vadd.f32 $2.500000000e-01, v1;
	_ =	sdelay $0x1  }
0xc5: {  	[tilespmem:v0+s0+$0x20 ss:$0x1] =	vst.idx.msk $0xffff, v1  }
0xc6: {  	v1 =	vld.idx.msk [tilespmem:v0+s0+$0x30 ss:$0x1], $0xffff;
	_ =	sdelay $0x4  }
0xc7: {  	v1 =	vmul.f32 $5.000000000e-01, v1;
	_ =	sdelay $0x1  }
0xc8: {  	v1 =	vadd.f32 $2.500000000e-01, v1;
	_ =	sdelay $0x1  }
0xc9: {  	[tilespmem:v0+s0+$0x30 ss:$0x1] =	vst.idx.msk $0xffff, v1  }
0xca: {  	v1 =	vld.idx.msk [tilespmem:v0+s0+$0x40 ss:$0x1], $0xffff;
	_ =	sdelay $0x4  }
0xcb: {  	v1 =	vmul.f32 $5.000000000e-01, v1;
	_ =	sdelay $0x1  }
0xcc: {  	v1 =	vadd.f32 $2.500000000e-01, v1;
	_ =	sdelay $0x1  }
0xcd: {  	[tilespmem:v0+s0+$0x40 ss:$0x1] =	vst.idx.msk $0xffff, v1  }
0xce: {  	v1 =	vld.idx.msk [tilespmem:v0+s0+$0x50 ss:$0x1], $0xffff;
	_ =	sdelay $0x4  }
0xcf: {  	v1 =	vmul.f32 $5.000000000e-01, v1;
	_ =	sdelay $0x1  }
0xd0: {  	v1 =	vadd.f32 $2.500000000e-01, v1;
	_ =	sdelay $0x1  }
0xd1: {  	[tilespmem:v0+s0+$0x50 ss:$0x1] =	vst.idx.msk $0xffff, v1  }
0xd2: {  	v1 =	vld.idx.msk [tilespmem:v0+s0+$0x60 ss:$0x1], $0xffff;
	_ =	sdelay $0x4  }
0xd3: {  	v1 =	vmul.f32 $5.000000000e-01, v1;
	_ =	sdelay $0x1  }
0xd4: {  	v1 =	vadd.f32 $2.500000000e-01, v1;
	_ =	sdelay $0x1  }
0xd5: {  	[tilespmem:v0+s0+$0x60 ss:$0x1] =	vst.idx.msk $0xffff, v1  }
0xd6: {  	v1 =	vld.idx.msk [tilespmem:v0+s0+$0x70 ss:$0x1], $0xffff;
	_ =	sdelay $0x4  }
0xd7: {  	v1 =	vmul.f32 $5.000000000e-01, v1;
	_ =	sdelay $0x1  }
0xd8: {  	v1 =	vadd.f32 $2.500000000e-01, v1;
	_ =	sdelay $0x1  }
0xd9: {  	[tilespmem:v0+s0+$0x70 ss:$0x1] =	vst.idx.msk $0xffff, v1  }
0xda: {  	v1 =	vld.idx.msk [tilespmem:v0+s0+$0x80 ss:$0x1], $0xffff;
	_ =	sdelay $0x4  }
0xdb: {  	v1 =	vmul.f32 $5.000000000e-01, v1;
	_ =	sdelay $0x1  }
0xdc: {  	v1 =	vadd.f32 $2.500000000e-01, v1;
	_ =	sdelay $0x1  }
0xdd: {  	[tilespmem:v0+s0+$0x80 ss:$0x1] =	vst.idx.msk $0xffff, v1  }
0xde: {  	v1 =	vld.idx.msk [tilespmem:v0+s0+$0x90 ss:$0x1], $0xffff;
	_ =	sdelay $0x4  }
0xdf: {  	v1 =	vmul.f32 $5.000000000e-01, v1;
	_ =	sdelay $0x1  }
0xe0: {  	v1 =	vadd.f32 $2.500000000e-01, v1;
	_ =	sdelay $0x1  }
0xe1: {  	[tilespmem:v0+s0+$0x90 ss:$0x1] =	vst.idx.msk $0xffff, v1  }
0xe2: {  	v1 =	vld.idx.msk [tilespmem:v0+s0+$0xA0 ss:$0x1], $0xffff;
	_ =	sdelay $0x4  }
0xe3: {  	v1 =	vmul.f32 $5.000000000e-01, v1;
	_ =	sdelay $0x1  }
0xe4: {  	v1 =	vadd.f32 $2.500000000e-01, v1;
	_ =	sdelay $0x1  }
0xe5: {  	[tilespmem:v0+s0+$0xA0 ss:$0x1] =	vst.idx.msk $0xffff, v1  }
0xe6: {  	v1 =	vld.idx.msk [tilespmem:v0+s0+$0xB0 ss:$0x1], $0xffff;
	_ =	sdelay $0x4  }
0xe7: {  	v1 =	vmul.f32 $5.000000000e-01, v1;
	_ =	sdelay $0x1  }
0xe8: {  	v1 =	vadd.f32 $2.500000000e-01, v1;
	_ =	sdelay $0x1  }
0xe9: {  	[tilespmem:v0+s0+$0xB0 ss:$0x1] =	vst.idx.msk $0xffff, v1  }
0xea: {  	v1 =	vld.idx.msk [tilespmem:v0+s0+$0xC0 ss:$0x1], $0xffff;
	_ =	sdelay $0x4  }
0xeb: {  	v1 =	vmul.f32 $5.000000000e-01, v1;
	_ =	sdelay $0x1  }
0xec: {  	v1 =	vadd.f32 $2.500000000e-01, v1;
	_ =	sdelay $0x1  }
0xed: {  	[tilespmem:v0+s0+$0xC0 ss:$0x1] =	vst.idx.msk $0xffff, v1  }
0xee: {  	v1 =	vld.idx.msk [tilespmem:v0+s0+$0xD0 ss:$0x1], $0xffff;
	_ =	sdelay $0x4  }
0xef: {  	v1 =	vmul.f32 $5.000000000e-01, v1;
	_ =	sdelay $0x1  }
0xf0: {  	v1 =	vadd.f32 $2.500000000e-01, v1;
	_ =	sdelay $0x1  }
0xf1: {  	[tilespmem:v0+s0+$0xD0 ss:$0x1] =	vst.idx.msk $0xffff, v1  }
0xf2: {  	v1 =	vld.idx.msk [tilespmem:v0+s0+$0xE0 ss:$0x1], $0xffff;
	_ =	sdelay $0x4  }
0xf3: {  	v1 =	vmul.f32 $5.000000000e-01, v1;
	_ =	sdelay $0x1  }
0xf4: {  	v1 =	vadd.f32 $2.500000000e-01, v1;
	_ =	sdelay $0x1  }
0xf5: {  	[tilespmem:v0+s0+$0xE0 ss:$0x1] =	vst.idx.msk $0xffff, v1  }
0xf6: {  	v1 =	vld.idx.msk [tilespmem:v0+s0+$0xF0 ss:$0x1], $0xffff;
	_ =	sdelay $0x4  }
0xf7: {  	p0 =	sne.s32 s30, $0x32;
	v1 =	vmul.f32 $5.000000000e-01, v1  }
.Ltmp1:
0xf8: {  	s1 =	sshll.u32 s26, $0xE;
	(pc) =	sbr.rel @p0 .LBB2_2-.Ltmp1, $4  }
0xf9: {  	s1 =	sadd.s32 s13, s1;
	v1 =	vadd.f32 $2.500000000e-01, v1  }
0xfa: {  	s25 =	sadd.s32 $0x1, s25;
	s1 =	sshrl.u32 s1, $0x3  }
0xfb: {  	s26 =	smov.u32 s30;
	s31 =	sadd.s32 $0xD, s28;
	s1 =	sadd.s32 s7, s1;
	[tilespmem:v0+s0+$0xF0 ss:$0x1] =	vst.idx.msk $0xffff, v1  }
0xfc: {  	[hbm4b:s1+s2] =	stream.linear.scatter [tilespmem:s29], [sflag:s31], $0x4000, $0x38;
	[tilespmem:$0x10400] =	vst v63  }
0xfd: {  	_ =	swait.ge [sflag:s20], $0x4000  }
0xfe: {  	[sflag:s20] =	ssyncset.done $0x0  }
0xff: {  	[sflag:s20] =	ssyncadd.s32 $0xFFFFC000  }
0x100: {  	_ =	swait.ge [sflag:s21], $0x4000  }
0x101: {  	[sflag:s21] =	ssyncset.done $0x0  }
0x102: {  	s24 =	sadd.s32 $0x1, s24;
	[sflag:s21] =	ssyncadd.s32 $0xFFFFC000  }
0x103: {  	p0 =	sne.s32 s24, s14;
	_ =	swait.ge [sflag:s22], $0x4000  }
.Ltmp2:
0x104: {  	[sflag:s22] =	ssyncset.done $0x0;
	(pc) =	sbr.rel @p0 .LBB2_1-.Ltmp2, $4  }
0x105: {  	[sflag:s22] =	ssyncadd.s32 $0xFFFFC000  }
0x106: {  	_ =	swait.ge [sflag:s23], $0x4000  }
0x107: {  	[sflag:s23] =	ssyncset.done $0x0  }
0x108: {  	[sflag:s23] =	ssyncadd.s32 $0xFFFFC000  }
0x109: {  	_ =	sfence.sel $0x180000  }
0x10a: {  	[bflag:$0x0] =	sbarrier.arrive $0xFFFF  }
0x10b: {  	_ =	strace $0x9000004D  }
0x10c: {  	s0 =	stileid.u32;
	[bflag:$0x2] =	sbarrier.arrive $0xFFFF  }
0x10d: {  	p0 =	sne.s32 s0, $0x0;
	s0 =	rddreg [dreg:$0x1]  }
0x10e: {  	s0 =	sadd.s32 @!p0 $0x100000, s0  }
0x10f: {  	[sflag:s0] =	ssyncadd.tile.s32 @!p0 $0x1;
	_ =	shalt  }
.Lfunc_end2:
_tile_overlayer_lowered:
.L_overlay_start_2:
0x110: {  	(tag) =	ssettag $0x2  }
0x111: {  	s0 =	rddreg [dreg:$0x0];
	s2 =	stileid.u32  }
0x112: {  	s1 =	rddreg [dreg:$0x1];
	p0 =	sne.s32 s2, $0x0  }
0x113: {  	s3 =	rddreg [dreg:$0x2];
	[bflag:$0x3] =	sbarrier.arrive $0xFFFF;
	s2 =	simm.s32 @!p0 $0x1C11  }
0x114: {  	[timem:s3], [sflag:s2] =	dma.local @!p0 [hbm:s0], s1  }
0x115: {  	s0 =	simm.s32 @!p0 $0x11  }
0x116: {  	_ =	swait.ge @!p0 [sflag:s0], s1  }
0x117: {  	s1 =	ssub.s32 @!p0 $0x0, s1;
	[sflag:s0] =	ssyncset.done @!p0 $0x0  }
0x118: {  	[sflag:s0] =	ssyncadd.s32 @!p0 s1  }
0x119: {  	[bflag:$0x3] =	sbarrier.arrive $0xFFFF  }
0x11a: {  	_ =	shalt  }

// kernel: kernel.20.cloned.1.call-start
scs
__scs_entry_jumppad:
0x0: {  	(pc) =	sbr.rel $0x88, $3  }
0x1: {  	(tag) =	ssettag $0x0;
	lr =	simm.s32 $0x1  }
0x2: {  	[smem:$0x3F9D] =	sst lr;
	_ =	strace $0xD0000000  }
0x3: {  	_ = 	snop  }
0x4: {  	_ = 	snop  }
0x5: {  	_ = 	snop  }
0x6: {  	_ = 	snop  }
0x7: {  	_ = 	snop  }
__scs_overlays_trampoline_lowered:
0x8: {  	[smem:$0x3FAC] =	sst s0  }
0x9: {  	[smem:$0x3FAD] =	sst s1  }
0xa: {  	[smem:$0x3FAE] =	sst s2  }
0xb: {  	[smem:$0x3FAF] =	sst s3  }
0xc: {  	[smem:$0x3FB0] =	sst s4  }
0xd: {  	[smem:$0x3FB1] =	sst s5  }
0xe: {  	[smem:$0x3FB2] =	sst s6  }
0xf: {  	[smem:$0x3FB3] =	sst s7  }
0x10: {  	[smem:$0x3FB4] =	sst s8  }
0x11: {  	[smem:$0x3FB5] =	sst s9;
	s0 =	simm.s32 @!p0 $0x0  }
0x12: {  	s1 =	sld [smem:$0x3F9B];
	s0 =	simm.s32 @p0 $0x1  }
0x13: {  	[smem:$0x3FB6] =	sst s0;
	s0 =	simm.s32 @!p1 $0x0  }
0x14: {  	s2 =	sld [smem:$0x3F9A];
	s0 =	simm.s32 @p1 $0x1  }
0x15: {  	[smem:$0x3FB7] =	sst s0;
	s0 =	simm.s32 @!p2 $0x0  }
0x16: {  	s3 =	sld [smem:$0x3FDB];
	s0 =	simm.s32 @p2 $0x1  }
0x17: {  	s4 =	simm.s32 $0x1BF5;
	[smem:$0x3FB9] =	sst s0  }
0x18: {  	s0 =	sld [smem:$0x3F9C];
	_ =	swait.ge [sflag:s4], $0x0  }
0x19: {  	s7 =	sld [smem:$0x3F9D]  }
0x1a: {  	s8 =	sadd.s32 $0xFFFFE003, lr  }
0x1b: {  	s9 =	sadd.s32 $0xFFFFFEF7, lr;
	s5 =	simm.s32 $0xFFFFFFFF;
	p2 =	slt.u32 s8, $0xFFFFF086  }
0x1c: {  	p1 =	slt.u32 s9, $0xF7A;
	s5 =	simm.s32 @!p2 $0x0  }
0x1d: {  	s5 =	simm.s32 @p1 $0x1;
	p0 =	seq.s32 s7, s2  }
0x1e: {  	s7 =	smul.u32 @!p0 $0xF7A, s2;
	p2 =	seq.s32 @!p0 s5, $0x0  }
0x1f: {  	s9 =	smul.u32 $0xF7A, s1;
	s8 =	simm.s32 @!p0 $0x1BF5;
	p2 =	por !p2, p0  }
0x20: {  	[sflag:s8] =	ssyncset.s32 @!p0 $0xFFFFF086;
	s6 =	sadd.s32 @!p0 s3, s7;
	s7 =	simm.s32 @!p0 $0x108  }
0x21: {  	s3 =	sadd.s32 s3, s9;
	s6 =	sadd.s32 @!p0 $0x88, s6;
	s7 =	simm.s32 @p2 $0x1082  }
0x22: {  	[simem:s7], [sflag:s8] =	dma.local @!p0 [hbm:s6], $0xF7A  }
0x23: {  	s9 =	sor.u32 $0xD0000000, s2;
	s6 =	simm.s32 $0x108;
	_ =	swait.ge @!p0 [sflag:s8], $0x0  }
0x24: {  	s3 =	sadd.s32 $0x88, s3;
	s6 =	simm.s32 @!p1 $0x1082;
	[sflag:s4] =	ssyncset.s32 $0xFFFFF086  }
0x25: {  	[simem:s6], [sflag:s4] =	dma.local [hbm:s3], $0xF7A  }
0x26: {  	[smem:$0x3F9D] =	sst s1;
	(tag) =	ssettag s2;
	_ =	strace s9  }
0x27: {  	s1 =	sld [smem:$0x3FAD]  }
0x28: {  	s2 =	sld [smem:$0x3FAE]  }
0x29: {  	s4 =	sld [smem:$0x3FB0]  }
0x2a: {  	p0 =	seq.s32 s5, $0x0;
	s5 =	sld [smem:$0x3FB1]  }
0x2b: {  	s6 =	sld [smem:$0x3FB2]  }
0x2c: {  	s7 =	sld [smem:$0x3FB3]  }
0x2d: {  	s3 =	simm.s32 $0x108;
	s8 =	sld [smem:$0x3FB4]  }
0x2e: {  	s3 =	simm.s32 @!p0 $0x1082;
	s9 =	sld [smem:$0x3FB5]  }
0x2f: {  	lr =	sadd.s32 s0, s3;
	s0 =	sld [smem:$0x3FAC]  }
0x30: {  	s3 =	sld [smem:$0x3FAF]  }
0x31: {  	[smem:$0x3FB8] =	sst s10  }
0x32: {  	s10 =	sld [smem:$0x3FB6];
	_ =	sdelay $0x3  }
0x33: {  	p0 =	seq.s32 s10, $0x1;
	s10 =	sld [smem:$0x3FB8];
	_ =	sdelay $0x3  }
0x34: {  	[smem:$0x3FB8] =	sst s10  }
0x35: {  	s10 =	sld [smem:$0x3FB7];
	_ =	sdelay $0x3  }
0x36: {  	p1 =	seq.s32 s10, $0x1;
	s10 =	sld [smem:$0x3FB8];
	_ =	sdelay $0x3  }
0x37: {  	[smem:$0x3FB8] =	sst s10  }
0x38: {  	s10 =	sld [smem:$0x3FB9]  }
0x39: {  	_ = 	snop;
	(pc) =	sbr.ind lr, $3  }
0x3a: {  	_ = 	snop  }
0x3b: {  	_ = 	snop  }
0x3c: {  	p2 =	seq.s32 s10, $0x1;
	s10 =	sld [smem:$0x3FB8]  }
0x3d: {  	_ =	shalt  }
0x3e: {  	_ =	shalt  }
0x3f: {  	_ =	shalt  }
0x40: {  	_ =	shalt  }
0x41: {  	_ =	shalt  }
0x42: {  	_ =	shalt  }
0x43: {  	_ =	shalt  }
0x44: {  	_ =	shalt  }
0x45: {  	_ =	shalt  }
0x46: {  	_ =	shalt  }
0x47: {  	_ =	shalt  }
0x48: {  	_ =	shalt  }
0x49: {  	_ =	shalt  }
0x4a: {  	_ =	shalt  }
0x4b: {  	_ =	shalt  }
0x4c: {  	_ =	shalt  }
0x4d: {  	_ =	shalt  }
0x4e: {  	_ =	shalt  }
0x4f: {  	_ =	shalt  }
0x50: {  	_ =	shalt  }
0x51: {  	_ =	shalt  }
0x52: {  	_ =	shalt  }
0x53: {  	_ =	shalt  }
0x54: {  	_ =	shalt  }
0x55: {  	_ =	shalt  }
0x56: {  	_ =	shalt  }
0x57: {  	_ =	shalt  }
0x58: {  	_ =	shalt  }
0x59: {  	_ =	shalt  }
0x5a: {  	_ =	shalt  }
0x5b: {  	_ =	shalt  }
0x5c: {  	_ =	shalt  }
0x5d: {  	_ =	shalt  }
0x5e: {  	_ =	shalt  }
0x5f: {  	_ =	shalt  }
0x60: {  	_ =	shalt  }
0x61: {  	_ =	shalt  }
0x62: {  	_ =	shalt  }
0x63: {  	_ =	shalt  }
0x64: {  	_ =	shalt  }
0x65: {  	_ =	shalt  }
0x66: {  	_ =	shalt  }
0x67: {  	_ =	shalt  }
0x68: {  	_ =	shalt  }
0x69: {  	_ =	shalt  }
0x6a: {  	_ =	shalt  }
0x6b: {  	_ =	shalt  }
0x6c: {  	_ =	shalt  }
0x6d: {  	_ =	shalt  }
0x6e: {  	_ =	shalt  }
0x6f: {  	_ =	shalt  }
0x70: {  	_ =	shalt  }
0x71: {  	_ =	shalt  }
0x72: {  	_ =	shalt  }
0x73: {  	_ =	shalt  }
0x74: {  	_ =	shalt  }
0x75: {  	_ =	shalt  }
0x76: {  	_ =	shalt  }
0x77: {  	_ =	shalt  }
0x78: {  	_ =	shalt  }
0x79: {  	_ =	shalt  }
0x7a: {  	_ =	shalt  }
0x7b: {  	_ =	shalt  }
0x7c: {  	_ =	shalt  }
0x7d: {  	_ =	shalt  }
0x7e: {  	_ =	shalt  }
0x7f: {  	_ =	shalt  }
0x80: {  	_ =	shalt  }
0x81: {  	_ =	shalt  }
0x82: {  	_ =	shalt  }
0x83: {  	_ =	shalt  }
0x84: {  	_ =	shalt  }
0x85: {  	_ =	shalt  }
0x86: {  	_ =	shalt  }
0x87: {  	_ =	shalt  }
.Lfunc_end0:
.L_simem_size_0:
called_computation.3_lowered:
.L_overlay_start_0:
0x88: {  	s2 =	sld [smem:$0x3FD9]  }
0x89: {  	s3 =	sld [smem:$0x3FFE];
	_ =	sdelay $0x1  }
0x8a: {  	s1 =	srdreg.scid  }
0x8b: {  	s0 =	sand.u32 $0x1, s1  }
0x8c: {  	s17 =	sshll.u32 s0, $0xA;
	s2 =	sadd.s32 s3, s2  }
0x8d: {  	s2 =	sadd.s32 s2, s17  }
0x8e: {  	[smem:$0x3FC4] =	sst s2  }
0x8f: {  	_ = 	snop  }
0x90: {  	(tm) =	ssettm $0x1  }
0x91: {  	s18 =	sld [smem:$0x3FFB];
	_ =	sdelay $0x3  }
0x92: {  	_ =	strace s18  }
0x93: {  	s2 =	sld [smem:$0x3FFC];
	_ =	sdelay $0x3  }
0x94: {  	_ =	strace s2  }
0x95: {  	s2 =	sld [smem:$0x3FFD];
	_ =	sdelay $0x3  }
0x96: {  	_ =	strace s2  }
0x97: {  	_ =	strace $0x8FFFFFFF  }
0x98: {  	s19 =	sld [smem:$0x3FDB];
	_ =	sdelay $0x1  }
0x99: {  	s20 =	simm.s32 $_scs_section_size  }
0x9a: {  	s4 =	simm.s32 $_size__tile_overlayer_lowered;
	s5 =	simm.s32 $_tile_overlayer_lowered  }
0x9b: {  	s6 =	simm.s32 $0x1BFF;
	s21 =	sshll.u32 s5, $0x1;
	s3 =	sadd.s32 s20, s19  }
0x9c: {  	s22 =	simm.s32 $0x0;
	s4 =	sshll.u32 s4, $0x1;
	s5 =	sadd.s32 s21, s3  }
0x9d: {  	[timem:s22], [sflag:s6] =	dma.local [hbm:s5], s4  }
0x9e: {  	_ =	swait.ge [sflag:s6], s4  }
0x9f: {  	s4 =	ssub.s32 $0x0, s4;
	[sflag:s6] =	ssyncset.done $0x0  }
0xa0: {  	[sflag:s6] =	ssyncadd.s32 s4;
	_ =	sdelay $0x1  }
0xa1: {  	s23 =	simm.s32 $0x1B8B  }
0xa2: {  	_ =	swait.ge [sflag:s23], $0x1  }
0xa3: {  	[sflag:s23] =	ssyncset.done $0x0  }
0xa4: {  	[sflag:s23] =	ssyncadd.s32 $0xFFFFFFFF  }
0xa5: {  	s4 =	sld [smem:$0x0]  }
0xa6: {  	s5 =	sand.u32 $0xFFFFFFFE, s1  }
0xa7: {  	p0 =	sne.s32 s1, s5  }
0xa8: {  	s5 =	sshll.u32 @p0 s5, $0xE  }
0xa9: {  	s5 =	sadd.s32 @p0 $0x11B8D, s5;
	s6 =	sshll.u32 @p0 s4, $0x11  }
0xaa: {  	s5 =	sor.u32 @p0 s6, s5  }
0xab: {  	[sflag:s5] =	ssyncadd.remote.s32 @p0 $0x1;
	_ =	sdelay $0x1  }
0xac: {  	s5 =	simm.s32 @p0 $0x1B8D  }
0xad: {  	_ =	swait.eq @p0 [sflag:s5], $0x1  }
0xae: {  	[sflag:s5] =	ssyncadd.s32 @p0 $0xFFFFFFFF  }
0xaf: {  	s6 =	sshll.u32 @!p0 s1, $0xE  }
0xb0: {  	s6 =	sor.u32 @!p0 $0x4000, s6;
	s5 =	simm.s32 @!p0 $0x1B8D  }
0xb1: {  	s4 =	sshll.u32 @!p0 s4, $0x11;
	s6 =	sadd.s32 @!p0 $0x11B8D, s6;
	_ =	swait.eq @!p0 [sflag:s5], $0x1  }
0xb2: {  	s4 =	sor.u32 @!p0 s4, s6;
	[sflag:s5] =	ssyncadd.s32 @!p0 $0xFFFFFFFF  }
0xb3: {  	s25 =	simm.s32 $0x1B8E;
	s24 =	sld [smem:$0x3FFE];
	[sflag:s4] =	ssyncadd.remote.s32 @!p0 $0x1  }
0xb4: {  	s26 =	simm.s32 $execute0_lowered;
	[smem:$0x3FD2] =	sst s25  }
0xb5: {  	s5 =	sshll.u32 s26, $0x1;
	_ =	strace $0x8000004F;
	[dreg:$0x1] =	wrdreg $0xFFFFFFFF  }
0xb6: {  	s28 =	simm.s32 $_size_execute0_lowered;
	s3 =	sadd.s32 s3, s5;
	[dreg:$0x0] =	wrdreg $0x0  }
0xb7: {  	s5 =	sshll.u32 s28, $0x1;
	[dreg:$0x2] =	wrdreg s3  }
0xb8: {  	[dreg:$0x3] =	wrdreg s5  }
0xb9: {  	[dreg:$0x4] =	wrdreg $0xC0  }
0xba: {  	_ =	task [dreg:s22], $0x5FFFF  }
0xbb: {  	[dreg:$0x1] =	wrdreg $0xFFFFFFFF  }
0xbc: {  	[dreg:$0x0] =	wrdreg $0x60  }
0xbd: {  	[dreg:$0x2] =	wrdreg s24  }
0xbe: {  	[dreg:$0x3] =	wrdreg $0xC  }
0xbf: {  	_ =	task.clear_ibuf [dreg:s22], $0x4FFFF;
	_ =	strace $0x9000004F  }
0xc0: {  	s29 =	simm.s32 $0xC;
	_ =	strace $0x80000051  }
0xc1: {  	_ =	swait.ge [sflag:s29], $0x1  }
0xc2: {  	[sflag:s29] =	ssyncadd.s32 $0xFFFFFFFF  }
0xc3: {  	_ =	strace $0x90000051  }
0xc4: {  	_ =	sfence  }
0xc5: {  	s30 =	sld [smem:$0x0];
	_ =	sdelay $0x2  }
0xc6: {  	s31 =	sshll.u32 s1, $0xD;
	s1 =	sshrl.u32 s1, $0x2  }
0xc7: {  	s4 =	sand.u32 $0x4000, s31;
	s1 =	sadd.s32 s1, s30  }
0xc8: {  	s0 =	sor.u32 s4, s0;
	s1 =	sshll.u32 s1, $0x11  }
0xc9: {  	s0 =	sor.u32 s1, s0  }
0xca: {  	s0 =	sadd.s32 $0x8F2B, s0  }
0xcb: {  	[sflag:s0] =	ssyncadd.remote.s32 $0x1  }
0xcc: {  	_ =	sfence.sel $0xFFFF  }
0xcd: {  	[dreg:$0x0] =	wrdreg $0xFFFFFFFF;
	(pc) =	sbr.abs _section_cstart, $3  }
0xce: {  	[dreg:$0x1] =	wrdreg $0xFFFFFFFF  }
0xcf: {  	_ =	task.clear_ibuf [dreg:s22], $0x2FFFF;
	_ =	strace $0x9FFFFFFF  }
0xd0: {  	(tm) =	ssettm $0x7FFFFFFF  }
0xd1: {  	_ =	shalt  }
tec
execute0_lowered:
.L_overlay_start_1:
0x0: {  	(tag) =	ssettag $0x1  }
0x1: {  	s0 =	rddreg [dreg:$0x0];
	s2 =	simm.s32 $0x0;
	s1 =	srdreg.scid  }
0x2: {  	s3 =	stileid.u32;
	s16 =	simm.s32 $0x80;
	s18 =	simm.s32 $0x1  }
0x3: {  	s20 =	simm.s32 $0xF;
	s21 =	simm.s32 $0x10;
	s22 =	simm.s32 $0xD  }
0x4: {  	s23 =	simm.s32 $0xE;
	s24 =	simm.s32 $0x0;
	[smem:$0x7FF] =	sst s2  }
0x5: {  	s1 =	sand.u32 $0x1, s1;
	s4 =	sshll.u32 s3, $0x1;
	s3 =	sadd.s32 $0x65AE00, s0  }
0x6: {  	s5 =	sadd.s32 $0xE600, s0;
	s6 =	sadd.s32 $0x195000, s0;
	s13 =	sor.u32 s1, s4  }
0x7: {  	_ =	strace $0x80000050;
	s1 =	ssub.s32 $0x2, s1;
	s7 =	smul.u32 $0x1900, s13  }
0x8: {  	s4 =	sadd.s32 $0x654A00, s0;
	s8 =	sshll.u32 s13, $0x8;
	s30 =	sshrl.u32 s1, $0x1  }
0x9: {  	s31 =	smul.u32 $0x32, s13;
	s8 =	sand.u32 $0x300, s8;
	s9 =	sand.u32 $0x3FC00, s7  }
0xa: {  	s13 =	smul.u32 $0xC8000, s13;
	s7 =	sadd.s32 $0xCA1200, s0;
	s8 =	sor.u32 s8, s9  }
0xb: {  	s0 =	ssub.s32 s1, s30;
	s12 =	sadd.s32 $0x2, s31;
	s10 =	sshrl.u32 s8, $0x3  }
0xc: {  	s14 =	smax.u32 s0, $0x1;
	s8 =	sadd.s32 s3, s10;
	s11 =	sor.u32 $0x10, s10  }
0xd: {  	s9 =	sadd.s32 s4, s10;
	s10 =	sadd.s32 s3, s11;
	s11 =	sadd.s32 s4, s11  }
.LBB2_1:
0xe: {  	[tilespmem:s2], [sflag:$0x1] =	stream.linear.gather [hbm4b:s8+s2], $0x80, $0x38;
	[tilespmem:$0x10400] =	vst v63  }
0xf: {  	s0 =	simm.s32 $0x200  }
0x10: {  	[tilespmem:s0], [sflag:$0x1] =	stream.linear.gather [hbm4b:s9+s2], $0x80, $0x38;
	[tilespmem:$0x10400] =	vst v63  }
0x11: {  	_ = 	snop  }
0x12: {  	[tilespmem:s16], [sflag:$0x2] =	stream.linear.gather [hbm4b:s10+s2], $0x80, $0x38;
	[tilespmem:$0x10400] =	vst v63  }
0x13: {  	s30 =	simm.s32 $0x280  }
0x14: {  	[tilespmem:s30], [sflag:$0x2] =	stream.linear.gather [hbm4b:s11+s2], $0x80, $0x38;
	[tilespmem:$0x10400] =	vst v63  }
0x15: {  	_ =	swait.ge [sflag:s18], $0x80  }
0x16: {  	[sflag:s18] =	ssyncset.done $0x0  }
0x17: {  	[sflag:s18] =	ssyncadd.s32 $0xFFFFFF80  }
0x18: {  	_ =	swait.ge [sflag:s18], $0x80  }
0x19: {  	s31 =	simm.s32 $0x400;
	[sflag:s18] =	ssyncset.done $0x0  }
0x1a: {  	s25 =	simm.s32 $0x0;
	s26 =	simm.s32 $0x0;
	[sflag:s18] =	ssyncadd.s32 $0xFFFFFF80  }
0x1b: {  	[tilespmem:s31], [sflag:$0x5] =	stream.indirect.gather [hbm4b:s5+s16], $0x80, s2, s16, $0xb8;
	[tilespmem:$0x10400] =	vst v63  }
.LBB2_2:
0x1c: {  	p0 =	sgt.u32 s26, $0x2F;
	s28 =	sand.u32 $0x3, s26  }
0x1d: {  	s0 =	sadd.s32 @!p0 s26, s12;
	s1 =	sxor.u32 @!p0 $0x2, s28  }
0x1e: {  	s31 =	simm.s32 @!p0 $0x0;
	s19 =	sadd.s32 $0x5, s28;
	s0 =	sshll.u32 @!p0 s0, $0x4  }
0x1f: {  	s15 =	sshll.u32 s28, $0xE;
	s17 =	sshll.u32 s28, $0x7;
	s0 =	sand.u32 @!p0 $0xFFFFFF0, s0  }
0x20: {  	s29 =	sadd.s32 @!p0 $0x1, s1;
	s1 =	sshll.u32 @!p0 s1, $0x7;
	s30 =	sadd.s32 @!p0 s3, s0  }
0x21: {  	[tilespmem:s1], [sflag:s29] =	stream.linear.gather @!p0 [hbm4b:s30+s31], $0x80, $0x38;
	[tilespmem:$0x10400] =	vst v63  }
0x22: {  	s0 =	sadd.s32 @!p0 s4, s0;
	s1 =	sor.u32 @!p0 $0x200, s1;
	s30 =	sadd.s32 $0x1, s26  }
0x23: {  	[tilespmem:s1], [sflag:s29] =	stream.linear.gather @!p0 [hbm4b:s0+s31], $0x80, $0x38;
	[tilespmem:$0x10400] =	vst v63  }
0x24: {  	s29 =	sor.u32 $0x400, s15;
	p0 =	seq.s32 s26, $0x31;
	_ =	swait.ge [sflag:s19], $0x4000  }
0x25: {  	s1 =	sadd.s32 $0x9, s28;
	s0 =	sand.u32 @!p0 $0x3, s30;
	[sflag:s19] =	ssyncset.done $0x0  }
0x26: {  	s31 =	sadd.s32 @!p0 $0x1, s0;
	[sflag:s19] =	ssyncadd.s32 $0xFFFFC000;
	s19 =	sor.u32 $0x200, s17  }
0x27: {  	[tilespmem:s29], [sflag:s1] =	stream.indirect.gather.add.f32 [hbm:s6], $0x80, s19, s16, $0xb8;
	[tilespmem:$0x10400] =	vst v63  }
0x28: {  	_ =	swait.ge @!p0 [sflag:s31], $0x80  }
0x29: {  	[sflag:s31] =	ssyncset.done @!p0 $0x0  }
0x2a: {  	[sflag:s31] =	ssyncadd.s32 @!p0 $0xFFFFFF80  }
0x2b: {  	p1 =	slt.u32 @!p0 s26, $0x3;
	_ =	swait.ge @!p0 [sflag:s31], $0x80  }
0x2c: {  	p1 =	por p1, p0;
	[sflag:s31] =	ssyncset.done @!p0 $0x0  }
0x2d: {  	s15 =	sand.u32 $0x3, s25;
	[sflag:s31] =	ssyncadd.s32 @!p0 $0xFFFFFF80;
	s31 =	sadd.s32 @!p1 $0xD, s0  }
0x2e: {  	s15 =	sshll.u32 s15, $0xE;
	_ =	swait.ge @!p1 [sflag:s31], $0x4000  }
0x2f: {  	s15 =	sor.u32 $0x400, s15;
	[sflag:s31] =	ssyncset.done @!p1 $0x0  }
0x30: {  	s17 =	sshll.u32 @!p0 s0, $0x7;
	[sflag:s31] =	ssyncadd.s32 @!p1 $0xFFFFC000;
	s31 =	sshll.u32 @!p0 s0, $0xE  }
0x31: {  	v0 =	vmov s15;
	s19 =	simm.s32 @!p0 $0x80;
	s0 =	sadd.s32 @!p0 $0x5, s0;
	s31 =	sor.u32 @!p0 $0x400, s31  }
0x32: {  	[tilespmem:s31], [sflag:s0] =	stream.indirect.gather @!p0 [hbm4b:s5+s19], $0x80, s17, s19, $0xb8;
	[tilespmem:$0x10400] =	vst v63  }
0x33: {  	_ =	swait.ge [sflag:s1], $0x4000  }
0x34: {  	[sflag:s1] =	ssyncset.done $0x0  }
0x35: {  	s31 =	simm.s32 $0x0;
	[sflag:s1] =	ssyncadd.s32 $0xFFFFC000  }
0x36: {  	v1 =	vld.idx.msk [tilespmem:v0+s31+$0x0 ss:$0x1], $0xffff;
	_ =	sdelay $0x4  }
0x37: {  	v1 =	vmul.f32 $5.000000000e-01, v1;
	_ =	sdelay $0x1  }
0x38: {  	v1 =	vadd.f32 $2.500000000e-01, v1;
	_ =	sdelay $0x1  }
0x39: {  	[tilespmem:v0+s31+$0x0 ss:$0x1] =	vst.idx.msk $0xffff, v1  }
0x3a: {  	v1 =	vld.idx.msk [tilespmem:v0+s31+$0x10 ss:$0x1], $0xffff;
	_ =	sdelay $0x4  }
0x3b: {  	v1 =	vmul.f32 $5.000000000e-01, v1;
	_ =	sdelay $0x1  }
0x3c: {  	v1 =	vadd.f32 $2.500000000e-01, v1;
	_ =	sdelay $0x1  }
0x3d: {  	[tilespmem:v0+s31+$0x10 ss:$0x1] =	vst.idx.msk $0xffff, v1  }
0x3e: {  	v1 =	vld.idx.msk [tilespmem:v0+s31+$0x20 ss:$0x1], $0xffff;
	_ =	sdelay $0x4  }
0x3f: {  	v1 =	vmul.f32 $5.000000000e-01, v1;
	_ =	sdelay $0x1  }
0x40: {  	v1 =	vadd.f32 $2.500000000e-01, v1;
	_ =	sdelay $0x1  }
0x41: {  	[tilespmem:v0+s31+$0x20 ss:$0x1] =	vst.idx.msk $0xffff, v1  }
0x42: {  	v1 =	vld.idx.msk [tilespmem:v0+s31+$0x30 ss:$0x1], $0xffff;
	_ =	sdelay $0x4  }
0x43: {  	v1 =	vmul.f32 $5.000000000e-01, v1;
	_ =	sdelay $0x1  }
0x44: {  	v1 =	vadd.f32 $2.500000000e-01, v1;
	_ =	sdelay $0x1  }
0x45: {  	[tilespmem:v0+s31+$0x30 ss:$0x1] =	vst.idx.msk $0xffff, v1  }
0x46: {  	v1 =	vld.idx.msk [tilespmem:v0+s31+$0x40 ss:$0x1], $0xffff;
	_ =	sdelay $0x4  }
0x47: {  	v1 =	vmul.f32 $5.000000000e-01, v1;
	_ =	sdelay $0x1  }
0x48: {  	v1 =	vadd.f32 $2.500000000e-01, v1;
	_ =	sdelay $0x1  }
0x49: {  	[tilespmem:v0+s31+$0x40 ss:$0x1] =	vst.idx.msk $0xffff, v1  }
0x4a: {  	v1 =	vld.idx.msk [tilespmem:v0+s31+$0x50 ss:$0x1], $0xffff;
	_ =	sdelay $0x4  }
0x4b: {  	v1 =	vmul.f32 $5.000000000e-01, v1;
	_ =	sdelay $0x1  }
0x4c: {  	v1 =	vadd.f32 $2.500000000e-01, v1;
	_ =	sdelay $0x1  }
0x4d: {  	[tilespmem:v0+s31+$0x50 ss:$0x1] =	vst.idx.msk $0xffff, v1  }
0x4e: {  	v1 =	vld.idx.msk [tilespmem:v0+s31+$0x60 ss:$0x1], $0xffff;
	_ =	sdelay $0x4  }
0x4f: {  	v1 =	vmul.f32 $5.000000000e-01, v1;
	_ =	sdelay $0x1  }
0x50: {  	v1 =	vadd.f32 $2.500000000e-01, v1;
	_ =	sdelay $0x1  }
0x51: {  	[tilespmem:v0+s31+$0x60 ss:$0x1] =	vst.idx.msk $0xffff, v1  }
0x52: {  	v1 =	vld.idx.msk [tilespmem:v0+s31+$0x70 ss:$0x1], $0xffff;
	_ =	sdelay $0x4  }
0x53: {  	v1 =	vmul.f32 $5.000000000e-01, v1;
	_ =	sdelay $0x1  }
0x54: {  	v1 =	vadd.f32 $2.500000000e-01, v1;
	_ =	sdelay $0x1  }
0x55: {  	[tilespmem:v0+s31+$0x70 ss:$0x1] =	vst.idx.msk $0xffff, v1  }
0x56: {  	v1 =	vld.idx.msk [tilespmem:v0+s31+$0x80 ss:$0x1], $0xffff;
	_ =	sdelay $0x4  }
0x57: {  	v1 =	vmul.f32 $5.000000000e-01, v1;
	_ =	sdelay $0x1  }
0x58: {  	v1 =	vadd.f32 $2.500000000e-01, v1;
	_ =	sdelay $0x1  }
0x59: {  	[tilespmem:v0+s31+$0x80 ss:$0x1] =	vst.idx.msk $0xffff, v1  }
0x5a: {  	v1 =	vld.idx.msk [tilespmem:v0+s31+$0x90 ss:$0x1], $0xffff;
	_ =	sdelay $0x4  }
0x5b: {  	v1 =	vmul.f32 $5.000000000e-01, v1;
	_ =	sdelay $0x1  }
0x5c: {  	v1 =	vadd.f32 $2.500000000e-01, v1;
	_ =	sdelay $0x1  }
0x5d: {  	[tilespmem:v0+s31+$0x90 ss:$0x1] =	vst.idx.msk $0xffff, v1  }
0x5e: {  	v1 =	vld.idx.msk [tilespmem:v0+s31+$0xA0 ss:$0x1], $0xffff;
	_ =	sdelay $0x4  }
0x5f: {  	v1 =	vmul.f32 $5.000000000e-01, v1;
	_ =	sdelay $0x1  }
0x60: {  	v1 =	vadd.f32 $2.500000000e-01, v1;
	_ =	sdelay $0x1  }
0x61: {  	[tilespmem:v0+s31+$0xA0 ss:$0x1] =	vst.idx.msk $0xffff, v1  }
0x62: {  	v1 =	vld.idx.msk [tilespmem:v0+s31+$0xB0 ss:$0x1], $0xffff;
	_ =	sdelay $0x4  }
0x63: {  	v1 =	vmul.f32 $5.000000000e-01, v1;
	_ =	sdelay $0x1  }
0x64: {  	v1 =	vadd.f32 $2.500000000e-01, v1;
	_ =	sdelay $0x1  }
0x65: {  	[tilespmem:v0+s31+$0xB0 ss:$0x1] =	vst.idx.msk $0xffff, v1  }
0x66: {  	v1 =	vld.idx.msk [tilespmem:v0+s31+$0xC0 ss:$0x1], $0xffff;
	_ =	sdelay $0x4  }
0x67: {  	v1 =	vmul.f32 $5.000000000e-01, v1;
	_ =	sdelay $0x1  }
0x68: {  	v1 =	vadd.f32 $2.500000000e-01, v1;
	_ =	sdelay $0x1  }
0x69: {  	[tilespmem:v0+s31+$0xC0 ss:$0x1] =	vst.idx.msk $0xffff, v1  }
0x6a: {  	v1 =	vld.idx.msk [tilespmem:v0+s31+$0xD0 ss:$0x1], $0xffff;
	_ =	sdelay $0x4  }
0x6b: {  	v1 =	vmul.f32 $5.000000000e-01, v1;
	_ =	sdelay $0x1  }
0x6c: {  	v1 =	vadd.f32 $2.500000000e-01, v1;
	_ =	sdelay $0x1  }
0x6d: {  	[tilespmem:v0+s31+$0xD0 ss:$0x1] =	vst.idx.msk $0xffff, v1  }
0x6e: {  	v1 =	vld.idx.msk [tilespmem:v0+s31+$0xE0 ss:$0x1], $0xffff;
	_ =	sdelay $0x4  }
0x6f: {  	v1 =	vmul.f32 $5.000000000e-01, v1;
	_ =	sdelay $0x1  }
0x70: {  	v1 =	vadd.f32 $2.500000000e-01, v1;
	_ =	sdelay $0x1  }
0x71: {  	[tilespmem:v0+s31+$0xE0 ss:$0x1] =	vst.idx.msk $0xffff, v1  }
0x72: {  	v1 =	vld.idx.msk [tilespmem:v0+s31+$0xF0 ss:$0x1], $0xffff;
	_ =	sdelay $0x4  }
0x73: {  	v1 =	vmul.f32 $5.000000000e-01, v1;
	_ =	sdelay $0x1  }
0x74: {  	s0 =	simm.s32 $0x400;
	s1 =	simm.s32 $0x800;
	v1 =	vadd.f32 $2.500000000e-01, v1  }
.LBB2_3:
0x75: {  	p0 =	sne.s32 s1, $0xFC00  }
0x76: {  	[tilespmem:v0+s31+$0xF0 ss:$0x1] =	vst.idx.msk $0xffff, v1;
	s31 =	sshra.s32 s0, $0x2;
	s0 =	smov.u32 s1;
	s1 =	sadd.s32 $0x400, s1  }
0x77: {  	v1 =	vld.idx.msk [tilespmem:v0+s31+$0x0 ss:$0x1], $0xffff;
	_ =	sdelay $0x5  }
0x78: {  	v1 =	vmul.f32 $5.000000000e-01, v1;
	_ =	sdelay $0x1  }
0x79: {  	v1 =	vadd.f32 $2.500000000e-01, v1;
	_ =	sdelay $0x1  }
0x7a: {  	[tilespmem:v0+s31+$0x0 ss:$0x1] =	vst.idx.msk $0xffff, v1  }
0x7b: {  	v1 =	vld.idx.msk [tilespmem:v0+s31+$0x10 ss:$0x1], $0xffff;
	_ =	sdelay $0x5  }
0x7c: {  	v1 =	vmul.f32 $5.000000000e-01, v1;
	_ =	sdelay $0x1  }
0x7d: {  	v1 =	vadd.f32 $2.500000000e-01, v1;
	_ =	sdelay $0x1  }
0x7e: {  	[tilespmem:v0+s31+$0x10 ss:$0x1] =	vst.idx.msk $0xffff, v1  }
0x7f: {  	v1 =	vld.idx.msk [tilespmem:v0+s31+$0x20 ss:$0x1], $0xffff;
	_ =	sdelay $0x5  }
0x80: {  	v1 =	vmul.f32 $5.000000000e-01, v1;
	_ =	sdelay $0x1  }
0x81: {  	v1 =	vadd.f32 $2.500000000e-01, v1;
	_ =	sdelay $0x1  }
0x82: {  	[tilespmem:v0+s31+$0x20 ss:$0x1] =	vst.idx.msk $0xffff, v1  }
0x83: {  	v1 =	vld.idx.msk [tilespmem:v0+s31+$0x30 ss:$0x1], $0xffff;
	_ =	sdelay $0x5  }
0x84: {  	v1 =	vmul.f32 $5.000000000e-01, v1;
	_ =	sdelay $0x1  }
0x85: {  	v1 =	vadd.f32 $2.500000000e-01, v1;
	_ =	sdelay $0x1  }
0x86: {  	[tilespmem:v0+s31+$0x30 ss:$0x1] =	vst.idx.msk $0xffff, v1  }
0x87: {  	v1 =	vld.idx.msk [tilespmem:v0+s31+$0x40 ss:$0x1], $0xffff;
	_ =	sdelay $0x5  }
0x88: {  	v1 =	vmul.f32 $5.000000000e-01, v1;
	_ =	sdelay $0x1  }
0x89: {  	v1 =	vadd.f32 $2.500000000e-01, v1;
	_ =	sdelay $0x1  }
0x8a: {  	[tilespmem:v0+s31+$0x40 ss:$0x1] =	vst.idx.msk $0xffff, v1  }
0x8b: {  	v1 =	vld.idx.msk [tilespmem:v0+s31+$0x50 ss:$0x1], $0xffff;
	_ =	sdelay $0x5  }
0x8c: {  	v1 =	vmul.f32 $5.000000000e-01, v1;
	_ =	sdelay $0x1  }
0x8d: {  	v1 =	vadd.f32 $2.500000000e-01, v1;
	_ =	sdelay $0x1  }
0x8e: {  	[tilespmem:v0+s31+$0x50 ss:$0x1] =	vst.idx.msk $0xffff, v1  }
0x8f: {  	v1 =	vld.idx.msk [tilespmem:v0+s31+$0x60 ss:$0x1], $0xffff;
	_ =	sdelay $0x5  }
0x90: {  	v1 =	vmul.f32 $5.000000000e-01, v1;
	_ =	sdelay $0x1  }
0x91: {  	v1 =	vadd.f32 $2.500000000e-01, v1;
	_ =	sdelay $0x1  }
0x92: {  	[tilespmem:v0+s31+$0x60 ss:$0x1] =	vst.idx.msk $0xffff, v1  }
0x93: {  	v1 =	vld.idx.msk [tilespmem:v0+s31+$0x70 ss:$0x1], $0xffff;
	_ =	sdelay $0x5  }
0x94: {  	v1 =	vmul.f32 $5.000000000e-01, v1;
	_ =	sdelay $0x1  }
0x95: {  	v1 =	vadd.f32 $2.500000000e-01, v1;
	_ =	sdelay $0x1  }
0x96: {  	[tilespmem:v0+s31+$0x70 ss:$0x1] =	vst.idx.msk $0xffff, v1  }
0x97: {  	v1 =	vld.idx.msk [tilespmem:v0+s31+$0x80 ss:$0x1], $0xffff;
	_ =	sdelay $0x5  }
0x98: {  	v1 =	vmul.f32 $5.000000000e-01, v1;
	_ =	sdelay $0x1  }
0x99: {  	v1 =	vadd.f32 $2.500000000e-01, v1;
	_ =	sdelay $0x1  }
0x9a: {  	[tilespmem:v0+s31+$0x80 ss:$0x1] =	vst.idx.msk $0xffff, v1  }
0x9b: {  	v1 =	vld.idx.msk [tilespmem:v0+s31+$0x90 ss:$0x1], $0xffff;
	_ =	sdelay $0x5  }
0x9c: {  	v1 =	vmul.f32 $5.000000000e-01, v1;
	_ =	sdelay $0x1  }
0x9d: {  	v1 =	vadd.f32 $2.500000000e-01, v1;
	_ =	sdelay $0x1  }
0x9e: {  	[tilespmem:v0+s31+$0x90 ss:$0x1] =	vst.idx.msk $0xffff, v1  }
0x9f: {  	v1 =	vld.idx.msk [tilespmem:v0+s31+$0xA0 ss:$0x1], $0xffff;
	_ =	sdelay $0x5  }
0xa0: {  	v1 =	vmul.f32 $5.000000000e-01, v1;
	_ =	sdelay $0x1  }
0xa1: {  	v1 =	vadd.f32 $2.500000000e-01, v1;
	_ =	sdelay $0x1  }
0xa2: {  	[tilespmem:v0+s31+$0xA0 ss:$0x1] =	vst.idx.msk $0xffff, v1  }
0xa3: {  	v1 =	vld.idx.msk [tilespmem:v0+s31+$0xB0 ss:$0x1], $0xffff;
	_ =	sdelay $0x5  }
0xa4: {  	v1 =	vmul.f32 $5.000000000e-01, v1;
	_ =	sdelay $0x1  }
0xa5: {  	v1 =	vadd.f32 $2.500000000e-01, v1;
	_ =	sdelay $0x1  }
0xa6: {  	[tilespmem:v0+s31+$0xB0 ss:$0x1] =	vst.idx.msk $0xffff, v1  }
0xa7: {  	v1 =	vld.idx.msk [tilespmem:v0+s31+$0xC0 ss:$0x1], $0xffff;
	_ =	sdelay $0x5  }
0xa8: {  	v1 =	vmul.f32 $5.000000000e-01, v1;
	_ =	sdelay $0x1  }
0xa9: {  	v1 =	vadd.f32 $2.500000000e-01, v1;
	_ =	sdelay $0x1  }
0xaa: {  	[tilespmem:v0+s31+$0xC0 ss:$0x1] =	vst.idx.msk $0xffff, v1  }
0xab: {  	v1 =	vld.idx.msk [tilespmem:v0+s31+$0xD0 ss:$0x1], $0xffff;
	_ =	sdelay $0x5  }
0xac: {  	v1 =	vmul.f32 $5.000000000e-01, v1;
	_ =	sdelay $0x1  }
0xad: {  	v1 =	vadd.f32 $2.500000000e-01, v1;
	_ =	sdelay $0x1  }
0xae: {  	[tilespmem:v0+s31+$0xD0 ss:$0x1] =	vst.idx.msk $0xffff, v1  }
0xaf: {  	v1 =	vld.idx.msk [tilespmem:v0+s31+$0xE0 ss:$0x1], $0xffff;
	_ =	sdelay $0x5  }
0xb0: {  	v1 =	vmul.f32 $5.000000000e-01, v1;
	_ =	sdelay $0x1  }
0xb1: {  	v1 =	vadd.f32 $2.500000000e-01, v1;
	_ =	sdelay $0x1  }
0xb2: {  	[tilespmem:v0+s31+$0xE0 ss:$0x1] =	vst.idx.msk $0xffff, v1  }
0xb3: {  	v1 =	vld.idx.msk [tilespmem:v0+s31+$0xF0 ss:$0x1], $0xffff;
	_ =	sdelay $0x3  }
.Ltmp0:
0xb4: {  	(pc) =	sbr.rel @p0 .LBB2_3-.Ltmp0, $3  }
0xb5: {  	_ = 	snop  }
0xb6: {  	v1 =	vmul.f32 $5.000000000e-01, v1;
	_ =	sdelay $0x1  }
0xb7: {  	v1 =	vadd.f32 $2.500000000e-01, v1  }
0xb8: {  	_ =	sdelay $0x3  }
0xb9: {  	s0 =	sshra.s32 s0, $0x2;
	[tilespmem:v0+s31+$0xF0 ss:$0x1] =	vst.idx.msk $0xffff, v1  }
0xba: {  	v1 =	vld.idx.msk [tilespmem:v0+s0+$0x0 ss:$0x1], $0xffff;
	_ =	sdelay $0x4  }
0xbb: {  	v1 =	vmul.f32 $5.000000000e-01, v1;
	_ =	sdelay $0x1  }
0xbc: {  	v1 =	vadd.f32 $2.500000000e-01, v1;
	_ =	sdelay $0x1  }
0xbd: {  	[tilespmem:v0+s0+$0x0 ss:$0x1] =	vst.idx.msk $0xffff, v1  }
0xbe: {  	v1 =	vld.idx.msk [tilespmem:v0+s0+$0x10 ss:$0x1], $0xffff;
	_ =	sdelay $0x4  }
0xbf: {  	v1 =	vmul.f32 $5.000000000e-01, v1;
	_ =	sdelay $0x1  }
0xc0: {  	v1 =	vadd.f32 $2.500000000e-01, v1;
	_ =	sdelay $0x1  }
0xc1: {  	[tilespmem:v0+s0+$0x10 ss:$0x1] =	vst.idx.msk $0xffff, v1  }
0xc2: {  	v1 =	vld.idx.msk [tilespmem:v0+s0+$0x20 ss:$0x1], $0xffff;
	_ =	sdelay $0x4  }
0xc3: {  	v1 =	vmul.f32 $5.000000000e-01, v1;
	_ =	sdelay $0x1  }
0xc4: {  	v1 =	vadd.f32 $2.500000000e-01, v1;
	_ =	sdelay $0x1  }
0xc5: {  	[tilespmem:v0+s0+$0x20 ss:$0x1] =	vst.idx.msk $0xffff, v1  }
0xc6: {  	v1 =	vld.idx.msk [tilespmem:v0+s0+$0x30 ss:$0x1], $0xffff;
	_ =	sdelay $0x4  }
0xc7: {  	v1 =	vmul.f32 $5.000000000e-01, v1;
	_ =	sdelay $0x1  }
0xc8: {  	v1 =	vadd.f32 $2.500000000e-01, v1;
	_ =	sdelay $0x1  }
0xc9: {  	[tilespmem:v0+s0+$0x30 ss:$0x1] =	vst.idx.msk $0xffff, v1  }
0xca: {  	v1 =	vld.idx.msk [tilespmem:v0+s0+$0x40 ss:$0x1], $0xffff;
	_ =	sdelay $0x4  }
0xcb: {  	v1 =	vmul.f32 $5.000000000e-01, v1;
	_ =	sdelay $0x1  }
0xcc: {  	v1 =	vadd.f32 $2.500000000e-01, v1;
	_ =	sdelay $0x1  }
0xcd: {  	[tilespmem:v0+s0+$0x40 ss:$0x1] =	vst.idx.msk $0xffff, v1  }
0xce: {  	v1 =	vld.idx.msk [tilespmem:v0+s0+$0x50 ss:$0x1], $0xffff;
	_ =	sdelay $0x4  }
0xcf: {  	v1 =	vmul.f32 $5.000000000e-01, v1;
	_ =	sdelay $0x1  }
0xd0: {  	v1 =	vadd.f32 $2.500000000e-01, v1;
	_ =	sdelay $0x1  }
0xd1: {  	[tilespmem:v0+s0+$0x50 ss:$0x1] =	vst.idx.msk $0xffff, v1  }
0xd2: {  	v1 =	vld.idx.msk [tilespmem:v0+s0+$0x60 ss:$0x1], $0xffff;
	_ =	sdelay $0x4  }
0xd3: {  	v1 =	vmul.f32 $5.000000000e-01, v1;
	_ =	sdelay $0x1  }
0xd4: {  	v1 =	vadd.f32 $2.500000000e-01, v1;
	_ =	sdelay $0x1  }
0xd5: {  	[tilespmem:v0+s0+$0x60 ss:$0x1] =	vst.idx.msk $0xffff, v1  }
0xd6: {  	v1 =	vld.idx.msk [tilespmem:v0+s0+$0x70 ss:$0x1], $0xffff;
	_ =	sdelay $0x4  }
0xd7: {  	v1 =	vmul.f32 $5.000000000e-01, v1;
	_ =	sdelay $0x1  }
0xd8: {  	v1 =	vadd.f32 $2.500000000e-01, v1;
	_ =	sdelay $0x1  }
0xd9: {  	[tilespmem:v0+s0+$0x70 ss:$0x1] =	vst.idx.msk $0xffff, v1  }
0xda: {  	v1 =	vld.idx.msk [tilespmem:v0+s0+$0x80 ss:$0x1], $0xffff;
	_ =	sdelay $0x4  }
0xdb: {  	v1 =	vmul.f32 $5.000000000e-01, v1;
	_ =	sdelay $0x1  }
0xdc: {  	v1 =	vadd.f32 $2.500000000e-01, v1;
	_ =	sdelay $0x1  }
0xdd: {  	[tilespmem:v0+s0+$0x80 ss:$0x1] =	vst.idx.msk $0xffff, v1  }
0xde: {  	v1 =	vld.idx.msk [tilespmem:v0+s0+$0x90 ss:$0x1], $0xffff;
	_ =	sdelay $0x4  }
0xdf: {  	v1 =	vmul.f32 $5.000000000e-01, v1;
	_ =	sdelay $0x1  }
0xe0: {  	v1 =	vadd.f32 $2.500000000e-01, v1;
	_ =	sdelay $0x1  }
0xe1: {  	[tilespmem:v0+s0+$0x90 ss:$0x1] =	vst.idx.msk $0xffff, v1  }
0xe2: {  	v1 =	vld.idx.msk [tilespmem:v0+s0+$0xA0 ss:$0x1], $0xffff;
	_ =	sdelay $0x4  }
0xe3: {  	v1 =	vmul.f32 $5.000000000e-01, v1;
	_ =	sdelay $0x1  }
0xe4: {  	v1 =	vadd.f32 $2.500000000e-01, v1;
	_ =	sdelay $0x1  }
0xe5: {  	[tilespmem:v0+s0+$0xA0 ss:$0x1] =	vst.idx.msk $0xffff, v1  }
0xe6: {  	v1 =	vld.idx.msk [tilespmem:v0+s0+$0xB0 ss:$0x1], $0xffff;
	_ =	sdelay $0x4  }
0xe7: {  	v1 =	vmul.f32 $5.000000000e-01, v1;
	_ =	sdelay $0x1  }
0xe8: {  	v1 =	vadd.f32 $2.500000000e-01, v1;
	_ =	sdelay $0x1  }
0xe9: {  	[tilespmem:v0+s0+$0xB0 ss:$0x1] =	vst.idx.msk $0xffff, v1  }
0xea: {  	v1 =	vld.idx.msk [tilespmem:v0+s0+$0xC0 ss:$0x1], $0xffff;
	_ =	sdelay $0x4  }
0xeb: {  	v1 =	vmul.f32 $5.000000000e-01, v1;
	_ =	sdelay $0x1  }
0xec: {  	v1 =	vadd.f32 $2.500000000e-01, v1;
	_ =	sdelay $0x1  }
0xed: {  	[tilespmem:v0+s0+$0xC0 ss:$0x1] =	vst.idx.msk $0xffff, v1  }
0xee: {  	v1 =	vld.idx.msk [tilespmem:v0+s0+$0xD0 ss:$0x1], $0xffff;
	_ =	sdelay $0x4  }
0xef: {  	v1 =	vmul.f32 $5.000000000e-01, v1;
	_ =	sdelay $0x1  }
0xf0: {  	v1 =	vadd.f32 $2.500000000e-01, v1;
	_ =	sdelay $0x1  }
0xf1: {  	[tilespmem:v0+s0+$0xD0 ss:$0x1] =	vst.idx.msk $0xffff, v1  }
0xf2: {  	v1 =	vld.idx.msk [tilespmem:v0+s0+$0xE0 ss:$0x1], $0xffff;
	_ =	sdelay $0x4  }
0xf3: {  	v1 =	vmul.f32 $5.000000000e-01, v1;
	_ =	sdelay $0x1  }
0xf4: {  	v1 =	vadd.f32 $2.500000000e-01, v1;
	_ =	sdelay $0x1  }
0xf5: {  	[tilespmem:v0+s0+$0xE0 ss:$0x1] =	vst.idx.msk $0xffff, v1  }
0xf6: {  	v1 =	vld.idx.msk [tilespmem:v0+s0+$0xF0 ss:$0x1], $0xffff;
	_ =	sdelay $0x4  }
0xf7: {  	p0 =	sne.s32 s30, $0x32;
	v1 =	vmul.f32 $5.000000000e-01, v1  }
.Ltmp1:
0xf8: {  	s1 =	sshll.u32 s26, $0xE;
	(pc) =	sbr.rel @p0 .LBB2_2-.Ltmp1, $4  }
0xf9: {  	s1 =	sadd.s32 s13, s1;
	v1 =	vadd.f32 $2.500000000e-01, v1  }
0xfa: {  	s25 =	sadd.s32 $0x1, s25;
	s1 =	sshrl.u32 s1, $0x3  }
0xfb: {  	s26 =	smov.u32 s30;
	s31 =	sadd.s32 $0xD, s28;
	s1 =	sadd.s32 s7, s1;
	[tilespmem:v0+s0+$0xF0 ss:$0x1] =	vst.idx.msk $0xffff, v1  }
0xfc: {  	[hbm4b:s1+s2] =	stream.linear.scatter [tilespmem:s29], [sflag:s31], $0x4000, $0x38;
	[tilespmem:$0x10400] =	vst v63  }
0xfd: {  	_ =	swait.ge [sflag:s20], $0x4000  }
0xfe: {  	[sflag:s20] =	ssyncset.done $0x0  }
0xff: {  	[sflag:s20] =	ssyncadd.s32 $0xFFFFC000  }
0x100: {  	_ =	swait.ge [sflag:s21], $0x4000  }
0x101: {  	[sflag:s21] =	ssyncset.done $0x0  }
0x102: {  	s24 =	sadd.s32 $0x1, s24;
	[sflag:s21] =	ssyncadd.s32 $0xFFFFC000  }
0x103: {  	p0 =	sne.s32 s24, s14;
	_ =	swait.ge [sflag:s22], $0x4000  }
.Ltmp2:
0x104: {  	[sflag:s22] =	ssyncset.done $0x0;
	(pc) =	sbr.rel @p0 .LBB2_1-.Ltmp2, $4  }
0x105: {  	[sflag:s22] =	ssyncadd.s32 $0xFFFFC000  }
0x106: {  	_ =	swait.ge [sflag:s23], $0x4000  }
0x107: {  	[sflag:s23] =	ssyncset.done $0x0  }
0x108: {  	[sflag:s23] =	ssyncadd.s32 $0xFFFFC000  }
0x109: {  	_ =	sfence.sel $0x180000  }
0x10a: {  	[bflag:$0x0] =	sbarrier.arrive $0xFFFF  }
0x10b: {  	_ =	strace $0x90000050  }
0x10c: {  	s0 =	stileid.u32;
	[bflag:$0x2] =	sbarrier.arrive $0xFFFF  }
0x10d: {  	p0 =	sne.s32 s0, $0x0;
	s0 =	rddreg [dreg:$0x1]  }
0x10e: {  	s0 =	sadd.s32 @!p0 $0x100000, s0  }
0x10f: {  	[sflag:s0] =	ssyncadd.tile.s32 @!p0 $0x1;
	_ =	shalt  }
.Lfunc_end2:
_tile_overlayer_lowered:
.L_overlay_start_2:
0x110: {  	(tag) =	ssettag $0x2  }
0x111: {  	s0 =	rddreg [dreg:$0x0];
	s2 =	stileid.u32  }
0x112: {  	s1 =	rddreg [dreg:$0x1];
	p0 =	sne.s32 s2, $0x0  }
0x113: {  	s3 =	rddreg [dreg:$0x2];
	[bflag:$0x3] =	sbarrier.arrive $0xFFFF;
	s2 =	simm.s32 @!p0 $0x1C11  }
0x114: {  	[timem:s3], [sflag:s2] =	dma.local @!p0 [hbm:s0], s1  }
0x115: {  	s0 =	simm.s32 @!p0 $0x11  }
0x116: {  	_ =	swait.ge @!p0 [sflag:s0], s1  }
0x117: {  	s1 =	ssub.s32 @!p0 $0x0, s1;
	[sflag:s0] =	ssyncset.done @!p0 $0x0  }
0x118: {  	[sflag:s0] =	ssyncadd.s32 @!p0 s1  }
0x119: {  	[bflag:$0x3] =	sbarrier.arrive $0xFFFF  }
0x11a: {  	_ =	shalt  }

</sc_bundles>
